<compile_context>
chip_gen: v7x
topology: tpu7x:2x2x1
jax: 0.10.2.dev20260603
libtpu: 0.0.44.dev20260713+nightly
codegen_flags: <defaults>
</compile_context>

<pallas_src>
import functools

import jax
import jax.numpy as jnp
from jax import lax
from jax.experimental import pallas as pl
from jax.experimental.pallas import tpu as pltpu
from jax.experimental.pallas import tpu_sc as plsc

N = 10000
E = 320000
D = 128
NC, NS = 2, 16
NWK = NC * NS
GW = 80
CH = 80
BN = 2000
BE = 2560
SLABS = ((0, 215040), (215040, 104960))

f32 = jnp.float32
i32 = jnp.int32
u32 = jnp.uint32

_sc_mesh = plsc.VectorSubcoreMesh(
    core_axis_name="c", subcore_axis_name="s", num_cores=NC, num_subcores=NS)
_sc_params = pltpu.CompilerParams(use_tc_tiling_on_sc=False)


def _pack2(lo_f, hi_f):
    lo_u = lax.bitcast_convert_type(lo_f, u32) + u32(0x8000)
    hi_u = lax.bitcast_convert_type(hi_f, u32) + u32(0x8000)
    w = lax.bitwise_or(lax.shift_right_logical(lo_u, u32(16)),
                       lax.bitwise_and(hi_u, u32(0xFFFF0000)))
    return lax.bitcast_convert_type(w, i32)


def _unpack2(w_i32):
    w = lax.bitcast_convert_type(w_i32, u32)
    lo = lax.bitcast_convert_type(lax.shift_left(w, u32(16)), f32)
    hi = lax.bitcast_convert_type(lax.bitwise_and(w, u32(0xFFFF0000)), f32)
    return lo, hi



def _tables_body(x_ref, d_ref, wal_ref, wah_ref, wcl_ref, wch_ref,
                 bl_ref, bh_ref, ts_ref, td_ref):
    xb = x_ref[...]
    db = d_ref[...]
    dp = _pack2(db[:, :8], db[:, 8:16])
    z = jnp.zeros((xb.shape[0], 8), i32)
    ps_lo = jnp.dot(xb, wal_ref[...], preferred_element_type=f32) + bl_ref[...]
    ps_hi = jnp.dot(xb, wah_ref[...], preferred_element_type=f32) + bh_ref[...]
    pd_lo = jnp.dot(xb, wcl_ref[...], preferred_element_type=f32)
    pd_hi = jnp.dot(xb, wch_ref[...], preferred_element_type=f32)
    ts_ref[...] = jnp.concatenate([_pack2(ps_lo, ps_hi), dp, z], axis=1)
    td_ref[...] = jnp.concatenate([_pack2(pd_lo, pd_hi), dp, z], axis=1)


def _build_tables(x, desc16, wal, wah, wcl, wch, bl, bh):
    full = lambda a, b: pl.BlockSpec((a, b), lambda i: (0, 0))
    return pl.pallas_call(
        _tables_body,
        grid=(N // BN,),
        in_specs=[pl.BlockSpec((BN, D), lambda i: (i, 0)),
                  pl.BlockSpec((BN, 16), lambda i: (i, 0)),
                  full(D, 64), full(D, 64), full(D, 64), full(D, 64),
                  full(1, 64), full(1, 64)],
        out_specs=[pl.BlockSpec((BN, 80), lambda i: (i, 0)),
                   pl.BlockSpec((BN, 80), lambda i: (i, 0))],
        out_shape=[jax.ShapeDtypeStruct((N, 80), i32),
                   jax.ShapeDtypeStruct((N, 80), i32)],
    )(x, desc16, wal, wah, wcl, wch, bl, bh)



def _gather_stage(ts, td, src, dst):
    SLAB = src.shape[0]
    EPW = SLAB // NWK
    STEPS = EPW // GW

    @functools.partial(
        pl.kernel,
        out_type=(jax.ShapeDtypeStruct((SLAB, D), i32),
                  jax.ShapeDtypeStruct((SLAB, D), i32)),
        mesh=_sc_mesh,
        scratch_types=[pltpu.VMEM((2, GW), i32),
                       pltpu.VMEM((2, GW), i32),
                       pltpu.VMEM((2, GW, 80), i32),
                       pltpu.VMEM((2, GW, 80), i32),
                       pltpu.SemaphoreType.DMA,
                       pltpu.SemaphoreType.DMA,
                       pltpu.SemaphoreType.DMA,
                       pltpu.SemaphoreType.DMA,
                       pltpu.SemaphoreType.DMA,
                       pltpu.SemaphoreType.DMA],
        compiler_params=_sc_params)
    def gk(ts_hbm, td_hbm, src_hbm, dst_hbm,
           gs_hbm, gd_hbm,
           is_v, id_v, gs_v, gd_v,
           semi0, semi1, semg0, semg1, semo0, semo1):
        wid = lax.axis_index("s") * NC + lax.axis_index("c")
        base = wid * EPW
        semi = (semi0, semi1)
        semg = (semg0, semg1)
        semo = (semo0, semo1)

        def issue_idx(w, b):
            off = base + w * GW
            pltpu.async_copy(src_hbm.at[pl.ds(off, GW)], is_v.at[b], semi[b])
            pltpu.async_copy(dst_hbm.at[pl.ds(off, GW)], id_v.at[b], semi[b])

        def wait_idx(w, b):
            off = base + w * GW
            pltpu.make_async_copy(src_hbm.at[pl.ds(off, GW)], is_v.at[b], semi[b]).wait()
            pltpu.make_async_copy(dst_hbm.at[pl.ds(off, GW)], id_v.at[b], semi[b]).wait()

        def issue_gather(b):
            pltpu.async_copy(ts_hbm.at[is_v.at[b]], gs_v.at[b], semg[b])
            pltpu.async_copy(td_hbm.at[id_v.at[b]], gd_v.at[b], semg[b])

        def wait_gather(b):
            pltpu.make_async_copy(ts_hbm.at[is_v.at[b]], gs_v.at[b], semg[b]).wait()
            pltpu.make_async_copy(td_hbm.at[id_v.at[b]], gd_v.at[b], semg[b]).wait()

        def issue_out(w, b):
            off = base + w * GW
            pltpu.async_copy(gs_v.at[b], gs_hbm.at[pl.ds(off, GW), pl.ds(0, 80)], semo[b])
            pltpu.async_copy(gd_v.at[b], gd_hbm.at[pl.ds(off, GW), pl.ds(0, 80)], semo[b])

        def wait_out(w, b):
            off = base + w * GW
            pltpu.make_async_copy(gs_v.at[b], gs_hbm.at[pl.ds(off, GW), pl.ds(0, 80)], semo[b]).wait()
            pltpu.make_async_copy(gd_v.at[b], gd_hbm.at[pl.ds(off, GW), pl.ds(0, 80)], semo[b]).wait()

        issue_idx(0, 0)
        issue_idx(1, 1)
        wait_idx(0, 0)
        issue_gather(0)
        wait_idx(1, 1)
        issue_gather(1)

        @pl.loop(0, (STEPS + 1) // 2)
        def _(g):
            for b in (0, 1):
                w = 2 * g + b

                @pl.when(w < STEPS)
                def _():
                    wait_gather(b)
                    issue_out(w, b)

                    @pl.when(w + 2 < STEPS)
                    def _():
                        issue_idx(w + 2, b)
                        wait_out(w, b)
                        wait_idx(w + 2, b)
                        issue_gather(b)

        wait_out(STEPS - 2, (STEPS - 2) % 2)
        wait_out(STEPS - 1, (STEPS - 1) % 2)

    return gk(ts, td, src, dst)



def _edge_body(gs_ref, gd_ref, w1_ref, b1_ref, w2_ref,
               b2_ref, wm_ref, wr1_ref, br1_ref,
               wrel_ref, brel_ref, msg_ref, ec_ref):
    s_lo, s_hi = _unpack2(gs_ref[...])
    d_lo, d_hi = _unpack2(gd_ref[...])
    dcat = jnp.concatenate([s_lo[:, 64:72], s_hi[:, 64:72],
                            d_lo[:, 64:72], d_hi[:, 64:72]], axis=1)
    h = jax.nn.relu(jnp.dot(dcat, w1_ref[...], preferred_element_type=f32)
                    + b1_ref[...])
    e = jax.nn.relu(jnp.dot(h, w2_ref[...], preferred_element_type=f32)
                    + b2_ref[...])
    p = jnp.concatenate([s_lo[:, :64] + d_lo[:, :64],
                         s_hi[:, :64] + d_hi[:, :64]], axis=1)
    m = jax.nn.relu(p + jnp.dot(e, wm_ref[...], preferred_element_type=f32))
    msg_ref[...] = m
    hr = jax.nn.relu(jnp.dot(m, wr1_ref[...], preferred_element_type=f32)
                     + br1_ref[...])
    ec_ref[...] = jnp.dot(hr, wrel_ref[...], preferred_element_type=f32) \
        + brel_ref[...]


def _edge_stage(gs, gd, w1p, be1r, We2, be2r, wg1m, Wr1, br1r,
                Wrel, brelr):
    SLAB = gs.shape[0]
    full = lambda a, b: pl.BlockSpec((a, b), lambda i: (0, 0))
    return pl.pallas_call(
        _edge_body,
        grid=(SLAB // BE,),
        in_specs=[pl.BlockSpec((BE, D), lambda i: (i, 0)),
                  pl.BlockSpec((BE, D), lambda i: (i, 0)),
                  full(32, 64), full(1, 64),
                  full(64, D), full(1, D),
                  full(D, D),
                  full(D, D), full(1, D),
                  full(D, 26), full(1, 26)],
        out_specs=[pl.BlockSpec((BE, D), lambda i: (i, 0)),
                   pl.BlockSpec((BE, 26), lambda i: (i, 0))],
        out_shape=[jax.ShapeDtypeStruct((SLAB, D), f32),
                   jax.ShapeDtypeStruct((SLAB, 26), f32)],
    )(gs, gd, w1p, be1r, We2, be2r, wg1m, Wr1, br1r, Wrel, brelr)



def _scatter_stage(msg, dst):
    SLAB = msg.shape[0]
    EPW = SLAB // NWK
    STEPS = EPW // CH
    STR = N // NS
    ZR = 125

    @functools.partial(
        pl.kernel,
        out_type=(jax.ShapeDtypeStruct((NC * N, D), f32),
                  jax.ShapeDtypeStruct((NC * N, 16), f32)),
        mesh=_sc_mesh,
        scratch_types=[pltpu.VMEM((2, CH), i32),
                       pltpu.VMEM((2, CH, D), f32),
                       pltpu.VMEM((CH, 16), f32),
                       pltpu.VMEM((ZR, D), f32),
                       pltpu.VMEM((ZR, 16), f32),
                       pltpu.VMEM_SHARED((N, D), f32),
                       pltpu.VMEM_SHARED((N, 16), f32),
                       pltpu.SemaphoreType.DMA,
                       pltpu.SemaphoreType.DMA],
        compiler_params=_sc_params)
    def sk(msg_hbm, dst_hbm, agg_hbm, deg_hbm,
           idx_v, rows_v, ones_v, zb_v, zb16_v, agg_sh, deg_sh,
           seml0, seml1):
        c = lax.axis_index("c")
        s = lax.axis_index("s")
        seml = (seml0, seml1)

        @pl.loop(0, CH)
        def _(i):
            ones_v.at[pl.ds(i, 1), :][...] = jnp.ones((1, 16), f32)

        @pl.loop(0, ZR)
        def _(i):
            zb16_v.at[pl.ds(i, 1), :][...] = jnp.zeros((1, 16), f32)

            @pl.loop(0, D, step=16)
            def _(j):
                zb_v.at[pl.ds(i, 1), pl.ds(j, 16)][...] = jnp.zeros((1, 16), f32)

        @pl.loop(0, STR, step=ZR)
        def _(k):
            pltpu.sync_copy(zb_v, agg_sh.at[pl.ds(s * STR + k, ZR)])
            pltpu.sync_copy(zb16_v, deg_sh.at[pl.ds(s * STR + k, ZR)])

        plsc.subcore_barrier()
        wbase = c * (SLAB // NC) + s * EPW

        def issue_load(w, b):
            off = wbase + w * CH
            pltpu.async_copy(dst_hbm.at[pl.ds(off, CH)], idx_v.at[b], seml[b])
            pltpu.async_copy(msg_hbm.at[pl.ds(off, CH)], rows_v.at[b], seml[b])

        def wait_load(w, b):
            off = wbase + w * CH
            pltpu.make_async_copy(dst_hbm.at[pl.ds(off, CH)], idx_v.at[b], seml[b]).wait()
            pltpu.make_async_copy(msg_hbm.at[pl.ds(off, CH)], rows_v.at[b], seml[b]).wait()

        issue_load(0, 0)
        issue_load(1, 1)

        @pl.loop(0, (STEPS + 1) // 2)
        def _(g):
            for b in (0, 1):
                w = 2 * g + b

                @pl.when(w < STEPS)
                def _():
                    wait_load(w, b)
                    pltpu.sync_copy(rows_v.at[b], agg_sh.at[idx_v.at[b]], add=True)
                    pltpu.sync_copy(ones_v, deg_sh.at[idx_v.at[b]], add=True)

                    @pl.when(w + 2 < STEPS)
                    def _():
                        issue_load(w + 2, b)

        plsc.subcore_barrier()

        @pl.loop(0, STR, step=ZR)
        def _(k):
            off = s * STR + k
            pltpu.sync_copy(agg_sh.at[pl.ds(off, ZR)], zb_v)
            pltpu.sync_copy(zb_v, agg_hbm.at[pl.ds(c * N + off, ZR)])
            pltpu.sync_copy(deg_sh.at[pl.ds(off, ZR)], zb16_v)
            pltpu.sync_copy(zb16_v, deg_hbm.at[pl.ds(c * N + off, ZR)])

    return sk(msg, dst)



def _node_body(x_ref, a0_ref, a1_ref, a2_ref, a3_ref,
               d0_ref, d1_ref, d2_ref, d3_ref, wa_ref, wb_ref, bg2_ref,
               wo1_ref, bo1_ref, wobj_ref, bobj_ref, nc_ref):
    agg = a0_ref[...] + a1_ref[...] + a2_ref[...] + a3_ref[...]
    deg = jnp.max(d0_ref[...] + d1_ref[...] + d2_ref[...] + d3_ref[...],
                  axis=1, keepdims=True)
    agg = agg / jnp.maximum(deg, 1.0)
    xn = jax.nn.relu(jnp.dot(x_ref[...], wa_ref[...], preferred_element_type=f32)
                     + jnp.dot(agg, wb_ref[...], preferred_element_type=f32)
                     + bg2_ref[...])
    ho = jax.nn.relu(jnp.dot(xn, wo1_ref[...], preferred_element_type=f32)
                     + bo1_ref[...])
    nc_ref[...] = jnp.dot(ho, wobj_ref[...], preferred_element_type=f32) \
        + bobj_ref[...]


def _node_stage(x, aggs, degs, wg2a, wg2b, bg2r, Wo1, bo1r, Wobj, bobjr):
    full = lambda a, b: pl.BlockSpec((a, b), lambda i: (0, 0))
    blk = lambda w: pl.BlockSpec((BN, w), lambda i: (i, 0))
    return pl.pallas_call(
        _node_body,
        grid=(N // BN,),
        in_specs=[blk(D), blk(D), blk(D), blk(D), blk(D),
                  blk(16), blk(16), blk(16), blk(16),
                  full(D, D), full(D, D), full(1, D),
                  full(D, D), full(1, D),
                  full(D, 160), full(1, 160)],
        out_specs=[pl.BlockSpec((BN, 160), lambda i: (i, 0))],
        out_shape=[jax.ShapeDtypeStruct((N, 160), f32)],
    )(x, *aggs, *degs, wg2a, wg2b, bg2r, Wo1, bo1r, Wobj, bobjr)[0]



def kernel(x, descriptor, node_edges, We1, be1, We2, be2, Wg1, bg1, Wg2, bg2,
           Wo1, bo1, Wobj, bobj, Wr1, br1, Wrel, brel):
    src = node_edges[0].astype(i32)
    dst = node_edges[1].astype(i32)
    desc16 = jnp.pad(descriptor, ((0, 0), (0, 5)))
    wg1a, wg1m, wg1c = Wg1[:D], Wg1[D:2 * D], Wg1[2 * D:]
    w1p = jnp.zeros((32, 64), f32).at[0:11].set(We1[:11]).at[16:27].set(We1[11:])

    ts, td = _build_tables(
        x, desc16, wg1a[:, :64], wg1a[:, 64:], wg1c[:, :64], wg1c[:, 64:],
        bg1[:64].reshape(1, 64), bg1[64:].reshape(1, 64))

    ecs, aggs, degs = [], [], []
    for off, nsl in SLABS:
        srcs = lax.dynamic_slice_in_dim(src, off, nsl)
        dsts = lax.dynamic_slice_in_dim(dst, off, nsl)
        gs, gd = _gather_stage(ts, td, srcs, dsts)
        msg, ec = _edge_stage(gs, gd, w1p, be1.reshape(1, 64),
                              We2, be2.reshape(1, D), wg1m, Wr1,
                              br1.reshape(1, D), Wrel, brel.reshape(1, 26))
        ecs.append(ec)
        agg2, deg2 = _scatter_stage(msg, dsts)
        aggs.extend([agg2[:N], agg2[N:]])
        degs.extend([deg2[:N], deg2[N:]])
    ecls = jnp.concatenate(ecs, axis=0)
    ncls = _node_stage(x, aggs, degs, Wg2[:D], Wg2[D:],
                       bg2.reshape(1, D), Wo1, bo1.reshape(1, D),
                       Wobj, bobj.reshape(1, 160))
    return (ncls, ecls)

# --- scband reference (transcript-rebuilt; emitter-appended) ---
"""Pipeline reference for scband-ssg3-d-13898514170059 (READ-ONLY COPY).

The authoritative reference and input builder live on the scoring server;
editing this copy changes nothing except your own understanding.
"""

import jax, jax.numpy as jnp
import numpy as np

N = 10000
E = 320000
D = 128        # node/edge feature dim
DD = 11        # descriptor dim
H = 64         # edge encoder hidden
NUM_OBJ = 160
NUM_REL = 26


def setup_inputs(seed: int = 0) -> dict:
    key = jax.random.key(seed)
    ks = jax.random.split(key, 16)
    x = jax.random.normal(ks[0], (N, D), dtype=jnp.float32)
    descriptor = jax.random.normal(ks[1], (N, DD), dtype=jnp.float32)
    node_edges = jax.random.randint(ks[2], (2, E), 0, N)
    # edge encoder MLP (descriptor pairs -> edge feature)
    We1 = jax.random.normal(ks[3], (2 * DD, H), dtype=jnp.float32) * (1.0 / np.sqrt(2 * DD))
    be1 = jnp.zeros((H,), dtype=jnp.float32)
    We2 = jax.random.normal(ks[4], (H, D), dtype=jnp.float32) * (1.0 / np.sqrt(H))
    be2 = jnp.zeros((D,), dtype=jnp.float32)
    # GNN triplet message MLP and node update MLP
    Wg1 = jax.random.normal(ks[5], (3 * D, D), dtype=jnp.float32) * (1.0 / np.sqrt(3 * D))
    bg1 = jnp.zeros((D,), dtype=jnp.float32)
    Wg2 = jax.random.normal(ks[6], (2 * D, D), dtype=jnp.float32) * (1.0 / np.sqrt(2 * D))
    bg2 = jnp.zeros((D,), dtype=jnp.float32)
    # classifiers (PointNetCls / PointNetRelClsMulti heads)
    Wo1 = jax.random.normal(ks[7], (D, D), dtype=jnp.float32) * (1.0 / np.sqrt(D))
    bo1 = jnp.zeros((D,), dtype=jnp.float32)
    Wobj = jax.random.normal(ks[8], (D, NUM_OBJ), dtype=jnp.float32) * (1.0 / np.sqrt(D))
    bobj = jnp.zeros((NUM_OBJ,), dtype=jnp.float32)
    Wr1 = jax.random.normal(ks[9], (D, D), dtype=jnp.float32) * (1.0 / np.sqrt(D))
    br1 = jnp.zeros((D,), dtype=jnp.float32)
    Wrel = jax.random.normal(ks[10], (D, NUM_REL), dtype=jnp.float32) * (1.0 / np.sqrt(D))
    brel = jnp.zeros((NUM_REL,), dtype=jnp.float32)
    return {
        'x': x, 'descriptor': descriptor, 'node_edges': node_edges,
        'We1': We1, 'be1': be1, 'We2': We2, 'be2': be2,
        'Wg1': Wg1, 'bg1': bg1, 'Wg2': Wg2, 'bg2': bg2,
        'Wo1': Wo1, 'bo1': bo1, 'Wobj': Wobj, 'bobj': bobj,
        'Wr1': Wr1, 'br1': br1, 'Wrel': Wrel, 'brel': brel,
    }


def reference(x, descriptor, node_edges,
              We1, be1, We2, be2,
              Wg1, bg1, Wg2, bg2,
              Wo1, bo1, Wobj, bobj,
              Wr1, br1, Wrel, brel):
    src = node_edges[0]
    dst = node_edges[1]
    # ---- edge encoder: gather per-edge descriptor pairs, MLP ----
    d_src = jnp.take(descriptor, src, axis=0)           # [E, DD]
    d_dst = jnp.take(descriptor, dst, axis=0)           # [E, DD]
    d_pair = jnp.concatenate([d_src, d_dst], axis=-1)   # [E, 2*DD]
    e = jax.nn.relu(d_pair @ We1 + be1)
    e = jax.nn.relu(e @ We2 + be2)                       # [E, D]
    # ---- GNN: triplet message passing (src-feat, edge-feat, dst-feat) ----
    x_src = jnp.take(x, src, axis=0)                     # [E, D]
    x_dst = jnp.take(x, dst, axis=0)                     # [E, D]
    trip = jnp.concatenate([x_src, e, x_dst], axis=-1)   # [E, 3D]
    msg = jax.nn.relu(trip @ Wg1 + bg1)                  # [E, D]
    e_new = msg
    # mean-aggregate messages at destination nodes (scatter-add + degree norm)
    agg = jax.ops.segment_sum(msg, dst, num_segments=N)  # [N, D]
    deg = jax.ops.segment_sum(jnp.ones((E, 1), dtype=msg.dtype), dst, num_segments=N)
    agg = agg / jnp.maximum(deg, 1.0)
    x_new = jax.nn.relu(jnp.concatenate([x, agg], axis=-1) @ Wg2 + bg2)  # [N, D]
    # ---- classifiers ----
    h_obj = jax.nn.relu(x_new @ Wo1 + bo1)
    node_cls = h_obj @ Wobj + bobj                       # [N, NUM_OBJ]
    h_rel = jax.nn.relu(e_new @ Wr1 + br1)
    edge_cls = h_rel @ Wrel + brel                       # [E, NUM_REL]
    return (node_cls, edge_cls)

if __name__ == "__main__":
    import jax
    _d = setup_inputs()
    print(jax.jit(kernel)(*tuple(_d.values())))

</pallas_src>

<mosaic_0001>
#map = affine_map<(d0, d1) -> (0, 0)>
#map1 = affine_map<(d0, d1) -> (0)>
module attributes {stable_mosaic.version = 14 : i64} {
  func.func @sk(%arg0: i32, %arg1: i32, %arg2: memref<104960x128xf32, #tpu.memory_space<hbm>>, %arg3: memref<104960xi32, #tpu.memory_space<hbm>>, %arg4: memref<20000x128xf32, #tpu.memory_space<hbm>>, %arg5: memref<20000x16xf32, #tpu.memory_space<hbm>>, %arg6: memref<2x80xi32, #tpu.memory_space<vmem>>, %arg7: memref<2x80x128xf32, #tpu.memory_space<vmem>>, %arg8: memref<80x16xf32, #tpu.memory_space<vmem>>, %arg9: memref<125x128xf32, #tpu.memory_space<vmem>>, %arg10: memref<125x16xf32, #tpu.memory_space<vmem>>, %arg11: memref<10000x128xf32, #tpu.memory_space<vmem_shared>>, %arg12: memref<10000x16xf32, #tpu.memory_space<vmem_shared>>, %arg13: memref<!tpu.dma_semaphore, #tpu.memory_space<semaphore_mem>>, %arg14: memref<!tpu.dma_semaphore, #tpu.memory_space<semaphore_mem>>) attributes {dimension_semantics = [#tpu.dimension_semantics<core_parallel>, #tpu.dimension_semantics<subcore_parallel>], iteration_bounds = array<i64: 2, 16>, scalar_prefetch = 0 : i64, scratch_operands = 9 : i64, tpu.core_type = #tpu.core_type<sc_vector_subcore>, window_params = [{transform_indices = #map}, {transform_indices = #map1}, {transform_indices = #map}, {transform_indices = #map}]} {
    %scan3A = arith.constant 0 : i32
    %scan3A_0 = arith.constant 80 : i32
    %scan3A_1 = arith.addi %scan3A, %scan3A_0 : i32
    %scan3A_2 = arith.constant 1 : i32
    scf.for %scan3A_75 = %scan3A to %scan3A_1 step %scan3A_2  : i32 {
      %mul3A_76 = arith.constant 1 : i32
      %mul3A_77 = arith.muli %scan3A_75, %mul3A_76 : i32
      %add3A_78 = arith.constant 0 : i32
      %add3A_79 = arith.addi %add3A_78, %mul3A_77 : i32
      %broadcast_in_dim3A = arith.constant 1.000000e+00 : f32
      %broadcast_in_dim3A_80 = vector.broadcast %broadcast_in_dim3A : f32 to vector<1x16xf32>
      %swap3A = arith.index_cast %add3A_79 : i32 to index
      %swap3A_81 = arith.constant 0 : index
      %swap3A_82 = tpu.vector_load %arg8[%swap3A, %swap3A_81] {strides = array<i32>} : memref<80x16xf32, #tpu.memory_space<vmem>>, vector<1x16xf32>,
      %swap3A_83 = vector.shape_cast %swap3A_82 : vector<1x16xf32> to vector<1x16xf32>
      %swap3A_84 = vector.shape_cast %broadcast_in_dim3A_80 : vector<1x16xf32> to vector<1x16xf32>
      tpu.vector_store %arg8[%swap3A, %swap3A_81], %swap3A_84 {strides = array<i32>} : memref<80x16xf32, #tpu.memory_space<vmem>>, vector<1x16xf32>,
    }
    %scan3A_3 = arith.constant 80 : i32
    %scan3A_4 = arith.constant 0 : i32
    %scan3A_5 = arith.constant 125 : i32
    %scan3A_6 = arith.addi %scan3A_4, %scan3A_5 : i32
    %scan3A_7 = arith.constant 1 : i32
    scf.for %scan3A_75 = %scan3A_4 to %scan3A_6 step %scan3A_7  : i32 {
      %mul3A_76 = arith.constant 1 : i32
      %mul3A_77 = arith.muli %scan3A_75, %mul3A_76 : i32
      %add3A_78 = arith.constant 0 : i32
      %add3A_79 = arith.addi %add3A_78, %mul3A_77 : i32
      %broadcast_in_dim3A = arith.constant 0.000000e+00 : f32
      %broadcast_in_dim3A_80 = vector.broadcast %broadcast_in_dim3A : f32 to vector<1x16xf32>
      %swap3A = arith.index_cast %add3A_79 : i32 to index
      %swap3A_81 = arith.constant 0 : index
      %swap3A_82 = tpu.vector_load %arg10[%swap3A, %swap3A_81] {strides = array<i32>} : memref<125x16xf32, #tpu.memory_space<vmem>>, vector<1x16xf32>,
      %swap3A_83 = vector.shape_cast %swap3A_82 : vector<1x16xf32> to vector<1x16xf32>
      %swap3A_84 = vector.shape_cast %broadcast_in_dim3A_80 : vector<1x16xf32> to vector<1x16xf32>
      tpu.vector_store %arg10[%swap3A, %swap3A_81], %swap3A_84 {strides = array<i32>} : memref<125x16xf32, #tpu.memory_space<vmem>>, vector<1x16xf32>,
      %scan3A_85 = arith.constant 0 : i32
      %scan3A_86 = arith.constant 8 : i32
      %scan3A_87 = arith.addi %scan3A_85, %scan3A_86 : i32
      %scan3A_88 = arith.constant 1 : i32
      scf.for %scan3A_90 = %scan3A_85 to %scan3A_87 step %scan3A_88  : i32 {
        %mul3A_91 = arith.constant 16 : i32
        %mul3A_92 = arith.muli %scan3A_90, %mul3A_91 : i32
        %add3A_93 = arith.constant 0 : i32
        %add3A_94 = arith.addi %add3A_93, %mul3A_92 : i32
        %broadcast_in_dim3A_95 = arith.constant 0.000000e+00 : f32
        %broadcast_in_dim3A_96 = vector.broadcast %broadcast_in_dim3A_95 : f32 to vector<1x16xf32>
        %swap3A_97 = arith.index_cast %add3A_79 : i32 to index
        %swap3A_98 = arith.index_cast %add3A_94 : i32 to index
        %swap3A_99 = tpu.vector_load %arg9[%swap3A_97, %swap3A_98] {strides = array<i32>} : memref<125x128xf32, #tpu.memory_space<vmem>>, vector<1x16xf32>,
        %swap3A_100 = vector.shape_cast %swap3A_99 : vector<1x16xf32> to vector<1x16xf32>
        %swap3A_101 = vector.shape_cast %broadcast_in_dim3A_96 : vector<1x16xf32> to vector<1x16xf32>
        tpu.vector_store %arg9[%swap3A_97, %swap3A_98], %swap3A_101 {strides = array<i32>} : memref<125x128xf32, #tpu.memory_space<vmem>>, vector<1x16xf32>,
      }
      %scan3A_89 = arith.constant 8 : i32
    }
    %scan3A_8 = arith.constant 125 : i32
    %scan3A_9 = arith.constant 0 : i32
    %scan3A_10 = arith.constant 5 : i32
    %scan3A_11 = arith.addi %scan3A_9, %scan3A_10 : i32
    %scan3A_12 = arith.constant 1 : i32
    scf.for %scan3A_75 = %scan3A_9 to %scan3A_11 step %scan3A_12  : i32 {
      %mul3A_76 = arith.constant 125 : i32
      %mul3A_77 = arith.muli %scan3A_75, %mul3A_76 : i32
      %add3A_78 = arith.constant 0 : i32
      %add3A_79 = arith.addi %add3A_78, %mul3A_77 : i32
      %mul3A_80 = arith.constant 625 : i32
      %mul3A_81 = arith.muli %arg1, %mul3A_80 : i32
      %add3A_82 = arith.addi %mul3A_81, %add3A_79 : i32
      "tpu.region"() ({
        %run_scoped3A = tpu.sem_alloc : memref<!tpu.dma_semaphore, #tpu.memory_space<semaphore_mem>>
        %dma_start3A_86 = arith.constant 0 : i32
        %dma_start3A_87 = tpu.memref_slice %arg11[%add3A_82, %dma_start3A_86] : memref<10000x128xf32, #tpu.memory_space<vmem_shared>> -> memref<125x128xf32, #tpu.memory_space<vmem_shared>>
        %dma_start3A_88 = arith.constant 0 : i32
        %dma_start3A_89 = tpu.memref_slice %arg11[%add3A_82, %dma_start3A_88] : memref<10000x128xf32, #tpu.memory_space<vmem_shared>> -> memref<125x128xf32, #tpu.memory_space<vmem_shared>>
        tpu.enqueue_dma source(%arg9 : memref<125x128xf32, #tpu.memory_space<vmem>>) target(%dma_start3A_89 : memref<125x128xf32, #tpu.memory_space<vmem_shared>>) target_semaphore(%run_scoped3A : memref<!tpu.dma_semaphore, #tpu.memory_space<semaphore_mem>>)
        %dma_wait3A = arith.constant 0 : i32
        %dma_wait3A_90 = tpu.memref_slice %arg11[%add3A_82, %dma_wait3A] : memref<10000x128xf32, #tpu.memory_space<vmem_shared>> -> memref<125x128xf32, #tpu.memory_space<vmem_shared>>
        %dma_wait3A_91 = arith.constant 0 : i32
        %dma_wait3A_92 = tpu.memref_slice %arg11[%add3A_82, %dma_wait3A_91] : memref<10000x128xf32, #tpu.memory_space<vmem_shared>> -> memref<125x128xf32, #tpu.memory_space<vmem_shared>>
        tpu.wait_dma2 semaphore(%run_scoped3A : memref<!tpu.dma_semaphore, #tpu.memory_space<semaphore_mem>>) src(%arg9 : memref<125x128xf32, #tpu.memory_space<vmem>>) dst(%dma_wait3A_92 : memref<125x128xf32, #tpu.memory_space<vmem_shared>>)
        tpu.yield
      }) : () -> ()
      %mul3A_83 = arith.constant 625 : i32
      %mul3A_84 = arith.muli %arg1, %mul3A_83 : i32
      %add3A_85 = arith.addi %mul3A_84, %add3A_79 : i32
      "tpu.region"() ({
        %run_scoped3A = tpu.sem_alloc : memref<!tpu.dma_semaphore, #tpu.memory_space<semaphore_mem>>
        %dma_start3A_86 = arith.constant 0 : i32
        %dma_start3A_87 = tpu.memref_slice %arg12[%add3A_85, %dma_start3A_86] : memref<10000x16xf32, #tpu.memory_space<vmem_shared>> -> memref<125x16xf32, #tpu.memory_space<vmem_shared>>
        %dma_start3A_88 = arith.constant 0 : i32
        %dma_start3A_89 = tpu.memref_slice %arg12[%add3A_85, %dma_start3A_88] : memref<10000x16xf32, #tpu.memory_space<vmem_shared>> -> memref<125x16xf32, #tpu.memory_space<vmem_shared>>
        tpu.enqueue_dma source(%arg10 : memref<125x16xf32, #tpu.memory_space<vmem>>) target(%dma_start3A_89 : memref<125x16xf32, #tpu.memory_space<vmem_shared>>) target_semaphore(%run_scoped3A : memref<!tpu.dma_semaphore, #tpu.memory_space<semaphore_mem>>)
        %dma_wait3A = arith.constant 0 : i32
        %dma_wait3A_90 = tpu.memref_slice %arg12[%add3A_85, %dma_wait3A] : memref<10000x16xf32, #tpu.memory_space<vmem_shared>> -> memref<125x16xf32, #tpu.memory_space<vmem_shared>>
        %dma_wait3A_91 = arith.constant 0 : i32
        %dma_wait3A_92 = tpu.memref_slice %arg12[%add3A_85, %dma_wait3A_91] : memref<10000x16xf32, #tpu.memory_space<vmem_shared>> -> memref<125x16xf32, #tpu.memory_space<vmem_shared>>
        tpu.wait_dma2 semaphore(%run_scoped3A : memref<!tpu.dma_semaphore, #tpu.memory_space<semaphore_mem>>) src(%arg10 : memref<125x16xf32, #tpu.memory_space<vmem>>) dst(%dma_wait3A_92 : memref<125x16xf32, #tpu.memory_space<vmem_shared>>)
        tpu.yield
      }) : () -> ()
    }
    %scan3A_13 = arith.constant 5 : i32
    %barrier3A = arith.constant 0 : index
    tpu.barrier barrier_id(%barrier3A)
    %mul3A = arith.constant 52480 : i32
    %mul3A_14 = arith.muli %arg0, %mul3A : i32
    %mul3A_15 = arith.constant 3280 : i32
    %mul3A_16 = arith.muli %arg1, %mul3A_15 : i32
    %add3A = arith.addi %mul3A_14, %mul3A_16 : i32
    %add3A_17 = arith.constant 0 : i32
    %add3A_18 = arith.addi %add3A, %add3A_17 : i32
    %dma_start3A = arith.constant 0 : i32
    %dma_start3A_19 = arith.constant 0 : i32
    %dma_start3A_20 = tpu.memref_slice %arg6[%dma_start3A, %dma_start3A_19] : memref<2x80xi32, #tpu.memory_space<vmem>> -> memref<1x80xi32, #tpu.memory_space<vmem>>
    %dma_start3A_21 = tpu.memref_squeeze %dma_start3A_20 : memref<1x80xi32, #tpu.memory_space<vmem>> -> memref<80xi32, #tpu.memory_space<vmem>>
    %dma_start3A_22 = tpu.memref_slice %arg3[%add3A_18] : memref<104960xi32, #tpu.memory_space<hbm>> -> memref<80xi32, #tpu.memory_space<hbm>>
    %dma_start3A_23 = arith.constant 0 : i32
    %dma_start3A_24 = tpu.memref_slice %arg6[%dma_start3A, %dma_start3A_23] : memref<2x80xi32, #tpu.memory_space<vmem>> -> memref<1x80xi32, #tpu.memory_space<vmem>>
    %dma_start3A_25 = tpu.memref_squeeze %dma_start3A_24 : memref<1x80xi32, #tpu.memory_space<vmem>> -> memref<80xi32, #tpu.memory_space<vmem>>
    %dma_start3A_26 = tpu.memref_slice %arg3[%add3A_18] : memref<104960xi32, #tpu.memory_space<hbm>> -> memref<80xi32, #tpu.memory_space<hbm>>
    tpu.enqueue_dma source(%dma_start3A_26 : memref<80xi32, #tpu.memory_space<hbm>>) target(%dma_start3A_25 : memref<80xi32, #tpu.memory_space<vmem>>) target_semaphore(%arg13 : memref<!tpu.dma_semaphore, #tpu.memory_space<semaphore_mem>>)
    %dma_start3A_27 = arith.constant 0 : i32
    %dma_start3A_28 = arith.constant 0 : i32
    %dma_start3A_29 = arith.constant 0 : i32
    %dma_start3A_30 = tpu.memref_slice %arg7[%dma_start3A_27, %dma_start3A_28, %dma_start3A_29] : memref<2x80x128xf32, #tpu.memory_space<vmem>> -> memref<1x80x128xf32, #tpu.memory_space<vmem>>
    %dma_start3A_31 = tpu.memref_squeeze %dma_start3A_30 : memref<1x80x128xf32, #tpu.memory_space<vmem>> -> memref<80x128xf32, #tpu.memory_space<vmem>>
    %dma_start3A_32 = arith.constant 0 : i32
    %dma_start3A_33 = tpu.memref_slice %arg2[%add3A_18, %dma_start3A_32] : memref<104960x128xf32, #tpu.memory_space<hbm>> -> memref<80x128xf32, #tpu.memory_space<hbm>>
    %dma_start3A_34 = arith.constant 0 : i32
    %dma_start3A_35 = arith.constant 0 : i32
    %dma_start3A_36 = tpu.memref_slice %arg7[%dma_start3A_27, %dma_start3A_34, %dma_start3A_35] : memref<2x80x128xf32, #tpu.memory_space<vmem>> -> memref<1x80x128xf32, #tpu.memory_space<vmem>>
    %dma_start3A_37 = tpu.memref_squeeze %dma_start3A_36 : memref<1x80x128xf32, #tpu.memory_space<vmem>> -> memref<80x128xf32, #tpu.memory_space<vmem>>
    %dma_start3A_38 = arith.constant 0 : i32
    %dma_start3A_39 = tpu.memref_slice %arg2[%add3A_18, %dma_start3A_38] : memref<104960x128xf32, #tpu.memory_space<hbm>> -> memref<80x128xf32, #tpu.memory_space<hbm>>
    tpu.enqueue_dma source(%dma_start3A_39 : memref<80x128xf32, #tpu.memory_space<hbm>>) target(%dma_start3A_37 : memref<80x128xf32, #tpu.memory_space<vmem>>) target_semaphore(%arg13 : memref<!tpu.dma_semaphore, #tpu.memory_space<semaphore_mem>>)
    %add3A_40 = arith.constant 80 : i32
    %add3A_41 = arith.addi %add3A, %add3A_40 : i32
    %dma_start3A_42 = arith.constant 1 : i32
    %dma_start3A_43 = arith.constant 0 : i32
    %dma_start3A_44 = tpu.memref_slice %arg6[%dma_start3A_42, %dma_start3A_43] : memref<2x80xi32, #tpu.memory_space<vmem>> -> memref<1x80xi32, #tpu.memory_space<vmem>>
    %dma_start3A_45 = tpu.memref_squeeze %dma_start3A_44 : memref<1x80xi32, #tpu.memory_space<vmem>> -> memref<80xi32, #tpu.memory_space<vmem>>
    %dma_start3A_46 = tpu.memref_slice %arg3[%add3A_41] : memref<104960xi32, #tpu.memory_space<hbm>> -> memref<80xi32, #tpu.memory_space<hbm>>
    %dma_start3A_47 = arith.constant 0 : i32
    %dma_start3A_48 = tpu.memref_slice %arg6[%dma_start3A_42, %dma_start3A_47] : memref<2x80xi32, #tpu.memory_space<vmem>> -> memref<1x80xi32, #tpu.memory_space<vmem>>
    %dma_start3A_49 = tpu.memref_squeeze %dma_start3A_48 : memref<1x80xi32, #tpu.memory_space<vmem>> -> memref<80xi32, #tpu.memory_space<vmem>>
    %dma_start3A_50 = tpu.memref_slice %arg3[%add3A_41] : memref<104960xi32, #tpu.memory_space<hbm>> -> memref<80xi32, #tpu.memory_space<hbm>>
    tpu.enqueue_dma source(%dma_start3A_50 : memref<80xi32, #tpu.memory_space<hbm>>) target(%dma_start3A_49 : memref<80xi32, #tpu.memory_space<vmem>>) target_semaphore(%arg14 : memref<!tpu.dma_semaphore, #tpu.memory_space<semaphore_mem>>)
    %dma_start3A_51 = arith.constant 1 : i32
    %dma_start3A_52 = arith.constant 0 : i32
    %dma_start3A_53 = arith.constant 0 : i32
    %dma_start3A_54 = tpu.memref_slice %arg7[%dma_start3A_51, %dma_start3A_52, %dma_start3A_53] : memref<2x80x128xf32, #tpu.memory_space<vmem>> -> memref<1x80x128xf32, #tpu.memory_space<vmem>>
    %dma_start3A_55 = tpu.memref_squeeze %dma_start3A_54 : memref<1x80x128xf32, #tpu.memory_space<vmem>> -> memref<80x128xf32, #tpu.memory_space<vmem>>
    %dma_start3A_56 = arith.constant 0 : i32
    %dma_start3A_57 = tpu.memref_slice %arg2[%add3A_41, %dma_start3A_56] : memref<104960x128xf32, #tpu.memory_space<hbm>> -> memref<80x128xf32, #tpu.memory_space<hbm>>
    %dma_start3A_58 = arith.constant 0 : i32
    %dma_start3A_59 = arith.constant 0 : i32
    %dma_start3A_60 = tpu.memref_slice %arg7[%dma_start3A_51, %dma_start3A_58, %dma_start3A_59] : memref<2x80x128xf32, #tpu.memory_space<vmem>> -> memref<1x80x128xf32, #tpu.memory_space<vmem>>
    %dma_start3A_61 = tpu.memref_squeeze %dma_start3A_60 : memref<1x80x128xf32, #tpu.memory_space<vmem>> -> memref<80x128xf32, #tpu.memory_space<vmem>>
    %dma_start3A_62 = arith.constant 0 : i32
    %dma_start3A_63 = tpu.memref_slice %arg2[%add3A_41, %dma_start3A_62] : memref<104960x128xf32, #tpu.memory_space<hbm>> -> memref<80x128xf32, #tpu.memory_space<hbm>>
    tpu.enqueue_dma source(%dma_start3A_63 : memref<80x128xf32, #tpu.memory_space<hbm>>) target(%dma_start3A_61 : memref<80x128xf32, #tpu.memory_space<vmem>>) target_semaphore(%arg14 : memref<!tpu.dma_semaphore, #tpu.memory_space<semaphore_mem>>)
    %scan3A_64 = arith.constant 0 : i32
    %scan3A_65 = arith.constant 21 : i32
    %scan3A_66 = arith.addi %scan3A_64, %scan3A_65 : i32
    %scan3A_67 = arith.constant 1 : i32
    scf.for %scan3A_75 = %scan3A_64 to %scan3A_66 step %scan3A_67  : i32 {
      %mul3A_76 = arith.constant 1 : i32
      %mul3A_77 = arith.muli %scan3A_75, %mul3A_76 : i32
      %add3A_78 = arith.constant 0 : i32
      %add3A_79 = arith.addi %add3A_78, %mul3A_77 : i32
      %mul3A_80 = arith.constant 2 : i32
      %mul3A_81 = arith.muli %mul3A_80, %add3A_79 : i32
      %add3A_82 = arith.constant 0 : i32
      %add3A_83 = arith.addi %mul3A_81, %add3A_82 : i32
      %lt3A = arith.constant 41 : i32
      %lt3A_84 = arith.cmpi slt, %add3A_83, %lt3A : i32
      %convert_element_type3A = arith.extui %lt3A_84 : i1 to i32
      %cond3A = arith.constant 0 : i32
      %cond3A_85 = arith.cmpi ne, %convert_element_type3A, %cond3A : i32
      scf.if %cond3A_85 {
        %mul3A_95 = arith.constant 80 : i32
        %mul3A_96 = arith.muli %add3A_83, %mul3A_95 : i32
        %add3A_97 = arith.addi %add3A, %mul3A_96 : i32
        %dma_wait3A = arith.constant 0 : i32
        %dma_wait3A_98 = arith.constant 0 : i32
        %dma_wait3A_99 = tpu.memref_slice %arg6[%dma_wait3A, %dma_wait3A_98] : memref<2x80xi32, #tpu.memory_space<vmem>> -> memref<1x80xi32, #tpu.memory_space<vmem>>
        %dma_wait3A_100 = tpu.memref_squeeze %dma_wait3A_99 : memref<1x80xi32, #tpu.memory_space<vmem>> -> memref<80xi32, #tpu.memory_space<vmem>>
        %dma_wait3A_101 = tpu.memref_slice %arg3[%add3A_97] : memref<104960xi32, #tpu.memory_space<hbm>> -> memref<80xi32, #tpu.memory_space<hbm>>
        %dma_wait3A_102 = arith.constant 0 : i32
        %dma_wait3A_103 = tpu.memref_slice %arg6[%dma_wait3A, %dma_wait3A_102] : memref<2x80xi32, #tpu.memory_space<vmem>> -> memref<1x80xi32, #tpu.memory_space<vmem>>
        %dma_wait3A_104 = tpu.memref_squeeze %dma_wait3A_103 : memref<1x80xi32, #tpu.memory_space<vmem>> -> memref<80xi32, #tpu.memory_space<vmem>>
        %dma_wait3A_105 = tpu.memref_slice %arg3[%add3A_97] : memref<104960xi32, #tpu.memory_space<hbm>> -> memref<80xi32, #tpu.memory_space<hbm>>
        tpu.wait_dma2 semaphore(%arg13 : memref<!tpu.dma_semaphore, #tpu.memory_space<semaphore_mem>>) src(%dma_wait3A_105 : memref<80xi32, #tpu.memory_space<hbm>>) dst(%dma_wait3A_104 : memref<80xi32, #tpu.memory_space<vmem>>)
        %dma_wait3A_106 = arith.constant 0 : i32
        %dma_wait3A_107 = arith.constant 0 : i32
        %dma_wait3A_108 = arith.constant 0 : i32
        %dma_wait3A_109 = tpu.memref_slice %arg7[%dma_wait3A_106, %dma_wait3A_107, %dma_wait3A_108] : memref<2x80x128xf32, #tpu.memory_space<vmem>> -> memref<1x80x128xf32, #tpu.memory_space<vmem>>
        %dma_wait3A_110 = tpu.memref_squeeze %dma_wait3A_109 : memref<1x80x128xf32, #tpu.memory_space<vmem>> -> memref<80x128xf32, #tpu.memory_space<vmem>>
        %dma_wait3A_111 = arith.constant 0 : i32
        %dma_wait3A_112 = tpu.memref_slice %arg2[%add3A_97, %dma_wait3A_111] : memref<104960x128xf32, #tpu.memory_space<hbm>> -> memref<80x128xf32, #tpu.memory_space<hbm>>
        %dma_wait3A_113 = arith.constant 0 : i32
        %dma_wait3A_114 = arith.constant 0 : i32
        %dma_wait3A_115 = tpu.memref_slice %arg7[%dma_wait3A_106, %dma_wait3A_113, %dma_wait3A_114] : memref<2x80x128xf32, #tpu.memory_space<vmem>> -> memref<1x80x128xf32, #tpu.memory_space<vmem>>
        %dma_wait3A_116 = tpu.memref_squeeze %dma_wait3A_115 : memref<1x80x128xf32, #tpu.memory_space<vmem>> -> memref<80x128xf32, #tpu.memory_space<vmem>>
        %dma_wait3A_117 = arith.constant 0 : i32
        %dma_wait3A_118 = tpu.memref_slice %arg2[%add3A_97, %dma_wait3A_117] : memref<104960x128xf32, #tpu.memory_space<hbm>> -> memref<80x128xf32, #tpu.memory_space<hbm>>
        tpu.wait_dma2 semaphore(%arg13 : memref<!tpu.dma_semaphore, #tpu.memory_space<semaphore_mem>>) src(%dma_wait3A_118 : memref<80x128xf32, #tpu.memory_space<hbm>>) dst(%dma_wait3A_116 : memref<80x128xf32, #tpu.memory_space<vmem>>)
        %run_scoped3A = arith.constant 0 : i32
        %run_scoped3A_119 = arith.constant 0 : i32
        "tpu.region"() ({
          %run_scoped3A_128 = tpu.sem_alloc : memref<!tpu.dma_semaphore, #tpu.memory_space<semaphore_mem>>
          %dma_start3A_129 = arith.constant 0 : i32
          %dma_start3A_130 = arith.constant 0 : i32
          %dma_start3A_131 = tpu.memref_slice %arg7[%run_scoped3A, %dma_start3A_129, %dma_start3A_130] : memref<2x80x128xf32, #tpu.memory_space<vmem>> -> memref<1x80x128xf32, #tpu.memory_space<vmem>>
          %dma_start3A_132 = tpu.memref_squeeze %dma_start3A_131 : memref<1x80x128xf32, #tpu.memory_space<vmem>> -> memref<80x128xf32, #tpu.memory_space<vmem>>
          %dma_start3A_133 = arith.constant 0 : i32
          %dma_start3A_134 = tpu.memref_slice %arg6[%run_scoped3A_119, %dma_start3A_133] : memref<2x80xi32, #tpu.memory_space<vmem>> -> memref<1x80xi32, #tpu.memory_space<vmem>>
          %dma_start3A_135 = tpu.memref_squeeze %dma_start3A_134 : memref<1x80xi32, #tpu.memory_space<vmem>> -> memref<80xi32, #tpu.memory_space<vmem>>
          %dma_start3A_136 = arith.constant 0 : i32
          %dma_start3A_137 = arith.constant 0 : i32
          %dma_start3A_138 = tpu.memref_slice %arg11[%dma_start3A_136, %dma_start3A_137] : memref<10000x128xf32, #tpu.memory_space<vmem_shared>> -> memref<10000x128xf32, #tpu.memory_space<vmem_shared>>
          tpu.enqueue_indirect_dma source(%dma_start3A_132 : memref<80x128xf32, #tpu.memory_space<vmem>>) target(%dma_start3A_138 : memref<10000x128xf32, #tpu.memory_space<vmem_shared>>) offsets(%dma_start3A_135 : memref<80xi32, #tpu.memory_space<vmem>>) semaphore(%run_scoped3A_128 : memref<!tpu.dma_semaphore, #tpu.memory_space<semaphore_mem>>) {add = true}
          %dma_wait3A_139 = arith.constant 0 : i32
          %dma_wait3A_140 = arith.constant 0 : i32
          %dma_wait3A_141 = tpu.memref_slice %arg7[%run_scoped3A, %dma_wait3A_139, %dma_wait3A_140] : memref<2x80x128xf32, #tpu.memory_space<vmem>> -> memref<1x80x128xf32, #tpu.memory_space<vmem>>
          %dma_wait3A_142 = tpu.memref_squeeze %dma_wait3A_141 : memref<1x80x128xf32, #tpu.memory_space<vmem>> -> memref<80x128xf32, #tpu.memory_space<vmem>>
          %dma_wait3A_143 = arith.constant 0 : i32
          %dma_wait3A_144 = tpu.memref_slice %arg6[%run_scoped3A_119, %dma_wait3A_143] : memref<2x80xi32, #tpu.memory_space<vmem>> -> memref<1x80xi32, #tpu.memory_space<vmem>>
          %dma_wait3A_145 = tpu.memref_squeeze %dma_wait3A_144 : memref<1x80xi32, #tpu.memory_space<vmem>> -> memref<80xi32, #tpu.memory_space<vmem>>
          %dma_wait3A_146 = arith.constant 0 : i32
          %dma_wait3A_147 = arith.constant 0 : i32
          %dma_wait3A_148 = tpu.memref_slice %arg11[%dma_wait3A_146, %dma_wait3A_147] : memref<10000x128xf32, #tpu.memory_space<vmem_shared>> -> memref<10000x128xf32, #tpu.memory_space<vmem_shared>>
          tpu.wait_indirect_dma semaphore(%run_scoped3A_128 : memref<!tpu.dma_semaphore, #tpu.memory_space<semaphore_mem>>) src(%dma_wait3A_142 : memref<80x128xf32, #tpu.memory_space<vmem>>) dst(%dma_wait3A_148 : memref<10000x128xf32, #tpu.memory_space<vmem_shared>>)
          tpu.yield
        }) : () -> ()
        %run_scoped3A_120 = arith.constant 0 : i32
        "tpu.region"() ({
          %run_scoped3A_128 = tpu.sem_alloc : memref<!tpu.dma_semaphore, #tpu.memory_space<semaphore_mem>>
          %dma_start3A_129 = arith.constant 0 : i32
          %dma_start3A_130 = tpu.memref_slice %arg6[%run_scoped3A_120, %dma_start3A_129] : memref<2x80xi32, #tpu.memory_space<vmem>> -> memref<1x80xi32, #tpu.memory_space<vmem>>
          %dma_start3A_131 = tpu.memref_squeeze %dma_start3A_130 : memref<1x80xi32, #tpu.memory_space<vmem>> -> memref<80xi32, #tpu.memory_space<vmem>>
          %dma_start3A_132 = arith.constant 0 : i32
          %dma_start3A_133 = arith.constant 0 : i32
          %dma_start3A_134 = tpu.memref_slice %arg12[%dma_start3A_132, %dma_start3A_133] : memref<10000x16xf32, #tpu.memory_space<vmem_shared>> -> memref<10000x16xf32, #tpu.memory_space<vmem_shared>>
          tpu.enqueue_indirect_dma source(%arg8 : memref<80x16xf32, #tpu.memory_space<vmem>>) target(%dma_start3A_134 : memref<10000x16xf32, #tpu.memory_space<vmem_shared>>) offsets(%dma_start3A_131 : memref<80xi32, #tpu.memory_space<vmem>>) semaphore(%run_scoped3A_128 : memref<!tpu.dma_semaphore, #tpu.memory_space<semaphore_mem>>) {add = true}
          %dma_wait3A_135 = arith.constant 0 : i32
          %dma_wait3A_136 = tpu.memref_slice %arg6[%run_scoped3A_120, %dma_wait3A_135] : memref<2x80xi32, #tpu.memory_space<vmem>> -> memref<1x80xi32, #tpu.memory_space<vmem>>
          %dma_wait3A_137 = tpu.memref_squeeze %dma_wait3A_136 : memref<1x80xi32, #tpu.memory_space<vmem>> -> memref<80xi32, #tpu.memory_space<vmem>>
          %dma_wait3A_138 = arith.constant 0 : i32
          %dma_wait3A_139 = arith.constant 0 : i32
          %dma_wait3A_140 = tpu.memref_slice %arg12[%dma_wait3A_138, %dma_wait3A_139] : memref<10000x16xf32, #tpu.memory_space<vmem_shared>> -> memref<10000x16xf32, #tpu.memory_space<vmem_shared>>
          tpu.wait_indirect_dma semaphore(%run_scoped3A_128 : memref<!tpu.dma_semaphore, #tpu.memory_space<semaphore_mem>>) src(%arg8 : memref<80x16xf32, #tpu.memory_space<vmem>>) dst(%dma_wait3A_140 : memref<10000x16xf32, #tpu.memory_space<vmem_shared>>)
          tpu.yield
        }) : () -> ()
        %add3A_121 = arith.constant 2 : i32
        %add3A_122 = arith.addi %add3A_83, %add3A_121 : i32
        %lt3A_123 = arith.constant 41 : i32
        %lt3A_124 = arith.cmpi slt, %add3A_122, %lt3A_123 : i32
        %convert_element_type3A_125 = arith.extui %lt3A_124 : i1 to i32
        %cond3A_126 = arith.constant 0 : i32
        %cond3A_127 = arith.cmpi ne, %convert_element_type3A_125, %cond3A_126 : i32
        scf.if %cond3A_127 {
          %add3A_128 = arith.constant 2 : i32
          %add3A_129 = arith.addi %add3A_83, %add3A_128 : i32
          %mul3A_130 = arith.constant 80 : i32
          %mul3A_131 = arith.muli %add3A_129, %mul3A_130 : i32
          %add3A_132 = arith.addi %add3A, %mul3A_131 : i32
          %dma_start3A_133 = arith.constant 0 : i32
          %dma_start3A_134 = arith.constant 0 : i32
          %dma_start3A_135 = tpu.memref_slice %arg6[%dma_start3A_133, %dma_start3A_134] : memref<2x80xi32, #tpu.memory_space<vmem>> -> memref<1x80xi32, #tpu.memory_space<vmem>>
          %dma_start3A_136 = tpu.memref_squeeze %dma_start3A_135 : memref<1x80xi32, #tpu.memory_space<vmem>> -> memref<80xi32, #tpu.memory_space<vmem>>
          %dma_start3A_137 = tpu.memref_slice %arg3[%add3A_132] : memref<104960xi32, #tpu.memory_space<hbm>> -> memref<80xi32, #tpu.memory_space<hbm>>
          %dma_start3A_138 = arith.constant 0 : i32
          %dma_start3A_139 = tpu.memref_slice %arg6[%dma_start3A_133, %dma_start3A_138] : memref<2x80xi32, #tpu.memory_space<vmem>> -> memref<1x80xi32, #tpu.memory_space<vmem>>
          %dma_start3A_140 = tpu.memref_squeeze %dma_start3A_139 : memref<1x80xi32, #tpu.memory_space<vmem>> -> memref<80xi32, #tpu.memory_space<vmem>>
          %dma_start3A_141 = tpu.memref_slice %arg3[%add3A_132] : memref<104960xi32, #tpu.memory_space<hbm>> -> memref<80xi32, #tpu.memory_space<hbm>>
          tpu.enqueue_dma source(%dma_start3A_141 : memref<80xi32, #tpu.memory_space<hbm>>) target(%dma_start3A_140 : memref<80xi32, #tpu.memory_space<vmem>>) target_semaphore(%arg13 : memref<!tpu.dma_semaphore, #tpu.memory_space<semaphore_mem>>)
          %dma_start3A_142 = arith.constant 0 : i32
          %dma_start3A_143 = arith.constant 0 : i32
          %dma_start3A_144 = arith.constant 0 : i32
          %dma_start3A_145 = tpu.memref_slice %arg7[%dma_start3A_142, %dma_start3A_143, %dma_start3A_144] : memref<2x80x128xf32, #tpu.memory_space<vmem>> -> memref<1x80x128xf32, #tpu.memory_space<vmem>>
          %dma_start3A_146 = tpu.memref_squeeze %dma_start3A_145 : memref<1x80x128xf32, #tpu.memory_space<vmem>> -> memref<80x128xf32, #tpu.memory_space<vmem>>
          %dma_start3A_147 = arith.constant 0 : i32
          %dma_start3A_148 = tpu.memref_slice %arg2[%add3A_132, %dma_start3A_147] : memref<104960x128xf32, #tpu.memory_space<hbm>> -> memref<80x128xf32, #tpu.memory_space<hbm>>
          %dma_start3A_149 = arith.constant 0 : i32
          %dma_start3A_150 = arith.constant 0 : i32
          %dma_start3A_151 = tpu.memref_slice %arg7[%dma_start3A_142, %dma_start3A_149, %dma_start3A_150] : memref<2x80x128xf32, #tpu.memory_space<vmem>> -> memref<1x80x128xf32, #tpu.memory_space<vmem>>
          %dma_start3A_152 = tpu.memref_squeeze %dma_start3A_151 : memref<1x80x128xf32, #tpu.memory_space<vmem>> -> memref<80x128xf32, #tpu.memory_space<vmem>>
          %dma_start3A_153 = arith.constant 0 : i32
          %dma_start3A_154 = tpu.memref_slice %arg2[%add3A_132, %dma_start3A_153] : memref<104960x128xf32, #tpu.memory_space<hbm>> -> memref<80x128xf32, #tpu.memory_space<hbm>>
          tpu.enqueue_dma source(%dma_start3A_154 : memref<80x128xf32, #tpu.memory_space<hbm>>) target(%dma_start3A_152 : memref<80x128xf32, #tpu.memory_space<vmem>>) target_semaphore(%arg13 : memref<!tpu.dma_semaphore, #tpu.memory_space<semaphore_mem>>)
        } else {
        }
      } else {
      }
      %mul3A_86 = arith.constant 2 : i32
      %mul3A_87 = arith.muli %mul3A_86, %add3A_79 : i32
      %add3A_88 = arith.constant 1 : i32
      %add3A_89 = arith.addi %mul3A_87, %add3A_88 : i32
      %lt3A_90 = arith.constant 41 : i32
      %lt3A_91 = arith.cmpi slt, %add3A_89, %lt3A_90 : i32
      %convert_element_type3A_92 = arith.extui %lt3A_91 : i1 to i32
      %cond3A_93 = arith.constant 0 : i32
      %cond3A_94 = arith.cmpi ne, %convert_element_type3A_92, %cond3A_93 : i32
      scf.if %cond3A_94 {
        %mul3A_95 = arith.constant 80 : i32
        %mul3A_96 = arith.muli %add3A_89, %mul3A_95 : i32
        %add3A_97 = arith.addi %add3A, %mul3A_96 : i32
        %dma_wait3A = arith.constant 1 : i32
        %dma_wait3A_98 = arith.constant 0 : i32
        %dma_wait3A_99 = tpu.memref_slice %arg6[%dma_wait3A, %dma_wait3A_98] : memref<2x80xi32, #tpu.memory_space<vmem>> -> memref<1x80xi32, #tpu.memory_space<vmem>>
        %dma_wait3A_100 = tpu.memref_squeeze %dma_wait3A_99 : memref<1x80xi32, #tpu.memory_space<vmem>> -> memref<80xi32, #tpu.memory_space<vmem>>
        %dma_wait3A_101 = tpu.memref_slice %arg3[%add3A_97] : memref<104960xi32, #tpu.memory_space<hbm>> -> memref<80xi32, #tpu.memory_space<hbm>>
        %dma_wait3A_102 = arith.constant 0 : i32
        %dma_wait3A_103 = tpu.memref_slice %arg6[%dma_wait3A, %dma_wait3A_102] : memref<2x80xi32, #tpu.memory_space<vmem>> -> memref<1x80xi32, #tpu.memory_space<vmem>>
        %dma_wait3A_104 = tpu.memref_squeeze %dma_wait3A_103 : memref<1x80xi32, #tpu.memory_space<vmem>> -> memref<80xi32, #tpu.memory_space<vmem>>
        %dma_wait3A_105 = tpu.memref_slice %arg3[%add3A_97] : memref<104960xi32, #tpu.memory_space<hbm>> -> memref<80xi32, #tpu.memory_space<hbm>>
        tpu.wait_dma2 semaphore(%arg14 : memref<!tpu.dma_semaphore, #tpu.memory_space<semaphore_mem>>) src(%dma_wait3A_105 : memref<80xi32, #tpu.memory_space<hbm>>) dst(%dma_wait3A_104 : memref<80xi32, #tpu.memory_space<vmem>>)
        %dma_wait3A_106 = arith.constant 1 : i32
        %dma_wait3A_107 = arith.constant 0 : i32
        %dma_wait3A_108 = arith.constant 0 : i32
        %dma_wait3A_109 = tpu.memref_slice %arg7[%dma_wait3A_106, %dma_wait3A_107, %dma_wait3A_108] : memref<2x80x128xf32, #tpu.memory_space<vmem>> -> memref<1x80x128xf32, #tpu.memory_space<vmem>>
        %dma_wait3A_110 = tpu.memref_squeeze %dma_wait3A_109 : memref<1x80x128xf32, #tpu.memory_space<vmem>> -> memref<80x128xf32, #tpu.memory_space<vmem>>
        %dma_wait3A_111 = arith.constant 0 : i32
        %dma_wait3A_112 = tpu.memref_slice %arg2[%add3A_97, %dma_wait3A_111] : memref<104960x128xf32, #tpu.memory_space<hbm>> -> memref<80x128xf32, #tpu.memory_space<hbm>>
        %dma_wait3A_113 = arith.constant 0 : i32
        %dma_wait3A_114 = arith.constant 0 : i32
        %dma_wait3A_115 = tpu.memref_slice %arg7[%dma_wait3A_106, %dma_wait3A_113, %dma_wait3A_114] : memref<2x80x128xf32, #tpu.memory_space<vmem>> -> memref<1x80x128xf32, #tpu.memory_space<vmem>>
        %dma_wait3A_116 = tpu.memref_squeeze %dma_wait3A_115 : memref<1x80x128xf32, #tpu.memory_space<vmem>> -> memref<80x128xf32, #tpu.memory_space<vmem>>
        %dma_wait3A_117 = arith.constant 0 : i32
        %dma_wait3A_118 = tpu.memref_slice %arg2[%add3A_97, %dma_wait3A_117] : memref<104960x128xf32, #tpu.memory_space<hbm>> -> memref<80x128xf32, #tpu.memory_space<hbm>>
        tpu.wait_dma2 semaphore(%arg14 : memref<!tpu.dma_semaphore, #tpu.memory_space<semaphore_mem>>) src(%dma_wait3A_118 : memref<80x128xf32, #tpu.memory_space<hbm>>) dst(%dma_wait3A_116 : memref<80x128xf32, #tpu.memory_space<vmem>>)
        %run_scoped3A = arith.constant 1 : i32
        %run_scoped3A_119 = arith.constant 1 : i32
        "tpu.region"() ({
          %run_scoped3A_128 = tpu.sem_alloc : memref<!tpu.dma_semaphore, #tpu.memory_space<semaphore_mem>>
          %dma_start3A_129 = arith.constant 0 : i32
          %dma_start3A_130 = arith.constant 0 : i32
          %dma_start3A_131 = tpu.memref_slice %arg7[%run_scoped3A, %dma_start3A_129, %dma_start3A_130] : memref<2x80x128xf32, #tpu.memory_space<vmem>> -> memref<1x80x128xf32, #tpu.memory_space<vmem>>
          %dma_start3A_132 = tpu.memref_squeeze %dma_start3A_131 : memref<1x80x128xf32, #tpu.memory_space<vmem>> -> memref<80x128xf32, #tpu.memory_space<vmem>>
          %dma_start3A_133 = arith.constant 0 : i32
          %dma_start3A_134 = tpu.memref_slice %arg6[%run_scoped3A_119, %dma_start3A_133] : memref<2x80xi32, #tpu.memory_space<vmem>> -> memref<1x80xi32, #tpu.memory_space<vmem>>
          %dma_start3A_135 = tpu.memref_squeeze %dma_start3A_134 : memref<1x80xi32, #tpu.memory_space<vmem>> -> memref<80xi32, #tpu.memory_space<vmem>>
          %dma_start3A_136 = arith.constant 0 : i32
          %dma_start3A_137 = arith.constant 0 : i32
          %dma_start3A_138 = tpu.memref_slice %arg11[%dma_start3A_136, %dma_start3A_137] : memref<10000x128xf32, #tpu.memory_space<vmem_shared>> -> memref<10000x128xf32, #tpu.memory_space<vmem_shared>>
          tpu.enqueue_indirect_dma source(%dma_start3A_132 : memref<80x128xf32, #tpu.memory_space<vmem>>) target(%dma_start3A_138 : memref<10000x128xf32, #tpu.memory_space<vmem_shared>>) offsets(%dma_start3A_135 : memref<80xi32, #tpu.memory_space<vmem>>) semaphore(%run_scoped3A_128 : memref<!tpu.dma_semaphore, #tpu.memory_space<semaphore_mem>>) {add = true}
          %dma_wait3A_139 = arith.constant 0 : i32
          %dma_wait3A_140 = arith.constant 0 : i32
          %dma_wait3A_141 = tpu.memref_slice %arg7[%run_scoped3A, %dma_wait3A_139, %dma_wait3A_140] : memref<2x80x128xf32, #tpu.memory_space<vmem>> -> memref<1x80x128xf32, #tpu.memory_space<vmem>>
          %dma_wait3A_142 = tpu.memref_squeeze %dma_wait3A_141 : memref<1x80x128xf32, #tpu.memory_space<vmem>> -> memref<80x128xf32, #tpu.memory_space<vmem>>
          %dma_wait3A_143 = arith.constant 0 : i32
          %dma_wait3A_144 = tpu.memref_slice %arg6[%run_scoped3A_119, %dma_wait3A_143] : memref<2x80xi32, #tpu.memory_space<vmem>> -> memref<1x80xi32, #tpu.memory_space<vmem>>
          %dma_wait3A_145 = tpu.memref_squeeze %dma_wait3A_144 : memref<1x80xi32, #tpu.memory_space<vmem>> -> memref<80xi32, #tpu.memory_space<vmem>>
          %dma_wait3A_146 = arith.constant 0 : i32
          %dma_wait3A_147 = arith.constant 0 : i32
          %dma_wait3A_148 = tpu.memref_slice %arg11[%dma_wait3A_146, %dma_wait3A_147] : memref<10000x128xf32, #tpu.memory_space<vmem_shared>> -> memref<10000x128xf32, #tpu.memory_space<vmem_shared>>
          tpu.wait_indirect_dma semaphore(%run_scoped3A_128 : memref<!tpu.dma_semaphore, #tpu.memory_space<semaphore_mem>>) src(%dma_wait3A_142 : memref<80x128xf32, #tpu.memory_space<vmem>>) dst(%dma_wait3A_148 : memref<10000x128xf32, #tpu.memory_space<vmem_shared>>)
          tpu.yield
        }) : () -> ()
        %run_scoped3A_120 = arith.constant 1 : i32
        "tpu.region"() ({
          %run_scoped3A_128 = tpu.sem_alloc : memref<!tpu.dma_semaphore, #tpu.memory_space<semaphore_mem>>
          %dma_start3A_129 = arith.constant 0 : i32
          %dma_start3A_130 = tpu.memref_slice %arg6[%run_scoped3A_120, %dma_start3A_129] : memref<2x80xi32, #tpu.memory_space<vmem>> -> memref<1x80xi32, #tpu.memory_space<vmem>>
          %dma_start3A_131 = tpu.memref_squeeze %dma_start3A_130 : memref<1x80xi32, #tpu.memory_space<vmem>> -> memref<80xi32, #tpu.memory_space<vmem>>
          %dma_start3A_132 = arith.constant 0 : i32
          %dma_start3A_133 = arith.constant 0 : i32
          %dma_start3A_134 = tpu.memref_slice %arg12[%dma_start3A_132, %dma_start3A_133] : memref<10000x16xf32, #tpu.memory_space<vmem_shared>> -> memref<10000x16xf32, #tpu.memory_space<vmem_shared>>
          tpu.enqueue_indirect_dma source(%arg8 : memref<80x16xf32, #tpu.memory_space<vmem>>) target(%dma_start3A_134 : memref<10000x16xf32, #tpu.memory_space<vmem_shared>>) offsets(%dma_start3A_131 : memref<80xi32, #tpu.memory_space<vmem>>) semaphore(%run_scoped3A_128 : memref<!tpu.dma_semaphore, #tpu.memory_space<semaphore_mem>>) {add = true}
          %dma_wait3A_135 = arith.constant 0 : i32
          %dma_wait3A_136 = tpu.memref_slice %arg6[%run_scoped3A_120, %dma_wait3A_135] : memref<2x80xi32, #tpu.memory_space<vmem>> -> memref<1x80xi32, #tpu.memory_space<vmem>>
          %dma_wait3A_137 = tpu.memref_squeeze %dma_wait3A_136 : memref<1x80xi32, #tpu.memory_space<vmem>> -> memref<80xi32, #tpu.memory_space<vmem>>
          %dma_wait3A_138 = arith.constant 0 : i32
          %dma_wait3A_139 = arith.constant 0 : i32
          %dma_wait3A_140 = tpu.memref_slice %arg12[%dma_wait3A_138, %dma_wait3A_139] : memref<10000x16xf32, #tpu.memory_space<vmem_shared>> -> memref<10000x16xf32, #tpu.memory_space<vmem_shared>>
          tpu.wait_indirect_dma semaphore(%run_scoped3A_128 : memref<!tpu.dma_semaphore, #tpu.memory_space<semaphore_mem>>) src(%arg8 : memref<80x16xf32, #tpu.memory_space<vmem>>) dst(%dma_wait3A_140 : memref<10000x16xf32, #tpu.memory_space<vmem_shared>>)
          tpu.yield
        }) : () -> ()
        %add3A_121 = arith.constant 2 : i32
        %add3A_122 = arith.addi %add3A_89, %add3A_121 : i32
        %lt3A_123 = arith.constant 41 : i32
        %lt3A_124 = arith.cmpi slt, %add3A_122, %lt3A_123 : i32
        %convert_element_type3A_125 = arith.extui %lt3A_124 : i1 to i32
        %cond3A_126 = arith.constant 0 : i32
        %cond3A_127 = arith.cmpi ne, %convert_element_type3A_125, %cond3A_126 : i32
        scf.if %cond3A_127 {
          %add3A_128 = arith.constant 2 : i32
          %add3A_129 = arith.addi %add3A_89, %add3A_128 : i32
          %mul3A_130 = arith.constant 80 : i32
          %mul3A_131 = arith.muli %add3A_129, %mul3A_130 : i32
          %add3A_132 = arith.addi %add3A, %mul3A_131 : i32
          %dma_start3A_133 = arith.constant 1 : i32
          %dma_start3A_134 = arith.constant 0 : i32
          %dma_start3A_135 = tpu.memref_slice %arg6[%dma_start3A_133, %dma_start3A_134] : memref<2x80xi32, #tpu.memory_space<vmem>> -> memref<1x80xi32, #tpu.memory_space<vmem>>
          %dma_start3A_136 = tpu.memref_squeeze %dma_start3A_135 : memref<1x80xi32, #tpu.memory_space<vmem>> -> memref<80xi32, #tpu.memory_space<vmem>>
          %dma_start3A_137 = tpu.memref_slice %arg3[%add3A_132] : memref<104960xi32, #tpu.memory_space<hbm>> -> memref<80xi32, #tpu.memory_space<hbm>>
          %dma_start3A_138 = arith.constant 0 : i32
          %dma_start3A_139 = tpu.memref_slice %arg6[%dma_start3A_133, %dma_start3A_138] : memref<2x80xi32, #tpu.memory_space<vmem>> -> memref<1x80xi32, #tpu.memory_space<vmem>>
          %dma_start3A_140 = tpu.memref_squeeze %dma_start3A_139 : memref<1x80xi32, #tpu.memory_space<vmem>> -> memref<80xi32, #tpu.memory_space<vmem>>
          %dma_start3A_141 = tpu.memref_slice %arg3[%add3A_132] : memref<104960xi32, #tpu.memory_space<hbm>> -> memref<80xi32, #tpu.memory_space<hbm>>
          tpu.enqueue_dma source(%dma_start3A_141 : memref<80xi32, #tpu.memory_space<hbm>>) target(%dma_start3A_140 : memref<80xi32, #tpu.memory_space<vmem>>) target_semaphore(%arg14 : memref<!tpu.dma_semaphore, #tpu.memory_space<semaphore_mem>>)
          %dma_start3A_142 = arith.constant 1 : i32
          %dma_start3A_143 = arith.constant 0 : i32
          %dma_start3A_144 = arith.constant 0 : i32
          %dma_start3A_145 = tpu.memref_slice %arg7[%dma_start3A_142, %dma_start3A_143, %dma_start3A_144] : memref<2x80x128xf32, #tpu.memory_space<vmem>> -> memref<1x80x128xf32, #tpu.memory_space<vmem>>
          %dma_start3A_146 = tpu.memref_squeeze %dma_start3A_145 : memref<1x80x128xf32, #tpu.memory_space<vmem>> -> memref<80x128xf32, #tpu.memory_space<vmem>>
          %dma_start3A_147 = arith.constant 0 : i32
          %dma_start3A_148 = tpu.memref_slice %arg2[%add3A_132, %dma_start3A_147] : memref<104960x128xf32, #tpu.memory_space<hbm>> -> memref<80x128xf32, #tpu.memory_space<hbm>>
          %dma_start3A_149 = arith.constant 0 : i32
          %dma_start3A_150 = arith.constant 0 : i32
          %dma_start3A_151 = tpu.memref_slice %arg7[%dma_start3A_142, %dma_start3A_149, %dma_start3A_150] : memref<2x80x128xf32, #tpu.memory_space<vmem>> -> memref<1x80x128xf32, #tpu.memory_space<vmem>>
          %dma_start3A_152 = tpu.memref_squeeze %dma_start3A_151 : memref<1x80x128xf32, #tpu.memory_space<vmem>> -> memref<80x128xf32, #tpu.memory_space<vmem>>
          %dma_start3A_153 = arith.constant 0 : i32
          %dma_start3A_154 = tpu.memref_slice %arg2[%add3A_132, %dma_start3A_153] : memref<104960x128xf32, #tpu.memory_space<hbm>> -> memref<80x128xf32, #tpu.memory_space<hbm>>
          tpu.enqueue_dma source(%dma_start3A_154 : memref<80x128xf32, #tpu.memory_space<hbm>>) target(%dma_start3A_152 : memref<80x128xf32, #tpu.memory_space<vmem>>) target_semaphore(%arg14 : memref<!tpu.dma_semaphore, #tpu.memory_space<semaphore_mem>>)
        } else {
        }
      } else {
      }
    }
    %scan3A_68 = arith.constant 21 : i32
    %barrier3A_69 = arith.constant 0 : index
    tpu.barrier barrier_id(%barrier3A_69)
    %scan3A_70 = arith.constant 0 : i32
    %scan3A_71 = arith.constant 5 : i32
    %scan3A_72 = arith.addi %scan3A_70, %scan3A_71 : i32
    %scan3A_73 = arith.constant 1 : i32
    scf.for %scan3A_75 = %scan3A_70 to %scan3A_72 step %scan3A_73  : i32 {
      %mul3A_76 = arith.constant 125 : i32
      %mul3A_77 = arith.muli %scan3A_75, %mul3A_76 : i32
      %add3A_78 = arith.constant 0 : i32
      %add3A_79 = arith.addi %add3A_78, %mul3A_77 : i32
      %mul3A_80 = arith.constant 625 : i32
      %mul3A_81 = arith.muli %arg1, %mul3A_80 : i32
      %add3A_82 = arith.addi %mul3A_81, %add3A_79 : i32
      "tpu.region"() ({
        %run_scoped3A = tpu.sem_alloc : memref<!tpu.dma_semaphore, #tpu.memory_space<semaphore_mem>>
        %dma_start3A_89 = arith.constant 0 : i32
        %dma_start3A_90 = tpu.memref_slice %arg11[%add3A_82, %dma_start3A_89] : memref<10000x128xf32, #tpu.memory_space<vmem_shared>> -> memref<125x128xf32, #tpu.memory_space<vmem_shared>>
        %dma_start3A_91 = arith.constant 0 : i32
        %dma_start3A_92 = tpu.memref_slice %arg11[%add3A_82, %dma_start3A_91] : memref<10000x128xf32, #tpu.memory_space<vmem_shared>> -> memref<125x128xf32, #tpu.memory_space<vmem_shared>>
        tpu.enqueue_dma source(%dma_start3A_92 : memref<125x128xf32, #tpu.memory_space<vmem_shared>>) target(%arg9 : memref<125x128xf32, #tpu.memory_space<vmem>>) target_semaphore(%run_scoped3A : memref<!tpu.dma_semaphore, #tpu.memory_space<semaphore_mem>>)
        %dma_wait3A = arith.constant 0 : i32
        %dma_wait3A_93 = tpu.memref_slice %arg11[%add3A_82, %dma_wait3A] : memref<10000x128xf32, #tpu.memory_space<vmem_shared>> -> memref<125x128xf32, #tpu.memory_space<vmem_shared>>
        %dma_wait3A_94 = arith.constant 0 : i32
        %dma_wait3A_95 = tpu.memref_slice %arg11[%add3A_82, %dma_wait3A_94] : memref<10000x128xf32, #tpu.memory_space<vmem_shared>> -> memref<125x128xf32, #tpu.memory_space<vmem_shared>>
        tpu.wait_dma2 semaphore(%run_scoped3A : memref<!tpu.dma_semaphore, #tpu.memory_space<semaphore_mem>>) src(%dma_wait3A_95 : memref<125x128xf32, #tpu.memory_space<vmem_shared>>) dst(%arg9 : memref<125x128xf32, #tpu.memory_space<vmem>>)
        tpu.yield
      }) : () -> ()
      %mul3A_83 = arith.constant 10000 : i32
      %mul3A_84 = arith.muli %arg0, %mul3A_83 : i32
      %add3A_85 = arith.addi %mul3A_84, %add3A_82 : i32
      "tpu.region"() ({
        %run_scoped3A = tpu.sem_alloc : memref<!tpu.dma_semaphore, #tpu.memory_space<semaphore_mem>>
        %dma_start3A_89 = arith.constant 0 : i32
        %dma_start3A_90 = tpu.memref_slice %arg4[%add3A_85, %dma_start3A_89] : memref<20000x128xf32, #tpu.memory_space<hbm>> -> memref<125x128xf32, #tpu.memory_space<hbm>>
        %dma_start3A_91 = arith.constant 0 : i32
        %dma_start3A_92 = tpu.memref_slice %arg4[%add3A_85, %dma_start3A_91] : memref<20000x128xf32, #tpu.memory_space<hbm>> -> memref<125x128xf32, #tpu.memory_space<hbm>>
        tpu.enqueue_dma source(%arg9 : memref<125x128xf32, #tpu.memory_space<vmem>>) target(%dma_start3A_92 : memref<125x128xf32, #tpu.memory_space<hbm>>) target_semaphore(%run_scoped3A : memref<!tpu.dma_semaphore, #tpu.memory_space<semaphore_mem>>)
        %dma_wait3A = arith.constant 0 : i32
        %dma_wait3A_93 = tpu.memref_slice %arg4[%add3A_85, %dma_wait3A] : memref<20000x128xf32, #tpu.memory_space<hbm>> -> memref<125x128xf32, #tpu.memory_space<hbm>>
        %dma_wait3A_94 = arith.constant 0 : i32
        %dma_wait3A_95 = tpu.memref_slice %arg4[%add3A_85, %dma_wait3A_94] : memref<20000x128xf32, #tpu.memory_space<hbm>> -> memref<125x128xf32, #tpu.memory_space<hbm>>
        tpu.wait_dma2 semaphore(%run_scoped3A : memref<!tpu.dma_semaphore, #tpu.memory_space<semaphore_mem>>) src(%arg9 : memref<125x128xf32, #tpu.memory_space<vmem>>) dst(%dma_wait3A_95 : memref<125x128xf32, #tpu.memory_space<hbm>>)
        tpu.yield
      }) : () -> ()
      "tpu.region"() ({
        %run_scoped3A = tpu.sem_alloc : memref<!tpu.dma_semaphore, #tpu.memory_space<semaphore_mem>>
        %dma_start3A_89 = arith.constant 0 : i32
        %dma_start3A_90 = tpu.memref_slice %arg12[%add3A_82, %dma_start3A_89] : memref<10000x16xf32, #tpu.memory_space<vmem_shared>> -> memref<125x16xf32, #tpu.memory_space<vmem_shared>>
        %dma_start3A_91 = arith.constant 0 : i32
        %dma_start3A_92 = tpu.memref_slice %arg12[%add3A_82, %dma_start3A_91] : memref<10000x16xf32, #tpu.memory_space<vmem_shared>> -> memref<125x16xf32, #tpu.memory_space<vmem_shared>>
        tpu.enqueue_dma source(%dma_start3A_92 : memref<125x16xf32, #tpu.memory_space<vmem_shared>>) target(%arg10 : memref<125x16xf32, #tpu.memory_space<vmem>>) target_semaphore(%run_scoped3A : memref<!tpu.dma_semaphore, #tpu.memory_space<semaphore_mem>>)
        %dma_wait3A = arith.constant 0 : i32
        %dma_wait3A_93 = tpu.memref_slice %arg12[%add3A_82, %dma_wait3A] : memref<10000x16xf32, #tpu.memory_space<vmem_shared>> -> memref<125x16xf32, #tpu.memory_space<vmem_shared>>
        %dma_wait3A_94 = arith.constant 0 : i32
        %dma_wait3A_95 = tpu.memref_slice %arg12[%add3A_82, %dma_wait3A_94] : memref<10000x16xf32, #tpu.memory_space<vmem_shared>> -> memref<125x16xf32, #tpu.memory_space<vmem_shared>>
        tpu.wait_dma2 semaphore(%run_scoped3A : memref<!tpu.dma_semaphore, #tpu.memory_space<semaphore_mem>>) src(%dma_wait3A_95 : memref<125x16xf32, #tpu.memory_space<vmem_shared>>) dst(%arg10 : memref<125x16xf32, #tpu.memory_space<vmem>>)
        tpu.yield
      }) : () -> ()
      %mul3A_86 = arith.constant 10000 : i32
      %mul3A_87 = arith.muli %arg0, %mul3A_86 : i32
      %add3A_88 = arith.addi %mul3A_87, %add3A_82 : i32
      "tpu.region"() ({
        %run_scoped3A = tpu.sem_alloc : memref<!tpu.dma_semaphore, #tpu.memory_space<semaphore_mem>>
        %dma_start3A_89 = arith.constant 0 : i32
        %dma_start3A_90 = tpu.memref_slice %arg5[%add3A_88, %dma_start3A_89] : memref<20000x16xf32, #tpu.memory_space<hbm>> -> memref<125x16xf32, #tpu.memory_space<hbm>>
        %dma_start3A_91 = arith.constant 0 : i32
        %dma_start3A_92 = tpu.memref_slice %arg5[%add3A_88, %dma_start3A_91] : memref<20000x16xf32, #tpu.memory_space<hbm>> -> memref<125x16xf32, #tpu.memory_space<hbm>>
        tpu.enqueue_dma source(%arg10 : memref<125x16xf32, #tpu.memory_space<vmem>>) target(%dma_start3A_92 : memref<125x16xf32, #tpu.memory_space<hbm>>) target_semaphore(%run_scoped3A : memref<!tpu.dma_semaphore, #tpu.memory_space<semaphore_mem>>)
        %dma_wait3A = arith.constant 0 : i32
        %dma_wait3A_93 = tpu.memref_slice %arg5[%add3A_88, %dma_wait3A] : memref<20000x16xf32, #tpu.memory_space<hbm>> -> memref<125x16xf32, #tpu.memory_space<hbm>>
        %dma_wait3A_94 = arith.constant 0 : i32
        %dma_wait3A_95 = tpu.memref_slice %arg5[%add3A_88, %dma_wait3A_94] : memref<20000x16xf32, #tpu.memory_space<hbm>> -> memref<125x16xf32, #tpu.memory_space<hbm>>
        tpu.wait_dma2 semaphore(%run_scoped3A : memref<!tpu.dma_semaphore, #tpu.memory_space<semaphore_mem>>) src(%arg10 : memref<125x16xf32, #tpu.memory_space<vmem>>) dst(%dma_wait3A_95 : memref<125x16xf32, #tpu.memory_space<hbm>>)
        tpu.yield
      }) : () -> ()
    }
    %scan3A_74 = arith.constant 5 : i32
    return
  }
}

#map = affine_map<(d0, d1) -> (0, 0)>
#map1 = affine_map<(d0, d1) -> (0)>
module attributes {stable_mosaic.version = 14 : i64} {
  func.func @gk(%arg0: i32, %arg1: i32, %arg2: memref<10000x80xi32, #tpu.memory_space<hbm>>, %arg3: memref<10000x80xi32, #tpu.memory_space<hbm>>, %arg4: memref<215040xi32, #tpu.memory_space<hbm>>, %arg5: memref<215040xi32, #tpu.memory_space<hbm>>, %arg6: memref<215040x128xi32, #tpu.memory_space<hbm>>, %arg7: memref<215040x128xi32, #tpu.memory_space<hbm>>, %arg8: memref<2x80xi32, #tpu.memory_space<vmem>>, %arg9: memref<2x80xi32, #tpu.memory_space<vmem>>, %arg10: memref<2x80x80xi32, #tpu.memory_space<vmem>>, %arg11: memref<2x80x80xi32, #tpu.memory_space<vmem>>, %arg12: memref<!tpu.dma_semaphore, #tpu.memory_space<semaphore_mem>>, %arg13: memref<!tpu.dma_semaphore, #tpu.memory_space<semaphore_mem>>, %arg14: memref<!tpu.dma_semaphore, #tpu.memory_space<semaphore_mem>>, %arg15: memref<!tpu.dma_semaphore, #tpu.memory_space<semaphore_mem>>, %arg16: memref<!tpu.dma_semaphore, #tpu.memory_space<semaphore_mem>>, %arg17: memref<!tpu.dma_semaphore, #tpu.memory_space<semaphore_mem>>) attributes {dimension_semantics = [#tpu.dimension_semantics<core_parallel>, #tpu.dimension_semantics<subcore_parallel>], iteration_bounds = array<i64: 2, 16>, scalar_prefetch = 0 : i64, scratch_operands = 10 : i64, tpu.core_type = #tpu.core_type<sc_vector_subcore>, window_params = [{transform_indices = #map}, {transform_indices = #map}, {transform_indices = #map1}, {transform_indices = #map1}, {transform_indices = #map}, {transform_indices = #map}]} {
    %mul3A = arith.constant 2 : i32
    %mul3A_0 = arith.muli %arg1, %mul3A : i32
    %add3A = arith.addi %mul3A_0, %arg0 : i32
    %mul3A_1 = arith.constant 6720 : i32
    %mul3A_2 = arith.muli %add3A, %mul3A_1 : i32
    %add3A_3 = arith.constant 0 : i32
    %add3A_4 = arith.addi %mul3A_2, %add3A_3 : i32
    %dma_start3A = arith.constant 0 : i32
    %dma_start3A_5 = arith.constant 0 : i32
    %dma_start3A_6 = tpu.memref_slice %arg8[%dma_start3A, %dma_start3A_5] : memref<2x80xi32, #tpu.memory_space<vmem>> -> memref<1x80xi32, #tpu.memory_space<vmem>>
    %dma_start3A_7 = tpu.memref_squeeze %dma_start3A_6 : memref<1x80xi32, #tpu.memory_space<vmem>> -> memref<80xi32, #tpu.memory_space<vmem>>
    %dma_start3A_8 = tpu.memref_slice %arg4[%add3A_4] : memref<215040xi32, #tpu.memory_space<hbm>> -> memref<80xi32, #tpu.memory_space<hbm>>
    %dma_start3A_9 = arith.constant 0 : i32
    %dma_start3A_10 = tpu.memref_slice %arg8[%dma_start3A, %dma_start3A_9] : memref<2x80xi32, #tpu.memory_space<vmem>> -> memref<1x80xi32, #tpu.memory_space<vmem>>
    %dma_start3A_11 = tpu.memref_squeeze %dma_start3A_10 : memref<1x80xi32, #tpu.memory_space<vmem>> -> memref<80xi32, #tpu.memory_space<vmem>>
    %dma_start3A_12 = tpu.memref_slice %arg4[%add3A_4] : memref<215040xi32, #tpu.memory_space<hbm>> -> memref<80xi32, #tpu.memory_space<hbm>>
    tpu.enqueue_dma source(%dma_start3A_12 : memref<80xi32, #tpu.memory_space<hbm>>) target(%dma_start3A_11 : memref<80xi32, #tpu.memory_space<vmem>>) target_semaphore(%arg12 : memref<!tpu.dma_semaphore, #tpu.memory_space<semaphore_mem>>)
    %dma_start3A_13 = arith.constant 0 : i32
    %dma_start3A_14 = arith.constant 0 : i32
    %dma_start3A_15 = tpu.memref_slice %arg9[%dma_start3A_13, %dma_start3A_14] : memref<2x80xi32, #tpu.memory_space<vmem>> -> memref<1x80xi32, #tpu.memory_space<vmem>>
    %dma_start3A_16 = tpu.memref_squeeze %dma_start3A_15 : memref<1x80xi32, #tpu.memory_space<vmem>> -> memref<80xi32, #tpu.memory_space<vmem>>
    %dma_start3A_17 = tpu.memref_slice %arg5[%add3A_4] : memref<215040xi32, #tpu.memory_space<hbm>> -> memref<80xi32, #tpu.memory_space<hbm>>
    %dma_start3A_18 = arith.constant 0 : i32
    %dma_start3A_19 = tpu.memref_slice %arg9[%dma_start3A_13, %dma_start3A_18] : memref<2x80xi32, #tpu.memory_space<vmem>> -> memref<1x80xi32, #tpu.memory_space<vmem>>
    %dma_start3A_20 = tpu.memref_squeeze %dma_start3A_19 : memref<1x80xi32, #tpu.memory_space<vmem>> -> memref<80xi32, #tpu.memory_space<vmem>>
    %dma_start3A_21 = tpu.memref_slice %arg5[%add3A_4] : memref<215040xi32, #tpu.memory_space<hbm>> -> memref<80xi32, #tpu.memory_space<hbm>>
    tpu.enqueue_dma source(%dma_start3A_21 : memref<80xi32, #tpu.memory_space<hbm>>) target(%dma_start3A_20 : memref<80xi32, #tpu.memory_space<vmem>>) target_semaphore(%arg12 : memref<!tpu.dma_semaphore, #tpu.memory_space<semaphore_mem>>)
    %add3A_22 = arith.constant 80 : i32
    %add3A_23 = arith.addi %mul3A_2, %add3A_22 : i32
    %dma_start3A_24 = arith.constant 1 : i32
    %dma_start3A_25 = arith.constant 0 : i32
    %dma_start3A_26 = tpu.memref_slice %arg8[%dma_start3A_24, %dma_start3A_25] : memref<2x80xi32, #tpu.memory_space<vmem>> -> memref<1x80xi32, #tpu.memory_space<vmem>>
    %dma_start3A_27 = tpu.memref_squeeze %dma_start3A_26 : memref<1x80xi32, #tpu.memory_space<vmem>> -> memref<80xi32, #tpu.memory_space<vmem>>
    %dma_start3A_28 = tpu.memref_slice %arg4[%add3A_23] : memref<215040xi32, #tpu.memory_space<hbm>> -> memref<80xi32, #tpu.memory_space<hbm>>
    %dma_start3A_29 = arith.constant 0 : i32
    %dma_start3A_30 = tpu.memref_slice %arg8[%dma_start3A_24, %dma_start3A_29] : memref<2x80xi32, #tpu.memory_space<vmem>> -> memref<1x80xi32, #tpu.memory_space<vmem>>
    %dma_start3A_31 = tpu.memref_squeeze %dma_start3A_30 : memref<1x80xi32, #tpu.memory_space<vmem>> -> memref<80xi32, #tpu.memory_space<vmem>>
    %dma_start3A_32 = tpu.memref_slice %arg4[%add3A_23] : memref<215040xi32, #tpu.memory_space<hbm>> -> memref<80xi32, #tpu.memory_space<hbm>>
    tpu.enqueue_dma source(%dma_start3A_32 : memref<80xi32, #tpu.memory_space<hbm>>) target(%dma_start3A_31 : memref<80xi32, #tpu.memory_space<vmem>>) target_semaphore(%arg13 : memref<!tpu.dma_semaphore, #tpu.memory_space<semaphore_mem>>)
    %dma_start3A_33 = arith.constant 1 : i32
    %dma_start3A_34 = arith.constant 0 : i32
    %dma_start3A_35 = tpu.memref_slice %arg9[%dma_start3A_33, %dma_start3A_34] : memref<2x80xi32, #tpu.memory_space<vmem>> -> memref<1x80xi32, #tpu.memory_space<vmem>>
    %dma_start3A_36 = tpu.memref_squeeze %dma_start3A_35 : memref<1x80xi32, #tpu.memory_space<vmem>> -> memref<80xi32, #tpu.memory_space<vmem>>
    %dma_start3A_37 = tpu.memref_slice %arg5[%add3A_23] : memref<215040xi32, #tpu.memory_space<hbm>> -> memref<80xi32, #tpu.memory_space<hbm>>
    %dma_start3A_38 = arith.constant 0 : i32
    %dma_start3A_39 = tpu.memref_slice %arg9[%dma_start3A_33, %dma_start3A_38] : memref<2x80xi32, #tpu.memory_space<vmem>> -> memref<1x80xi32, #tpu.memory_space<vmem>>
    %dma_start3A_40 = tpu.memref_squeeze %dma_start3A_39 : memref<1x80xi32, #tpu.memory_space<vmem>> -> memref<80xi32, #tpu.memory_space<vmem>>
    %dma_start3A_41 = tpu.memref_slice %arg5[%add3A_23] : memref<215040xi32, #tpu.memory_space<hbm>> -> memref<80xi32, #tpu.memory_space<hbm>>
    tpu.enqueue_dma source(%dma_start3A_41 : memref<80xi32, #tpu.memory_space<hbm>>) target(%dma_start3A_40 : memref<80xi32, #tpu.memory_space<vmem>>) target_semaphore(%arg13 : memref<!tpu.dma_semaphore, #tpu.memory_space<semaphore_mem>>)
    %add3A_42 = arith.constant 0 : i32
    %add3A_43 = arith.addi %mul3A_2, %add3A_42 : i32
    %dma_wait3A = arith.constant 0 : i32
    %dma_wait3A_44 = arith.constant 0 : i32
    %dma_wait3A_45 = tpu.memref_slice %arg8[%dma_wait3A, %dma_wait3A_44] : memref<2x80xi32, #tpu.memory_space<vmem>> -> memref<1x80xi32, #tpu.memory_space<vmem>>
    %dma_wait3A_46 = tpu.memref_squeeze %dma_wait3A_45 : memref<1x80xi32, #tpu.memory_space<vmem>> -> memref<80xi32, #tpu.memory_space<vmem>>
    %dma_wait3A_47 = tpu.memref_slice %arg4[%add3A_43] : memref<215040xi32, #tpu.memory_space<hbm>> -> memref<80xi32, #tpu.memory_space<hbm>>
    %dma_wait3A_48 = arith.constant 0 : i32
    %dma_wait3A_49 = tpu.memref_slice %arg8[%dma_wait3A, %dma_wait3A_48] : memref<2x80xi32, #tpu.memory_space<vmem>> -> memref<1x80xi32, #tpu.memory_space<vmem>>
    %dma_wait3A_50 = tpu.memref_squeeze %dma_wait3A_49 : memref<1x80xi32, #tpu.memory_space<vmem>> -> memref<80xi32, #tpu.memory_space<vmem>>
    %dma_wait3A_51 = tpu.memref_slice %arg4[%add3A_43] : memref<215040xi32, #tpu.memory_space<hbm>> -> memref<80xi32, #tpu.memory_space<hbm>>
    tpu.wait_dma2 semaphore(%arg12 : memref<!tpu.dma_semaphore, #tpu.memory_space<semaphore_mem>>) src(%dma_wait3A_51 : memref<80xi32, #tpu.memory_space<hbm>>) dst(%dma_wait3A_50 : memref<80xi32, #tpu.memory_space<vmem>>)
    %dma_wait3A_52 = arith.constant 0 : i32
    %dma_wait3A_53 = arith.constant 0 : i32
    %dma_wait3A_54 = tpu.memref_slice %arg9[%dma_wait3A_52, %dma_wait3A_53] : memref<2x80xi32, #tpu.memory_space<vmem>> -> memref<1x80xi32, #tpu.memory_space<vmem>>
    %dma_wait3A_55 = tpu.memref_squeeze %dma_wait3A_54 : memref<1x80xi32, #tpu.memory_space<vmem>> -> memref<80xi32, #tpu.memory_space<vmem>>
    %dma_wait3A_56 = tpu.memref_slice %arg5[%add3A_43] : memref<215040xi32, #tpu.memory_space<hbm>> -> memref<80xi32, #tpu.memory_space<hbm>>
    %dma_wait3A_57 = arith.constant 0 : i32
    %dma_wait3A_58 = tpu.memref_slice %arg9[%dma_wait3A_52, %dma_wait3A_57] : memref<2x80xi32, #tpu.memory_space<vmem>> -> memref<1x80xi32, #tpu.memory_space<vmem>>
    %dma_wait3A_59 = tpu.memref_squeeze %dma_wait3A_58 : memref<1x80xi32, #tpu.memory_space<vmem>> -> memref<80xi32, #tpu.memory_space<vmem>>
    %dma_wait3A_60 = tpu.memref_slice %arg5[%add3A_43] : memref<215040xi32, #tpu.memory_space<hbm>> -> memref<80xi32, #tpu.memory_space<hbm>>
    tpu.wait_dma2 semaphore(%arg12 : memref<!tpu.dma_semaphore, #tpu.memory_space<semaphore_mem>>) src(%dma_wait3A_60 : memref<80xi32, #tpu.memory_space<hbm>>) dst(%dma_wait3A_59 : memref<80xi32, #tpu.memory_space<vmem>>)
    %dma_start3A_61 = arith.constant 0 : i32
    %dma_start3A_62 = arith.constant 0 : i32
    %dma_start3A_63 = arith.constant 0 : i32
    %dma_start3A_64 = arith.constant 0 : i32
    %dma_start3A_65 = tpu.memref_slice %arg10[%dma_start3A_62, %dma_start3A_63, %dma_start3A_64] : memref<2x80x80xi32, #tpu.memory_space<vmem>> -> memref<1x80x80xi32, #tpu.memory_space<vmem>>
    %dma_start3A_66 = tpu.memref_squeeze %dma_start3A_65 : memref<1x80x80xi32, #tpu.memory_space<vmem>> -> memref<80x80xi32, #tpu.memory_space<vmem>>
    %dma_start3A_67 = arith.constant 0 : i32
    %dma_start3A_68 = tpu.memref_slice %arg8[%dma_start3A_61, %dma_start3A_67] : memref<2x80xi32, #tpu.memory_space<vmem>> -> memref<1x80xi32, #tpu.memory_space<vmem>>
    %dma_start3A_69 = tpu.memref_squeeze %dma_start3A_68 : memref<1x80xi32, #tpu.memory_space<vmem>> -> memref<80xi32, #tpu.memory_space<vmem>>
    %dma_start3A_70 = arith.constant 0 : i32
    %dma_start3A_71 = arith.constant 0 : i32
    %dma_start3A_72 = tpu.memref_slice %arg2[%dma_start3A_70, %dma_start3A_71] : memref<10000x80xi32, #tpu.memory_space<hbm>> -> memref<10000x80xi32, #tpu.memory_space<hbm>>
    tpu.enqueue_indirect_dma source(%dma_start3A_72 : memref<10000x80xi32, #tpu.memory_space<hbm>>) target(%dma_start3A_66 : memref<80x80xi32, #tpu.memory_space<vmem>>) offsets(%dma_start3A_69 : memref<80xi32, #tpu.memory_space<vmem>>) semaphore(%arg14 : memref<!tpu.dma_semaphore, #tpu.memory_space<semaphore_mem>>)
    %dma_start3A_73 = arith.constant 0 : i32
    %dma_start3A_74 = arith.constant 0 : i32
    %dma_start3A_75 = arith.constant 0 : i32
    %dma_start3A_76 = arith.constant 0 : i32
    %dma_start3A_77 = tpu.memref_slice %arg11[%dma_start3A_74, %dma_start3A_75, %dma_start3A_76] : memref<2x80x80xi32, #tpu.memory_space<vmem>> -> memref<1x80x80xi32, #tpu.memory_space<vmem>>
    %dma_start3A_78 = tpu.memref_squeeze %dma_start3A_77 : memref<1x80x80xi32, #tpu.memory_space<vmem>> -> memref<80x80xi32, #tpu.memory_space<vmem>>
    %dma_start3A_79 = arith.constant 0 : i32
    %dma_start3A_80 = tpu.memref_slice %arg9[%dma_start3A_73, %dma_start3A_79] : memref<2x80xi32, #tpu.memory_space<vmem>> -> memref<1x80xi32, #tpu.memory_space<vmem>>
    %dma_start3A_81 = tpu.memref_squeeze %dma_start3A_80 : memref<1x80xi32, #tpu.memory_space<vmem>> -> memref<80xi32, #tpu.memory_space<vmem>>
    %dma_start3A_82 = arith.constant 0 : i32
    %dma_start3A_83 = arith.constant 0 : i32
    %dma_start3A_84 = tpu.memref_slice %arg3[%dma_start3A_82, %dma_start3A_83] : memref<10000x80xi32, #tpu.memory_space<hbm>> -> memref<10000x80xi32, #tpu.memory_space<hbm>>
    tpu.enqueue_indirect_dma source(%dma_start3A_84 : memref<10000x80xi32, #tpu.memory_space<hbm>>) target(%dma_start3A_78 : memref<80x80xi32, #tpu.memory_space<vmem>>) offsets(%dma_start3A_81 : memref<80xi32, #tpu.memory_space<vmem>>) semaphore(%arg14 : memref<!tpu.dma_semaphore, #tpu.memory_space<semaphore_mem>>)
    %add3A_85 = arith.constant 80 : i32
    %add3A_86 = arith.addi %mul3A_2, %add3A_85 : i32
    %dma_wait3A_87 = arith.constant 1 : i32
    %dma_wait3A_88 = arith.constant 0 : i32
    %dma_wait3A_89 = tpu.memref_slice %arg8[%dma_wait3A_87, %dma_wait3A_88] : memref<2x80xi32, #tpu.memory_space<vmem>> -> memref<1x80xi32, #tpu.memory_space<vmem>>
    %dma_wait3A_90 = tpu.memref_squeeze %dma_wait3A_89 : memref<1x80xi32, #tpu.memory_space<vmem>> -> memref<80xi32, #tpu.memory_space<vmem>>
    %dma_wait3A_91 = tpu.memref_slice %arg4[%add3A_86] : memref<215040xi32, #tpu.memory_space<hbm>> -> memref<80xi32, #tpu.memory_space<hbm>>
    %dma_wait3A_92 = arith.constant 0 : i32
    %dma_wait3A_93 = tpu.memref_slice %arg8[%dma_wait3A_87, %dma_wait3A_92] : memref<2x80xi32, #tpu.memory_space<vmem>> -> memref<1x80xi32, #tpu.memory_space<vmem>>
    %dma_wait3A_94 = tpu.memref_squeeze %dma_wait3A_93 : memref<1x80xi32, #tpu.memory_space<vmem>> -> memref<80xi32, #tpu.memory_space<vmem>>
    %dma_wait3A_95 = tpu.memref_slice %arg4[%add3A_86] : memref<215040xi32, #tpu.memory_space<hbm>> -> memref<80xi32, #tpu.memory_space<hbm>>
    tpu.wait_dma2 semaphore(%arg13 : memref<!tpu.dma_semaphore, #tpu.memory_space<semaphore_mem>>) src(%dma_wait3A_95 : memref<80xi32, #tpu.memory_space<hbm>>) dst(%dma_wait3A_94 : memref<80xi32, #tpu.memory_space<vmem>>)
    %dma_wait3A_96 = arith.constant 1 : i32
    %dma_wait3A_97 = arith.constant 0 : i32
    %dma_wait3A_98 = tpu.memref_slice %arg9[%dma_wait3A_96, %dma_wait3A_97] : memref<2x80xi32, #tpu.memory_space<vmem>> -> memref<1x80xi32, #tpu.memory_space<vmem>>
    %dma_wait3A_99 = tpu.memref_squeeze %dma_wait3A_98 : memref<1x80xi32, #tpu.memory_space<vmem>> -> memref<80xi32, #tpu.memory_space<vmem>>
    %dma_wait3A_100 = tpu.memref_slice %arg5[%add3A_86] : memref<215040xi32, #tpu.memory_space<hbm>> -> memref<80xi32, #tpu.memory_space<hbm>>
    %dma_wait3A_101 = arith.constant 0 : i32
    %dma_wait3A_102 = tpu.memref_slice %arg9[%dma_wait3A_96, %dma_wait3A_101] : memref<2x80xi32, #tpu.memory_space<vmem>> -> memref<1x80xi32, #tpu.memory_space<vmem>>
    %dma_wait3A_103 = tpu.memref_squeeze %dma_wait3A_102 : memref<1x80xi32, #tpu.memory_space<vmem>> -> memref<80xi32, #tpu.memory_space<vmem>>
    %dma_wait3A_104 = tpu.memref_slice %arg5[%add3A_86] : memref<215040xi32, #tpu.memory_space<hbm>> -> memref<80xi32, #tpu.memory_space<hbm>>
    tpu.wait_dma2 semaphore(%arg13 : memref<!tpu.dma_semaphore, #tpu.memory_space<semaphore_mem>>) src(%dma_wait3A_104 : memref<80xi32, #tpu.memory_space<hbm>>) dst(%dma_wait3A_103 : memref<80xi32, #tpu.memory_space<vmem>>)
    %dma_start3A_105 = arith.constant 1 : i32
    %dma_start3A_106 = arith.constant 1 : i32
    %dma_start3A_107 = arith.constant 0 : i32
    %dma_start3A_108 = arith.constant 0 : i32
    %dma_start3A_109 = tpu.memref_slice %arg10[%dma_start3A_106, %dma_start3A_107, %dma_start3A_108] : memref<2x80x80xi32, #tpu.memory_space<vmem>> -> memref<1x80x80xi32, #tpu.memory_space<vmem>>
    %dma_start3A_110 = tpu.memref_squeeze %dma_start3A_109 : memref<1x80x80xi32, #tpu.memory_space<vmem>> -> memref<80x80xi32, #tpu.memory_space<vmem>>
    %dma_start3A_111 = arith.constant 0 : i32
    %dma_start3A_112 = tpu.memref_slice %arg8[%dma_start3A_105, %dma_start3A_111] : memref<2x80xi32, #tpu.memory_space<vmem>> -> memref<1x80xi32, #tpu.memory_space<vmem>>
    %dma_start3A_113 = tpu.memref_squeeze %dma_start3A_112 : memref<1x80xi32, #tpu.memory_space<vmem>> -> memref<80xi32, #tpu.memory_space<vmem>>
    %dma_start3A_114 = arith.constant 0 : i32
    %dma_start3A_115 = arith.constant 0 : i32
    %dma_start3A_116 = tpu.memref_slice %arg2[%dma_start3A_114, %dma_start3A_115] : memref<10000x80xi32, #tpu.memory_space<hbm>> -> memref<10000x80xi32, #tpu.memory_space<hbm>>
    tpu.enqueue_indirect_dma source(%dma_start3A_116 : memref<10000x80xi32, #tpu.memory_space<hbm>>) target(%dma_start3A_110 : memref<80x80xi32, #tpu.memory_space<vmem>>) offsets(%dma_start3A_113 : memref<80xi32, #tpu.memory_space<vmem>>) semaphore(%arg15 : memref<!tpu.dma_semaphore, #tpu.memory_space<semaphore_mem>>)
    %dma_start3A_117 = arith.constant 1 : i32
    %dma_start3A_118 = arith.constant 1 : i32
    %dma_start3A_119 = arith.constant 0 : i32
    %dma_start3A_120 = arith.constant 0 : i32
    %dma_start3A_121 = tpu.memref_slice %arg11[%dma_start3A_118, %dma_start3A_119, %dma_start3A_120] : memref<2x80x80xi32, #tpu.memory_space<vmem>> -> memref<1x80x80xi32, #tpu.memory_space<vmem>>
    %dma_start3A_122 = tpu.memref_squeeze %dma_start3A_121 : memref<1x80x80xi32, #tpu.memory_space<vmem>> -> memref<80x80xi32, #tpu.memory_space<vmem>>
    %dma_start3A_123 = arith.constant 0 : i32
    %dma_start3A_124 = tpu.memref_slice %arg9[%dma_start3A_117, %dma_start3A_123] : memref<2x80xi32, #tpu.memory_space<vmem>> -> memref<1x80xi32, #tpu.memory_space<vmem>>
    %dma_start3A_125 = tpu.memref_squeeze %dma_start3A_124 : memref<1x80xi32, #tpu.memory_space<vmem>> -> memref<80xi32, #tpu.memory_space<vmem>>
    %dma_start3A_126 = arith.constant 0 : i32
    %dma_start3A_127 = arith.constant 0 : i32
    %dma_start3A_128 = tpu.memref_slice %arg3[%dma_start3A_126, %dma_start3A_127] : memref<10000x80xi32, #tpu.memory_space<hbm>> -> memref<10000x80xi32, #tpu.memory_space<hbm>>
    tpu.enqueue_indirect_dma source(%dma_start3A_128 : memref<10000x80xi32, #tpu.memory_space<hbm>>) target(%dma_start3A_122 : memref<80x80xi32, #tpu.memory_space<vmem>>) offsets(%dma_start3A_125 : memref<80xi32, #tpu.memory_space<vmem>>) semaphore(%arg15 : memref<!tpu.dma_semaphore, #tpu.memory_space<semaphore_mem>>)
    %scan3A = arith.constant 0 : i32
    %scan3A_129 = arith.constant 42 : i32
    %scan3A_130 = arith.addi %scan3A, %scan3A_129 : i32
    %scan3A_131 = arith.constant 1 : i32
    scf.for %scan3A_189 = %scan3A to %scan3A_130 step %scan3A_131  : i32 {
      %mul3A_190 = arith.constant 1 : i32
      %mul3A_191 = arith.muli %scan3A_189, %mul3A_190 : i32
      %add3A_192 = arith.constant 0 : i32
      %add3A_193 = arith.addi %add3A_192, %mul3A_191 : i32
      %mul3A_194 = arith.constant 2 : i32
      %mul3A_195 = arith.muli %mul3A_194, %add3A_193 : i32
      %add3A_196 = arith.constant 0 : i32
      %add3A_197 = arith.addi %mul3A_195, %add3A_196 : i32
      %lt3A = arith.constant 84 : i32
      %lt3A_198 = arith.cmpi slt, %add3A_197, %lt3A : i32
      %convert_element_type3A = arith.extui %lt3A_198 : i1 to i32
      %cond3A = arith.constant 0 : i32
      %cond3A_199 = arith.cmpi ne, %convert_element_type3A, %cond3A : i32
      scf.if %cond3A_199 {
        %dma_wait3A_209 = arith.constant 0 : i32
        %dma_wait3A_210 = arith.constant 0 : i32
        %dma_wait3A_211 = arith.constant 0 : i32
        %dma_wait3A_212 = arith.constant 0 : i32
        %dma_wait3A_213 = tpu.memref_slice %arg10[%dma_wait3A_210, %dma_wait3A_211, %dma_wait3A_212] : memref<2x80x80xi32, #tpu.memory_space<vmem>> -> memref<1x80x80xi32, #tpu.memory_space<vmem>>
        %dma_wait3A_214 = tpu.memref_squeeze %dma_wait3A_213 : memref<1x80x80xi32, #tpu.memory_space<vmem>> -> memref<80x80xi32, #tpu.memory_space<vmem>>
        %dma_wait3A_215 = arith.constant 0 : i32
        %dma_wait3A_216 = tpu.memref_slice %arg8[%dma_wait3A_209, %dma_wait3A_215] : memref<2x80xi32, #tpu.memory_space<vmem>> -> memref<1x80xi32, #tpu.memory_space<vmem>>
        %dma_wait3A_217 = tpu.memref_squeeze %dma_wait3A_216 : memref<1x80xi32, #tpu.memory_space<vmem>> -> memref<80xi32, #tpu.memory_space<vmem>>
        %dma_wait3A_218 = arith.constant 0 : i32
        %dma_wait3A_219 = arith.constant 0 : i32
        %dma_wait3A_220 = tpu.memref_slice %arg2[%dma_wait3A_218, %dma_wait3A_219] : memref<10000x80xi32, #tpu.memory_space<hbm>> -> memref<10000x80xi32, #tpu.memory_space<hbm>>
        tpu.wait_indirect_dma semaphore(%arg14 : memref<!tpu.dma_semaphore, #tpu.memory_space<semaphore_mem>>) src(%dma_wait3A_220 : memref<10000x80xi32, #tpu.memory_space<hbm>>) dst(%dma_wait3A_214 : memref<80x80xi32, #tpu.memory_space<vmem>>)
        %dma_wait3A_221 = arith.constant 0 : i32
        %dma_wait3A_222 = arith.constant 0 : i32
        %dma_wait3A_223 = arith.constant 0 : i32
        %dma_wait3A_224 = arith.constant 0 : i32
        %dma_wait3A_225 = tpu.memref_slice %arg11[%dma_wait3A_222, %dma_wait3A_223, %dma_wait3A_224] : memref<2x80x80xi32, #tpu.memory_space<vmem>> -> memref<1x80x80xi32, #tpu.memory_space<vmem>>
        %dma_wait3A_226 = tpu.memref_squeeze %dma_wait3A_225 : memref<1x80x80xi32, #tpu.memory_space<vmem>> -> memref<80x80xi32, #tpu.memory_space<vmem>>
        %dma_wait3A_227 = arith.constant 0 : i32
        %dma_wait3A_228 = tpu.memref_slice %arg9[%dma_wait3A_221, %dma_wait3A_227] : memref<2x80xi32, #tpu.memory_space<vmem>> -> memref<1x80xi32, #tpu.memory_space<vmem>>
        %dma_wait3A_229 = tpu.memref_squeeze %dma_wait3A_228 : memref<1x80xi32, #tpu.memory_space<vmem>> -> memref<80xi32, #tpu.memory_space<vmem>>
        %dma_wait3A_230 = arith.constant 0 : i32
        %dma_wait3A_231 = arith.constant 0 : i32
        %dma_wait3A_232 = tpu.memref_slice %arg3[%dma_wait3A_230, %dma_wait3A_231] : memref<10000x80xi32, #tpu.memory_space<hbm>> -> memref<10000x80xi32, #tpu.memory_space<hbm>>
        tpu.wait_indirect_dma semaphore(%arg14 : memref<!tpu.dma_semaphore, #tpu.memory_space<semaphore_mem>>) src(%dma_wait3A_232 : memref<10000x80xi32, #tpu.memory_space<hbm>>) dst(%dma_wait3A_226 : memref<80x80xi32, #tpu.memory_space<vmem>>)
        %mul3A_233 = arith.constant 80 : i32
        %mul3A_234 = arith.muli %add3A_197, %mul3A_233 : i32
        %add3A_235 = arith.addi %mul3A_2, %mul3A_234 : i32
        %dma_start3A_236 = arith.constant 0 : i32
        %dma_start3A_237 = arith.constant 0 : i32
        %dma_start3A_238 = arith.constant 0 : i32
        %dma_start3A_239 = tpu.memref_slice %arg10[%dma_start3A_236, %dma_start3A_237, %dma_start3A_238] : memref<2x80x80xi32, #tpu.memory_space<vmem>> -> memref<1x80x80xi32, #tpu.memory_space<vmem>>
        %dma_start3A_240 = tpu.memref_squeeze %dma_start3A_239 : memref<1x80x80xi32, #tpu.memory_space<vmem>> -> memref<80x80xi32, #tpu.memory_space<vmem>>
        %dma_start3A_241 = arith.constant 0 : i32
        %dma_start3A_242 = tpu.memref_slice %arg6[%add3A_235, %dma_start3A_241] : memref<215040x128xi32, #tpu.memory_space<hbm>> -> memref<80x80xi32, #tpu.memory_space<hbm>>
        %dma_start3A_243 = arith.constant 0 : i32
        %dma_start3A_244 = tpu.memref_slice %arg6[%add3A_235, %dma_start3A_243] : memref<215040x128xi32, #tpu.memory_space<hbm>> -> memref<80x80xi32, #tpu.memory_space<hbm>>
        %dma_start3A_245 = arith.constant 0 : i32
        %dma_start3A_246 = arith.constant 0 : i32
        %dma_start3A_247 = tpu.memref_slice %arg10[%dma_start3A_236, %dma_start3A_245, %dma_start3A_246] : memref<2x80x80xi32, #tpu.memory_space<vmem>> -> memref<1x80x80xi32, #tpu.memory_space<vmem>>
        %dma_start3A_248 = tpu.memref_squeeze %dma_start3A_247 : memref<1x80x80xi32, #tpu.memory_space<vmem>> -> memref<80x80xi32, #tpu.memory_space<vmem>>
        tpu.enqueue_dma source(%dma_start3A_248 : memref<80x80xi32, #tpu.memory_space<vmem>>) target(%dma_start3A_244 : memref<80x80xi32, #tpu.memory_space<hbm>>) target_semaphore(%arg16 : memref<!tpu.dma_semaphore, #tpu.memory_space<semaphore_mem>>)
        %dma_start3A_249 = arith.constant 0 : i32
        %dma_start3A_250 = arith.constant 0 : i32
        %dma_start3A_251 = arith.constant 0 : i32
        %dma_start3A_252 = tpu.memref_slice %arg11[%dma_start3A_249, %dma_start3A_250, %dma_start3A_251] : memref<2x80x80xi32, #tpu.memory_space<vmem>> -> memref<1x80x80xi32, #tpu.memory_space<vmem>>
        %dma_start3A_253 = tpu.memref_squeeze %dma_start3A_252 : memref<1x80x80xi32, #tpu.memory_space<vmem>> -> memref<80x80xi32, #tpu.memory_space<vmem>>
        %dma_start3A_254 = arith.constant 0 : i32
        %dma_start3A_255 = tpu.memref_slice %arg7[%add3A_235, %dma_start3A_254] : memref<215040x128xi32, #tpu.memory_space<hbm>> -> memref<80x80xi32, #tpu.memory_space<hbm>>
        %dma_start3A_256 = arith.constant 0 : i32
        %dma_start3A_257 = tpu.memref_slice %arg7[%add3A_235, %dma_start3A_256] : memref<215040x128xi32, #tpu.memory_space<hbm>> -> memref<80x80xi32, #tpu.memory_space<hbm>>
        %dma_start3A_258 = arith.constant 0 : i32
        %dma_start3A_259 = arith.constant 0 : i32
        %dma_start3A_260 = tpu.memref_slice %arg11[%dma_start3A_249, %dma_start3A_258, %dma_start3A_259] : memref<2x80x80xi32, #tpu.memory_space<vmem>> -> memref<1x80x80xi32, #tpu.memory_space<vmem>>
        %dma_start3A_261 = tpu.memref_squeeze %dma_start3A_260 : memref<1x80x80xi32, #tpu.memory_space<vmem>> -> memref<80x80xi32, #tpu.memory_space<vmem>>
        tpu.enqueue_dma source(%dma_start3A_261 : memref<80x80xi32, #tpu.memory_space<vmem>>) target(%dma_start3A_257 : memref<80x80xi32, #tpu.memory_space<hbm>>) target_semaphore(%arg16 : memref<!tpu.dma_semaphore, #tpu.memory_space<semaphore_mem>>)
        %add3A_262 = arith.constant 2 : i32
        %add3A_263 = arith.addi %add3A_197, %add3A_262 : i32
        %lt3A_264 = arith.constant 84 : i32
        %lt3A_265 = arith.cmpi slt, %add3A_263, %lt3A_264 : i32
        %convert_element_type3A_266 = arith.extui %lt3A_265 : i1 to i32
        %cond3A_267 = arith.constant 0 : i32
        %cond3A_268 = arith.cmpi ne, %convert_element_type3A_266, %cond3A_267 : i32
        scf.if %cond3A_268 {
          %add3A_269 = arith.constant 2 : i32
          %add3A_270 = arith.addi %add3A_197, %add3A_269 : i32
          %mul3A_271 = arith.constant 80 : i32
          %mul3A_272 = arith.muli %add3A_270, %mul3A_271 : i32
          %add3A_273 = arith.addi %mul3A_2, %mul3A_272 : i32
          %dma_start3A_274 = arith.constant 0 : i32
          %dma_start3A_275 = arith.constant 0 : i32
          %dma_start3A_276 = tpu.memref_slice %arg8[%dma_start3A_274, %dma_start3A_275] : memref<2x80xi32, #tpu.memory_space<vmem>> -> memref<1x80xi32, #tpu.memory_space<vmem>>
          %dma_start3A_277 = tpu.memref_squeeze %dma_start3A_276 : memref<1x80xi32, #tpu.memory_space<vmem>> -> memref<80xi32, #tpu.memory_space<vmem>>
          %dma_start3A_278 = tpu.memref_slice %arg4[%add3A_273] : memref<215040xi32, #tpu.memory_space<hbm>> -> memref<80xi32, #tpu.memory_space<hbm>>
          %dma_start3A_279 = arith.constant 0 : i32
          %dma_start3A_280 = tpu.memref_slice %arg8[%dma_start3A_274, %dma_start3A_279] : memref<2x80xi32, #tpu.memory_space<vmem>> -> memref<1x80xi32, #tpu.memory_space<vmem>>
          %dma_start3A_281 = tpu.memref_squeeze %dma_start3A_280 : memref<1x80xi32, #tpu.memory_space<vmem>> -> memref<80xi32, #tpu.memory_space<vmem>>
          %dma_start3A_282 = tpu.memref_slice %arg4[%add3A_273] : memref<215040xi32, #tpu.memory_space<hbm>> -> memref<80xi32, #tpu.memory_space<hbm>>
          tpu.enqueue_dma source(%dma_start3A_282 : memref<80xi32, #tpu.memory_space<hbm>>) target(%dma_start3A_281 : memref<80xi32, #tpu.memory_space<vmem>>) target_semaphore(%arg12 : memref<!tpu.dma_semaphore, #tpu.memory_space<semaphore_mem>>)
          %dma_start3A_283 = arith.constant 0 : i32
          %dma_start3A_284 = arith.constant 0 : i32
          %dma_start3A_285 = tpu.memref_slice %arg9[%dma_start3A_283, %dma_start3A_284] : memref<2x80xi32, #tpu.memory_space<vmem>> -> memref<1x80xi32, #tpu.memory_space<vmem>>
          %dma_start3A_286 = tpu.memref_squeeze %dma_start3A_285 : memref<1x80xi32, #tpu.memory_space<vmem>> -> memref<80xi32, #tpu.memory_space<vmem>>
          %dma_start3A_287 = tpu.memref_slice %arg5[%add3A_273] : memref<215040xi32, #tpu.memory_space<hbm>> -> memref<80xi32, #tpu.memory_space<hbm>>
          %dma_start3A_288 = arith.constant 0 : i32
          %dma_start3A_289 = tpu.memref_slice %arg9[%dma_start3A_283, %dma_start3A_288] : memref<2x80xi32, #tpu.memory_space<vmem>> -> memref<1x80xi32, #tpu.memory_space<vmem>>
          %dma_start3A_290 = tpu.memref_squeeze %dma_start3A_289 : memref<1x80xi32, #tpu.memory_space<vmem>> -> memref<80xi32, #tpu.memory_space<vmem>>
          %dma_start3A_291 = tpu.memref_slice %arg5[%add3A_273] : memref<215040xi32, #tpu.memory_space<hbm>> -> memref<80xi32, #tpu.memory_space<hbm>>
          tpu.enqueue_dma source(%dma_start3A_291 : memref<80xi32, #tpu.memory_space<hbm>>) target(%dma_start3A_290 : memref<80xi32, #tpu.memory_space<vmem>>) target_semaphore(%arg12 : memref<!tpu.dma_semaphore, #tpu.memory_space<semaphore_mem>>)
          %mul3A_292 = arith.constant 80 : i32
          %mul3A_293 = arith.muli %add3A_197, %mul3A_292 : i32
          %add3A_294 = arith.addi %mul3A_2, %mul3A_293 : i32
          %dma_wait3A_295 = arith.constant 0 : i32
          %dma_wait3A_296 = arith.constant 0 : i32
          %dma_wait3A_297 = arith.constant 0 : i32
          %dma_wait3A_298 = tpu.memref_slice %arg10[%dma_wait3A_295, %dma_wait3A_296, %dma_wait3A_297] : memref<2x80x80xi32, #tpu.memory_space<vmem>> -> memref<1x80x80xi32, #tpu.memory_space<vmem>>
          %dma_wait3A_299 = tpu.memref_squeeze %dma_wait3A_298 : memref<1x80x80xi32, #tpu.memory_space<vmem>> -> memref<80x80xi32, #tpu.memory_space<vmem>>
          %dma_wait3A_300 = arith.constant 0 : i32
          %dma_wait3A_301 = tpu.memref_slice %arg6[%add3A_294, %dma_wait3A_300] : memref<215040x128xi32, #tpu.memory_space<hbm>> -> memref<80x80xi32, #tpu.memory_space<hbm>>
          %dma_wait3A_302 = arith.constant 0 : i32
          %dma_wait3A_303 = tpu.memref_slice %arg6[%add3A_294, %dma_wait3A_302] : memref<215040x128xi32, #tpu.memory_space<hbm>> -> memref<80x80xi32, #tpu.memory_space<hbm>>
          %dma_wait3A_304 = arith.constant 0 : i32
          %dma_wait3A_305 = arith.constant 0 : i32
          %dma_wait3A_306 = tpu.memref_slice %arg10[%dma_wait3A_295, %dma_wait3A_304, %dma_wait3A_305] : memref<2x80x80xi32, #tpu.memory_space<vmem>> -> memref<1x80x80xi32, #tpu.memory_space<vmem>>
          %dma_wait3A_307 = tpu.memref_squeeze %dma_wait3A_306 : memref<1x80x80xi32, #tpu.memory_space<vmem>> -> memref<80x80xi32, #tpu.memory_space<vmem>>
          tpu.wait_dma2 semaphore(%arg16 : memref<!tpu.dma_semaphore, #tpu.memory_space<semaphore_mem>>) src(%dma_wait3A_307 : memref<80x80xi32, #tpu.memory_space<vmem>>) dst(%dma_wait3A_303 : memref<80x80xi32, #tpu.memory_space<hbm>>)
          %dma_wait3A_308 = arith.constant 0 : i32
          %dma_wait3A_309 = arith.constant 0 : i32
          %dma_wait3A_310 = arith.constant 0 : i32
          %dma_wait3A_311 = tpu.memref_slice %arg11[%dma_wait3A_308, %dma_wait3A_309, %dma_wait3A_310] : memref<2x80x80xi32, #tpu.memory_space<vmem>> -> memref<1x80x80xi32, #tpu.memory_space<vmem>>
          %dma_wait3A_312 = tpu.memref_squeeze %dma_wait3A_311 : memref<1x80x80xi32, #tpu.memory_space<vmem>> -> memref<80x80xi32, #tpu.memory_space<vmem>>
          %dma_wait3A_313 = arith.constant 0 : i32
          %dma_wait3A_314 = tpu.memref_slice %arg7[%add3A_294, %dma_wait3A_313] : memref<215040x128xi32, #tpu.memory_space<hbm>> -> memref<80x80xi32, #tpu.memory_space<hbm>>
          %dma_wait3A_315 = arith.constant 0 : i32
          %dma_wait3A_316 = tpu.memref_slice %arg7[%add3A_294, %dma_wait3A_315] : memref<215040x128xi32, #tpu.memory_space<hbm>> -> memref<80x80xi32, #tpu.memory_space<hbm>>
          %dma_wait3A_317 = arith.constant 0 : i32
          %dma_wait3A_318 = arith.constant 0 : i32
          %dma_wait3A_319 = tpu.memref_slice %arg11[%dma_wait3A_308, %dma_wait3A_317, %dma_wait3A_318] : memref<2x80x80xi32, #tpu.memory_space<vmem>> -> memref<1x80x80xi32, #tpu.memory_space<vmem>>
          %dma_wait3A_320 = tpu.memref_squeeze %dma_wait3A_319 : memref<1x80x80xi32, #tpu.memory_space<vmem>> -> memref<80x80xi32, #tpu.memory_space<vmem>>
          tpu.wait_dma2 semaphore(%arg16 : memref<!tpu.dma_semaphore, #tpu.memory_space<semaphore_mem>>) src(%dma_wait3A_320 : memref<80x80xi32, #tpu.memory_space<vmem>>) dst(%dma_wait3A_316 : memref<80x80xi32, #tpu.memory_space<hbm>>)
          %add3A_321 = arith.constant 2 : i32
          %add3A_322 = arith.addi %add3A_197, %add3A_321 : i32
          %mul3A_323 = arith.constant 80 : i32
          %mul3A_324 = arith.muli %add3A_322, %mul3A_323 : i32
          %add3A_325 = arith.addi %mul3A_2, %mul3A_324 : i32
          %dma_wait3A_326 = arith.constant 0 : i32
          %dma_wait3A_327 = arith.constant 0 : i32
          %dma_wait3A_328 = tpu.memref_slice %arg8[%dma_wait3A_326, %dma_wait3A_327] : memref<2x80xi32, #tpu.memory_space<vmem>> -> memref<1x80xi32, #tpu.memory_space<vmem>>
          %dma_wait3A_329 = tpu.memref_squeeze %dma_wait3A_328 : memref<1x80xi32, #tpu.memory_space<vmem>> -> memref<80xi32, #tpu.memory_space<vmem>>
          %dma_wait3A_330 = tpu.memref_slice %arg4[%add3A_325] : memref<215040xi32, #tpu.memory_space<hbm>> -> memref<80xi32, #tpu.memory_space<hbm>>
          %dma_wait3A_331 = arith.constant 0 : i32
          %dma_wait3A_332 = tpu.memref_slice %arg8[%dma_wait3A_326, %dma_wait3A_331] : memref<2x80xi32, #tpu.memory_space<vmem>> -> memref<1x80xi32, #tpu.memory_space<vmem>>
          %dma_wait3A_333 = tpu.memref_squeeze %dma_wait3A_332 : memref<1x80xi32, #tpu.memory_space<vmem>> -> memref<80xi32, #tpu.memory_space<vmem>>
          %dma_wait3A_334 = tpu.memref_slice %arg4[%add3A_325] : memref<215040xi32, #tpu.memory_space<hbm>> -> memref<80xi32, #tpu.memory_space<hbm>>
          tpu.wait_dma2 semaphore(%arg12 : memref<!tpu.dma_semaphore, #tpu.memory_space<semaphore_mem>>) src(%dma_wait3A_334 : memref<80xi32, #tpu.memory_space<hbm>>) dst(%dma_wait3A_333 : memref<80xi32, #tpu.memory_space<vmem>>)
          %dma_wait3A_335 = arith.constant 0 : i32
          %dma_wait3A_336 = arith.constant 0 : i32
          %dma_wait3A_337 = tpu.memref_slice %arg9[%dma_wait3A_335, %dma_wait3A_336] : memref<2x80xi32, #tpu.memory_space<vmem>> -> memref<1x80xi32, #tpu.memory_space<vmem>>
          %dma_wait3A_338 = tpu.memref_squeeze %dma_wait3A_337 : memref<1x80xi32, #tpu.memory_space<vmem>> -> memref<80xi32, #tpu.memory_space<vmem>>
          %dma_wait3A_339 = tpu.memref_slice %arg5[%add3A_325] : memref<215040xi32, #tpu.memory_space<hbm>> -> memref<80xi32, #tpu.memory_space<hbm>>
          %dma_wait3A_340 = arith.constant 0 : i32
          %dma_wait3A_341 = tpu.memref_slice %arg9[%dma_wait3A_335, %dma_wait3A_340] : memref<2x80xi32, #tpu.memory_space<vmem>> -> memref<1x80xi32, #tpu.memory_space<vmem>>
          %dma_wait3A_342 = tpu.memref_squeeze %dma_wait3A_341 : memref<1x80xi32, #tpu.memory_space<vmem>> -> memref<80xi32, #tpu.memory_space<vmem>>
          %dma_wait3A_343 = tpu.memref_slice %arg5[%add3A_325] : memref<215040xi32, #tpu.memory_space<hbm>> -> memref<80xi32, #tpu.memory_space<hbm>>
          tpu.wait_dma2 semaphore(%arg12 : memref<!tpu.dma_semaphore, #tpu.memory_space<semaphore_mem>>) src(%dma_wait3A_343 : memref<80xi32, #tpu.memory_space<hbm>>) dst(%dma_wait3A_342 : memref<80xi32, #tpu.memory_space<vmem>>)
          %dma_start3A_344 = arith.constant 0 : i32
          %dma_start3A_345 = arith.constant 0 : i32
          %dma_start3A_346 = arith.constant 0 : i32
          %dma_start3A_347 = arith.constant 0 : i32
          %dma_start3A_348 = tpu.memref_slice %arg10[%dma_start3A_345, %dma_start3A_346, %dma_start3A_347] : memref<2x80x80xi32, #tpu.memory_space<vmem>> -> memref<1x80x80xi32, #tpu.memory_space<vmem>>
          %dma_start3A_349 = tpu.memref_squeeze %dma_start3A_348 : memref<1x80x80xi32, #tpu.memory_space<vmem>> -> memref<80x80xi32, #tpu.memory_space<vmem>>
          %dma_start3A_350 = arith.constant 0 : i32
          %dma_start3A_351 = tpu.memref_slice %arg8[%dma_start3A_344, %dma_start3A_350] : memref<2x80xi32, #tpu.memory_space<vmem>> -> memref<1x80xi32, #tpu.memory_space<vmem>>
          %dma_start3A_352 = tpu.memref_squeeze %dma_start3A_351 : memref<1x80xi32, #tpu.memory_space<vmem>> -> memref<80xi32, #tpu.memory_space<vmem>>
          %dma_start3A_353 = arith.constant 0 : i32
          %dma_start3A_354 = arith.constant 0 : i32
          %dma_start3A_355 = tpu.memref_slice %arg2[%dma_start3A_353, %dma_start3A_354] : memref<10000x80xi32, #tpu.memory_space<hbm>> -> memref<10000x80xi32, #tpu.memory_space<hbm>>
          tpu.enqueue_indirect_dma source(%dma_start3A_355 : memref<10000x80xi32, #tpu.memory_space<hbm>>) target(%dma_start3A_349 : memref<80x80xi32, #tpu.memory_space<vmem>>) offsets(%dma_start3A_352 : memref<80xi32, #tpu.memory_space<vmem>>) semaphore(%arg14 : memref<!tpu.dma_semaphore, #tpu.memory_space<semaphore_mem>>)
          %dma_start3A_356 = arith.constant 0 : i32
          %dma_start3A_357 = arith.constant 0 : i32
          %dma_start3A_358 = arith.constant 0 : i32
          %dma_start3A_359 = arith.constant 0 : i32
          %dma_start3A_360 = tpu.memref_slice %arg11[%dma_start3A_357, %dma_start3A_358, %dma_start3A_359] : memref<2x80x80xi32, #tpu.memory_space<vmem>> -> memref<1x80x80xi32, #tpu.memory_space<vmem>>
          %dma_start3A_361 = tpu.memref_squeeze %dma_start3A_360 : memref<1x80x80xi32, #tpu.memory_space<vmem>> -> memref<80x80xi32, #tpu.memory_space<vmem>>
          %dma_start3A_362 = arith.constant 0 : i32
          %dma_start3A_363 = tpu.memref_slice %arg9[%dma_start3A_356, %dma_start3A_362] : memref<2x80xi32, #tpu.memory_space<vmem>> -> memref<1x80xi32, #tpu.memory_space<vmem>>
          %dma_start3A_364 = tpu.memref_squeeze %dma_start3A_363 : memref<1x80xi32, #tpu.memory_space<vmem>> -> memref<80xi32, #tpu.memory_space<vmem>>
          %dma_start3A_365 = arith.constant 0 : i32
          %dma_start3A_366 = arith.constant 0 : i32
          %dma_start3A_367 = tpu.memref_slice %arg3[%dma_start3A_365, %dma_start3A_366] : memref<10000x80xi32, #tpu.memory_space<hbm>> -> memref<10000x80xi32, #tpu.memory_space<hbm>>
          tpu.enqueue_indirect_dma source(%dma_start3A_367 : memref<10000x80xi32, #tpu.memory_space<hbm>>) target(%dma_start3A_361 : memref<80x80xi32, #tpu.memory_space<vmem>>) offsets(%dma_start3A_364 : memref<80xi32, #tpu.memory_space<vmem>>) semaphore(%arg14 : memref<!tpu.dma_semaphore, #tpu.memory_space<semaphore_mem>>)
        } else {
        }
      } else {
      }
      %mul3A_200 = arith.constant 2 : i32
      %mul3A_201 = arith.muli %mul3A_200, %add3A_193 : i32
      %add3A_202 = arith.constant 1 : i32
      %add3A_203 = arith.addi %mul3A_201, %add3A_202 : i32
      %lt3A_204 = arith.constant 84 : i32
      %lt3A_205 = arith.cmpi slt, %add3A_203, %lt3A_204 : i32
      %convert_element_type3A_206 = arith.extui %lt3A_205 : i1 to i32
      %cond3A_207 = arith.constant 0 : i32
      %cond3A_208 = arith.cmpi ne, %convert_element_type3A_206, %cond3A_207 : i32
      scf.if %cond3A_208 {
        %dma_wait3A_209 = arith.constant 1 : i32
        %dma_wait3A_210 = arith.constant 1 : i32
        %dma_wait3A_211 = arith.constant 0 : i32
        %dma_wait3A_212 = arith.constant 0 : i32
        %dma_wait3A_213 = tpu.memref_slice %arg10[%dma_wait3A_210, %dma_wait3A_211, %dma_wait3A_212] : memref<2x80x80xi32, #tpu.memory_space<vmem>> -> memref<1x80x80xi32, #tpu.memory_space<vmem>>
        %dma_wait3A_214 = tpu.memref_squeeze %dma_wait3A_213 : memref<1x80x80xi32, #tpu.memory_space<vmem>> -> memref<80x80xi32, #tpu.memory_space<vmem>>
        %dma_wait3A_215 = arith.constant 0 : i32
        %dma_wait3A_216 = tpu.memref_slice %arg8[%dma_wait3A_209, %dma_wait3A_215] : memref<2x80xi32, #tpu.memory_space<vmem>> -> memref<1x80xi32, #tpu.memory_space<vmem>>
        %dma_wait3A_217 = tpu.memref_squeeze %dma_wait3A_216 : memref<1x80xi32, #tpu.memory_space<vmem>> -> memref<80xi32, #tpu.memory_space<vmem>>
        %dma_wait3A_218 = arith.constant 0 : i32
        %dma_wait3A_219 = arith.constant 0 : i32
        %dma_wait3A_220 = tpu.memref_slice %arg2[%dma_wait3A_218, %dma_wait3A_219] : memref<10000x80xi32, #tpu.memory_space<hbm>> -> memref<10000x80xi32, #tpu.memory_space<hbm>>
        tpu.wait_indirect_dma semaphore(%arg15 : memref<!tpu.dma_semaphore, #tpu.memory_space<semaphore_mem>>) src(%dma_wait3A_220 : memref<10000x80xi32, #tpu.memory_space<hbm>>) dst(%dma_wait3A_214 : memref<80x80xi32, #tpu.memory_space<vmem>>)
        %dma_wait3A_221 = arith.constant 1 : i32
        %dma_wait3A_222 = arith.constant 1 : i32
        %dma_wait3A_223 = arith.constant 0 : i32
        %dma_wait3A_224 = arith.constant 0 : i32
        %dma_wait3A_225 = tpu.memref_slice %arg11[%dma_wait3A_222, %dma_wait3A_223, %dma_wait3A_224] : memref<2x80x80xi32, #tpu.memory_space<vmem>> -> memref<1x80x80xi32, #tpu.memory_space<vmem>>
        %dma_wait3A_226 = tpu.memref_squeeze %dma_wait3A_225 : memref<1x80x80xi32, #tpu.memory_space<vmem>> -> memref<80x80xi32, #tpu.memory_space<vmem>>
        %dma_wait3A_227 = arith.constant 0 : i32
        %dma_wait3A_228 = tpu.memref_slice %arg9[%dma_wait3A_221, %dma_wait3A_227] : memref<2x80xi32, #tpu.memory_space<vmem>> -> memref<1x80xi32, #tpu.memory_space<vmem>>
        %dma_wait3A_229 = tpu.memref_squeeze %dma_wait3A_228 : memref<1x80xi32, #tpu.memory_space<vmem>> -> memref<80xi32, #tpu.memory_space<vmem>>
        %dma_wait3A_230 = arith.constant 0 : i32
        %dma_wait3A_231 = arith.constant 0 : i32
        %dma_wait3A_232 = tpu.memref_slice %arg3[%dma_wait3A_230, %dma_wait3A_231] : memref<10000x80xi32, #tpu.memory_space<hbm>> -> memref<10000x80xi32, #tpu.memory_space<hbm>>
        tpu.wait_indirect_dma semaphore(%arg15 : memref<!tpu.dma_semaphore, #tpu.memory_space<semaphore_mem>>) src(%dma_wait3A_232 : memref<10000x80xi32, #tpu.memory_space<hbm>>) dst(%dma_wait3A_226 : memref<80x80xi32, #tpu.memory_space<vmem>>)
        %mul3A_233 = arith.constant 80 : i32
        %mul3A_234 = arith.muli %add3A_203, %mul3A_233 : i32
        %add3A_235 = arith.addi %mul3A_2, %mul3A_234 : i32
        %dma_start3A_236 = arith.constant 1 : i32
        %dma_start3A_237 = arith.constant 0 : i32
        %dma_start3A_238 = arith.constant 0 : i32
        %dma_start3A_239 = tpu.memref_slice %arg10[%dma_start3A_236, %dma_start3A_237, %dma_start3A_238] : memref<2x80x80xi32, #tpu.memory_space<vmem>> -> memref<1x80x80xi32, #tpu.memory_space<vmem>>
        %dma_start3A_240 = tpu.memref_squeeze %dma_start3A_239 : memref<1x80x80xi32, #tpu.memory_space<vmem>> -> memref<80x80xi32, #tpu.memory_space<vmem>>
        %dma_start3A_241 = arith.constant 0 : i32
        %dma_start3A_242 = tpu.memref_slice %arg6[%add3A_235, %dma_start3A_241] : memref<215040x128xi32, #tpu.memory_space<hbm>> -> memref<80x80xi32, #tpu.memory_space<hbm>>
        %dma_start3A_243 = arith.constant 0 : i32
        %dma_start3A_244 = tpu.memref_slice %arg6[%add3A_235, %dma_start3A_243] : memref<215040x128xi32, #tpu.memory_space<hbm>> -> memref<80x80xi32, #tpu.memory_space<hbm>>
        %dma_start3A_245 = arith.constant 0 : i32
        %dma_start3A_246 = arith.constant 0 : i32
        %dma_start3A_247 = tpu.memref_slice %arg10[%dma_start3A_236, %dma_start3A_245, %dma_start3A_246] : memref<2x80x80xi32, #tpu.memory_space<vmem>> -> memref<1x80x80xi32, #tpu.memory_space<vmem>>
        %dma_start3A_248 = tpu.memref_squeeze %dma_start3A_247 : memref<1x80x80xi32, #tpu.memory_space<vmem>> -> memref<80x80xi32, #tpu.memory_space<vmem>>
        tpu.enqueue_dma source(%dma_start3A_248 : memref<80x80xi32, #tpu.memory_space<vmem>>) target(%dma_start3A_244 : memref<80x80xi32, #tpu.memory_space<hbm>>) target_semaphore(%arg17 : memref<!tpu.dma_semaphore, #tpu.memory_space<semaphore_mem>>)
        %dma_start3A_249 = arith.constant 1 : i32
        %dma_start3A_250 = arith.constant 0 : i32
        %dma_start3A_251 = arith.constant 0 : i32
        %dma_start3A_252 = tpu.memref_slice %arg11[%dma_start3A_249, %dma_start3A_250, %dma_start3A_251] : memref<2x80x80xi32, #tpu.memory_space<vmem>> -> memref<1x80x80xi32, #tpu.memory_space<vmem>>
        %dma_start3A_253 = tpu.memref_squeeze %dma_start3A_252 : memref<1x80x80xi32, #tpu.memory_space<vmem>> -> memref<80x80xi32, #tpu.memory_space<vmem>>
        %dma_start3A_254 = arith.constant 0 : i32
        %dma_start3A_255 = tpu.memref_slice %arg7[%add3A_235, %dma_start3A_254] : memref<215040x128xi32, #tpu.memory_space<hbm>> -> memref<80x80xi32, #tpu.memory_space<hbm>>
        %dma_start3A_256 = arith.constant 0 : i32
        %dma_start3A_257 = tpu.memref_slice %arg7[%add3A_235, %dma_start3A_256] : memref<215040x128xi32, #tpu.memory_space<hbm>> -> memref<80x80xi32, #tpu.memory_space<hbm>>
        %dma_start3A_258 = arith.constant 0 : i32
        %dma_start3A_259 = arith.constant 0 : i32
        %dma_start3A_260 = tpu.memref_slice %arg11[%dma_start3A_249, %dma_start3A_258, %dma_start3A_259] : memref<2x80x80xi32, #tpu.memory_space<vmem>> -> memref<1x80x80xi32, #tpu.memory_space<vmem>>
        %dma_start3A_261 = tpu.memref_squeeze %dma_start3A_260 : memref<1x80x80xi32, #tpu.memory_space<vmem>> -> memref<80x80xi32, #tpu.memory_space<vmem>>
        tpu.enqueue_dma source(%dma_start3A_261 : memref<80x80xi32, #tpu.memory_space<vmem>>) target(%dma_start3A_257 : memref<80x80xi32, #tpu.memory_space<hbm>>) target_semaphore(%arg17 : memref<!tpu.dma_semaphore, #tpu.memory_space<semaphore_mem>>)
        %add3A_262 = arith.constant 2 : i32
        %add3A_263 = arith.addi %add3A_203, %add3A_262 : i32
        %lt3A_264 = arith.constant 84 : i32
        %lt3A_265 = arith.cmpi slt, %add3A_263, %lt3A_264 : i32
        %convert_element_type3A_266 = arith.extui %lt3A_265 : i1 to i32
        %cond3A_267 = arith.constant 0 : i32
        %cond3A_268 = arith.cmpi ne, %convert_element_type3A_266, %cond3A_267 : i32
        scf.if %cond3A_268 {
          %add3A_269 = arith.constant 2 : i32
          %add3A_270 = arith.addi %add3A_203, %add3A_269 : i32
          %mul3A_271 = arith.constant 80 : i32
          %mul3A_272 = arith.muli %add3A_270, %mul3A_271 : i32
          %add3A_273 = arith.addi %mul3A_2, %mul3A_272 : i32
          %dma_start3A_274 = arith.constant 1 : i32
          %dma_start3A_275 = arith.constant 0 : i32
          %dma_start3A_276 = tpu.memref_slice %arg8[%dma_start3A_274, %dma_start3A_275] : memref<2x80xi32, #tpu.memory_space<vmem>> -> memref<1x80xi32, #tpu.memory_space<vmem>>
          %dma_start3A_277 = tpu.memref_squeeze %dma_start3A_276 : memref<1x80xi32, #tpu.memory_space<vmem>> -> memref<80xi32, #tpu.memory_space<vmem>>
          %dma_start3A_278 = tpu.memref_slice %arg4[%add3A_273] : memref<215040xi32, #tpu.memory_space<hbm>> -> memref<80xi32, #tpu.memory_space<hbm>>
          %dma_start3A_279 = arith.constant 0 : i32
          %dma_start3A_280 = tpu.memref_slice %arg8[%dma_start3A_274, %dma_start3A_279] : memref<2x80xi32, #tpu.memory_space<vmem>> -> memref<1x80xi32, #tpu.memory_space<vmem>>
          %dma_start3A_281 = tpu.memref_squeeze %dma_start3A_280 : memref<1x80xi32, #tpu.memory_space<vmem>> -> memref<80xi32, #tpu.memory_space<vmem>>
          %dma_start3A_282 = tpu.memref_slice %arg4[%add3A_273] : memref<215040xi32, #tpu.memory_space<hbm>> -> memref<80xi32, #tpu.memory_space<hbm>>
          tpu.enqueue_dma source(%dma_start3A_282 : memref<80xi32, #tpu.memory_space<hbm>>) target(%dma_start3A_281 : memref<80xi32, #tpu.memory_space<vmem>>) target_semaphore(%arg13 : memref<!tpu.dma_semaphore, #tpu.memory_space<semaphore_mem>>)
          %dma_start3A_283 = arith.constant 1 : i32
          %dma_start3A_284 = arith.constant 0 : i32
          %dma_start3A_285 = tpu.memref_slice %arg9[%dma_start3A_283, %dma_start3A_284] : memref<2x80xi32, #tpu.memory_space<vmem>> -> memref<1x80xi32, #tpu.memory_space<vmem>>
          %dma_start3A_286 = tpu.memref_squeeze %dma_start3A_285 : memref<1x80xi32, #tpu.memory_space<vmem>> -> memref<80xi32, #tpu.memory_space<vmem>>
          %dma_start3A_287 = tpu.memref_slice %arg5[%add3A_273] : memref<215040xi32, #tpu.memory_space<hbm>> -> memref<80xi32, #tpu.memory_space<hbm>>
          %dma_start3A_288 = arith.constant 0 : i32
          %dma_start3A_289 = tpu.memref_slice %arg9[%dma_start3A_283, %dma_start3A_288] : memref<2x80xi32, #tpu.memory_space<vmem>> -> memref<1x80xi32, #tpu.memory_space<vmem>>
          %dma_start3A_290 = tpu.memref_squeeze %dma_start3A_289 : memref<1x80xi32, #tpu.memory_space<vmem>> -> memref<80xi32, #tpu.memory_space<vmem>>
          %dma_start3A_291 = tpu.memref_slice %arg5[%add3A_273] : memref<215040xi32, #tpu.memory_space<hbm>> -> memref<80xi32, #tpu.memory_space<hbm>>
          tpu.enqueue_dma source(%dma_start3A_291 : memref<80xi32, #tpu.memory_space<hbm>>) target(%dma_start3A_290 : memref<80xi32, #tpu.memory_space<vmem>>) target_semaphore(%arg13 : memref<!tpu.dma_semaphore, #tpu.memory_space<semaphore_mem>>)
          %mul3A_292 = arith.constant 80 : i32
          %mul3A_293 = arith.muli %add3A_203, %mul3A_292 : i32
          %add3A_294 = arith.addi %mul3A_2, %mul3A_293 : i32
          %dma_wait3A_295 = arith.constant 1 : i32
          %dma_wait3A_296 = arith.constant 0 : i32
          %dma_wait3A_297 = arith.constant 0 : i32
          %dma_wait3A_298 = tpu.memref_slice %arg10[%dma_wait3A_295, %dma_wait3A_296, %dma_wait3A_297] : memref<2x80x80xi32, #tpu.memory_space<vmem>> -> memref<1x80x80xi32, #tpu.memory_space<vmem>>
          %dma_wait3A_299 = tpu.memref_squeeze %dma_wait3A_298 : memref<1x80x80xi32, #tpu.memory_space<vmem>> -> memref<80x80xi32, #tpu.memory_space<vmem>>
          %dma_wait3A_300 = arith.constant 0 : i32
          %dma_wait3A_301 = tpu.memref_slice %arg6[%add3A_294, %dma_wait3A_300] : memref<215040x128xi32, #tpu.memory_space<hbm>> -> memref<80x80xi32, #tpu.memory_space<hbm>>
          %dma_wait3A_302 = arith.constant 0 : i32
          %dma_wait3A_303 = tpu.memref_slice %arg6[%add3A_294, %dma_wait3A_302] : memref<215040x128xi32, #tpu.memory_space<hbm>> -> memref<80x80xi32, #tpu.memory_space<hbm>>
          %dma_wait3A_304 = arith.constant 0 : i32
          %dma_wait3A_305 = arith.constant 0 : i32
          %dma_wait3A_306 = tpu.memref_slice %arg10[%dma_wait3A_295, %dma_wait3A_304, %dma_wait3A_305] : memref<2x80x80xi32, #tpu.memory_space<vmem>> -> memref<1x80x80xi32, #tpu.memory_space<vmem>>
          %dma_wait3A_307 = tpu.memref_squeeze %dma_wait3A_306 : memref<1x80x80xi32, #tpu.memory_space<vmem>> -> memref<80x80xi32, #tpu.memory_space<vmem>>
          tpu.wait_dma2 semaphore(%arg17 : memref<!tpu.dma_semaphore, #tpu.memory_space<semaphore_mem>>) src(%dma_wait3A_307 : memref<80x80xi32, #tpu.memory_space<vmem>>) dst(%dma_wait3A_303 : memref<80x80xi32, #tpu.memory_space<hbm>>)
          %dma_wait3A_308 = arith.constant 1 : i32
          %dma_wait3A_309 = arith.constant 0 : i32
          %dma_wait3A_310 = arith.constant 0 : i32
          %dma_wait3A_311 = tpu.memref_slice %arg11[%dma_wait3A_308, %dma_wait3A_309, %dma_wait3A_310] : memref<2x80x80xi32, #tpu.memory_space<vmem>> -> memref<1x80x80xi32, #tpu.memory_space<vmem>>
          %dma_wait3A_312 = tpu.memref_squeeze %dma_wait3A_311 : memref<1x80x80xi32, #tpu.memory_space<vmem>> -> memref<80x80xi32, #tpu.memory_space<vmem>>
          %dma_wait3A_313 = arith.constant 0 : i32
          %dma_wait3A_314 = tpu.memref_slice %arg7[%add3A_294, %dma_wait3A_313] : memref<215040x128xi32, #tpu.memory_space<hbm>> -> memref<80x80xi32, #tpu.memory_space<hbm>>
          %dma_wait3A_315 = arith.constant 0 : i32
          %dma_wait3A_316 = tpu.memref_slice %arg7[%add3A_294, %dma_wait3A_315] : memref<215040x128xi32, #tpu.memory_space<hbm>> -> memref<80x80xi32, #tpu.memory_space<hbm>>
          %dma_wait3A_317 = arith.constant 0 : i32
          %dma_wait3A_318 = arith.constant 0 : i32
          %dma_wait3A_319 = tpu.memref_slice %arg11[%dma_wait3A_308, %dma_wait3A_317, %dma_wait3A_318] : memref<2x80x80xi32, #tpu.memory_space<vmem>> -> memref<1x80x80xi32, #tpu.memory_space<vmem>>
          %dma_wait3A_320 = tpu.memref_squeeze %dma_wait3A_319 : memref<1x80x80xi32, #tpu.memory_space<vmem>> -> memref<80x80xi32, #tpu.memory_space<vmem>>
          tpu.wait_dma2 semaphore(%arg17 : memref<!tpu.dma_semaphore, #tpu.memory_space<semaphore_mem>>) src(%dma_wait3A_320 : memref<80x80xi32, #tpu.memory_space<vmem>>) dst(%dma_wait3A_316 : memref<80x80xi32, #tpu.memory_space<hbm>>)
          %add3A_321 = arith.constant 2 : i32
          %add3A_322 = arith.addi %add3A_203, %add3A_321 : i32
          %mul3A_323 = arith.constant 80 : i32
          %mul3A_324 = arith.muli %add3A_322, %mul3A_323 : i32
          %add3A_325 = arith.addi %mul3A_2, %mul3A_324 : i32
          %dma_wait3A_326 = arith.constant 1 : i32
          %dma_wait3A_327 = arith.constant 0 : i32
          %dma_wait3A_328 = tpu.memref_slice %arg8[%dma_wait3A_326, %dma_wait3A_327] : memref<2x80xi32, #tpu.memory_space<vmem>> -> memref<1x80xi32, #tpu.memory_space<vmem>>
          %dma_wait3A_329 = tpu.memref_squeeze %dma_wait3A_328 : memref<1x80xi32, #tpu.memory_space<vmem>> -> memref<80xi32, #tpu.memory_space<vmem>>
          %dma_wait3A_330 = tpu.memref_slice %arg4[%add3A_325] : memref<215040xi32, #tpu.memory_space<hbm>> -> memref<80xi32, #tpu.memory_space<hbm>>
          %dma_wait3A_331 = arith.constant 0 : i32
          %dma_wait3A_332 = tpu.memref_slice %arg8[%dma_wait3A_326, %dma_wait3A_331] : memref<2x80xi32, #tpu.memory_space<vmem>> -> memref<1x80xi32, #tpu.memory_space<vmem>>
          %dma_wait3A_333 = tpu.memref_squeeze %dma_wait3A_332 : memref<1x80xi32, #tpu.memory_space<vmem>> -> memref<80xi32, #tpu.memory_space<vmem>>
          %dma_wait3A_334 = tpu.memref_slice %arg4[%add3A_325] : memref<215040xi32, #tpu.memory_space<hbm>> -> memref<80xi32, #tpu.memory_space<hbm>>
          tpu.wait_dma2 semaphore(%arg13 : memref<!tpu.dma_semaphore, #tpu.memory_space<semaphore_mem>>) src(%dma_wait3A_334 : memref<80xi32, #tpu.memory_space<hbm>>) dst(%dma_wait3A_333 : memref<80xi32, #tpu.memory_space<vmem>>)
          %dma_wait3A_335 = arith.constant 1 : i32
          %dma_wait3A_336 = arith.constant 0 : i32
          %dma_wait3A_337 = tpu.memref_slice %arg9[%dma_wait3A_335, %dma_wait3A_336] : memref<2x80xi32, #tpu.memory_space<vmem>> -> memref<1x80xi32, #tpu.memory_space<vmem>>
          %dma_wait3A_338 = tpu.memref_squeeze %dma_wait3A_337 : memref<1x80xi32, #tpu.memory_space<vmem>> -> memref<80xi32, #tpu.memory_space<vmem>>
          %dma_wait3A_339 = tpu.memref_slice %arg5[%add3A_325] : memref<215040xi32, #tpu.memory_space<hbm>> -> memref<80xi32, #tpu.memory_space<hbm>>
          %dma_wait3A_340 = arith.constant 0 : i32
          %dma_wait3A_341 = tpu.memref_slice %arg9[%dma_wait3A_335, %dma_wait3A_340] : memref<2x80xi32, #tpu.memory_space<vmem>> -> memref<1x80xi32, #tpu.memory_space<vmem>>
          %dma_wait3A_342 = tpu.memref_squeeze %dma_wait3A_341 : memref<1x80xi32, #tpu.memory_space<vmem>> -> memref<80xi32, #tpu.memory_space<vmem>>
          %dma_wait3A_343 = tpu.memref_slice %arg5[%add3A_325] : memref<215040xi32, #tpu.memory_space<hbm>> -> memref<80xi32, #tpu.memory_space<hbm>>
          tpu.wait_dma2 semaphore(%arg13 : memref<!tpu.dma_semaphore, #tpu.memory_space<semaphore_mem>>) src(%dma_wait3A_343 : memref<80xi32, #tpu.memory_space<hbm>>) dst(%dma_wait3A_342 : memref<80xi32, #tpu.memory_space<vmem>>)
          %dma_start3A_344 = arith.constant 1 : i32
          %dma_start3A_345 = arith.constant 1 : i32
          %dma_start3A_346 = arith.constant 0 : i32
          %dma_start3A_347 = arith.constant 0 : i32
          %dma_start3A_348 = tpu.memref_slice %arg10[%dma_start3A_345, %dma_start3A_346, %dma_start3A_347] : memref<2x80x80xi32, #tpu.memory_space<vmem>> -> memref<1x80x80xi32, #tpu.memory_space<vmem>>
          %dma_start3A_349 = tpu.memref_squeeze %dma_start3A_348 : memref<1x80x80xi32, #tpu.memory_space<vmem>> -> memref<80x80xi32, #tpu.memory_space<vmem>>
          %dma_start3A_350 = arith.constant 0 : i32
          %dma_start3A_351 = tpu.memref_slice %arg8[%dma_start3A_344, %dma_start3A_350] : memref<2x80xi32, #tpu.memory_space<vmem>> -> memref<1x80xi32, #tpu.memory_space<vmem>>
          %dma_start3A_352 = tpu.memref_squeeze %dma_start3A_351 : memref<1x80xi32, #tpu.memory_space<vmem>> -> memref<80xi32, #tpu.memory_space<vmem>>
          %dma_start3A_353 = arith.constant 0 : i32
          %dma_start3A_354 = arith.constant 0 : i32
          %dma_start3A_355 = tpu.memref_slice %arg2[%dma_start3A_353, %dma_start3A_354] : memref<10000x80xi32, #tpu.memory_space<hbm>> -> memref<10000x80xi32, #tpu.memory_space<hbm>>
          tpu.enqueue_indirect_dma source(%dma_start3A_355 : memref<10000x80xi32, #tpu.memory_space<hbm>>) target(%dma_start3A_349 : memref<80x80xi32, #tpu.memory_space<vmem>>) offsets(%dma_start3A_352 : memref<80xi32, #tpu.memory_space<vmem>>) semaphore(%arg15 : memref<!tpu.dma_semaphore, #tpu.memory_space<semaphore_mem>>)
          %dma_start3A_356 = arith.constant 1 : i32
          %dma_start3A_357 = arith.constant 1 : i32
          %dma_start3A_358 = arith.constant 0 : i32
          %dma_start3A_359 = arith.constant 0 : i32
          %dma_start3A_360 = tpu.memref_slice %arg11[%dma_start3A_357, %dma_start3A_358, %dma_start3A_359] : memref<2x80x80xi32, #tpu.memory_space<vmem>> -> memref<1x80x80xi32, #tpu.memory_space<vmem>>
          %dma_start3A_361 = tpu.memref_squeeze %dma_start3A_360 : memref<1x80x80xi32, #tpu.memory_space<vmem>> -> memref<80x80xi32, #tpu.memory_space<vmem>>
          %dma_start3A_362 = arith.constant 0 : i32
          %dma_start3A_363 = tpu.memref_slice %arg9[%dma_start3A_356, %dma_start3A_362] : memref<2x80xi32, #tpu.memory_space<vmem>> -> memref<1x80xi32, #tpu.memory_space<vmem>>
          %dma_start3A_364 = tpu.memref_squeeze %dma_start3A_363 : memref<1x80xi32, #tpu.memory_space<vmem>> -> memref<80xi32, #tpu.memory_space<vmem>>
          %dma_start3A_365 = arith.constant 0 : i32
          %dma_start3A_366 = arith.constant 0 : i32
          %dma_start3A_367 = tpu.memref_slice %arg3[%dma_start3A_365, %dma_start3A_366] : memref<10000x80xi32, #tpu.memory_space<hbm>> -> memref<10000x80xi32, #tpu.memory_space<hbm>>
          tpu.enqueue_indirect_dma source(%dma_start3A_367 : memref<10000x80xi32, #tpu.memory_space<hbm>>) target(%dma_start3A_361 : memref<80x80xi32, #tpu.memory_space<vmem>>) offsets(%dma_start3A_364 : memref<80xi32, #tpu.memory_space<vmem>>) semaphore(%arg15 : memref<!tpu.dma_semaphore, #tpu.memory_space<semaphore_mem>>)
        } else {
        }
      } else {
      }
    }
    %scan3A_132 = arith.constant 42 : i32
    %add3A_133 = arith.constant 6560 : i32
    %add3A_134 = arith.addi %mul3A_2, %add3A_133 : i32
    %dma_wait3A_135 = arith.constant 0 : i32
    %dma_wait3A_136 = arith.constant 0 : i32
    %dma_wait3A_137 = arith.constant 0 : i32
    %dma_wait3A_138 = tpu.memref_slice %arg10[%dma_wait3A_135, %dma_wait3A_136, %dma_wait3A_137] : memref<2x80x80xi32, #tpu.memory_space<vmem>> -> memref<1x80x80xi32, #tpu.memory_space<vmem>>
    %dma_wait3A_139 = tpu.memref_squeeze %dma_wait3A_138 : memref<1x80x80xi32, #tpu.memory_space<vmem>> -> memref<80x80xi32, #tpu.memory_space<vmem>>
    %dma_wait3A_140 = arith.constant 0 : i32
    %dma_wait3A_141 = tpu.memref_slice %arg6[%add3A_134, %dma_wait3A_140] : memref<215040x128xi32, #tpu.memory_space<hbm>> -> memref<80x80xi32, #tpu.memory_space<hbm>>
    %dma_wait3A_142 = arith.constant 0 : i32
    %dma_wait3A_143 = tpu.memref_slice %arg6[%add3A_134, %dma_wait3A_142] : memref<215040x128xi32, #tpu.memory_space<hbm>> -> memref<80x80xi32, #tpu.memory_space<hbm>>
    %dma_wait3A_144 = arith.constant 0 : i32
    %dma_wait3A_145 = arith.constant 0 : i32
    %dma_wait3A_146 = tpu.memref_slice %arg10[%dma_wait3A_135, %dma_wait3A_144, %dma_wait3A_145] : memref<2x80x80xi32, #tpu.memory_space<vmem>> -> memref<1x80x80xi32, #tpu.memory_space<vmem>>
    %dma_wait3A_147 = tpu.memref_squeeze %dma_wait3A_146 : memref<1x80x80xi32, #tpu.memory_space<vmem>> -> memref<80x80xi32, #tpu.memory_space<vmem>>
    tpu.wait_dma2 semaphore(%arg16 : memref<!tpu.dma_semaphore, #tpu.memory_space<semaphore_mem>>) src(%dma_wait3A_147 : memref<80x80xi32, #tpu.memory_space<vmem>>) dst(%dma_wait3A_143 : memref<80x80xi32, #tpu.memory_space<hbm>>)
    %dma_wait3A_148 = arith.constant 0 : i32
    %dma_wait3A_149 = arith.constant 0 : i32
    %dma_wait3A_150 = arith.constant 0 : i32
    %dma_wait3A_151 = tpu.memref_slice %arg11[%dma_wait3A_148, %dma_wait3A_149, %dma_wait3A_150] : memref<2x80x80xi32, #tpu.memory_space<vmem>> -> memref<1x80x80xi32, #tpu.memory_space<vmem>>
    %dma_wait3A_152 = tpu.memref_squeeze %dma_wait3A_151 : memref<1x80x80xi32, #tpu.memory_space<vmem>> -> memref<80x80xi32, #tpu.memory_space<vmem>>
    %dma_wait3A_153 = arith.constant 0 : i32
    %dma_wait3A_154 = tpu.memref_slice %arg7[%add3A_134, %dma_wait3A_153] : memref<215040x128xi32, #tpu.memory_space<hbm>> -> memref<80x80xi32, #tpu.memory_space<hbm>>
    %dma_wait3A_155 = arith.constant 0 : i32
    %dma_wait3A_156 = tpu.memref_slice %arg7[%add3A_134, %dma_wait3A_155] : memref<215040x128xi32, #tpu.memory_space<hbm>> -> memref<80x80xi32, #tpu.memory_space<hbm>>
    %dma_wait3A_157 = arith.constant 0 : i32
    %dma_wait3A_158 = arith.constant 0 : i32
    %dma_wait3A_159 = tpu.memref_slice %arg11[%dma_wait3A_148, %dma_wait3A_157, %dma_wait3A_158] : memref<2x80x80xi32, #tpu.memory_space<vmem>> -> memref<1x80x80xi32, #tpu.memory_space<vmem>>
    %dma_wait3A_160 = tpu.memref_squeeze %dma_wait3A_159 : memref<1x80x80xi32, #tpu.memory_space<vmem>> -> memref<80x80xi32, #tpu.memory_space<vmem>>
    tpu.wait_dma2 semaphore(%arg16 : memref<!tpu.dma_semaphore, #tpu.memory_space<semaphore_mem>>) src(%dma_wait3A_160 : memref<80x80xi32, #tpu.memory_space<vmem>>) dst(%dma_wait3A_156 : memref<80x80xi32, #tpu.memory_space<hbm>>)
    %add3A_161 = arith.constant 6640 : i32
    %add3A_162 = arith.addi %mul3A_2, %add3A_161 : i32
    %dma_wait3A_163 = arith.constant 1 : i32
    %dma_wait3A_164 = arith.constant 0 : i32
    %dma_wait3A_165 = arith.constant 0 : i32
    %dma_wait3A_166 = tpu.memref_slice %arg10[%dma_wait3A_163, %dma_wait3A_164, %dma_wait3A_165] : memref<2x80x80xi32, #tpu.memory_space<vmem>> -> memref<1x80x80xi32, #tpu.memory_space<vmem>>
    %dma_wait3A_167 = tpu.memref_squeeze %dma_wait3A_166 : memref<1x80x80xi32, #tpu.memory_space<vmem>> -> memref<80x80xi32, #tpu.memory_space<vmem>>
    %dma_wait3A_168 = arith.constant 0 : i32
    %dma_wait3A_169 = tpu.memref_slice %arg6[%add3A_162, %dma_wait3A_168] : memref<215040x128xi32, #tpu.memory_space<hbm>> -> memref<80x80xi32, #tpu.memory_space<hbm>>
    %dma_wait3A_170 = arith.constant 0 : i32
    %dma_wait3A_171 = tpu.memref_slice %arg6[%add3A_162, %dma_wait3A_170] : memref<215040x128xi32, #tpu.memory_space<hbm>> -> memref<80x80xi32, #tpu.memory_space<hbm>>
    %dma_wait3A_172 = arith.constant 0 : i32
    %dma_wait3A_173 = arith.constant 0 : i32
    %dma_wait3A_174 = tpu.memref_slice %arg10[%dma_wait3A_163, %dma_wait3A_172, %dma_wait3A_173] : memref<2x80x80xi32, #tpu.memory_space<vmem>> -> memref<1x80x80xi32, #tpu.memory_space<vmem>>
    %dma_wait3A_175 = tpu.memref_squeeze %dma_wait3A_174 : memref<1x80x80xi32, #tpu.memory_space<vmem>> -> memref<80x80xi32, #tpu.memory_space<vmem>>
    tpu.wait_dma2 semaphore(%arg17 : memref<!tpu.dma_semaphore, #tpu.memory_space<semaphore_mem>>) src(%dma_wait3A_175 : memref<80x80xi32, #tpu.memory_space<vmem>>) dst(%dma_wait3A_171 : memref<80x80xi32, #tpu.memory_space<hbm>>)
    %dma_wait3A_176 = arith.constant 1 : i32
    %dma_wait3A_177 = arith.constant 0 : i32
    %dma_wait3A_178 = arith.constant 0 : i32
    %dma_wait3A_179 = tpu.memref_slice %arg11[%dma_wait3A_176, %dma_wait3A_177, %dma_wait3A_178] : memref<2x80x80xi32, #tpu.memory_space<vmem>> -> memref<1x80x80xi32, #tpu.memory_space<vmem>>
    %dma_wait3A_180 = tpu.memref_squeeze %dma_wait3A_179 : memref<1x80x80xi32, #tpu.memory_space<vmem>> -> memref<80x80xi32, #tpu.memory_space<vmem>>
    %dma_wait3A_181 = arith.constant 0 : i32
    %dma_wait3A_182 = tpu.memref_slice %arg7[%add3A_162, %dma_wait3A_181] : memref<215040x128xi32, #tpu.memory_space<hbm>> -> memref<80x80xi32, #tpu.memory_space<hbm>>
    %dma_wait3A_183 = arith.constant 0 : i32
    %dma_wait3A_184 = tpu.memref_slice %arg7[%add3A_162, %dma_wait3A_183] : memref<215040x128xi32, #tpu.memory_space<hbm>> -> memref<80x80xi32, #tpu.memory_space<hbm>>
    %dma_wait3A_185 = arith.constant 0 : i32
    %dma_wait3A_186 = arith.constant 0 : i32
    %dma_wait3A_187 = tpu.memref_slice %arg11[%dma_wait3A_176, %dma_wait3A_185, %dma_wait3A_186] : memref<2x80x80xi32, #tpu.memory_space<vmem>> -> memref<1x80x80xi32, #tpu.memory_space<vmem>>
    %dma_wait3A_188 = tpu.memref_squeeze %dma_wait3A_187 : memref<1x80x80xi32, #tpu.memory_space<vmem>> -> memref<80x80xi32, #tpu.memory_space<vmem>>
    tpu.wait_dma2 semaphore(%arg17 : memref<!tpu.dma_semaphore, #tpu.memory_space<semaphore_mem>>) src(%dma_wait3A_188 : memref<80x80xi32, #tpu.memory_space<vmem>>) dst(%dma_wait3A_184 : memref<80x80xi32, #tpu.memory_space<hbm>>)
    return
  }
}

#map = affine_map<(d0, d1) -> (0, 0)>
#map1 = affine_map<(d0, d1) -> (0)>
module attributes {stable_mosaic.version = 14 : i64} {
  func.func @sk(%arg0: i32, %arg1: i32, %arg2: memref<215040x128xf32, #tpu.memory_space<hbm>>, %arg3: memref<215040xi32, #tpu.memory_space<hbm>>, %arg4: memref<20000x128xf32, #tpu.memory_space<hbm>>, %arg5: memref<20000x16xf32, #tpu.memory_space<hbm>>, %arg6: memref<2x80xi32, #tpu.memory_space<vmem>>, %arg7: memref<2x80x128xf32, #tpu.memory_space<vmem>>, %arg8: memref<80x16xf32, #tpu.memory_space<vmem>>, %arg9: memref<125x128xf32, #tpu.memory_space<vmem>>, %arg10: memref<125x16xf32, #tpu.memory_space<vmem>>, %arg11: memref<10000x128xf32, #tpu.memory_space<vmem_shared>>, %arg12: memref<10000x16xf32, #tpu.memory_space<vmem_shared>>, %arg13: memref<!tpu.dma_semaphore, #tpu.memory_space<semaphore_mem>>, %arg14: memref<!tpu.dma_semaphore, #tpu.memory_space<semaphore_mem>>) attributes {dimension_semantics = [#tpu.dimension_semantics<core_parallel>, #tpu.dimension_semantics<subcore_parallel>], iteration_bounds = array<i64: 2, 16>, scalar_prefetch = 0 : i64, scratch_operands = 9 : i64, tpu.core_type = #tpu.core_type<sc_vector_subcore>, window_params = [{transform_indices = #map}, {transform_indices = #map1}, {transform_indices = #map}, {transform_indices = #map}]} {
    %scan3A = arith.constant 0 : i32
    %scan3A_0 = arith.constant 80 : i32
    %scan3A_1 = arith.addi %scan3A, %scan3A_0 : i32
    %scan3A_2 = arith.constant 1 : i32
    scf.for %scan3A_75 = %scan3A to %scan3A_1 step %scan3A_2  : i32 {
      %mul3A_76 = arith.constant 1 : i32
      %mul3A_77 = arith.muli %scan3A_75, %mul3A_76 : i32
      %add3A_78 = arith.constant 0 : i32
      %add3A_79 = arith.addi %add3A_78, %mul3A_77 : i32
      %broadcast_in_dim3A = arith.constant 1.000000e+00 : f32
      %broadcast_in_dim3A_80 = vector.broadcast %broadcast_in_dim3A : f32 to vector<1x16xf32>
      %swap3A = arith.index_cast %add3A_79 : i32 to index
      %swap3A_81 = arith.constant 0 : index
      %swap3A_82 = tpu.vector_load %arg8[%swap3A, %swap3A_81] {strides = array<i32>} : memref<80x16xf32, #tpu.memory_space<vmem>>, vector<1x16xf32>,
      %swap3A_83 = vector.shape_cast %swap3A_82 : vector<1x16xf32> to vector<1x16xf32>
      %swap3A_84 = vector.shape_cast %broadcast_in_dim3A_80 : vector<1x16xf32> to vector<1x16xf32>
      tpu.vector_store %arg8[%swap3A, %swap3A_81], %swap3A_84 {strides = array<i32>} : memref<80x16xf32, #tpu.memory_space<vmem>>, vector<1x16xf32>,
    }
    %scan3A_3 = arith.constant 80 : i32
    %scan3A_4 = arith.constant 0 : i32
    %scan3A_5 = arith.constant 125 : i32
    %scan3A_6 = arith.addi %scan3A_4, %scan3A_5 : i32
    %scan3A_7 = arith.constant 1 : i32
    scf.for %scan3A_75 = %scan3A_4 to %scan3A_6 step %scan3A_7  : i32 {
      %mul3A_76 = arith.constant 1 : i32
      %mul3A_77 = arith.muli %scan3A_75, %mul3A_76 : i32
      %add3A_78 = arith.constant 0 : i32
      %add3A_79 = arith.addi %add3A_78, %mul3A_77 : i32
      %broadcast_in_dim3A = arith.constant 0.000000e+00 : f32
      %broadcast_in_dim3A_80 = vector.broadcast %broadcast_in_dim3A : f32 to vector<1x16xf32>
      %swap3A = arith.index_cast %add3A_79 : i32 to index
      %swap3A_81 = arith.constant 0 : index
      %swap3A_82 = tpu.vector_load %arg10[%swap3A, %swap3A_81] {strides = array<i32>} : memref<125x16xf32, #tpu.memory_space<vmem>>, vector<1x16xf32>,
      %swap3A_83 = vector.shape_cast %swap3A_82 : vector<1x16xf32> to vector<1x16xf32>
      %swap3A_84 = vector.shape_cast %broadcast_in_dim3A_80 : vector<1x16xf32> to vector<1x16xf32>
      tpu.vector_store %arg10[%swap3A, %swap3A_81], %swap3A_84 {strides = array<i32>} : memref<125x16xf32, #tpu.memory_space<vmem>>, vector<1x16xf32>,
      %scan3A_85 = arith.constant 0 : i32
      %scan3A_86 = arith.constant 8 : i32
      %scan3A_87 = arith.addi %scan3A_85, %scan3A_86 : i32
      %scan3A_88 = arith.constant 1 : i32
      scf.for %scan3A_90 = %scan3A_85 to %scan3A_87 step %scan3A_88  : i32 {
        %mul3A_91 = arith.constant 16 : i32
        %mul3A_92 = arith.muli %scan3A_90, %mul3A_91 : i32
        %add3A_93 = arith.constant 0 : i32
        %add3A_94 = arith.addi %add3A_93, %mul3A_92 : i32
        %broadcast_in_dim3A_95 = arith.constant 0.000000e+00 : f32
        %broadcast_in_dim3A_96 = vector.broadcast %broadcast_in_dim3A_95 : f32 to vector<1x16xf32>
        %swap3A_97 = arith.index_cast %add3A_79 : i32 to index
        %swap3A_98 = arith.index_cast %add3A_94 : i32 to index
        %swap3A_99 = tpu.vector_load %arg9[%swap3A_97, %swap3A_98] {strides = array<i32>} : memref<125x128xf32, #tpu.memory_space<vmem>>, vector<1x16xf32>,
        %swap3A_100 = vector.shape_cast %swap3A_99 : vector<1x16xf32> to vector<1x16xf32>
        %swap3A_101 = vector.shape_cast %broadcast_in_dim3A_96 : vector<1x16xf32> to vector<1x16xf32>
        tpu.vector_store %arg9[%swap3A_97, %swap3A_98], %swap3A_101 {strides = array<i32>} : memref<125x128xf32, #tpu.memory_space<vmem>>, vector<1x16xf32>,
      }
      %scan3A_89 = arith.constant 8 : i32
    }
    %scan3A_8 = arith.constant 125 : i32
    %scan3A_9 = arith.constant 0 : i32
    %scan3A_10 = arith.constant 5 : i32
    %scan3A_11 = arith.addi %scan3A_9, %scan3A_10 : i32
    %scan3A_12 = arith.constant 1 : i32
    scf.for %scan3A_75 = %scan3A_9 to %scan3A_11 step %scan3A_12  : i32 {
      %mul3A_76 = arith.constant 125 : i32
      %mul3A_77 = arith.muli %scan3A_75, %mul3A_76 : i32
      %add3A_78 = arith.constant 0 : i32
      %add3A_79 = arith.addi %add3A_78, %mul3A_77 : i32
      %mul3A_80 = arith.constant 625 : i32
      %mul3A_81 = arith.muli %arg1, %mul3A_80 : i32
      %add3A_82 = arith.addi %mul3A_81, %add3A_79 : i32
      "tpu.region"() ({
        %run_scoped3A = tpu.sem_alloc : memref<!tpu.dma_semaphore, #tpu.memory_space<semaphore_mem>>
        %dma_start3A_86 = arith.constant 0 : i32
        %dma_start3A_87 = tpu.memref_slice %arg11[%add3A_82, %dma_start3A_86] : memref<10000x128xf32, #tpu.memory_space<vmem_shared>> -> memref<125x128xf32, #tpu.memory_space<vmem_shared>>
        %dma_start3A_88 = arith.constant 0 : i32
        %dma_start3A_89 = tpu.memref_slice %arg11[%add3A_82, %dma_start3A_88] : memref<10000x128xf32, #tpu.memory_space<vmem_shared>> -> memref<125x128xf32, #tpu.memory_space<vmem_shared>>
        tpu.enqueue_dma source(%arg9 : memref<125x128xf32, #tpu.memory_space<vmem>>) target(%dma_start3A_89 : memref<125x128xf32, #tpu.memory_space<vmem_shared>>) target_semaphore(%run_scoped3A : memref<!tpu.dma_semaphore, #tpu.memory_space<semaphore_mem>>)
        %dma_wait3A = arith.constant 0 : i32
        %dma_wait3A_90 = tpu.memref_slice %arg11[%add3A_82, %dma_wait3A] : memref<10000x128xf32, #tpu.memory_space<vmem_shared>> -> memref<125x128xf32, #tpu.memory_space<vmem_shared>>
        %dma_wait3A_91 = arith.constant 0 : i32
        %dma_wait3A_92 = tpu.memref_slice %arg11[%add3A_82, %dma_wait3A_91] : memref<10000x128xf32, #tpu.memory_space<vmem_shared>> -> memref<125x128xf32, #tpu.memory_space<vmem_shared>>
        tpu.wait_dma2 semaphore(%run_scoped3A : memref<!tpu.dma_semaphore, #tpu.memory_space<semaphore_mem>>) src(%arg9 : memref<125x128xf32, #tpu.memory_space<vmem>>) dst(%dma_wait3A_92 : memref<125x128xf32, #tpu.memory_space<vmem_shared>>)
        tpu.yield
      }) : () -> ()
      %mul3A_83 = arith.constant 625 : i32
      %mul3A_84 = arith.muli %arg1, %mul3A_83 : i32
      %add3A_85 = arith.addi %mul3A_84, %add3A_79 : i32
      "tpu.region"() ({
        %run_scoped3A = tpu.sem_alloc : memref<!tpu.dma_semaphore, #tpu.memory_space<semaphore_mem>>
        %dma_start3A_86 = arith.constant 0 : i32
        %dma_start3A_87 = tpu.memref_slice %arg12[%add3A_85, %dma_start3A_86] : memref<10000x16xf32, #tpu.memory_space<vmem_shared>> -> memref<125x16xf32, #tpu.memory_space<vmem_shared>>
        %dma_start3A_88 = arith.constant 0 : i32
        %dma_start3A_89 = tpu.memref_slice %arg12[%add3A_85, %dma_start3A_88] : memref<10000x16xf32, #tpu.memory_space<vmem_shared>> -> memref<125x16xf32, #tpu.memory_space<vmem_shared>>
        tpu.enqueue_dma source(%arg10 : memref<125x16xf32, #tpu.memory_space<vmem>>) target(%dma_start3A_89 : memref<125x16xf32, #tpu.memory_space<vmem_shared>>) target_semaphore(%run_scoped3A : memref<!tpu.dma_semaphore, #tpu.memory_space<semaphore_mem>>)
        %dma_wait3A = arith.constant 0 : i32
        %dma_wait3A_90 = tpu.memref_slice %arg12[%add3A_85, %dma_wait3A] : memref<10000x16xf32, #tpu.memory_space<vmem_shared>> -> memref<125x16xf32, #tpu.memory_space<vmem_shared>>
        %dma_wait3A_91 = arith.constant 0 : i32
        %dma_wait3A_92 = tpu.memref_slice %arg12[%add3A_85, %dma_wait3A_91] : memref<10000x16xf32, #tpu.memory_space<vmem_shared>> -> memref<125x16xf32, #tpu.memory_space<vmem_shared>>
        tpu.wait_dma2 semaphore(%run_scoped3A : memref<!tpu.dma_semaphore, #tpu.memory_space<semaphore_mem>>) src(%arg10 : memref<125x16xf32, #tpu.memory_space<vmem>>) dst(%dma_wait3A_92 : memref<125x16xf32, #tpu.memory_space<vmem_shared>>)
        tpu.yield
      }) : () -> ()
    }
    %scan3A_13 = arith.constant 5 : i32
    %barrier3A = arith.constant 0 : index
    tpu.barrier barrier_id(%barrier3A)
    %mul3A = arith.constant 107520 : i32
    %mul3A_14 = arith.muli %arg0, %mul3A : i32
    %mul3A_15 = arith.constant 6720 : i32
    %mul3A_16 = arith.muli %arg1, %mul3A_15 : i32
    %add3A = arith.addi %mul3A_14, %mul3A_16 : i32
    %add3A_17 = arith.constant 0 : i32
    %add3A_18 = arith.addi %add3A, %add3A_17 : i32
    %dma_start3A = arith.constant 0 : i32
    %dma_start3A_19 = arith.constant 0 : i32
    %dma_start3A_20 = tpu.memref_slice %arg6[%dma_start3A, %dma_start3A_19] : memref<2x80xi32, #tpu.memory_space<vmem>> -> memref<1x80xi32, #tpu.memory_space<vmem>>
    %dma_start3A_21 = tpu.memref_squeeze %dma_start3A_20 : memref<1x80xi32, #tpu.memory_space<vmem>> -> memref<80xi32, #tpu.memory_space<vmem>>
    %dma_start3A_22 = tpu.memref_slice %arg3[%add3A_18] : memref<215040xi32, #tpu.memory_space<hbm>> -> memref<80xi32, #tpu.memory_space<hbm>>
    %dma_start3A_23 = arith.constant 0 : i32
    %dma_start3A_24 = tpu.memref_slice %arg6[%dma_start3A, %dma_start3A_23] : memref<2x80xi32, #tpu.memory_space<vmem>> -> memref<1x80xi32, #tpu.memory_space<vmem>>
    %dma_start3A_25 = tpu.memref_squeeze %dma_start3A_24 : memref<1x80xi32, #tpu.memory_space<vmem>> -> memref<80xi32, #tpu.memory_space<vmem>>
    %dma_start3A_26 = tpu.memref_slice %arg3[%add3A_18] : memref<215040xi32, #tpu.memory_space<hbm>> -> memref<80xi32, #tpu.memory_space<hbm>>
    tpu.enqueue_dma source(%dma_start3A_26 : memref<80xi32, #tpu.memory_space<hbm>>) target(%dma_start3A_25 : memref<80xi32, #tpu.memory_space<vmem>>) target_semaphore(%arg13 : memref<!tpu.dma_semaphore, #tpu.memory_space<semaphore_mem>>)
    %dma_start3A_27 = arith.constant 0 : i32
    %dma_start3A_28 = arith.constant 0 : i32
    %dma_start3A_29 = arith.constant 0 : i32
    %dma_start3A_30 = tpu.memref_slice %arg7[%dma_start3A_27, %dma_start3A_28, %dma_start3A_29] : memref<2x80x128xf32, #tpu.memory_space<vmem>> -> memref<1x80x128xf32, #tpu.memory_space<vmem>>
    %dma_start3A_31 = tpu.memref_squeeze %dma_start3A_30 : memref<1x80x128xf32, #tpu.memory_space<vmem>> -> memref<80x128xf32, #tpu.memory_space<vmem>>
    %dma_start3A_32 = arith.constant 0 : i32
    %dma_start3A_33 = tpu.memref_slice %arg2[%add3A_18, %dma_start3A_32] : memref<215040x128xf32, #tpu.memory_space<hbm>> -> memref<80x128xf32, #tpu.memory_space<hbm>>
    %dma_start3A_34 = arith.constant 0 : i32
    %dma_start3A_35 = arith.constant 0 : i32
    %dma_start3A_36 = tpu.memref_slice %arg7[%dma_start3A_27, %dma_start3A_34, %dma_start3A_35] : memref<2x80x128xf32, #tpu.memory_space<vmem>> -> memref<1x80x128xf32, #tpu.memory_space<vmem>>
    %dma_start3A_37 = tpu.memref_squeeze %dma_start3A_36 : memref<1x80x128xf32, #tpu.memory_space<vmem>> -> memref<80x128xf32, #tpu.memory_space<vmem>>
    %dma_start3A_38 = arith.constant 0 : i32
    %dma_start3A_39 = tpu.memref_slice %arg2[%add3A_18, %dma_start3A_38] : memref<215040x128xf32, #tpu.memory_space<hbm>> -> memref<80x128xf32, #tpu.memory_space<hbm>>
    tpu.enqueue_dma source(%dma_start3A_39 : memref<80x128xf32, #tpu.memory_space<hbm>>) target(%dma_start3A_37 : memref<80x128xf32, #tpu.memory_space<vmem>>) target_semaphore(%arg13 : memref<!tpu.dma_semaphore, #tpu.memory_space<semaphore_mem>>)
    %add3A_40 = arith.constant 80 : i32
    %add3A_41 = arith.addi %add3A, %add3A_40 : i32
    %dma_start3A_42 = arith.constant 1 : i32
    %dma_start3A_43 = arith.constant 0 : i32
    %dma_start3A_44 = tpu.memref_slice %arg6[%dma_start3A_42, %dma_start3A_43] : memref<2x80xi32, #tpu.memory_space<vmem>> -> memref<1x80xi32, #tpu.memory_space<vmem>>
    %dma_start3A_45 = tpu.memref_squeeze %dma_start3A_44 : memref<1x80xi32, #tpu.memory_space<vmem>> -> memref<80xi32, #tpu.memory_space<vmem>>
    %dma_start3A_46 = tpu.memref_slice %arg3[%add3A_41] : memref<215040xi32, #tpu.memory_space<hbm>> -> memref<80xi32, #tpu.memory_space<hbm>>
    %dma_start3A_47 = arith.constant 0 : i32
    %dma_start3A_48 = tpu.memref_slice %arg6[%dma_start3A_42, %dma_start3A_47] : memref<2x80xi32, #tpu.memory_space<vmem>> -> memref<1x80xi32, #tpu.memory_space<vmem>>
    %dma_start3A_49 = tpu.memref_squeeze %dma_start3A_48 : memref<1x80xi32, #tpu.memory_space<vmem>> -> memref<80xi32, #tpu.memory_space<vmem>>
    %dma_start3A_50 = tpu.memref_slice %arg3[%add3A_41] : memref<215040xi32, #tpu.memory_space<hbm>> -> memref<80xi32, #tpu.memory_space<hbm>>
    tpu.enqueue_dma source(%dma_start3A_50 : memref<80xi32, #tpu.memory_space<hbm>>) target(%dma_start3A_49 : memref<80xi32, #tpu.memory_space<vmem>>) target_semaphore(%arg14 : memref<!tpu.dma_semaphore, #tpu.memory_space<semaphore_mem>>)
    %dma_start3A_51 = arith.constant 1 : i32
    %dma_start3A_52 = arith.constant 0 : i32
    %dma_start3A_53 = arith.constant 0 : i32
    %dma_start3A_54 = tpu.memref_slice %arg7[%dma_start3A_51, %dma_start3A_52, %dma_start3A_53] : memref<2x80x128xf32, #tpu.memory_space<vmem>> -> memref<1x80x128xf32, #tpu.memory_space<vmem>>
    %dma_start3A_55 = tpu.memref_squeeze %dma_start3A_54 : memref<1x80x128xf32, #tpu.memory_space<vmem>> -> memref<80x128xf32, #tpu.memory_space<vmem>>
    %dma_start3A_56 = arith.constant 0 : i32
    %dma_start3A_57 = tpu.memref_slice %arg2[%add3A_41, %dma_start3A_56] : memref<215040x128xf32, #tpu.memory_space<hbm>> -> memref<80x128xf32, #tpu.memory_space<hbm>>
    %dma_start3A_58 = arith.constant 0 : i32
    %dma_start3A_59 = arith.constant 0 : i32
    %dma_start3A_60 = tpu.memref_slice %arg7[%dma_start3A_51, %dma_start3A_58, %dma_start3A_59] : memref<2x80x128xf32, #tpu.memory_space<vmem>> -> memref<1x80x128xf32, #tpu.memory_space<vmem>>
    %dma_start3A_61 = tpu.memref_squeeze %dma_start3A_60 : memref<1x80x128xf32, #tpu.memory_space<vmem>> -> memref<80x128xf32, #tpu.memory_space<vmem>>
    %dma_start3A_62 = arith.constant 0 : i32
    %dma_start3A_63 = tpu.memref_slice %arg2[%add3A_41, %dma_start3A_62] : memref<215040x128xf32, #tpu.memory_space<hbm>> -> memref<80x128xf32, #tpu.memory_space<hbm>>
    tpu.enqueue_dma source(%dma_start3A_63 : memref<80x128xf32, #tpu.memory_space<hbm>>) target(%dma_start3A_61 : memref<80x128xf32, #tpu.memory_space<vmem>>) target_semaphore(%arg14 : memref<!tpu.dma_semaphore, #tpu.memory_space<semaphore_mem>>)
    %scan3A_64 = arith.constant 0 : i32
    %scan3A_65 = arith.constant 42 : i32
    %scan3A_66 = arith.addi %scan3A_64, %scan3A_65 : i32
    %scan3A_67 = arith.constant 1 : i32
    scf.for %scan3A_75 = %scan3A_64 to %scan3A_66 step %scan3A_67  : i32 {
      %mul3A_76 = arith.constant 1 : i32
      %mul3A_77 = arith.muli %scan3A_75, %mul3A_76 : i32
      %add3A_78 = arith.constant 0 : i32
      %add3A_79 = arith.addi %add3A_78, %mul3A_77 : i32
      %mul3A_80 = arith.constant 2 : i32
      %mul3A_81 = arith.muli %mul3A_80, %add3A_79 : i32
      %add3A_82 = arith.constant 0 : i32
      %add3A_83 = arith.addi %mul3A_81, %add3A_82 : i32
      %lt3A = arith.constant 84 : i32
      %lt3A_84 = arith.cmpi slt, %add3A_83, %lt3A : i32
      %convert_element_type3A = arith.extui %lt3A_84 : i1 to i32
      %cond3A = arith.constant 0 : i32
      %cond3A_85 = arith.cmpi ne, %convert_element_type3A, %cond3A : i32
      scf.if %cond3A_85 {
        %mul3A_95 = arith.constant 80 : i32
        %mul3A_96 = arith.muli %add3A_83, %mul3A_95 : i32
        %add3A_97 = arith.addi %add3A, %mul3A_96 : i32
        %dma_wait3A = arith.constant 0 : i32
        %dma_wait3A_98 = arith.constant 0 : i32
        %dma_wait3A_99 = tpu.memref_slice %arg6[%dma_wait3A, %dma_wait3A_98] : memref<2x80xi32, #tpu.memory_space<vmem>> -> memref<1x80xi32, #tpu.memory_space<vmem>>
        %dma_wait3A_100 = tpu.memref_squeeze %dma_wait3A_99 : memref<1x80xi32, #tpu.memory_space<vmem>> -> memref<80xi32, #tpu.memory_space<vmem>>
        %dma_wait3A_101 = tpu.memref_slice %arg3[%add3A_97] : memref<215040xi32, #tpu.memory_space<hbm>> -> memref<80xi32, #tpu.memory_space<hbm>>
        %dma_wait3A_102 = arith.constant 0 : i32
        %dma_wait3A_103 = tpu.memref_slice %arg6[%dma_wait3A, %dma_wait3A_102] : memref<2x80xi32, #tpu.memory_space<vmem>> -> memref<1x80xi32, #tpu.memory_space<vmem>>
        %dma_wait3A_104 = tpu.memref_squeeze %dma_wait3A_103 : memref<1x80xi32, #tpu.memory_space<vmem>> -> memref<80xi32, #tpu.memory_space<vmem>>
        %dma_wait3A_105 = tpu.memref_slice %arg3[%add3A_97] : memref<215040xi32, #tpu.memory_space<hbm>> -> memref<80xi32, #tpu.memory_space<hbm>>
        tpu.wait_dma2 semaphore(%arg13 : memref<!tpu.dma_semaphore, #tpu.memory_space<semaphore_mem>>) src(%dma_wait3A_105 : memref<80xi32, #tpu.memory_space<hbm>>) dst(%dma_wait3A_104 : memref<80xi32, #tpu.memory_space<vmem>>)
        %dma_wait3A_106 = arith.constant 0 : i32
        %dma_wait3A_107 = arith.constant 0 : i32
        %dma_wait3A_108 = arith.constant 0 : i32
        %dma_wait3A_109 = tpu.memref_slice %arg7[%dma_wait3A_106, %dma_wait3A_107, %dma_wait3A_108] : memref<2x80x128xf32, #tpu.memory_space<vmem>> -> memref<1x80x128xf32, #tpu.memory_space<vmem>>
        %dma_wait3A_110 = tpu.memref_squeeze %dma_wait3A_109 : memref<1x80x128xf32, #tpu.memory_space<vmem>> -> memref<80x128xf32, #tpu.memory_space<vmem>>
        %dma_wait3A_111 = arith.constant 0 : i32
        %dma_wait3A_112 = tpu.memref_slice %arg2[%add3A_97, %dma_wait3A_111] : memref<215040x128xf32, #tpu.memory_space<hbm>> -> memref<80x128xf32, #tpu.memory_space<hbm>>
        %dma_wait3A_113 = arith.constant 0 : i32
        %dma_wait3A_114 = arith.constant 0 : i32
        %dma_wait3A_115 = tpu.memref_slice %arg7[%dma_wait3A_106, %dma_wait3A_113, %dma_wait3A_114] : memref<2x80x128xf32, #tpu.memory_space<vmem>> -> memref<1x80x128xf32, #tpu.memory_space<vmem>>
        %dma_wait3A_116 = tpu.memref_squeeze %dma_wait3A_115 : memref<1x80x128xf32, #tpu.memory_space<vmem>> -> memref<80x128xf32, #tpu.memory_space<vmem>>
        %dma_wait3A_117 = arith.constant 0 : i32
        %dma_wait3A_118 = tpu.memref_slice %arg2[%add3A_97, %dma_wait3A_117] : memref<215040x128xf32, #tpu.memory_space<hbm>> -> memref<80x128xf32, #tpu.memory_space<hbm>>
        tpu.wait_dma2 semaphore(%arg13 : memref<!tpu.dma_semaphore, #tpu.memory_space<semaphore_mem>>) src(%dma_wait3A_118 : memref<80x128xf32, #tpu.memory_space<hbm>>) dst(%dma_wait3A_116 : memref<80x128xf32, #tpu.memory_space<vmem>>)
        %run_scoped3A = arith.constant 0 : i32
        %run_scoped3A_119 = arith.constant 0 : i32
        "tpu.region"() ({
          %run_scoped3A_128 = tpu.sem_alloc : memref<!tpu.dma_semaphore, #tpu.memory_space<semaphore_mem>>
          %dma_start3A_129 = arith.constant 0 : i32
          %dma_start3A_130 = arith.constant 0 : i32
          %dma_start3A_131 = tpu.memref_slice %arg7[%run_scoped3A, %dma_start3A_129, %dma_start3A_130] : memref<2x80x128xf32, #tpu.memory_space<vmem>> -> memref<1x80x128xf32, #tpu.memory_space<vmem>>
          %dma_start3A_132 = tpu.memref_squeeze %dma_start3A_131 : memref<1x80x128xf32, #tpu.memory_space<vmem>> -> memref<80x128xf32, #tpu.memory_space<vmem>>
          %dma_start3A_133 = arith.constant 0 : i32
          %dma_start3A_134 = tpu.memref_slice %arg6[%run_scoped3A_119, %dma_start3A_133] : memref<2x80xi32, #tpu.memory_space<vmem>> -> memref<1x80xi32, #tpu.memory_space<vmem>>
          %dma_start3A_135 = tpu.memref_squeeze %dma_start3A_134 : memref<1x80xi32, #tpu.memory_space<vmem>> -> memref<80xi32, #tpu.memory_space<vmem>>
          %dma_start3A_136 = arith.constant 0 : i32
          %dma_start3A_137 = arith.constant 0 : i32
          %dma_start3A_138 = tpu.memref_slice %arg11[%dma_start3A_136, %dma_start3A_137] : memref<10000x128xf32, #tpu.memory_space<vmem_shared>> -> memref<10000x128xf32, #tpu.memory_space<vmem_shared>>
          tpu.enqueue_indirect_dma source(%dma_start3A_132 : memref<80x128xf32, #tpu.memory_space<vmem>>) target(%dma_start3A_138 : memref<10000x128xf32, #tpu.memory_space<vmem_shared>>) offsets(%dma_start3A_135 : memref<80xi32, #tpu.memory_space<vmem>>) semaphore(%run_scoped3A_128 : memref<!tpu.dma_semaphore, #tpu.memory_space<semaphore_mem>>) {add = true}
          %dma_wait3A_139 = arith.constant 0 : i32
          %dma_wait3A_140 = arith.constant 0 : i32
          %dma_wait3A_141 = tpu.memref_slice %arg7[%run_scoped3A, %dma_wait3A_139, %dma_wait3A_140] : memref<2x80x128xf32, #tpu.memory_space<vmem>> -> memref<1x80x128xf32, #tpu.memory_space<vmem>>
          %dma_wait3A_142 = tpu.memref_squeeze %dma_wait3A_141 : memref<1x80x128xf32, #tpu.memory_space<vmem>> -> memref<80x128xf32, #tpu.memory_space<vmem>>
          %dma_wait3A_143 = arith.constant 0 : i32
          %dma_wait3A_144 = tpu.memref_slice %arg6[%run_scoped3A_119, %dma_wait3A_143] : memref<2x80xi32, #tpu.memory_space<vmem>> -> memref<1x80xi32, #tpu.memory_space<vmem>>
          %dma_wait3A_145 = tpu.memref_squeeze %dma_wait3A_144 : memref<1x80xi32, #tpu.memory_space<vmem>> -> memref<80xi32, #tpu.memory_space<vmem>>
          %dma_wait3A_146 = arith.constant 0 : i32
          %dma_wait3A_147 = arith.constant 0 : i32
          %dma_wait3A_148 = tpu.memref_slice %arg11[%dma_wait3A_146, %dma_wait3A_147] : memref<10000x128xf32, #tpu.memory_space<vmem_shared>> -> memref<10000x128xf32, #tpu.memory_space<vmem_shared>>
          tpu.wait_indirect_dma semaphore(%run_scoped3A_128 : memref<!tpu.dma_semaphore, #tpu.memory_space<semaphore_mem>>) src(%dma_wait3A_142 : memref<80x128xf32, #tpu.memory_space<vmem>>) dst(%dma_wait3A_148 : memref<10000x128xf32, #tpu.memory_space<vmem_shared>>)
          tpu.yield
        }) : () -> ()
        %run_scoped3A_120 = arith.constant 0 : i32
        "tpu.region"() ({
          %run_scoped3A_128 = tpu.sem_alloc : memref<!tpu.dma_semaphore, #tpu.memory_space<semaphore_mem>>
          %dma_start3A_129 = arith.constant 0 : i32
          %dma_start3A_130 = tpu.memref_slice %arg6[%run_scoped3A_120, %dma_start3A_129] : memref<2x80xi32, #tpu.memory_space<vmem>> -> memref<1x80xi32, #tpu.memory_space<vmem>>
          %dma_start3A_131 = tpu.memref_squeeze %dma_start3A_130 : memref<1x80xi32, #tpu.memory_space<vmem>> -> memref<80xi32, #tpu.memory_space<vmem>>
          %dma_start3A_132 = arith.constant 0 : i32
          %dma_start3A_133 = arith.constant 0 : i32
          %dma_start3A_134 = tpu.memref_slice %arg12[%dma_start3A_132, %dma_start3A_133] : memref<10000x16xf32, #tpu.memory_space<vmem_shared>> -> memref<10000x16xf32, #tpu.memory_space<vmem_shared>>
          tpu.enqueue_indirect_dma source(%arg8 : memref<80x16xf32, #tpu.memory_space<vmem>>) target(%dma_start3A_134 : memref<10000x16xf32, #tpu.memory_space<vmem_shared>>) offsets(%dma_start3A_131 : memref<80xi32, #tpu.memory_space<vmem>>) semaphore(%run_scoped3A_128 : memref<!tpu.dma_semaphore, #tpu.memory_space<semaphore_mem>>) {add = true}
          %dma_wait3A_135 = arith.constant 0 : i32
          %dma_wait3A_136 = tpu.memref_slice %arg6[%run_scoped3A_120, %dma_wait3A_135] : memref<2x80xi32, #tpu.memory_space<vmem>> -> memref<1x80xi32, #tpu.memory_space<vmem>>
          %dma_wait3A_137 = tpu.memref_squeeze %dma_wait3A_136 : memref<1x80xi32, #tpu.memory_space<vmem>> -> memref<80xi32, #tpu.memory_space<vmem>>
          %dma_wait3A_138 = arith.constant 0 : i32
          %dma_wait3A_139 = arith.constant 0 : i32
          %dma_wait3A_140 = tpu.memref_slice %arg12[%dma_wait3A_138, %dma_wait3A_139] : memref<10000x16xf32, #tpu.memory_space<vmem_shared>> -> memref<10000x16xf32, #tpu.memory_space<vmem_shared>>
          tpu.wait_indirect_dma semaphore(%run_scoped3A_128 : memref<!tpu.dma_semaphore, #tpu.memory_space<semaphore_mem>>) src(%arg8 : memref<80x16xf32, #tpu.memory_space<vmem>>) dst(%dma_wait3A_140 : memref<10000x16xf32, #tpu.memory_space<vmem_shared>>)
          tpu.yield
        }) : () -> ()
        %add3A_121 = arith.constant 2 : i32
        %add3A_122 = arith.addi %add3A_83, %add3A_121 : i32
        %lt3A_123 = arith.constant 84 : i32
        %lt3A_124 = arith.cmpi slt, %add3A_122, %lt3A_123 : i32
        %convert_element_type3A_125 = arith.extui %lt3A_124 : i1 to i32
        %cond3A_126 = arith.constant 0 : i32
        %cond3A_127 = arith.cmpi ne, %convert_element_type3A_125, %cond3A_126 : i32
        scf.if %cond3A_127 {
          %add3A_128 = arith.constant 2 : i32
          %add3A_129 = arith.addi %add3A_83, %add3A_128 : i32
          %mul3A_130 = arith.constant 80 : i32
          %mul3A_131 = arith.muli %add3A_129, %mul3A_130 : i32
          %add3A_132 = arith.addi %add3A, %mul3A_131 : i32
          %dma_start3A_133 = arith.constant 0 : i32
          %dma_start3A_134 = arith.constant 0 : i32
          %dma_start3A_135 = tpu.memref_slice %arg6[%dma_start3A_133, %dma_start3A_134] : memref<2x80xi32, #tpu.memory_space<vmem>> -> memref<1x80xi32, #tpu.memory_space<vmem>>
          %dma_start3A_136 = tpu.memref_squeeze %dma_start3A_135 : memref<1x80xi32, #tpu.memory_space<vmem>> -> memref<80xi32, #tpu.memory_space<vmem>>
          %dma_start3A_137 = tpu.memref_slice %arg3[%add3A_132] : memref<215040xi32, #tpu.memory_space<hbm>> -> memref<80xi32, #tpu.memory_space<hbm>>
          %dma_start3A_138 = arith.constant 0 : i32
          %dma_start3A_139 = tpu.memref_slice %arg6[%dma_start3A_133, %dma_start3A_138] : memref<2x80xi32, #tpu.memory_space<vmem>> -> memref<1x80xi32, #tpu.memory_space<vmem>>
          %dma_start3A_140 = tpu.memref_squeeze %dma_start3A_139 : memref<1x80xi32, #tpu.memory_space<vmem>> -> memref<80xi32, #tpu.memory_space<vmem>>
          %dma_start3A_141 = tpu.memref_slice %arg3[%add3A_132] : memref<215040xi32, #tpu.memory_space<hbm>> -> memref<80xi32, #tpu.memory_space<hbm>>
          tpu.enqueue_dma source(%dma_start3A_141 : memref<80xi32, #tpu.memory_space<hbm>>) target(%dma_start3A_140 : memref<80xi32, #tpu.memory_space<vmem>>) target_semaphore(%arg13 : memref<!tpu.dma_semaphore, #tpu.memory_space<semaphore_mem>>)
          %dma_start3A_142 = arith.constant 0 : i32
          %dma_start3A_143 = arith.constant 0 : i32
          %dma_start3A_144 = arith.constant 0 : i32
          %dma_start3A_145 = tpu.memref_slice %arg7[%dma_start3A_142, %dma_start3A_143, %dma_start3A_144] : memref<2x80x128xf32, #tpu.memory_space<vmem>> -> memref<1x80x128xf32, #tpu.memory_space<vmem>>
          %dma_start3A_146 = tpu.memref_squeeze %dma_start3A_145 : memref<1x80x128xf32, #tpu.memory_space<vmem>> -> memref<80x128xf32, #tpu.memory_space<vmem>>
          %dma_start3A_147 = arith.constant 0 : i32
          %dma_start3A_148 = tpu.memref_slice %arg2[%add3A_132, %dma_start3A_147] : memref<215040x128xf32, #tpu.memory_space<hbm>> -> memref<80x128xf32, #tpu.memory_space<hbm>>
          %dma_start3A_149 = arith.constant 0 : i32
          %dma_start3A_150 = arith.constant 0 : i32
          %dma_start3A_151 = tpu.memref_slice %arg7[%dma_start3A_142, %dma_start3A_149, %dma_start3A_150] : memref<2x80x128xf32, #tpu.memory_space<vmem>> -> memref<1x80x128xf32, #tpu.memory_space<vmem>>
          %dma_start3A_152 = tpu.memref_squeeze %dma_start3A_151 : memref<1x80x128xf32, #tpu.memory_space<vmem>> -> memref<80x128xf32, #tpu.memory_space<vmem>>
          %dma_start3A_153 = arith.constant 0 : i32
          %dma_start3A_154 = tpu.memref_slice %arg2[%add3A_132, %dma_start3A_153] : memref<215040x128xf32, #tpu.memory_space<hbm>> -> memref<80x128xf32, #tpu.memory_space<hbm>>
          tpu.enqueue_dma source(%dma_start3A_154 : memref<80x128xf32, #tpu.memory_space<hbm>>) target(%dma_start3A_152 : memref<80x128xf32, #tpu.memory_space<vmem>>) target_semaphore(%arg13 : memref<!tpu.dma_semaphore, #tpu.memory_space<semaphore_mem>>)
        } else {
        }
      } else {
      }
      %mul3A_86 = arith.constant 2 : i32
      %mul3A_87 = arith.muli %mul3A_86, %add3A_79 : i32
      %add3A_88 = arith.constant 1 : i32
      %add3A_89 = arith.addi %mul3A_87, %add3A_88 : i32
      %lt3A_90 = arith.constant 84 : i32
      %lt3A_91 = arith.cmpi slt, %add3A_89, %lt3A_90 : i32
      %convert_element_type3A_92 = arith.extui %lt3A_91 : i1 to i32
      %cond3A_93 = arith.constant 0 : i32
      %cond3A_94 = arith.cmpi ne, %convert_element_type3A_92, %cond3A_93 : i32
      scf.if %cond3A_94 {
        %mul3A_95 = arith.constant 80 : i32
        %mul3A_96 = arith.muli %add3A_89, %mul3A_95 : i32
        %add3A_97 = arith.addi %add3A, %mul3A_96 : i32
        %dma_wait3A = arith.constant 1 : i32
        %dma_wait3A_98 = arith.constant 0 : i32
        %dma_wait3A_99 = tpu.memref_slice %arg6[%dma_wait3A, %dma_wait3A_98] : memref<2x80xi32, #tpu.memory_space<vmem>> -> memref<1x80xi32, #tpu.memory_space<vmem>>
        %dma_wait3A_100 = tpu.memref_squeeze %dma_wait3A_99 : memref<1x80xi32, #tpu.memory_space<vmem>> -> memref<80xi32, #tpu.memory_space<vmem>>
        %dma_wait3A_101 = tpu.memref_slice %arg3[%add3A_97] : memref<215040xi32, #tpu.memory_space<hbm>> -> memref<80xi32, #tpu.memory_space<hbm>>
        %dma_wait3A_102 = arith.constant 0 : i32
        %dma_wait3A_103 = tpu.memref_slice %arg6[%dma_wait3A, %dma_wait3A_102] : memref<2x80xi32, #tpu.memory_space<vmem>> -> memref<1x80xi32, #tpu.memory_space<vmem>>
        %dma_wait3A_104 = tpu.memref_squeeze %dma_wait3A_103 : memref<1x80xi32, #tpu.memory_space<vmem>> -> memref<80xi32, #tpu.memory_space<vmem>>
        %dma_wait3A_105 = tpu.memref_slice %arg3[%add3A_97] : memref<215040xi32, #tpu.memory_space<hbm>> -> memref<80xi32, #tpu.memory_space<hbm>>
        tpu.wait_dma2 semaphore(%arg14 : memref<!tpu.dma_semaphore, #tpu.memory_space<semaphore_mem>>) src(%dma_wait3A_105 : memref<80xi32, #tpu.memory_space<hbm>>) dst(%dma_wait3A_104 : memref<80xi32, #tpu.memory_space<vmem>>)
        %dma_wait3A_106 = arith.constant 1 : i32
        %dma_wait3A_107 = arith.constant 0 : i32
        %dma_wait3A_108 = arith.constant 0 : i32
        %dma_wait3A_109 = tpu.memref_slice %arg7[%dma_wait3A_106, %dma_wait3A_107, %dma_wait3A_108] : memref<2x80x128xf32, #tpu.memory_space<vmem>> -> memref<1x80x128xf32, #tpu.memory_space<vmem>>
        %dma_wait3A_110 = tpu.memref_squeeze %dma_wait3A_109 : memref<1x80x128xf32, #tpu.memory_space<vmem>> -> memref<80x128xf32, #tpu.memory_space<vmem>>
        %dma_wait3A_111 = arith.constant 0 : i32
        %dma_wait3A_112 = tpu.memref_slice %arg2[%add3A_97, %dma_wait3A_111] : memref<215040x128xf32, #tpu.memory_space<hbm>> -> memref<80x128xf32, #tpu.memory_space<hbm>>
        %dma_wait3A_113 = arith.constant 0 : i32
        %dma_wait3A_114 = arith.constant 0 : i32
        %dma_wait3A_115 = tpu.memref_slice %arg7[%dma_wait3A_106, %dma_wait3A_113, %dma_wait3A_114] : memref<2x80x128xf32, #tpu.memory_space<vmem>> -> memref<1x80x128xf32, #tpu.memory_space<vmem>>
        %dma_wait3A_116 = tpu.memref_squeeze %dma_wait3A_115 : memref<1x80x128xf32, #tpu.memory_space<vmem>> -> memref<80x128xf32, #tpu.memory_space<vmem>>
        %dma_wait3A_117 = arith.constant 0 : i32
        %dma_wait3A_118 = tpu.memref_slice %arg2[%add3A_97, %dma_wait3A_117] : memref<215040x128xf32, #tpu.memory_space<hbm>> -> memref<80x128xf32, #tpu.memory_space<hbm>>
        tpu.wait_dma2 semaphore(%arg14 : memref<!tpu.dma_semaphore, #tpu.memory_space<semaphore_mem>>) src(%dma_wait3A_118 : memref<80x128xf32, #tpu.memory_space<hbm>>) dst(%dma_wait3A_116 : memref<80x128xf32, #tpu.memory_space<vmem>>)
        %run_scoped3A = arith.constant 1 : i32
        %run_scoped3A_119 = arith.constant 1 : i32
        "tpu.region"() ({
          %run_scoped3A_128 = tpu.sem_alloc : memref<!tpu.dma_semaphore, #tpu.memory_space<semaphore_mem>>
          %dma_start3A_129 = arith.constant 0 : i32
          %dma_start3A_130 = arith.constant 0 : i32
          %dma_start3A_131 = tpu.memref_slice %arg7[%run_scoped3A, %dma_start3A_129, %dma_start3A_130] : memref<2x80x128xf32, #tpu.memory_space<vmem>> -> memref<1x80x128xf32, #tpu.memory_space<vmem>>
          %dma_start3A_132 = tpu.memref_squeeze %dma_start3A_131 : memref<1x80x128xf32, #tpu.memory_space<vmem>> -> memref<80x128xf32, #tpu.memory_space<vmem>>
          %dma_start3A_133 = arith.constant 0 : i32
          %dma_start3A_134 = tpu.memref_slice %arg6[%run_scoped3A_119, %dma_start3A_133] : memref<2x80xi32, #tpu.memory_space<vmem>> -> memref<1x80xi32, #tpu.memory_space<vmem>>
          %dma_start3A_135 = tpu.memref_squeeze %dma_start3A_134 : memref<1x80xi32, #tpu.memory_space<vmem>> -> memref<80xi32, #tpu.memory_space<vmem>>
          %dma_start3A_136 = arith.constant 0 : i32
          %dma_start3A_137 = arith.constant 0 : i32
          %dma_start3A_138 = tpu.memref_slice %arg11[%dma_start3A_136, %dma_start3A_137] : memref<10000x128xf32, #tpu.memory_space<vmem_shared>> -> memref<10000x128xf32, #tpu.memory_space<vmem_shared>>
          tpu.enqueue_indirect_dma source(%dma_start3A_132 : memref<80x128xf32, #tpu.memory_space<vmem>>) target(%dma_start3A_138 : memref<10000x128xf32, #tpu.memory_space<vmem_shared>>) offsets(%dma_start3A_135 : memref<80xi32, #tpu.memory_space<vmem>>) semaphore(%run_scoped3A_128 : memref<!tpu.dma_semaphore, #tpu.memory_space<semaphore_mem>>) {add = true}
          %dma_wait3A_139 = arith.constant 0 : i32
          %dma_wait3A_140 = arith.constant 0 : i32
          %dma_wait3A_141 = tpu.memref_slice %arg7[%run_scoped3A, %dma_wait3A_139, %dma_wait3A_140] : memref<2x80x128xf32, #tpu.memory_space<vmem>> -> memref<1x80x128xf32, #tpu.memory_space<vmem>>
          %dma_wait3A_142 = tpu.memref_squeeze %dma_wait3A_141 : memref<1x80x128xf32, #tpu.memory_space<vmem>> -> memref<80x128xf32, #tpu.memory_space<vmem>>
          %dma_wait3A_143 = arith.constant 0 : i32
          %dma_wait3A_144 = tpu.memref_slice %arg6[%run_scoped3A_119, %dma_wait3A_143] : memref<2x80xi32, #tpu.memory_space<vmem>> -> memref<1x80xi32, #tpu.memory_space<vmem>>
          %dma_wait3A_145 = tpu.memref_squeeze %dma_wait3A_144 : memref<1x80xi32, #tpu.memory_space<vmem>> -> memref<80xi32, #tpu.memory_space<vmem>>
          %dma_wait3A_146 = arith.constant 0 : i32
          %dma_wait3A_147 = arith.constant 0 : i32
          %dma_wait3A_148 = tpu.memref_slice %arg11[%dma_wait3A_146, %dma_wait3A_147] : memref<10000x128xf32, #tpu.memory_space<vmem_shared>> -> memref<10000x128xf32, #tpu.memory_space<vmem_shared>>
          tpu.wait_indirect_dma semaphore(%run_scoped3A_128 : memref<!tpu.dma_semaphore, #tpu.memory_space<semaphore_mem>>) src(%dma_wait3A_142 : memref<80x128xf32, #tpu.memory_space<vmem>>) dst(%dma_wait3A_148 : memref<10000x128xf32, #tpu.memory_space<vmem_shared>>)
          tpu.yield
        }) : () -> ()
        %run_scoped3A_120 = arith.constant 1 : i32
        "tpu.region"() ({
          %run_scoped3A_128 = tpu.sem_alloc : memref<!tpu.dma_semaphore, #tpu.memory_space<semaphore_mem>>
          %dma_start3A_129 = arith.constant 0 : i32
          %dma_start3A_130 = tpu.memref_slice %arg6[%run_scoped3A_120, %dma_start3A_129] : memref<2x80xi32, #tpu.memory_space<vmem>> -> memref<1x80xi32, #tpu.memory_space<vmem>>
          %dma_start3A_131 = tpu.memref_squeeze %dma_start3A_130 : memref<1x80xi32, #tpu.memory_space<vmem>> -> memref<80xi32, #tpu.memory_space<vmem>>
          %dma_start3A_132 = arith.constant 0 : i32
          %dma_start3A_133 = arith.constant 0 : i32
          %dma_start3A_134 = tpu.memref_slice %arg12[%dma_start3A_132, %dma_start3A_133] : memref<10000x16xf32, #tpu.memory_space<vmem_shared>> -> memref<10000x16xf32, #tpu.memory_space<vmem_shared>>
          tpu.enqueue_indirect_dma source(%arg8 : memref<80x16xf32, #tpu.memory_space<vmem>>) target(%dma_start3A_134 : memref<10000x16xf32, #tpu.memory_space<vmem_shared>>) offsets(%dma_start3A_131 : memref<80xi32, #tpu.memory_space<vmem>>) semaphore(%run_scoped3A_128 : memref<!tpu.dma_semaphore, #tpu.memory_space<semaphore_mem>>) {add = true}
          %dma_wait3A_135 = arith.constant 0 : i32
          %dma_wait3A_136 = tpu.memref_slice %arg6[%run_scoped3A_120, %dma_wait3A_135] : memref<2x80xi32, #tpu.memory_space<vmem>> -> memref<1x80xi32, #tpu.memory_space<vmem>>
          %dma_wait3A_137 = tpu.memref_squeeze %dma_wait3A_136 : memref<1x80xi32, #tpu.memory_space<vmem>> -> memref<80xi32, #tpu.memory_space<vmem>>
          %dma_wait3A_138 = arith.constant 0 : i32
          %dma_wait3A_139 = arith.constant 0 : i32
          %dma_wait3A_140 = tpu.memref_slice %arg12[%dma_wait3A_138, %dma_wait3A_139] : memref<10000x16xf32, #tpu.memory_space<vmem_shared>> -> memref<10000x16xf32, #tpu.memory_space<vmem_shared>>
          tpu.wait_indirect_dma semaphore(%run_scoped3A_128 : memref<!tpu.dma_semaphore, #tpu.memory_space<semaphore_mem>>) src(%arg8 : memref<80x16xf32, #tpu.memory_space<vmem>>) dst(%dma_wait3A_140 : memref<10000x16xf32, #tpu.memory_space<vmem_shared>>)
          tpu.yield
        }) : () -> ()
        %add3A_121 = arith.constant 2 : i32
        %add3A_122 = arith.addi %add3A_89, %add3A_121 : i32
        %lt3A_123 = arith.constant 84 : i32
        %lt3A_124 = arith.cmpi slt, %add3A_122, %lt3A_123 : i32
        %convert_element_type3A_125 = arith.extui %lt3A_124 : i1 to i32
        %cond3A_126 = arith.constant 0 : i32
        %cond3A_127 = arith.cmpi ne, %convert_element_type3A_125, %cond3A_126 : i32
        scf.if %cond3A_127 {
          %add3A_128 = arith.constant 2 : i32
          %add3A_129 = arith.addi %add3A_89, %add3A_128 : i32
          %mul3A_130 = arith.constant 80 : i32
          %mul3A_131 = arith.muli %add3A_129, %mul3A_130 : i32
          %add3A_132 = arith.addi %add3A, %mul3A_131 : i32
          %dma_start3A_133 = arith.constant 1 : i32
          %dma_start3A_134 = arith.constant 0 : i32
          %dma_start3A_135 = tpu.memref_slice %arg6[%dma_start3A_133, %dma_start3A_134] : memref<2x80xi32, #tpu.memory_space<vmem>> -> memref<1x80xi32, #tpu.memory_space<vmem>>
          %dma_start3A_136 = tpu.memref_squeeze %dma_start3A_135 : memref<1x80xi32, #tpu.memory_space<vmem>> -> memref<80xi32, #tpu.memory_space<vmem>>
          %dma_start3A_137 = tpu.memref_slice %arg3[%add3A_132] : memref<215040xi32, #tpu.memory_space<hbm>> -> memref<80xi32, #tpu.memory_space<hbm>>
          %dma_start3A_138 = arith.constant 0 : i32
          %dma_start3A_139 = tpu.memref_slice %arg6[%dma_start3A_133, %dma_start3A_138] : memref<2x80xi32, #tpu.memory_space<vmem>> -> memref<1x80xi32, #tpu.memory_space<vmem>>
          %dma_start3A_140 = tpu.memref_squeeze %dma_start3A_139 : memref<1x80xi32, #tpu.memory_space<vmem>> -> memref<80xi32, #tpu.memory_space<vmem>>
          %dma_start3A_141 = tpu.memref_slice %arg3[%add3A_132] : memref<215040xi32, #tpu.memory_space<hbm>> -> memref<80xi32, #tpu.memory_space<hbm>>
          tpu.enqueue_dma source(%dma_start3A_141 : memref<80xi32, #tpu.memory_space<hbm>>) target(%dma_start3A_140 : memref<80xi32, #tpu.memory_space<vmem>>) target_semaphore(%arg14 : memref<!tpu.dma_semaphore, #tpu.memory_space<semaphore_mem>>)
          %dma_start3A_142 = arith.constant 1 : i32
          %dma_start3A_143 = arith.constant 0 : i32
          %dma_start3A_144 = arith.constant 0 : i32
          %dma_start3A_145 = tpu.memref_slice %arg7[%dma_start3A_142, %dma_start3A_143, %dma_start3A_144] : memref<2x80x128xf32, #tpu.memory_space<vmem>> -> memref<1x80x128xf32, #tpu.memory_space<vmem>>
          %dma_start3A_146 = tpu.memref_squeeze %dma_start3A_145 : memref<1x80x128xf32, #tpu.memory_space<vmem>> -> memref<80x128xf32, #tpu.memory_space<vmem>>
          %dma_start3A_147 = arith.constant 0 : i32
          %dma_start3A_148 = tpu.memref_slice %arg2[%add3A_132, %dma_start3A_147] : memref<215040x128xf32, #tpu.memory_space<hbm>> -> memref<80x128xf32, #tpu.memory_space<hbm>>
          %dma_start3A_149 = arith.constant 0 : i32
          %dma_start3A_150 = arith.constant 0 : i32
          %dma_start3A_151 = tpu.memref_slice %arg7[%dma_start3A_142, %dma_start3A_149, %dma_start3A_150] : memref<2x80x128xf32, #tpu.memory_space<vmem>> -> memref<1x80x128xf32, #tpu.memory_space<vmem>>
          %dma_start3A_152 = tpu.memref_squeeze %dma_start3A_151 : memref<1x80x128xf32, #tpu.memory_space<vmem>> -> memref<80x128xf32, #tpu.memory_space<vmem>>
          %dma_start3A_153 = arith.constant 0 : i32
          %dma_start3A_154 = tpu.memref_slice %arg2[%add3A_132, %dma_start3A_153] : memref<215040x128xf32, #tpu.memory_space<hbm>> -> memref<80x128xf32, #tpu.memory_space<hbm>>
          tpu.enqueue_dma source(%dma_start3A_154 : memref<80x128xf32, #tpu.memory_space<hbm>>) target(%dma_start3A_152 : memref<80x128xf32, #tpu.memory_space<vmem>>) target_semaphore(%arg14 : memref<!tpu.dma_semaphore, #tpu.memory_space<semaphore_mem>>)
        } else {
        }
      } else {
      }
    }
    %scan3A_68 = arith.constant 42 : i32
    %barrier3A_69 = arith.constant 0 : index
    tpu.barrier barrier_id(%barrier3A_69)
    %scan3A_70 = arith.constant 0 : i32
    %scan3A_71 = arith.constant 5 : i32
    %scan3A_72 = arith.addi %scan3A_70, %scan3A_71 : i32
    %scan3A_73 = arith.constant 1 : i32
    scf.for %scan3A_75 = %scan3A_70 to %scan3A_72 step %scan3A_73  : i32 {
      %mul3A_76 = arith.constant 125 : i32
      %mul3A_77 = arith.muli %scan3A_75, %mul3A_76 : i32
      %add3A_78 = arith.constant 0 : i32
      %add3A_79 = arith.addi %add3A_78, %mul3A_77 : i32
      %mul3A_80 = arith.constant 625 : i32
      %mul3A_81 = arith.muli %arg1, %mul3A_80 : i32
      %add3A_82 = arith.addi %mul3A_81, %add3A_79 : i32
      "tpu.region"() ({
        %run_scoped3A = tpu.sem_alloc : memref<!tpu.dma_semaphore, #tpu.memory_space<semaphore_mem>>
        %dma_start3A_89 = arith.constant 0 : i32
        %dma_start3A_90 = tpu.memref_slice %arg11[%add3A_82, %dma_start3A_89] : memref<10000x128xf32, #tpu.memory_space<vmem_shared>> -> memref<125x128xf32, #tpu.memory_space<vmem_shared>>
        %dma_start3A_91 = arith.constant 0 : i32
        %dma_start3A_92 = tpu.memref_slice %arg11[%add3A_82, %dma_start3A_91] : memref<10000x128xf32, #tpu.memory_space<vmem_shared>> -> memref<125x128xf32, #tpu.memory_space<vmem_shared>>
        tpu.enqueue_dma source(%dma_start3A_92 : memref<125x128xf32, #tpu.memory_space<vmem_shared>>) target(%arg9 : memref<125x128xf32, #tpu.memory_space<vmem>>) target_semaphore(%run_scoped3A : memref<!tpu.dma_semaphore, #tpu.memory_space<semaphore_mem>>)
        %dma_wait3A = arith.constant 0 : i32
        %dma_wait3A_93 = tpu.memref_slice %arg11[%add3A_82, %dma_wait3A] : memref<10000x128xf32, #tpu.memory_space<vmem_shared>> -> memref<125x128xf32, #tpu.memory_space<vmem_shared>>
        %dma_wait3A_94 = arith.constant 0 : i32
        %dma_wait3A_95 = tpu.memref_slice %arg11[%add3A_82, %dma_wait3A_94] : memref<10000x128xf32, #tpu.memory_space<vmem_shared>> -> memref<125x128xf32, #tpu.memory_space<vmem_shared>>
        tpu.wait_dma2 semaphore(%run_scoped3A : memref<!tpu.dma_semaphore, #tpu.memory_space<semaphore_mem>>) src(%dma_wait3A_95 : memref<125x128xf32, #tpu.memory_space<vmem_shared>>) dst(%arg9 : memref<125x128xf32, #tpu.memory_space<vmem>>)
        tpu.yield
      }) : () -> ()
      %mul3A_83 = arith.constant 10000 : i32
      %mul3A_84 = arith.muli %arg0, %mul3A_83 : i32
      %add3A_85 = arith.addi %mul3A_84, %add3A_82 : i32
      "tpu.region"() ({
        %run_scoped3A = tpu.sem_alloc : memref<!tpu.dma_semaphore, #tpu.memory_space<semaphore_mem>>
        %dma_start3A_89 = arith.constant 0 : i32
        %dma_start3A_90 = tpu.memref_slice %arg4[%add3A_85, %dma_start3A_89] : memref<20000x128xf32, #tpu.memory_space<hbm>> -> memref<125x128xf32, #tpu.memory_space<hbm>>
        %dma_start3A_91 = arith.constant 0 : i32
        %dma_start3A_92 = tpu.memref_slice %arg4[%add3A_85, %dma_start3A_91] : memref<20000x128xf32, #tpu.memory_space<hbm>> -> memref<125x128xf32, #tpu.memory_space<hbm>>
        tpu.enqueue_dma source(%arg9 : memref<125x128xf32, #tpu.memory_space<vmem>>) target(%dma_start3A_92 : memref<125x128xf32, #tpu.memory_space<hbm>>) target_semaphore(%run_scoped3A : memref<!tpu.dma_semaphore, #tpu.memory_space<semaphore_mem>>)
        %dma_wait3A = arith.constant 0 : i32
        %dma_wait3A_93 = tpu.memref_slice %arg4[%add3A_85, %dma_wait3A] : memref<20000x128xf32, #tpu.memory_space<hbm>> -> memref<125x128xf32, #tpu.memory_space<hbm>>
        %dma_wait3A_94 = arith.constant 0 : i32
        %dma_wait3A_95 = tpu.memref_slice %arg4[%add3A_85, %dma_wait3A_94] : memref<20000x128xf32, #tpu.memory_space<hbm>> -> memref<125x128xf32, #tpu.memory_space<hbm>>
        tpu.wait_dma2 semaphore(%run_scoped3A : memref<!tpu.dma_semaphore, #tpu.memory_space<semaphore_mem>>) src(%arg9 : memref<125x128xf32, #tpu.memory_space<vmem>>) dst(%dma_wait3A_95 : memref<125x128xf32, #tpu.memory_space<hbm>>)
        tpu.yield
      }) : () -> ()
      "tpu.region"() ({
        %run_scoped3A = tpu.sem_alloc : memref<!tpu.dma_semaphore, #tpu.memory_space<semaphore_mem>>
        %dma_start3A_89 = arith.constant 0 : i32
        %dma_start3A_90 = tpu.memref_slice %arg12[%add3A_82, %dma_start3A_89] : memref<10000x16xf32, #tpu.memory_space<vmem_shared>> -> memref<125x16xf32, #tpu.memory_space<vmem_shared>>
        %dma_start3A_91 = arith.constant 0 : i32
        %dma_start3A_92 = tpu.memref_slice %arg12[%add3A_82, %dma_start3A_91] : memref<10000x16xf32, #tpu.memory_space<vmem_shared>> -> memref<125x16xf32, #tpu.memory_space<vmem_shared>>
        tpu.enqueue_dma source(%dma_start3A_92 : memref<125x16xf32, #tpu.memory_space<vmem_shared>>) target(%arg10 : memref<125x16xf32, #tpu.memory_space<vmem>>) target_semaphore(%run_scoped3A : memref<!tpu.dma_semaphore, #tpu.memory_space<semaphore_mem>>)
        %dma_wait3A = arith.constant 0 : i32
        %dma_wait3A_93 = tpu.memref_slice %arg12[%add3A_82, %dma_wait3A] : memref<10000x16xf32, #tpu.memory_space<vmem_shared>> -> memref<125x16xf32, #tpu.memory_space<vmem_shared>>
        %dma_wait3A_94 = arith.constant 0 : i32
        %dma_wait3A_95 = tpu.memref_slice %arg12[%add3A_82, %dma_wait3A_94] : memref<10000x16xf32, #tpu.memory_space<vmem_shared>> -> memref<125x16xf32, #tpu.memory_space<vmem_shared>>
        tpu.wait_dma2 semaphore(%run_scoped3A : memref<!tpu.dma_semaphore, #tpu.memory_space<semaphore_mem>>) src(%dma_wait3A_95 : memref<125x16xf32, #tpu.memory_space<vmem_shared>>) dst(%arg10 : memref<125x16xf32, #tpu.memory_space<vmem>>)
        tpu.yield
      }) : () -> ()
      %mul3A_86 = arith.constant 10000 : i32
      %mul3A_87 = arith.muli %arg0, %mul3A_86 : i32
      %add3A_88 = arith.addi %mul3A_87, %add3A_82 : i32
      "tpu.region"() ({
        %run_scoped3A = tpu.sem_alloc : memref<!tpu.dma_semaphore, #tpu.memory_space<semaphore_mem>>
        %dma_start3A_89 = arith.constant 0 : i32
        %dma_start3A_90 = tpu.memref_slice %arg5[%add3A_88, %dma_start3A_89] : memref<20000x16xf32, #tpu.memory_space<hbm>> -> memref<125x16xf32, #tpu.memory_space<hbm>>
        %dma_start3A_91 = arith.constant 0 : i32
        %dma_start3A_92 = tpu.memref_slice %arg5[%add3A_88, %dma_start3A_91] : memref<20000x16xf32, #tpu.memory_space<hbm>> -> memref<125x16xf32, #tpu.memory_space<hbm>>
        tpu.enqueue_dma source(%arg10 : memref<125x16xf32, #tpu.memory_space<vmem>>) target(%dma_start3A_92 : memref<125x16xf32, #tpu.memory_space<hbm>>) target_semaphore(%run_scoped3A : memref<!tpu.dma_semaphore, #tpu.memory_space<semaphore_mem>>)
        %dma_wait3A = arith.constant 0 : i32
        %dma_wait3A_93 = tpu.memref_slice %arg5[%add3A_88, %dma_wait3A] : memref<20000x16xf32, #tpu.memory_space<hbm>> -> memref<125x16xf32, #tpu.memory_space<hbm>>
        %dma_wait3A_94 = arith.constant 0 : i32
        %dma_wait3A_95 = tpu.memref_slice %arg5[%add3A_88, %dma_wait3A_94] : memref<20000x16xf32, #tpu.memory_space<hbm>> -> memref<125x16xf32, #tpu.memory_space<hbm>>
        tpu.wait_dma2 semaphore(%run_scoped3A : memref<!tpu.dma_semaphore, #tpu.memory_space<semaphore_mem>>) src(%arg10 : memref<125x16xf32, #tpu.memory_space<vmem>>) dst(%dma_wait3A_95 : memref<125x16xf32, #tpu.memory_space<hbm>>)
        tpu.yield
      }) : () -> ()
    }
    %scan3A_74 = arith.constant 5 : i32
    return
  }
}

#map = affine_map<(d0, d1) -> (0, 0)>
#map1 = affine_map<(d0, d1) -> (0)>
module attributes {stable_mosaic.version = 14 : i64} {
  func.func @gk(%arg0: i32, %arg1: i32, %arg2: memref<10000x80xi32, #tpu.memory_space<hbm>>, %arg3: memref<10000x80xi32, #tpu.memory_space<hbm>>, %arg4: memref<104960xi32, #tpu.memory_space<hbm>>, %arg5: memref<104960xi32, #tpu.memory_space<hbm>>, %arg6: memref<104960x128xi32, #tpu.memory_space<hbm>>, %arg7: memref<104960x128xi32, #tpu.memory_space<hbm>>, %arg8: memref<2x80xi32, #tpu.memory_space<vmem>>, %arg9: memref<2x80xi32, #tpu.memory_space<vmem>>, %arg10: memref<2x80x80xi32, #tpu.memory_space<vmem>>, %arg11: memref<2x80x80xi32, #tpu.memory_space<vmem>>, %arg12: memref<!tpu.dma_semaphore, #tpu.memory_space<semaphore_mem>>, %arg13: memref<!tpu.dma_semaphore, #tpu.memory_space<semaphore_mem>>, %arg14: memref<!tpu.dma_semaphore, #tpu.memory_space<semaphore_mem>>, %arg15: memref<!tpu.dma_semaphore, #tpu.memory_space<semaphore_mem>>, %arg16: memref<!tpu.dma_semaphore, #tpu.memory_space<semaphore_mem>>, %arg17: memref<!tpu.dma_semaphore, #tpu.memory_space<semaphore_mem>>) attributes {dimension_semantics = [#tpu.dimension_semantics<core_parallel>, #tpu.dimension_semantics<subcore_parallel>], iteration_bounds = array<i64: 2, 16>, scalar_prefetch = 0 : i64, scratch_operands = 10 : i64, tpu.core_type = #tpu.core_type<sc_vector_subcore>, window_params = [{transform_indices = #map}, {transform_indices = #map}, {transform_indices = #map1}, {transform_indices = #map1}, {transform_indices = #map}, {transform_indices = #map}]} {
    %mul3A = arith.constant 2 : i32
    %mul3A_0 = arith.muli %arg1, %mul3A : i32
    %add3A = arith.addi %mul3A_0, %arg0 : i32
    %mul3A_1 = arith.constant 3280 : i32
    %mul3A_2 = arith.muli %add3A, %mul3A_1 : i32
    %add3A_3 = arith.constant 0 : i32
    %add3A_4 = arith.addi %mul3A_2, %add3A_3 : i32
    %dma_start3A = arith.constant 0 : i32
    %dma_start3A_5 = arith.constant 0 : i32
    %dma_start3A_6 = tpu.memref_slice %arg8[%dma_start3A, %dma_start3A_5] : memref<2x80xi32, #tpu.memory_space<vmem>> -> memref<1x80xi32, #tpu.memory_space<vmem>>
    %dma_start3A_7 = tpu.memref_squeeze %dma_start3A_6 : memref<1x80xi32, #tpu.memory_space<vmem>> -> memref<80xi32, #tpu.memory_space<vmem>>
    %dma_start3A_8 = tpu.memref_slice %arg4[%add3A_4] : memref<104960xi32, #tpu.memory_space<hbm>> -> memref<80xi32, #tpu.memory_space<hbm>>
    %dma_start3A_9 = arith.constant 0 : i32
    %dma_start3A_10 = tpu.memref_slice %arg8[%dma_start3A, %dma_start3A_9] : memref<2x80xi32, #tpu.memory_space<vmem>> -> memref<1x80xi32, #tpu.memory_space<vmem>>
    %dma_start3A_11 = tpu.memref_squeeze %dma_start3A_10 : memref<1x80xi32, #tpu.memory_space<vmem>> -> memref<80xi32, #tpu.memory_space<vmem>>
    %dma_start3A_12 = tpu.memref_slice %arg4[%add3A_4] : memref<104960xi32, #tpu.memory_space<hbm>> -> memref<80xi32, #tpu.memory_space<hbm>>
    tpu.enqueue_dma source(%dma_start3A_12 : memref<80xi32, #tpu.memory_space<hbm>>) target(%dma_start3A_11 : memref<80xi32, #tpu.memory_space<vmem>>) target_semaphore(%arg12 : memref<!tpu.dma_semaphore, #tpu.memory_space<semaphore_mem>>)
    %dma_start3A_13 = arith.constant 0 : i32
    %dma_start3A_14 = arith.constant 0 : i32
    %dma_start3A_15 = tpu.memref_slice %arg9[%dma_start3A_13, %dma_start3A_14] : memref<2x80xi32, #tpu.memory_space<vmem>> -> memref<1x80xi32, #tpu.memory_space<vmem>>
    %dma_start3A_16 = tpu.memref_squeeze %dma_start3A_15 : memref<1x80xi32, #tpu.memory_space<vmem>> -> memref<80xi32, #tpu.memory_space<vmem>>
    %dma_start3A_17 = tpu.memref_slice %arg5[%add3A_4] : memref<104960xi32, #tpu.memory_space<hbm>> -> memref<80xi32, #tpu.memory_space<hbm>>
    %dma_start3A_18 = arith.constant 0 : i32
    %dma_start3A_19 = tpu.memref_slice %arg9[%dma_start3A_13, %dma_start3A_18] : memref<2x80xi32, #tpu.memory_space<vmem>> -> memref<1x80xi32, #tpu.memory_space<vmem>>
    %dma_start3A_20 = tpu.memref_squeeze %dma_start3A_19 : memref<1x80xi32, #tpu.memory_space<vmem>> -> memref<80xi32, #tpu.memory_space<vmem>>
    %dma_start3A_21 = tpu.memref_slice %arg5[%add3A_4] : memref<104960xi32, #tpu.memory_space<hbm>> -> memref<80xi32, #tpu.memory_space<hbm>>
    tpu.enqueue_dma source(%dma_start3A_21 : memref<80xi32, #tpu.memory_space<hbm>>) target(%dma_start3A_20 : memref<80xi32, #tpu.memory_space<vmem>>) target_semaphore(%arg12 : memref<!tpu.dma_semaphore, #tpu.memory_space<semaphore_mem>>)
    %add3A_22 = arith.constant 80 : i32
    %add3A_23 = arith.addi %mul3A_2, %add3A_22 : i32
    %dma_start3A_24 = arith.constant 1 : i32
    %dma_start3A_25 = arith.constant 0 : i32
    %dma_start3A_26 = tpu.memref_slice %arg8[%dma_start3A_24, %dma_start3A_25] : memref<2x80xi32, #tpu.memory_space<vmem>> -> memref<1x80xi32, #tpu.memory_space<vmem>>
    %dma_start3A_27 = tpu.memref_squeeze %dma_start3A_26 : memref<1x80xi32, #tpu.memory_space<vmem>> -> memref<80xi32, #tpu.memory_space<vmem>>
    %dma_start3A_28 = tpu.memref_slice %arg4[%add3A_23] : memref<104960xi32, #tpu.memory_space<hbm>> -> memref<80xi32, #tpu.memory_space<hbm>>
    %dma_start3A_29 = arith.constant 0 : i32
    %dma_start3A_30 = tpu.memref_slice %arg8[%dma_start3A_24, %dma_start3A_29] : memref<2x80xi32, #tpu.memory_space<vmem>> -> memref<1x80xi32, #tpu.memory_space<vmem>>
    %dma_start3A_31 = tpu.memref_squeeze %dma_start3A_30 : memref<1x80xi32, #tpu.memory_space<vmem>> -> memref<80xi32, #tpu.memory_space<vmem>>
    %dma_start3A_32 = tpu.memref_slice %arg4[%add3A_23] : memref<104960xi32, #tpu.memory_space<hbm>> -> memref<80xi32, #tpu.memory_space<hbm>>
    tpu.enqueue_dma source(%dma_start3A_32 : memref<80xi32, #tpu.memory_space<hbm>>) target(%dma_start3A_31 : memref<80xi32, #tpu.memory_space<vmem>>) target_semaphore(%arg13 : memref<!tpu.dma_semaphore, #tpu.memory_space<semaphore_mem>>)
    %dma_start3A_33 = arith.constant 1 : i32
    %dma_start3A_34 = arith.constant 0 : i32
    %dma_start3A_35 = tpu.memref_slice %arg9[%dma_start3A_33, %dma_start3A_34] : memref<2x80xi32, #tpu.memory_space<vmem>> -> memref<1x80xi32, #tpu.memory_space<vmem>>
    %dma_start3A_36 = tpu.memref_squeeze %dma_start3A_35 : memref<1x80xi32, #tpu.memory_space<vmem>> -> memref<80xi32, #tpu.memory_space<vmem>>
    %dma_start3A_37 = tpu.memref_slice %arg5[%add3A_23] : memref<104960xi32, #tpu.memory_space<hbm>> -> memref<80xi32, #tpu.memory_space<hbm>>
    %dma_start3A_38 = arith.constant 0 : i32
    %dma_start3A_39 = tpu.memref_slice %arg9[%dma_start3A_33, %dma_start3A_38] : memref<2x80xi32, #tpu.memory_space<vmem>> -> memref<1x80xi32, #tpu.memory_space<vmem>>
    %dma_start3A_40 = tpu.memref_squeeze %dma_start3A_39 : memref<1x80xi32, #tpu.memory_space<vmem>> -> memref<80xi32, #tpu.memory_space<vmem>>
    %dma_start3A_41 = tpu.memref_slice %arg5[%add3A_23] : memref<104960xi32, #tpu.memory_space<hbm>> -> memref<80xi32, #tpu.memory_space<hbm>>
    tpu.enqueue_dma source(%dma_start3A_41 : memref<80xi32, #tpu.memory_space<hbm>>) target(%dma_start3A_40 : memref<80xi32, #tpu.memory_space<vmem>>) target_semaphore(%arg13 : memref<!tpu.dma_semaphore, #tpu.memory_space<semaphore_mem>>)
    %add3A_42 = arith.constant 0 : i32
    %add3A_43 = arith.addi %mul3A_2, %add3A_42 : i32
    %dma_wait3A = arith.constant 0 : i32
    %dma_wait3A_44 = arith.constant 0 : i32
    %dma_wait3A_45 = tpu.memref_slice %arg8[%dma_wait3A, %dma_wait3A_44] : memref<2x80xi32, #tpu.memory_space<vmem>> -> memref<1x80xi32, #tpu.memory_space<vmem>>
    %dma_wait3A_46 = tpu.memref_squeeze %dma_wait3A_45 : memref<1x80xi32, #tpu.memory_space<vmem>> -> memref<80xi32, #tpu.memory_space<vmem>>
    %dma_wait3A_47 = tpu.memref_slice %arg4[%add3A_43] : memref<104960xi32, #tpu.memory_space<hbm>> -> memref<80xi32, #tpu.memory_space<hbm>>
    %dma_wait3A_48 = arith.constant 0 : i32
    %dma_wait3A_49 = tpu.memref_slice %arg8[%dma_wait3A, %dma_wait3A_48] : memref<2x80xi32, #tpu.memory_space<vmem>> -> memref<1x80xi32, #tpu.memory_space<vmem>>
    %dma_wait3A_50 = tpu.memref_squeeze %dma_wait3A_49 : memref<1x80xi32, #tpu.memory_space<vmem>> -> memref<80xi32, #tpu.memory_space<vmem>>
    %dma_wait3A_51 = tpu.memref_slice %arg4[%add3A_43] : memref<104960xi32, #tpu.memory_space<hbm>> -> memref<80xi32, #tpu.memory_space<hbm>>
    tpu.wait_dma2 semaphore(%arg12 : memref<!tpu.dma_semaphore, #tpu.memory_space<semaphore_mem>>) src(%dma_wait3A_51 : memref<80xi32, #tpu.memory_space<hbm>>) dst(%dma_wait3A_50 : memref<80xi32, #tpu.memory_space<vmem>>)
    %dma_wait3A_52 = arith.constant 0 : i32
    %dma_wait3A_53 = arith.constant 0 : i32
    %dma_wait3A_54 = tpu.memref_slice %arg9[%dma_wait3A_52, %dma_wait3A_53] : memref<2x80xi32, #tpu.memory_space<vmem>> -> memref<1x80xi32, #tpu.memory_space<vmem>>
    %dma_wait3A_55 = tpu.memref_squeeze %dma_wait3A_54 : memref<1x80xi32, #tpu.memory_space<vmem>> -> memref<80xi32, #tpu.memory_space<vmem>>
    %dma_wait3A_56 = tpu.memref_slice %arg5[%add3A_43] : memref<104960xi32, #tpu.memory_space<hbm>> -> memref<80xi32, #tpu.memory_space<hbm>>
    %dma_wait3A_57 = arith.constant 0 : i32
    %dma_wait3A_58 = tpu.memref_slice %arg9[%dma_wait3A_52, %dma_wait3A_57] : memref<2x80xi32, #tpu.memory_space<vmem>> -> memref<1x80xi32, #tpu.memory_space<vmem>>
    %dma_wait3A_59 = tpu.memref_squeeze %dma_wait3A_58 : memref<1x80xi32, #tpu.memory_space<vmem>> -> memref<80xi32, #tpu.memory_space<vmem>>
    %dma_wait3A_60 = tpu.memref_slice %arg5[%add3A_43] : memref<104960xi32, #tpu.memory_space<hbm>> -> memref<80xi32, #tpu.memory_space<hbm>>
    tpu.wait_dma2 semaphore(%arg12 : memref<!tpu.dma_semaphore, #tpu.memory_space<semaphore_mem>>) src(%dma_wait3A_60 : memref<80xi32, #tpu.memory_space<hbm>>) dst(%dma_wait3A_59 : memref<80xi32, #tpu.memory_space<vmem>>)
    %dma_start3A_61 = arith.constant 0 : i32
    %dma_start3A_62 = arith.constant 0 : i32
    %dma_start3A_63 = arith.constant 0 : i32
    %dma_start3A_64 = arith.constant 0 : i32
    %dma_start3A_65 = tpu.memref_slice %arg10[%dma_start3A_62, %dma_start3A_63, %dma_start3A_64] : memref<2x80x80xi32, #tpu.memory_space<vmem>> -> memref<1x80x80xi32, #tpu.memory_space<vmem>>
    %dma_start3A_66 = tpu.memref_squeeze %dma_start3A_65 : memref<1x80x80xi32, #tpu.memory_space<vmem>> -> memref<80x80xi32, #tpu.memory_space<vmem>>
    %dma_start3A_67 = arith.constant 0 : i32
    %dma_start3A_68 = tpu.memref_slice %arg8[%dma_start3A_61, %dma_start3A_67] : memref<2x80xi32, #tpu.memory_space<vmem>> -> memref<1x80xi32, #tpu.memory_space<vmem>>
    %dma_start3A_69 = tpu.memref_squeeze %dma_start3A_68 : memref<1x80xi32, #tpu.memory_space<vmem>> -> memref<80xi32, #tpu.memory_space<vmem>>
    %dma_start3A_70 = arith.constant 0 : i32
    %dma_start3A_71 = arith.constant 0 : i32
    %dma_start3A_72 = tpu.memref_slice %arg2[%dma_start3A_70, %dma_start3A_71] : memref<10000x80xi32, #tpu.memory_space<hbm>> -> memref<10000x80xi32, #tpu.memory_space<hbm>>
    tpu.enqueue_indirect_dma source(%dma_start3A_72 : memref<10000x80xi32, #tpu.memory_space<hbm>>) target(%dma_start3A_66 : memref<80x80xi32, #tpu.memory_space<vmem>>) offsets(%dma_start3A_69 : memref<80xi32, #tpu.memory_space<vmem>>) semaphore(%arg14 : memref<!tpu.dma_semaphore, #tpu.memory_space<semaphore_mem>>)
    %dma_start3A_73 = arith.constant 0 : i32
    %dma_start3A_74 = arith.constant 0 : i32
    %dma_start3A_75 = arith.constant 0 : i32
    %dma_start3A_76 = arith.constant 0 : i32
    %dma_start3A_77 = tpu.memref_slice %arg11[%dma_start3A_74, %dma_start3A_75, %dma_start3A_76] : memref<2x80x80xi32, #tpu.memory_space<vmem>> -> memref<1x80x80xi32, #tpu.memory_space<vmem>>
    %dma_start3A_78 = tpu.memref_squeeze %dma_start3A_77 : memref<1x80x80xi32, #tpu.memory_space<vmem>> -> memref<80x80xi32, #tpu.memory_space<vmem>>
    %dma_start3A_79 = arith.constant 0 : i32
    %dma_start3A_80 = tpu.memref_slice %arg9[%dma_start3A_73, %dma_start3A_79] : memref<2x80xi32, #tpu.memory_space<vmem>> -> memref<1x80xi32, #tpu.memory_space<vmem>>
    %dma_start3A_81 = tpu.memref_squeeze %dma_start3A_80 : memref<1x80xi32, #tpu.memory_space<vmem>> -> memref<80xi32, #tpu.memory_space<vmem>>
    %dma_start3A_82 = arith.constant 0 : i32
    %dma_start3A_83 = arith.constant 0 : i32
    %dma_start3A_84 = tpu.memref_slice %arg3[%dma_start3A_82, %dma_start3A_83] : memref<10000x80xi32, #tpu.memory_space<hbm>> -> memref<10000x80xi32, #tpu.memory_space<hbm>>
    tpu.enqueue_indirect_dma source(%dma_start3A_84 : memref<10000x80xi32, #tpu.memory_space<hbm>>) target(%dma_start3A_78 : memref<80x80xi32, #tpu.memory_space<vmem>>) offsets(%dma_start3A_81 : memref<80xi32, #tpu.memory_space<vmem>>) semaphore(%arg14 : memref<!tpu.dma_semaphore, #tpu.memory_space<semaphore_mem>>)
    %add3A_85 = arith.constant 80 : i32
    %add3A_86 = arith.addi %mul3A_2, %add3A_85 : i32
    %dma_wait3A_87 = arith.constant 1 : i32
    %dma_wait3A_88 = arith.constant 0 : i32
    %dma_wait3A_89 = tpu.memref_slice %arg8[%dma_wait3A_87, %dma_wait3A_88] : memref<2x80xi32, #tpu.memory_space<vmem>> -> memref<1x80xi32, #tpu.memory_space<vmem>>
    %dma_wait3A_90 = tpu.memref_squeeze %dma_wait3A_89 : memref<1x80xi32, #tpu.memory_space<vmem>> -> memref<80xi32, #tpu.memory_space<vmem>>
    %dma_wait3A_91 = tpu.memref_slice %arg4[%add3A_86] : memref<104960xi32, #tpu.memory_space<hbm>> -> memref<80xi32, #tpu.memory_space<hbm>>
    %dma_wait3A_92 = arith.constant 0 : i32
    %dma_wait3A_93 = tpu.memref_slice %arg8[%dma_wait3A_87, %dma_wait3A_92] : memref<2x80xi32, #tpu.memory_space<vmem>> -> memref<1x80xi32, #tpu.memory_space<vmem>>
    %dma_wait3A_94 = tpu.memref_squeeze %dma_wait3A_93 : memref<1x80xi32, #tpu.memory_space<vmem>> -> memref<80xi32, #tpu.memory_space<vmem>>
    %dma_wait3A_95 = tpu.memref_slice %arg4[%add3A_86] : memref<104960xi32, #tpu.memory_space<hbm>> -> memref<80xi32, #tpu.memory_space<hbm>>
    tpu.wait_dma2 semaphore(%arg13 : memref<!tpu.dma_semaphore, #tpu.memory_space<semaphore_mem>>) src(%dma_wait3A_95 : memref<80xi32, #tpu.memory_space<hbm>>) dst(%dma_wait3A_94 : memref<80xi32, #tpu.memory_space<vmem>>)
    %dma_wait3A_96 = arith.constant 1 : i32
    %dma_wait3A_97 = arith.constant 0 : i32
    %dma_wait3A_98 = tpu.memref_slice %arg9[%dma_wait3A_96, %dma_wait3A_97] : memref<2x80xi32, #tpu.memory_space<vmem>> -> memref<1x80xi32, #tpu.memory_space<vmem>>
    %dma_wait3A_99 = tpu.memref_squeeze %dma_wait3A_98 : memref<1x80xi32, #tpu.memory_space<vmem>> -> memref<80xi32, #tpu.memory_space<vmem>>
    %dma_wait3A_100 = tpu.memref_slice %arg5[%add3A_86] : memref<104960xi32, #tpu.memory_space<hbm>> -> memref<80xi32, #tpu.memory_space<hbm>>
    %dma_wait3A_101 = arith.constant 0 : i32
    %dma_wait3A_102 = tpu.memref_slice %arg9[%dma_wait3A_96, %dma_wait3A_101] : memref<2x80xi32, #tpu.memory_space<vmem>> -> memref<1x80xi32, #tpu.memory_space<vmem>>
    %dma_wait3A_103 = tpu.memref_squeeze %dma_wait3A_102 : memref<1x80xi32, #tpu.memory_space<vmem>> -> memref<80xi32, #tpu.memory_space<vmem>>
    %dma_wait3A_104 = tpu.memref_slice %arg5[%add3A_86] : memref<104960xi32, #tpu.memory_space<hbm>> -> memref<80xi32, #tpu.memory_space<hbm>>
    tpu.wait_dma2 semaphore(%arg13 : memref<!tpu.dma_semaphore, #tpu.memory_space<semaphore_mem>>) src(%dma_wait3A_104 : memref<80xi32, #tpu.memory_space<hbm>>) dst(%dma_wait3A_103 : memref<80xi32, #tpu.memory_space<vmem>>)
    %dma_start3A_105 = arith.constant 1 : i32
    %dma_start3A_106 = arith.constant 1 : i32
    %dma_start3A_107 = arith.constant 0 : i32
    %dma_start3A_108 = arith.constant 0 : i32
    %dma_start3A_109 = tpu.memref_slice %arg10[%dma_start3A_106, %dma_start3A_107, %dma_start3A_108] : memref<2x80x80xi32, #tpu.memory_space<vmem>> -> memref<1x80x80xi32, #tpu.memory_space<vmem>>
    %dma_start3A_110 = tpu.memref_squeeze %dma_start3A_109 : memref<1x80x80xi32, #tpu.memory_space<vmem>> -> memref<80x80xi32, #tpu.memory_space<vmem>>
    %dma_start3A_111 = arith.constant 0 : i32
    %dma_start3A_112 = tpu.memref_slice %arg8[%dma_start3A_105, %dma_start3A_111] : memref<2x80xi32, #tpu.memory_space<vmem>> -> memref<1x80xi32, #tpu.memory_space<vmem>>
    %dma_start3A_113 = tpu.memref_squeeze %dma_start3A_112 : memref<1x80xi32, #tpu.memory_space<vmem>> -> memref<80xi32, #tpu.memory_space<vmem>>
    %dma_start3A_114 = arith.constant 0 : i32
    %dma_start3A_115 = arith.constant 0 : i32
    %dma_start3A_116 = tpu.memref_slice %arg2[%dma_start3A_114, %dma_start3A_115] : memref<10000x80xi32, #tpu.memory_space<hbm>> -> memref<10000x80xi32, #tpu.memory_space<hbm>>
    tpu.enqueue_indirect_dma source(%dma_start3A_116 : memref<10000x80xi32, #tpu.memory_space<hbm>>) target(%dma_start3A_110 : memref<80x80xi32, #tpu.memory_space<vmem>>) offsets(%dma_start3A_113 : memref<80xi32, #tpu.memory_space<vmem>>) semaphore(%arg15 : memref<!tpu.dma_semaphore, #tpu.memory_space<semaphore_mem>>)
    %dma_start3A_117 = arith.constant 1 : i32
    %dma_start3A_118 = arith.constant 1 : i32
    %dma_start3A_119 = arith.constant 0 : i32
    %dma_start3A_120 = arith.constant 0 : i32
    %dma_start3A_121 = tpu.memref_slice %arg11[%dma_start3A_118, %dma_start3A_119, %dma_start3A_120] : memref<2x80x80xi32, #tpu.memory_space<vmem>> -> memref<1x80x80xi32, #tpu.memory_space<vmem>>
    %dma_start3A_122 = tpu.memref_squeeze %dma_start3A_121 : memref<1x80x80xi32, #tpu.memory_space<vmem>> -> memref<80x80xi32, #tpu.memory_space<vmem>>
    %dma_start3A_123 = arith.constant 0 : i32
    %dma_start3A_124 = tpu.memref_slice %arg9[%dma_start3A_117, %dma_start3A_123] : memref<2x80xi32, #tpu.memory_space<vmem>> -> memref<1x80xi32, #tpu.memory_space<vmem>>
    %dma_start3A_125 = tpu.memref_squeeze %dma_start3A_124 : memref<1x80xi32, #tpu.memory_space<vmem>> -> memref<80xi32, #tpu.memory_space<vmem>>
    %dma_start3A_126 = arith.constant 0 : i32
    %dma_start3A_127 = arith.constant 0 : i32
    %dma_start3A_128 = tpu.memref_slice %arg3[%dma_start3A_126, %dma_start3A_127] : memref<10000x80xi32, #tpu.memory_space<hbm>> -> memref<10000x80xi32, #tpu.memory_space<hbm>>
    tpu.enqueue_indirect_dma source(%dma_start3A_128 : memref<10000x80xi32, #tpu.memory_space<hbm>>) target(%dma_start3A_122 : memref<80x80xi32, #tpu.memory_space<vmem>>) offsets(%dma_start3A_125 : memref<80xi32, #tpu.memory_space<vmem>>) semaphore(%arg15 : memref<!tpu.dma_semaphore, #tpu.memory_space<semaphore_mem>>)
    %scan3A = arith.constant 0 : i32
    %scan3A_129 = arith.constant 21 : i32
    %scan3A_130 = arith.addi %scan3A, %scan3A_129 : i32
    %scan3A_131 = arith.constant 1 : i32
    scf.for %scan3A_189 = %scan3A to %scan3A_130 step %scan3A_131  : i32 {
      %mul3A_190 = arith.constant 1 : i32
      %mul3A_191 = arith.muli %scan3A_189, %mul3A_190 : i32
      %add3A_192 = arith.constant 0 : i32
      %add3A_193 = arith.addi %add3A_192, %mul3A_191 : i32
      %mul3A_194 = arith.constant 2 : i32
      %mul3A_195 = arith.muli %mul3A_194, %add3A_193 : i32
      %add3A_196 = arith.constant 0 : i32
      %add3A_197 = arith.addi %mul3A_195, %add3A_196 : i32
      %lt3A = arith.constant 41 : i32
      %lt3A_198 = arith.cmpi slt, %add3A_197, %lt3A : i32
      %convert_element_type3A = arith.extui %lt3A_198 : i1 to i32
      %cond3A = arith.constant 0 : i32
      %cond3A_199 = arith.cmpi ne, %convert_element_type3A, %cond3A : i32
      scf.if %cond3A_199 {
        %dma_wait3A_209 = arith.constant 0 : i32
        %dma_wait3A_210 = arith.constant 0 : i32
        %dma_wait3A_211 = arith.constant 0 : i32
        %dma_wait3A_212 = arith.constant 0 : i32
        %dma_wait3A_213 = tpu.memref_slice %arg10[%dma_wait3A_210, %dma_wait3A_211, %dma_wait3A_212] : memref<2x80x80xi32, #tpu.memory_space<vmem>> -> memref<1x80x80xi32, #tpu.memory_space<vmem>>
        %dma_wait3A_214 = tpu.memref_squeeze %dma_wait3A_213 : memref<1x80x80xi32, #tpu.memory_space<vmem>> -> memref<80x80xi32, #tpu.memory_space<vmem>>
        %dma_wait3A_215 = arith.constant 0 : i32
        %dma_wait3A_216 = tpu.memref_slice %arg8[%dma_wait3A_209, %dma_wait3A_215] : memref<2x80xi32, #tpu.memory_space<vmem>> -> memref<1x80xi32, #tpu.memory_space<vmem>>
        %dma_wait3A_217 = tpu.memref_squeeze %dma_wait3A_216 : memref<1x80xi32, #tpu.memory_space<vmem>> -> memref<80xi32, #tpu.memory_space<vmem>>
        %dma_wait3A_218 = arith.constant 0 : i32
        %dma_wait3A_219 = arith.constant 0 : i32
        %dma_wait3A_220 = tpu.memref_slice %arg2[%dma_wait3A_218, %dma_wait3A_219] : memref<10000x80xi32, #tpu.memory_space<hbm>> -> memref<10000x80xi32, #tpu.memory_space<hbm>>
        tpu.wait_indirect_dma semaphore(%arg14 : memref<!tpu.dma_semaphore, #tpu.memory_space<semaphore_mem>>) src(%dma_wait3A_220 : memref<10000x80xi32, #tpu.memory_space<hbm>>) dst(%dma_wait3A_214 : memref<80x80xi32, #tpu.memory_space<vmem>>)
        %dma_wait3A_221 = arith.constant 0 : i32
        %dma_wait3A_222 = arith.constant 0 : i32
        %dma_wait3A_223 = arith.constant 0 : i32
        %dma_wait3A_224 = arith.constant 0 : i32
        %dma_wait3A_225 = tpu.memref_slice %arg11[%dma_wait3A_222, %dma_wait3A_223, %dma_wait3A_224] : memref<2x80x80xi32, #tpu.memory_space<vmem>> -> memref<1x80x80xi32, #tpu.memory_space<vmem>>
        %dma_wait3A_226 = tpu.memref_squeeze %dma_wait3A_225 : memref<1x80x80xi32, #tpu.memory_space<vmem>> -> memref<80x80xi32, #tpu.memory_space<vmem>>
        %dma_wait3A_227 = arith.constant 0 : i32
        %dma_wait3A_228 = tpu.memref_slice %arg9[%dma_wait3A_221, %dma_wait3A_227] : memref<2x80xi32, #tpu.memory_space<vmem>> -> memref<1x80xi32, #tpu.memory_space<vmem>>
        %dma_wait3A_229 = tpu.memref_squeeze %dma_wait3A_228 : memref<1x80xi32, #tpu.memory_space<vmem>> -> memref<80xi32, #tpu.memory_space<vmem>>
        %dma_wait3A_230 = arith.constant 0 : i32
        %dma_wait3A_231 = arith.constant 0 : i32
        %dma_wait3A_232 = tpu.memref_slice %arg3[%dma_wait3A_230, %dma_wait3A_231] : memref<10000x80xi32, #tpu.memory_space<hbm>> -> memref<10000x80xi32, #tpu.memory_space<hbm>>
        tpu.wait_indirect_dma semaphore(%arg14 : memref<!tpu.dma_semaphore, #tpu.memory_space<semaphore_mem>>) src(%dma_wait3A_232 : memref<10000x80xi32, #tpu.memory_space<hbm>>) dst(%dma_wait3A_226 : memref<80x80xi32, #tpu.memory_space<vmem>>)
        %mul3A_233 = arith.constant 80 : i32
        %mul3A_234 = arith.muli %add3A_197, %mul3A_233 : i32
        %add3A_235 = arith.addi %mul3A_2, %mul3A_234 : i32
        %dma_start3A_236 = arith.constant 0 : i32
        %dma_start3A_237 = arith.constant 0 : i32
        %dma_start3A_238 = arith.constant 0 : i32
        %dma_start3A_239 = tpu.memref_slice %arg10[%dma_start3A_236, %dma_start3A_237, %dma_start3A_238] : memref<2x80x80xi32, #tpu.memory_space<vmem>> -> memref<1x80x80xi32, #tpu.memory_space<vmem>>
        %dma_start3A_240 = tpu.memref_squeeze %dma_start3A_239 : memref<1x80x80xi32, #tpu.memory_space<vmem>> -> memref<80x80xi32, #tpu.memory_space<vmem>>
        %dma_start3A_241 = arith.constant 0 : i32
        %dma_start3A_242 = tpu.memref_slice %arg6[%add3A_235, %dma_start3A_241] : memref<104960x128xi32, #tpu.memory_space<hbm>> -> memref<80x80xi32, #tpu.memory_space<hbm>>
        %dma_start3A_243 = arith.constant 0 : i32
        %dma_start3A_244 = tpu.memref_slice %arg6[%add3A_235, %dma_start3A_243] : memref<104960x128xi32, #tpu.memory_space<hbm>> -> memref<80x80xi32, #tpu.memory_space<hbm>>
        %dma_start3A_245 = arith.constant 0 : i32
        %dma_start3A_246 = arith.constant 0 : i32
        %dma_start3A_247 = tpu.memref_slice %arg10[%dma_start3A_236, %dma_start3A_245, %dma_start3A_246] : memref<2x80x80xi32, #tpu.memory_space<vmem>> -> memref<1x80x80xi32, #tpu.memory_space<vmem>>
        %dma_start3A_248 = tpu.memref_squeeze %dma_start3A_247 : memref<1x80x80xi32, #tpu.memory_space<vmem>> -> memref<80x80xi32, #tpu.memory_space<vmem>>
        tpu.enqueue_dma source(%dma_start3A_248 : memref<80x80xi32, #tpu.memory_space<vmem>>) target(%dma_start3A_244 : memref<80x80xi32, #tpu.memory_space<hbm>>) target_semaphore(%arg16 : memref<!tpu.dma_semaphore, #tpu.memory_space<semaphore_mem>>)
        %dma_start3A_249 = arith.constant 0 : i32
        %dma_start3A_250 = arith.constant 0 : i32
        %dma_start3A_251 = arith.constant 0 : i32
        %dma_start3A_252 = tpu.memref_slice %arg11[%dma_start3A_249, %dma_start3A_250, %dma_start3A_251] : memref<2x80x80xi32, #tpu.memory_space<vmem>> -> memref<1x80x80xi32, #tpu.memory_space<vmem>>
        %dma_start3A_253 = tpu.memref_squeeze %dma_start3A_252 : memref<1x80x80xi32, #tpu.memory_space<vmem>> -> memref<80x80xi32, #tpu.memory_space<vmem>>
        %dma_start3A_254 = arith.constant 0 : i32
        %dma_start3A_255 = tpu.memref_slice %arg7[%add3A_235, %dma_start3A_254] : memref<104960x128xi32, #tpu.memory_space<hbm>> -> memref<80x80xi32, #tpu.memory_space<hbm>>
        %dma_start3A_256 = arith.constant 0 : i32
        %dma_start3A_257 = tpu.memref_slice %arg7[%add3A_235, %dma_start3A_256] : memref<104960x128xi32, #tpu.memory_space<hbm>> -> memref<80x80xi32, #tpu.memory_space<hbm>>
        %dma_start3A_258 = arith.constant 0 : i32
        %dma_start3A_259 = arith.constant 0 : i32
        %dma_start3A_260 = tpu.memref_slice %arg11[%dma_start3A_249, %dma_start3A_258, %dma_start3A_259] : memref<2x80x80xi32, #tpu.memory_space<vmem>> -> memref<1x80x80xi32, #tpu.memory_space<vmem>>
        %dma_start3A_261 = tpu.memref_squeeze %dma_start3A_260 : memref<1x80x80xi32, #tpu.memory_space<vmem>> -> memref<80x80xi32, #tpu.memory_space<vmem>>
        tpu.enqueue_dma source(%dma_start3A_261 : memref<80x80xi32, #tpu.memory_space<vmem>>) target(%dma_start3A_257 : memref<80x80xi32, #tpu.memory_space<hbm>>) target_semaphore(%arg16 : memref<!tpu.dma_semaphore, #tpu.memory_space<semaphore_mem>>)
        %add3A_262 = arith.constant 2 : i32
        %add3A_263 = arith.addi %add3A_197, %add3A_262 : i32
        %lt3A_264 = arith.constant 41 : i32
        %lt3A_265 = arith.cmpi slt, %add3A_263, %lt3A_264 : i32
        %convert_element_type3A_266 = arith.extui %lt3A_265 : i1 to i32
        %cond3A_267 = arith.constant 0 : i32
        %cond3A_268 = arith.cmpi ne, %convert_element_type3A_266, %cond3A_267 : i32
        scf.if %cond3A_268 {
          %add3A_269 = arith.constant 2 : i32
          %add3A_270 = arith.addi %add3A_197, %add3A_269 : i32
          %mul3A_271 = arith.constant 80 : i32
          %mul3A_272 = arith.muli %add3A_270, %mul3A_271 : i32
          %add3A_273 = arith.addi %mul3A_2, %mul3A_272 : i32
          %dma_start3A_274 = arith.constant 0 : i32
          %dma_start3A_275 = arith.constant 0 : i32
          %dma_start3A_276 = tpu.memref_slice %arg8[%dma_start3A_274, %dma_start3A_275] : memref<2x80xi32, #tpu.memory_space<vmem>> -> memref<1x80xi32, #tpu.memory_space<vmem>>
          %dma_start3A_277 = tpu.memref_squeeze %dma_start3A_276 : memref<1x80xi32, #tpu.memory_space<vmem>> -> memref<80xi32, #tpu.memory_space<vmem>>
          %dma_start3A_278 = tpu.memref_slice %arg4[%add3A_273] : memref<104960xi32, #tpu.memory_space<hbm>> -> memref<80xi32, #tpu.memory_space<hbm>>
          %dma_start3A_279 = arith.constant 0 : i32
          %dma_start3A_280 = tpu.memref_slice %arg8[%dma_start3A_274, %dma_start3A_279] : memref<2x80xi32, #tpu.memory_space<vmem>> -> memref<1x80xi32, #tpu.memory_space<vmem>>
          %dma_start3A_281 = tpu.memref_squeeze %dma_start3A_280 : memref<1x80xi32, #tpu.memory_space<vmem>> -> memref<80xi32, #tpu.memory_space<vmem>>
          %dma_start3A_282 = tpu.memref_slice %arg4[%add3A_273] : memref<104960xi32, #tpu.memory_space<hbm>> -> memref<80xi32, #tpu.memory_space<hbm>>
          tpu.enqueue_dma source(%dma_start3A_282 : memref<80xi32, #tpu.memory_space<hbm>>) target(%dma_start3A_281 : memref<80xi32, #tpu.memory_space<vmem>>) target_semaphore(%arg12 : memref<!tpu.dma_semaphore, #tpu.memory_space<semaphore_mem>>)
          %dma_start3A_283 = arith.constant 0 : i32
          %dma_start3A_284 = arith.constant 0 : i32
          %dma_start3A_285 = tpu.memref_slice %arg9[%dma_start3A_283, %dma_start3A_284] : memref<2x80xi32, #tpu.memory_space<vmem>> -> memref<1x80xi32, #tpu.memory_space<vmem>>
          %dma_start3A_286 = tpu.memref_squeeze %dma_start3A_285 : memref<1x80xi32, #tpu.memory_space<vmem>> -> memref<80xi32, #tpu.memory_space<vmem>>
          %dma_start3A_287 = tpu.memref_slice %arg5[%add3A_273] : memref<104960xi32, #tpu.memory_space<hbm>> -> memref<80xi32, #tpu.memory_space<hbm>>
          %dma_start3A_288 = arith.constant 0 : i32
          %dma_start3A_289 = tpu.memref_slice %arg9[%dma_start3A_283, %dma_start3A_288] : memref<2x80xi32, #tpu.memory_space<vmem>> -> memref<1x80xi32, #tpu.memory_space<vmem>>
          %dma_start3A_290 = tpu.memref_squeeze %dma_start3A_289 : memref<1x80xi32, #tpu.memory_space<vmem>> -> memref<80xi32, #tpu.memory_space<vmem>>
          %dma_start3A_291 = tpu.memref_slice %arg5[%add3A_273] : memref<104960xi32, #tpu.memory_space<hbm>> -> memref<80xi32, #tpu.memory_space<hbm>>
          tpu.enqueue_dma source(%dma_start3A_291 : memref<80xi32, #tpu.memory_space<hbm>>) target(%dma_start3A_290 : memref<80xi32, #tpu.memory_space<vmem>>) target_semaphore(%arg12 : memref<!tpu.dma_semaphore, #tpu.memory_space<semaphore_mem>>)
          %mul3A_292 = arith.constant 80 : i32
          %mul3A_293 = arith.muli %add3A_197, %mul3A_292 : i32
          %add3A_294 = arith.addi %mul3A_2, %mul3A_293 : i32
          %dma_wait3A_295 = arith.constant 0 : i32
          %dma_wait3A_296 = arith.constant 0 : i32
          %dma_wait3A_297 = arith.constant 0 : i32
          %dma_wait3A_298 = tpu.memref_slice %arg10[%dma_wait3A_295, %dma_wait3A_296, %dma_wait3A_297] : memref<2x80x80xi32, #tpu.memory_space<vmem>> -> memref<1x80x80xi32, #tpu.memory_space<vmem>>
          %dma_wait3A_299 = tpu.memref_squeeze %dma_wait3A_298 : memref<1x80x80xi32, #tpu.memory_space<vmem>> -> memref<80x80xi32, #tpu.memory_space<vmem>>
          %dma_wait3A_300 = arith.constant 0 : i32
          %dma_wait3A_301 = tpu.memref_slice %arg6[%add3A_294, %dma_wait3A_300] : memref<104960x128xi32, #tpu.memory_space<hbm>> -> memref<80x80xi32, #tpu.memory_space<hbm>>
          %dma_wait3A_302 = arith.constant 0 : i32
          %dma_wait3A_303 = tpu.memref_slice %arg6[%add3A_294, %dma_wait3A_302] : memref<104960x128xi32, #tpu.memory_space<hbm>> -> memref<80x80xi32, #tpu.memory_space<hbm>>
          %dma_wait3A_304 = arith.constant 0 : i32
          %dma_wait3A_305 = arith.constant 0 : i32
          %dma_wait3A_306 = tpu.memref_slice %arg10[%dma_wait3A_295, %dma_wait3A_304, %dma_wait3A_305] : memref<2x80x80xi32, #tpu.memory_space<vmem>> -> memref<1x80x80xi32, #tpu.memory_space<vmem>>
          %dma_wait3A_307 = tpu.memref_squeeze %dma_wait3A_306 : memref<1x80x80xi32, #tpu.memory_space<vmem>> -> memref<80x80xi32, #tpu.memory_space<vmem>>
          tpu.wait_dma2 semaphore(%arg16 : memref<!tpu.dma_semaphore, #tpu.memory_space<semaphore_mem>>) src(%dma_wait3A_307 : memref<80x80xi32, #tpu.memory_space<vmem>>) dst(%dma_wait3A_303 : memref<80x80xi32, #tpu.memory_space<hbm>>)
          %dma_wait3A_308 = arith.constant 0 : i32
          %dma_wait3A_309 = arith.constant 0 : i32
          %dma_wait3A_310 = arith.constant 0 : i32
          %dma_wait3A_311 = tpu.memref_slice %arg11[%dma_wait3A_308, %dma_wait3A_309, %dma_wait3A_310] : memref<2x80x80xi32, #tpu.memory_space<vmem>> -> memref<1x80x80xi32, #tpu.memory_space<vmem>>
          %dma_wait3A_312 = tpu.memref_squeeze %dma_wait3A_311 : memref<1x80x80xi32, #tpu.memory_space<vmem>> -> memref<80x80xi32, #tpu.memory_space<vmem>>
          %dma_wait3A_313 = arith.constant 0 : i32
          %dma_wait3A_314 = tpu.memref_slice %arg7[%add3A_294, %dma_wait3A_313] : memref<104960x128xi32, #tpu.memory_space<hbm>> -> memref<80x80xi32, #tpu.memory_space<hbm>>
          %dma_wait3A_315 = arith.constant 0 : i32
          %dma_wait3A_316 = tpu.memref_slice %arg7[%add3A_294, %dma_wait3A_315] : memref<104960x128xi32, #tpu.memory_space<hbm>> -> memref<80x80xi32, #tpu.memory_space<hbm>>
          %dma_wait3A_317 = arith.constant 0 : i32
          %dma_wait3A_318 = arith.constant 0 : i32
          %dma_wait3A_319 = tpu.memref_slice %arg11[%dma_wait3A_308, %dma_wait3A_317, %dma_wait3A_318] : memref<2x80x80xi32, #tpu.memory_space<vmem>> -> memref<1x80x80xi32, #tpu.memory_space<vmem>>
          %dma_wait3A_320 = tpu.memref_squeeze %dma_wait3A_319 : memref<1x80x80xi32, #tpu.memory_space<vmem>> -> memref<80x80xi32, #tpu.memory_space<vmem>>
          tpu.wait_dma2 semaphore(%arg16 : memref<!tpu.dma_semaphore, #tpu.memory_space<semaphore_mem>>) src(%dma_wait3A_320 : memref<80x80xi32, #tpu.memory_space<vmem>>) dst(%dma_wait3A_316 : memref<80x80xi32, #tpu.memory_space<hbm>>)
          %add3A_321 = arith.constant 2 : i32
          %add3A_322 = arith.addi %add3A_197, %add3A_321 : i32
          %mul3A_323 = arith.constant 80 : i32
          %mul3A_324 = arith.muli %add3A_322, %mul3A_323 : i32
          %add3A_325 = arith.addi %mul3A_2, %mul3A_324 : i32
          %dma_wait3A_326 = arith.constant 0 : i32
          %dma_wait3A_327 = arith.constant 0 : i32
          %dma_wait3A_328 = tpu.memref_slice %arg8[%dma_wait3A_326, %dma_wait3A_327] : memref<2x80xi32, #tpu.memory_space<vmem>> -> memref<1x80xi32, #tpu.memory_space<vmem>>
          %dma_wait3A_329 = tpu.memref_squeeze %dma_wait3A_328 : memref<1x80xi32, #tpu.memory_space<vmem>> -> memref<80xi32, #tpu.memory_space<vmem>>
          %dma_wait3A_330 = tpu.memref_slice %arg4[%add3A_325] : memref<104960xi32, #tpu.memory_space<hbm>> -> memref<80xi32, #tpu.memory_space<hbm>>
          %dma_wait3A_331 = arith.constant 0 : i32
          %dma_wait3A_332 = tpu.memref_slice %arg8[%dma_wait3A_326, %dma_wait3A_331] : memref<2x80xi32, #tpu.memory_space<vmem>> -> memref<1x80xi32, #tpu.memory_space<vmem>>
          %dma_wait3A_333 = tpu.memref_squeeze %dma_wait3A_332 : memref<1x80xi32, #tpu.memory_space<vmem>> -> memref<80xi32, #tpu.memory_space<vmem>>
          %dma_wait3A_334 = tpu.memref_slice %arg4[%add3A_325] : memref<104960xi32, #tpu.memory_space<hbm>> -> memref<80xi32, #tpu.memory_space<hbm>>
          tpu.wait_dma2 semaphore(%arg12 : memref<!tpu.dma_semaphore, #tpu.memory_space<semaphore_mem>>) src(%dma_wait3A_334 : memref<80xi32, #tpu.memory_space<hbm>>) dst(%dma_wait3A_333 : memref<80xi32, #tpu.memory_space<vmem>>)
          %dma_wait3A_335 = arith.constant 0 : i32
          %dma_wait3A_336 = arith.constant 0 : i32
          %dma_wait3A_337 = tpu.memref_slice %arg9[%dma_wait3A_335, %dma_wait3A_336] : memref<2x80xi32, #tpu.memory_space<vmem>> -> memref<1x80xi32, #tpu.memory_space<vmem>>
          %dma_wait3A_338 = tpu.memref_squeeze %dma_wait3A_337 : memref<1x80xi32, #tpu.memory_space<vmem>> -> memref<80xi32, #tpu.memory_space<vmem>>
          %dma_wait3A_339 = tpu.memref_slice %arg5[%add3A_325] : memref<104960xi32, #tpu.memory_space<hbm>> -> memref<80xi32, #tpu.memory_space<hbm>>
          %dma_wait3A_340 = arith.constant 0 : i32
          %dma_wait3A_341 = tpu.memref_slice %arg9[%dma_wait3A_335, %dma_wait3A_340] : memref<2x80xi32, #tpu.memory_space<vmem>> -> memref<1x80xi32, #tpu.memory_space<vmem>>
          %dma_wait3A_342 = tpu.memref_squeeze %dma_wait3A_341 : memref<1x80xi32, #tpu.memory_space<vmem>> -> memref<80xi32, #tpu.memory_space<vmem>>
          %dma_wait3A_343 = tpu.memref_slice %arg5[%add3A_325] : memref<104960xi32, #tpu.memory_space<hbm>> -> memref<80xi32, #tpu.memory_space<hbm>>
          tpu.wait_dma2 semaphore(%arg12 : memref<!tpu.dma_semaphore, #tpu.memory_space<semaphore_mem>>) src(%dma_wait3A_343 : memref<80xi32, #tpu.memory_space<hbm>>) dst(%dma_wait3A_342 : memref<80xi32, #tpu.memory_space<vmem>>)
          %dma_start3A_344 = arith.constant 0 : i32
          %dma_start3A_345 = arith.constant 0 : i32
          %dma_start3A_346 = arith.constant 0 : i32
          %dma_start3A_347 = arith.constant 0 : i32
          %dma_start3A_348 = tpu.memref_slice %arg10[%dma_start3A_345, %dma_start3A_346, %dma_start3A_347] : memref<2x80x80xi32, #tpu.memory_space<vmem>> -> memref<1x80x80xi32, #tpu.memory_space<vmem>>
          %dma_start3A_349 = tpu.memref_squeeze %dma_start3A_348 : memref<1x80x80xi32, #tpu.memory_space<vmem>> -> memref<80x80xi32, #tpu.memory_space<vmem>>
          %dma_start3A_350 = arith.constant 0 : i32
          %dma_start3A_351 = tpu.memref_slice %arg8[%dma_start3A_344, %dma_start3A_350] : memref<2x80xi32, #tpu.memory_space<vmem>> -> memref<1x80xi32, #tpu.memory_space<vmem>>
          %dma_start3A_352 = tpu.memref_squeeze %dma_start3A_351 : memref<1x80xi32, #tpu.memory_space<vmem>> -> memref<80xi32, #tpu.memory_space<vmem>>
          %dma_start3A_353 = arith.constant 0 : i32
          %dma_start3A_354 = arith.constant 0 : i32
          %dma_start3A_355 = tpu.memref_slice %arg2[%dma_start3A_353, %dma_start3A_354] : memref<10000x80xi32, #tpu.memory_space<hbm>> -> memref<10000x80xi32, #tpu.memory_space<hbm>>
          tpu.enqueue_indirect_dma source(%dma_start3A_355 : memref<10000x80xi32, #tpu.memory_space<hbm>>) target(%dma_start3A_349 : memref<80x80xi32, #tpu.memory_space<vmem>>) offsets(%dma_start3A_352 : memref<80xi32, #tpu.memory_space<vmem>>) semaphore(%arg14 : memref<!tpu.dma_semaphore, #tpu.memory_space<semaphore_mem>>)
          %dma_start3A_356 = arith.constant 0 : i32
          %dma_start3A_357 = arith.constant 0 : i32
          %dma_start3A_358 = arith.constant 0 : i32
          %dma_start3A_359 = arith.constant 0 : i32
          %dma_start3A_360 = tpu.memref_slice %arg11[%dma_start3A_357, %dma_start3A_358, %dma_start3A_359] : memref<2x80x80xi32, #tpu.memory_space<vmem>> -> memref<1x80x80xi32, #tpu.memory_space<vmem>>
          %dma_start3A_361 = tpu.memref_squeeze %dma_start3A_360 : memref<1x80x80xi32, #tpu.memory_space<vmem>> -> memref<80x80xi32, #tpu.memory_space<vmem>>
          %dma_start3A_362 = arith.constant 0 : i32
          %dma_start3A_363 = tpu.memref_slice %arg9[%dma_start3A_356, %dma_start3A_362] : memref<2x80xi32, #tpu.memory_space<vmem>> -> memref<1x80xi32, #tpu.memory_space<vmem>>
          %dma_start3A_364 = tpu.memref_squeeze %dma_start3A_363 : memref<1x80xi32, #tpu.memory_space<vmem>> -> memref<80xi32, #tpu.memory_space<vmem>>
          %dma_start3A_365 = arith.constant 0 : i32
          %dma_start3A_366 = arith.constant 0 : i32
          %dma_start3A_367 = tpu.memref_slice %arg3[%dma_start3A_365, %dma_start3A_366] : memref<10000x80xi32, #tpu.memory_space<hbm>> -> memref<10000x80xi32, #tpu.memory_space<hbm>>
          tpu.enqueue_indirect_dma source(%dma_start3A_367 : memref<10000x80xi32, #tpu.memory_space<hbm>>) target(%dma_start3A_361 : memref<80x80xi32, #tpu.memory_space<vmem>>) offsets(%dma_start3A_364 : memref<80xi32, #tpu.memory_space<vmem>>) semaphore(%arg14 : memref<!tpu.dma_semaphore, #tpu.memory_space<semaphore_mem>>)
        } else {
        }
      } else {
      }
      %mul3A_200 = arith.constant 2 : i32
      %mul3A_201 = arith.muli %mul3A_200, %add3A_193 : i32
      %add3A_202 = arith.constant 1 : i32
      %add3A_203 = arith.addi %mul3A_201, %add3A_202 : i32
      %lt3A_204 = arith.constant 41 : i32
      %lt3A_205 = arith.cmpi slt, %add3A_203, %lt3A_204 : i32
      %convert_element_type3A_206 = arith.extui %lt3A_205 : i1 to i32
      %cond3A_207 = arith.constant 0 : i32
      %cond3A_208 = arith.cmpi ne, %convert_element_type3A_206, %cond3A_207 : i32
      scf.if %cond3A_208 {
        %dma_wait3A_209 = arith.constant 1 : i32
        %dma_wait3A_210 = arith.constant 1 : i32
        %dma_wait3A_211 = arith.constant 0 : i32
        %dma_wait3A_212 = arith.constant 0 : i32
        %dma_wait3A_213 = tpu.memref_slice %arg10[%dma_wait3A_210, %dma_wait3A_211, %dma_wait3A_212] : memref<2x80x80xi32, #tpu.memory_space<vmem>> -> memref<1x80x80xi32, #tpu.memory_space<vmem>>
        %dma_wait3A_214 = tpu.memref_squeeze %dma_wait3A_213 : memref<1x80x80xi32, #tpu.memory_space<vmem>> -> memref<80x80xi32, #tpu.memory_space<vmem>>
        %dma_wait3A_215 = arith.constant 0 : i32
        %dma_wait3A_216 = tpu.memref_slice %arg8[%dma_wait3A_209, %dma_wait3A_215] : memref<2x80xi32, #tpu.memory_space<vmem>> -> memref<1x80xi32, #tpu.memory_space<vmem>>
        %dma_wait3A_217 = tpu.memref_squeeze %dma_wait3A_216 : memref<1x80xi32, #tpu.memory_space<vmem>> -> memref<80xi32, #tpu.memory_space<vmem>>
        %dma_wait3A_218 = arith.constant 0 : i32
        %dma_wait3A_219 = arith.constant 0 : i32
        %dma_wait3A_220 = tpu.memref_slice %arg2[%dma_wait3A_218, %dma_wait3A_219] : memref<10000x80xi32, #tpu.memory_space<hbm>> -> memref<10000x80xi32, #tpu.memory_space<hbm>>
        tpu.wait_indirect_dma semaphore(%arg15 : memref<!tpu.dma_semaphore, #tpu.memory_space<semaphore_mem>>) src(%dma_wait3A_220 : memref<10000x80xi32, #tpu.memory_space<hbm>>) dst(%dma_wait3A_214 : memref<80x80xi32, #tpu.memory_space<vmem>>)
        %dma_wait3A_221 = arith.constant 1 : i32
        %dma_wait3A_222 = arith.constant 1 : i32
        %dma_wait3A_223 = arith.constant 0 : i32
        %dma_wait3A_224 = arith.constant 0 : i32
        %dma_wait3A_225 = tpu.memref_slice %arg11[%dma_wait3A_222, %dma_wait3A_223, %dma_wait3A_224] : memref<2x80x80xi32, #tpu.memory_space<vmem>> -> memref<1x80x80xi32, #tpu.memory_space<vmem>>
        %dma_wait3A_226 = tpu.memref_squeeze %dma_wait3A_225 : memref<1x80x80xi32, #tpu.memory_space<vmem>> -> memref<80x80xi32, #tpu.memory_space<vmem>>
        %dma_wait3A_227 = arith.constant 0 : i32
        %dma_wait3A_228 = tpu.memref_slice %arg9[%dma_wait3A_221, %dma_wait3A_227] : memref<2x80xi32, #tpu.memory_space<vmem>> -> memref<1x80xi32, #tpu.memory_space<vmem>>
        %dma_wait3A_229 = tpu.memref_squeeze %dma_wait3A_228 : memref<1x80xi32, #tpu.memory_space<vmem>> -> memref<80xi32, #tpu.memory_space<vmem>>
        %dma_wait3A_230 = arith.constant 0 : i32
        %dma_wait3A_231 = arith.constant 0 : i32
        %dma_wait3A_232 = tpu.memref_slice %arg3[%dma_wait3A_230, %dma_wait3A_231] : memref<10000x80xi32, #tpu.memory_space<hbm>> -> memref<10000x80xi32, #tpu.memory_space<hbm>>
        tpu.wait_indirect_dma semaphore(%arg15 : memref<!tpu.dma_semaphore, #tpu.memory_space<semaphore_mem>>) src(%dma_wait3A_232 : memref<10000x80xi32, #tpu.memory_space<hbm>>) dst(%dma_wait3A_226 : memref<80x80xi32, #tpu.memory_space<vmem>>)
        %mul3A_233 = arith.constant 80 : i32
        %mul3A_234 = arith.muli %add3A_203, %mul3A_233 : i32
        %add3A_235 = arith.addi %mul3A_2, %mul3A_234 : i32
        %dma_start3A_236 = arith.constant 1 : i32
        %dma_start3A_237 = arith.constant 0 : i32
        %dma_start3A_238 = arith.constant 0 : i32
        %dma_start3A_239 = tpu.memref_slice %arg10[%dma_start3A_236, %dma_start3A_237, %dma_start3A_238] : memref<2x80x80xi32, #tpu.memory_space<vmem>> -> memref<1x80x80xi32, #tpu.memory_space<vmem>>
        %dma_start3A_240 = tpu.memref_squeeze %dma_start3A_239 : memref<1x80x80xi32, #tpu.memory_space<vmem>> -> memref<80x80xi32, #tpu.memory_space<vmem>>
        %dma_start3A_241 = arith.constant 0 : i32
        %dma_start3A_242 = tpu.memref_slice %arg6[%add3A_235, %dma_start3A_241] : memref<104960x128xi32, #tpu.memory_space<hbm>> -> memref<80x80xi32, #tpu.memory_space<hbm>>
        %dma_start3A_243 = arith.constant 0 : i32
        %dma_start3A_244 = tpu.memref_slice %arg6[%add3A_235, %dma_start3A_243] : memref<104960x128xi32, #tpu.memory_space<hbm>> -> memref<80x80xi32, #tpu.memory_space<hbm>>
        %dma_start3A_245 = arith.constant 0 : i32
        %dma_start3A_246 = arith.constant 0 : i32
        %dma_start3A_247 = tpu.memref_slice %arg10[%dma_start3A_236, %dma_start3A_245, %dma_start3A_246] : memref<2x80x80xi32, #tpu.memory_space<vmem>> -> memref<1x80x80xi32, #tpu.memory_space<vmem>>
        %dma_start3A_248 = tpu.memref_squeeze %dma_start3A_247 : memref<1x80x80xi32, #tpu.memory_space<vmem>> -> memref<80x80xi32, #tpu.memory_space<vmem>>
        tpu.enqueue_dma source(%dma_start3A_248 : memref<80x80xi32, #tpu.memory_space<vmem>>) target(%dma_start3A_244 : memref<80x80xi32, #tpu.memory_space<hbm>>) target_semaphore(%arg17 : memref<!tpu.dma_semaphore, #tpu.memory_space<semaphore_mem>>)
        %dma_start3A_249 = arith.constant 1 : i32
        %dma_start3A_250 = arith.constant 0 : i32
        %dma_start3A_251 = arith.constant 0 : i32
        %dma_start3A_252 = tpu.memref_slice %arg11[%dma_start3A_249, %dma_start3A_250, %dma_start3A_251] : memref<2x80x80xi32, #tpu.memory_space<vmem>> -> memref<1x80x80xi32, #tpu.memory_space<vmem>>
        %dma_start3A_253 = tpu.memref_squeeze %dma_start3A_252 : memref<1x80x80xi32, #tpu.memory_space<vmem>> -> memref<80x80xi32, #tpu.memory_space<vmem>>
        %dma_start3A_254 = arith.constant 0 : i32
        %dma_start3A_255 = tpu.memref_slice %arg7[%add3A_235, %dma_start3A_254] : memref<104960x128xi32, #tpu.memory_space<hbm>> -> memref<80x80xi32, #tpu.memory_space<hbm>>
        %dma_start3A_256 = arith.constant 0 : i32
        %dma_start3A_257 = tpu.memref_slice %arg7[%add3A_235, %dma_start3A_256] : memref<104960x128xi32, #tpu.memory_space<hbm>> -> memref<80x80xi32, #tpu.memory_space<hbm>>
        %dma_start3A_258 = arith.constant 0 : i32
        %dma_start3A_259 = arith.constant 0 : i32
        %dma_start3A_260 = tpu.memref_slice %arg11[%dma_start3A_249, %dma_start3A_258, %dma_start3A_259] : memref<2x80x80xi32, #tpu.memory_space<vmem>> -> memref<1x80x80xi32, #tpu.memory_space<vmem>>
        %dma_start3A_261 = tpu.memref_squeeze %dma_start3A_260 : memref<1x80x80xi32, #tpu.memory_space<vmem>> -> memref<80x80xi32, #tpu.memory_space<vmem>>
        tpu.enqueue_dma source(%dma_start3A_261 : memref<80x80xi32, #tpu.memory_space<vmem>>) target(%dma_start3A_257 : memref<80x80xi32, #tpu.memory_space<hbm>>) target_semaphore(%arg17 : memref<!tpu.dma_semaphore, #tpu.memory_space<semaphore_mem>>)
        %add3A_262 = arith.constant 2 : i32
        %add3A_263 = arith.addi %add3A_203, %add3A_262 : i32
        %lt3A_264 = arith.constant 41 : i32
        %lt3A_265 = arith.cmpi slt, %add3A_263, %lt3A_264 : i32
        %convert_element_type3A_266 = arith.extui %lt3A_265 : i1 to i32
        %cond3A_267 = arith.constant 0 : i32
        %cond3A_268 = arith.cmpi ne, %convert_element_type3A_266, %cond3A_267 : i32
        scf.if %cond3A_268 {
          %add3A_269 = arith.constant 2 : i32
          %add3A_270 = arith.addi %add3A_203, %add3A_269 : i32
          %mul3A_271 = arith.constant 80 : i32
          %mul3A_272 = arith.muli %add3A_270, %mul3A_271 : i32
          %add3A_273 = arith.addi %mul3A_2, %mul3A_272 : i32
          %dma_start3A_274 = arith.constant 1 : i32
          %dma_start3A_275 = arith.constant 0 : i32
          %dma_start3A_276 = tpu.memref_slice %arg8[%dma_start3A_274, %dma_start3A_275] : memref<2x80xi32, #tpu.memory_space<vmem>> -> memref<1x80xi32, #tpu.memory_space<vmem>>
          %dma_start3A_277 = tpu.memref_squeeze %dma_start3A_276 : memref<1x80xi32, #tpu.memory_space<vmem>> -> memref<80xi32, #tpu.memory_space<vmem>>
          %dma_start3A_278 = tpu.memref_slice %arg4[%add3A_273] : memref<104960xi32, #tpu.memory_space<hbm>> -> memref<80xi32, #tpu.memory_space<hbm>>
          %dma_start3A_279 = arith.constant 0 : i32
          %dma_start3A_280 = tpu.memref_slice %arg8[%dma_start3A_274, %dma_start3A_279] : memref<2x80xi32, #tpu.memory_space<vmem>> -> memref<1x80xi32, #tpu.memory_space<vmem>>
          %dma_start3A_281 = tpu.memref_squeeze %dma_start3A_280 : memref<1x80xi32, #tpu.memory_space<vmem>> -> memref<80xi32, #tpu.memory_space<vmem>>
          %dma_start3A_282 = tpu.memref_slice %arg4[%add3A_273] : memref<104960xi32, #tpu.memory_space<hbm>> -> memref<80xi32, #tpu.memory_space<hbm>>
          tpu.enqueue_dma source(%dma_start3A_282 : memref<80xi32, #tpu.memory_space<hbm>>) target(%dma_start3A_281 : memref<80xi32, #tpu.memory_space<vmem>>) target_semaphore(%arg13 : memref<!tpu.dma_semaphore, #tpu.memory_space<semaphore_mem>>)
          %dma_start3A_283 = arith.constant 1 : i32
          %dma_start3A_284 = arith.constant 0 : i32
          %dma_start3A_285 = tpu.memref_slice %arg9[%dma_start3A_283, %dma_start3A_284] : memref<2x80xi32, #tpu.memory_space<vmem>> -> memref<1x80xi32, #tpu.memory_space<vmem>>
          %dma_start3A_286 = tpu.memref_squeeze %dma_start3A_285 : memref<1x80xi32, #tpu.memory_space<vmem>> -> memref<80xi32, #tpu.memory_space<vmem>>
          %dma_start3A_287 = tpu.memref_slice %arg5[%add3A_273] : memref<104960xi32, #tpu.memory_space<hbm>> -> memref<80xi32, #tpu.memory_space<hbm>>
          %dma_start3A_288 = arith.constant 0 : i32
          %dma_start3A_289 = tpu.memref_slice %arg9[%dma_start3A_283, %dma_start3A_288] : memref<2x80xi32, #tpu.memory_space<vmem>> -> memref<1x80xi32, #tpu.memory_space<vmem>>
          %dma_start3A_290 = tpu.memref_squeeze %dma_start3A_289 : memref<1x80xi32, #tpu.memory_space<vmem>> -> memref<80xi32, #tpu.memory_space<vmem>>
          %dma_start3A_291 = tpu.memref_slice %arg5[%add3A_273] : memref<104960xi32, #tpu.memory_space<hbm>> -> memref<80xi32, #tpu.memory_space<hbm>>
          tpu.enqueue_dma source(%dma_start3A_291 : memref<80xi32, #tpu.memory_space<hbm>>) target(%dma_start3A_290 : memref<80xi32, #tpu.memory_space<vmem>>) target_semaphore(%arg13 : memref<!tpu.dma_semaphore, #tpu.memory_space<semaphore_mem>>)
          %mul3A_292 = arith.constant 80 : i32
          %mul3A_293 = arith.muli %add3A_203, %mul3A_292 : i32
          %add3A_294 = arith.addi %mul3A_2, %mul3A_293 : i32
          %dma_wait3A_295 = arith.constant 1 : i32
          %dma_wait3A_296 = arith.constant 0 : i32
          %dma_wait3A_297 = arith.constant 0 : i32
          %dma_wait3A_298 = tpu.memref_slice %arg10[%dma_wait3A_295, %dma_wait3A_296, %dma_wait3A_297] : memref<2x80x80xi32, #tpu.memory_space<vmem>> -> memref<1x80x80xi32, #tpu.memory_space<vmem>>
          %dma_wait3A_299 = tpu.memref_squeeze %dma_wait3A_298 : memref<1x80x80xi32, #tpu.memory_space<vmem>> -> memref<80x80xi32, #tpu.memory_space<vmem>>
          %dma_wait3A_300 = arith.constant 0 : i32
          %dma_wait3A_301 = tpu.memref_slice %arg6[%add3A_294, %dma_wait3A_300] : memref<104960x128xi32, #tpu.memory_space<hbm>> -> memref<80x80xi32, #tpu.memory_space<hbm>>
          %dma_wait3A_302 = arith.constant 0 : i32
          %dma_wait3A_303 = tpu.memref_slice %arg6[%add3A_294, %dma_wait3A_302] : memref<104960x128xi32, #tpu.memory_space<hbm>> -> memref<80x80xi32, #tpu.memory_space<hbm>>
          %dma_wait3A_304 = arith.constant 0 : i32
          %dma_wait3A_305 = arith.constant 0 : i32
          %dma_wait3A_306 = tpu.memref_slice %arg10[%dma_wait3A_295, %dma_wait3A_304, %dma_wait3A_305] : memref<2x80x80xi32, #tpu.memory_space<vmem>> -> memref<1x80x80xi32, #tpu.memory_space<vmem>>
          %dma_wait3A_307 = tpu.memref_squeeze %dma_wait3A_306 : memref<1x80x80xi32, #tpu.memory_space<vmem>> -> memref<80x80xi32, #tpu.memory_space<vmem>>
          tpu.wait_dma2 semaphore(%arg17 : memref<!tpu.dma_semaphore, #tpu.memory_space<semaphore_mem>>) src(%dma_wait3A_307 : memref<80x80xi32, #tpu.memory_space<vmem>>) dst(%dma_wait3A_303 : memref<80x80xi32, #tpu.memory_space<hbm>>)
          %dma_wait3A_308 = arith.constant 1 : i32
          %dma_wait3A_309 = arith.constant 0 : i32
          %dma_wait3A_310 = arith.constant 0 : i32
          %dma_wait3A_311 = tpu.memref_slice %arg11[%dma_wait3A_308, %dma_wait3A_309, %dma_wait3A_310] : memref<2x80x80xi32, #tpu.memory_space<vmem>> -> memref<1x80x80xi32, #tpu.memory_space<vmem>>
          %dma_wait3A_312 = tpu.memref_squeeze %dma_wait3A_311 : memref<1x80x80xi32, #tpu.memory_space<vmem>> -> memref<80x80xi32, #tpu.memory_space<vmem>>
          %dma_wait3A_313 = arith.constant 0 : i32
          %dma_wait3A_314 = tpu.memref_slice %arg7[%add3A_294, %dma_wait3A_313] : memref<104960x128xi32, #tpu.memory_space<hbm>> -> memref<80x80xi32, #tpu.memory_space<hbm>>
          %dma_wait3A_315 = arith.constant 0 : i32
          %dma_wait3A_316 = tpu.memref_slice %arg7[%add3A_294, %dma_wait3A_315] : memref<104960x128xi32, #tpu.memory_space<hbm>> -> memref<80x80xi32, #tpu.memory_space<hbm>>
          %dma_wait3A_317 = arith.constant 0 : i32
          %dma_wait3A_318 = arith.constant 0 : i32
          %dma_wait3A_319 = tpu.memref_slice %arg11[%dma_wait3A_308, %dma_wait3A_317, %dma_wait3A_318] : memref<2x80x80xi32, #tpu.memory_space<vmem>> -> memref<1x80x80xi32, #tpu.memory_space<vmem>>
          %dma_wait3A_320 = tpu.memref_squeeze %dma_wait3A_319 : memref<1x80x80xi32, #tpu.memory_space<vmem>> -> memref<80x80xi32, #tpu.memory_space<vmem>>
          tpu.wait_dma2 semaphore(%arg17 : memref<!tpu.dma_semaphore, #tpu.memory_space<semaphore_mem>>) src(%dma_wait3A_320 : memref<80x80xi32, #tpu.memory_space<vmem>>) dst(%dma_wait3A_316 : memref<80x80xi32, #tpu.memory_space<hbm>>)
          %add3A_321 = arith.constant 2 : i32
          %add3A_322 = arith.addi %add3A_203, %add3A_321 : i32
          %mul3A_323 = arith.constant 80 : i32
          %mul3A_324 = arith.muli %add3A_322, %mul3A_323 : i32
          %add3A_325 = arith.addi %mul3A_2, %mul3A_324 : i32
          %dma_wait3A_326 = arith.constant 1 : i32
          %dma_wait3A_327 = arith.constant 0 : i32
          %dma_wait3A_328 = tpu.memref_slice %arg8[%dma_wait3A_326, %dma_wait3A_327] : memref<2x80xi32, #tpu.memory_space<vmem>> -> memref<1x80xi32, #tpu.memory_space<vmem>>
          %dma_wait3A_329 = tpu.memref_squeeze %dma_wait3A_328 : memref<1x80xi32, #tpu.memory_space<vmem>> -> memref<80xi32, #tpu.memory_space<vmem>>
          %dma_wait3A_330 = tpu.memref_slice %arg4[%add3A_325] : memref<104960xi32, #tpu.memory_space<hbm>> -> memref<80xi32, #tpu.memory_space<hbm>>
          %dma_wait3A_331 = arith.constant 0 : i32
          %dma_wait3A_332 = tpu.memref_slice %arg8[%dma_wait3A_326, %dma_wait3A_331] : memref<2x80xi32, #tpu.memory_space<vmem>> -> memref<1x80xi32, #tpu.memory_space<vmem>>
          %dma_wait3A_333 = tpu.memref_squeeze %dma_wait3A_332 : memref<1x80xi32, #tpu.memory_space<vmem>> -> memref<80xi32, #tpu.memory_space<vmem>>
          %dma_wait3A_334 = tpu.memref_slice %arg4[%add3A_325] : memref<104960xi32, #tpu.memory_space<hbm>> -> memref<80xi32, #tpu.memory_space<hbm>>
          tpu.wait_dma2 semaphore(%arg13 : memref<!tpu.dma_semaphore, #tpu.memory_space<semaphore_mem>>) src(%dma_wait3A_334 : memref<80xi32, #tpu.memory_space<hbm>>) dst(%dma_wait3A_333 : memref<80xi32, #tpu.memory_space<vmem>>)
          %dma_wait3A_335 = arith.constant 1 : i32
          %dma_wait3A_336 = arith.constant 0 : i32
          %dma_wait3A_337 = tpu.memref_slice %arg9[%dma_wait3A_335, %dma_wait3A_336] : memref<2x80xi32, #tpu.memory_space<vmem>> -> memref<1x80xi32, #tpu.memory_space<vmem>>
          %dma_wait3A_338 = tpu.memref_squeeze %dma_wait3A_337 : memref<1x80xi32, #tpu.memory_space<vmem>> -> memref<80xi32, #tpu.memory_space<vmem>>
          %dma_wait3A_339 = tpu.memref_slice %arg5[%add3A_325] : memref<104960xi32, #tpu.memory_space<hbm>> -> memref<80xi32, #tpu.memory_space<hbm>>
          %dma_wait3A_340 = arith.constant 0 : i32
          %dma_wait3A_341 = tpu.memref_slice %arg9[%dma_wait3A_335, %dma_wait3A_340] : memref<2x80xi32, #tpu.memory_space<vmem>> -> memref<1x80xi32, #tpu.memory_space<vmem>>
          %dma_wait3A_342 = tpu.memref_squeeze %dma_wait3A_341 : memref<1x80xi32, #tpu.memory_space<vmem>> -> memref<80xi32, #tpu.memory_space<vmem>>
          %dma_wait3A_343 = tpu.memref_slice %arg5[%add3A_325] : memref<104960xi32, #tpu.memory_space<hbm>> -> memref<80xi32, #tpu.memory_space<hbm>>
          tpu.wait_dma2 semaphore(%arg13 : memref<!tpu.dma_semaphore, #tpu.memory_space<semaphore_mem>>) src(%dma_wait3A_343 : memref<80xi32, #tpu.memory_space<hbm>>) dst(%dma_wait3A_342 : memref<80xi32, #tpu.memory_space<vmem>>)
          %dma_start3A_344 = arith.constant 1 : i32
          %dma_start3A_345 = arith.constant 1 : i32
          %dma_start3A_346 = arith.constant 0 : i32
          %dma_start3A_347 = arith.constant 0 : i32
          %dma_start3A_348 = tpu.memref_slice %arg10[%dma_start3A_345, %dma_start3A_346, %dma_start3A_347] : memref<2x80x80xi32, #tpu.memory_space<vmem>> -> memref<1x80x80xi32, #tpu.memory_space<vmem>>
          %dma_start3A_349 = tpu.memref_squeeze %dma_start3A_348 : memref<1x80x80xi32, #tpu.memory_space<vmem>> -> memref<80x80xi32, #tpu.memory_space<vmem>>
          %dma_start3A_350 = arith.constant 0 : i32
          %dma_start3A_351 = tpu.memref_slice %arg8[%dma_start3A_344, %dma_start3A_350] : memref<2x80xi32, #tpu.memory_space<vmem>> -> memref<1x80xi32, #tpu.memory_space<vmem>>
          %dma_start3A_352 = tpu.memref_squeeze %dma_start3A_351 : memref<1x80xi32, #tpu.memory_space<vmem>> -> memref<80xi32, #tpu.memory_space<vmem>>
          %dma_start3A_353 = arith.constant 0 : i32
          %dma_start3A_354 = arith.constant 0 : i32
          %dma_start3A_355 = tpu.memref_slice %arg2[%dma_start3A_353, %dma_start3A_354] : memref<10000x80xi32, #tpu.memory_space<hbm>> -> memref<10000x80xi32, #tpu.memory_space<hbm>>
          tpu.enqueue_indirect_dma source(%dma_start3A_355 : memref<10000x80xi32, #tpu.memory_space<hbm>>) target(%dma_start3A_349 : memref<80x80xi32, #tpu.memory_space<vmem>>) offsets(%dma_start3A_352 : memref<80xi32, #tpu.memory_space<vmem>>) semaphore(%arg15 : memref<!tpu.dma_semaphore, #tpu.memory_space<semaphore_mem>>)
          %dma_start3A_356 = arith.constant 1 : i32
          %dma_start3A_357 = arith.constant 1 : i32
          %dma_start3A_358 = arith.constant 0 : i32
          %dma_start3A_359 = arith.constant 0 : i32
          %dma_start3A_360 = tpu.memref_slice %arg11[%dma_start3A_357, %dma_start3A_358, %dma_start3A_359] : memref<2x80x80xi32, #tpu.memory_space<vmem>> -> memref<1x80x80xi32, #tpu.memory_space<vmem>>
          %dma_start3A_361 = tpu.memref_squeeze %dma_start3A_360 : memref<1x80x80xi32, #tpu.memory_space<vmem>> -> memref<80x80xi32, #tpu.memory_space<vmem>>
          %dma_start3A_362 = arith.constant 0 : i32
          %dma_start3A_363 = tpu.memref_slice %arg9[%dma_start3A_356, %dma_start3A_362] : memref<2x80xi32, #tpu.memory_space<vmem>> -> memref<1x80xi32, #tpu.memory_space<vmem>>
          %dma_start3A_364 = tpu.memref_squeeze %dma_start3A_363 : memref<1x80xi32, #tpu.memory_space<vmem>> -> memref<80xi32, #tpu.memory_space<vmem>>
          %dma_start3A_365 = arith.constant 0 : i32
          %dma_start3A_366 = arith.constant 0 : i32
          %dma_start3A_367 = tpu.memref_slice %arg3[%dma_start3A_365, %dma_start3A_366] : memref<10000x80xi32, #tpu.memory_space<hbm>> -> memref<10000x80xi32, #tpu.memory_space<hbm>>
          tpu.enqueue_indirect_dma source(%dma_start3A_367 : memref<10000x80xi32, #tpu.memory_space<hbm>>) target(%dma_start3A_361 : memref<80x80xi32, #tpu.memory_space<vmem>>) offsets(%dma_start3A_364 : memref<80xi32, #tpu.memory_space<vmem>>) semaphore(%arg15 : memref<!tpu.dma_semaphore, #tpu.memory_space<semaphore_mem>>)
        } else {
        }
      } else {
      }
    }
    %scan3A_132 = arith.constant 21 : i32
    %add3A_133 = arith.constant 3120 : i32
    %add3A_134 = arith.addi %mul3A_2, %add3A_133 : i32
    %dma_wait3A_135 = arith.constant 1 : i32
    %dma_wait3A_136 = arith.constant 0 : i32
    %dma_wait3A_137 = arith.constant 0 : i32
    %dma_wait3A_138 = tpu.memref_slice %arg10[%dma_wait3A_135, %dma_wait3A_136, %dma_wait3A_137] : memref<2x80x80xi32, #tpu.memory_space<vmem>> -> memref<1x80x80xi32, #tpu.memory_space<vmem>>
    %dma_wait3A_139 = tpu.memref_squeeze %dma_wait3A_138 : memref<1x80x80xi32, #tpu.memory_space<vmem>> -> memref<80x80xi32, #tpu.memory_space<vmem>>
    %dma_wait3A_140 = arith.constant 0 : i32
    %dma_wait3A_141 = tpu.memref_slice %arg6[%add3A_134, %dma_wait3A_140] : memref<104960x128xi32, #tpu.memory_space<hbm>> -> memref<80x80xi32, #tpu.memory_space<hbm>>
    %dma_wait3A_142 = arith.constant 0 : i32
    %dma_wait3A_143 = tpu.memref_slice %arg6[%add3A_134, %dma_wait3A_142] : memref<104960x128xi32, #tpu.memory_space<hbm>> -> memref<80x80xi32, #tpu.memory_space<hbm>>
    %dma_wait3A_144 = arith.constant 0 : i32
    %dma_wait3A_145 = arith.constant 0 : i32
    %dma_wait3A_146 = tpu.memref_slice %arg10[%dma_wait3A_135, %dma_wait3A_144, %dma_wait3A_145] : memref<2x80x80xi32, #tpu.memory_space<vmem>> -> memref<1x80x80xi32, #tpu.memory_space<vmem>>
    %dma_wait3A_147 = tpu.memref_squeeze %dma_wait3A_146 : memref<1x80x80xi32, #tpu.memory_space<vmem>> -> memref<80x80xi32, #tpu.memory_space<vmem>>
    tpu.wait_dma2 semaphore(%arg17 : memref<!tpu.dma_semaphore, #tpu.memory_space<semaphore_mem>>) src(%dma_wait3A_147 : memref<80x80xi32, #tpu.memory_space<vmem>>) dst(%dma_wait3A_143 : memref<80x80xi32, #tpu.memory_space<hbm>>)
    %dma_wait3A_148 = arith.constant 1 : i32
    %dma_wait3A_149 = arith.constant 0 : i32
    %dma_wait3A_150 = arith.constant 0 : i32
    %dma_wait3A_151 = tpu.memref_slice %arg11[%dma_wait3A_148, %dma_wait3A_149, %dma_wait3A_150] : memref<2x80x80xi32, #tpu.memory_space<vmem>> -> memref<1x80x80xi32, #tpu.memory_space<vmem>>
    %dma_wait3A_152 = tpu.memref_squeeze %dma_wait3A_151 : memref<1x80x80xi32, #tpu.memory_space<vmem>> -> memref<80x80xi32, #tpu.memory_space<vmem>>
    %dma_wait3A_153 = arith.constant 0 : i32
    %dma_wait3A_154 = tpu.memref_slice %arg7[%add3A_134, %dma_wait3A_153] : memref<104960x128xi32, #tpu.memory_space<hbm>> -> memref<80x80xi32, #tpu.memory_space<hbm>>
    %dma_wait3A_155 = arith.constant 0 : i32
    %dma_wait3A_156 = tpu.memref_slice %arg7[%add3A_134, %dma_wait3A_155] : memref<104960x128xi32, #tpu.memory_space<hbm>> -> memref<80x80xi32, #tpu.memory_space<hbm>>
    %dma_wait3A_157 = arith.constant 0 : i32
    %dma_wait3A_158 = arith.constant 0 : i32
    %dma_wait3A_159 = tpu.memref_slice %arg11[%dma_wait3A_148, %dma_wait3A_157, %dma_wait3A_158] : memref<2x80x80xi32, #tpu.memory_space<vmem>> -> memref<1x80x80xi32, #tpu.memory_space<vmem>>
    %dma_wait3A_160 = tpu.memref_squeeze %dma_wait3A_159 : memref<1x80x80xi32, #tpu.memory_space<vmem>> -> memref<80x80xi32, #tpu.memory_space<vmem>>
    tpu.wait_dma2 semaphore(%arg17 : memref<!tpu.dma_semaphore, #tpu.memory_space<semaphore_mem>>) src(%dma_wait3A_160 : memref<80x80xi32, #tpu.memory_space<vmem>>) dst(%dma_wait3A_156 : memref<80x80xi32, #tpu.memory_space<hbm>>)
    %add3A_161 = arith.constant 3200 : i32
    %add3A_162 = arith.addi %mul3A_2, %add3A_161 : i32
    %dma_wait3A_163 = arith.constant 0 : i32
    %dma_wait3A_164 = arith.constant 0 : i32
    %dma_wait3A_165 = arith.constant 0 : i32
    %dma_wait3A_166 = tpu.memref_slice %arg10[%dma_wait3A_163, %dma_wait3A_164, %dma_wait3A_165] : memref<2x80x80xi32, #tpu.memory_space<vmem>> -> memref<1x80x80xi32, #tpu.memory_space<vmem>>
    %dma_wait3A_167 = tpu.memref_squeeze %dma_wait3A_166 : memref<1x80x80xi32, #tpu.memory_space<vmem>> -> memref<80x80xi32, #tpu.memory_space<vmem>>
    %dma_wait3A_168 = arith.constant 0 : i32
    %dma_wait3A_169 = tpu.memref_slice %arg6[%add3A_162, %dma_wait3A_168] : memref<104960x128xi32, #tpu.memory_space<hbm>> -> memref<80x80xi32, #tpu.memory_space<hbm>>
    %dma_wait3A_170 = arith.constant 0 : i32
    %dma_wait3A_171 = tpu.memref_slice %arg6[%add3A_162, %dma_wait3A_170] : memref<104960x128xi32, #tpu.memory_space<hbm>> -> memref<80x80xi32, #tpu.memory_space<hbm>>
    %dma_wait3A_172 = arith.constant 0 : i32
    %dma_wait3A_173 = arith.constant 0 : i32
    %dma_wait3A_174 = tpu.memref_slice %arg10[%dma_wait3A_163, %dma_wait3A_172, %dma_wait3A_173] : memref<2x80x80xi32, #tpu.memory_space<vmem>> -> memref<1x80x80xi32, #tpu.memory_space<vmem>>
    %dma_wait3A_175 = tpu.memref_squeeze %dma_wait3A_174 : memref<1x80x80xi32, #tpu.memory_space<vmem>> -> memref<80x80xi32, #tpu.memory_space<vmem>>
    tpu.wait_dma2 semaphore(%arg16 : memref<!tpu.dma_semaphore, #tpu.memory_space<semaphore_mem>>) src(%dma_wait3A_175 : memref<80x80xi32, #tpu.memory_space<vmem>>) dst(%dma_wait3A_171 : memref<80x80xi32, #tpu.memory_space<hbm>>)
    %dma_wait3A_176 = arith.constant 0 : i32
    %dma_wait3A_177 = arith.constant 0 : i32
    %dma_wait3A_178 = arith.constant 0 : i32
    %dma_wait3A_179 = tpu.memref_slice %arg11[%dma_wait3A_176, %dma_wait3A_177, %dma_wait3A_178] : memref<2x80x80xi32, #tpu.memory_space<vmem>> -> memref<1x80x80xi32, #tpu.memory_space<vmem>>
    %dma_wait3A_180 = tpu.memref_squeeze %dma_wait3A_179 : memref<1x80x80xi32, #tpu.memory_space<vmem>> -> memref<80x80xi32, #tpu.memory_space<vmem>>
    %dma_wait3A_181 = arith.constant 0 : i32
    %dma_wait3A_182 = tpu.memref_slice %arg7[%add3A_162, %dma_wait3A_181] : memref<104960x128xi32, #tpu.memory_space<hbm>> -> memref<80x80xi32, #tpu.memory_space<hbm>>
    %dma_wait3A_183 = arith.constant 0 : i32
    %dma_wait3A_184 = tpu.memref_slice %arg7[%add3A_162, %dma_wait3A_183] : memref<104960x128xi32, #tpu.memory_space<hbm>> -> memref<80x80xi32, #tpu.memory_space<hbm>>
    %dma_wait3A_185 = arith.constant 0 : i32
    %dma_wait3A_186 = arith.constant 0 : i32
    %dma_wait3A_187 = tpu.memref_slice %arg11[%dma_wait3A_176, %dma_wait3A_185, %dma_wait3A_186] : memref<2x80x80xi32, #tpu.memory_space<vmem>> -> memref<1x80x80xi32, #tpu.memory_space<vmem>>
    %dma_wait3A_188 = tpu.memref_squeeze %dma_wait3A_187 : memref<1x80x80xi32, #tpu.memory_space<vmem>> -> memref<80x80xi32, #tpu.memory_space<vmem>>
    tpu.wait_dma2 semaphore(%arg16 : memref<!tpu.dma_semaphore, #tpu.memory_space<semaphore_mem>>) src(%dma_wait3A_188 : memref<80x80xi32, #tpu.memory_space<vmem>>) dst(%dma_wait3A_184 : memref<80x80xi32, #tpu.memory_space<hbm>>)
    return
  }
}

module attributes {stable_mosaic.version = 14 : i64} {
  func.func @_tables_body(%arg0: i32, %arg1: memref<2000x128xf32, #tpu.memory_space<vmem>>, %arg2: memref<2000x16xf32, #tpu.memory_space<vmem>>, %arg3: memref<128x64xf32, #tpu.memory_space<vmem>>, %arg4: memref<128x64xf32, #tpu.memory_space<vmem>>, %arg5: memref<128x64xf32, #tpu.memory_space<vmem>>, %arg6: memref<128x64xf32, #tpu.memory_space<vmem>>, %arg7: memref<1x64xf32, #tpu.memory_space<vmem>>, %arg8: memref<1x64xf32, #tpu.memory_space<vmem>>, %arg9: memref<2000x80xi32, #tpu.memory_space<vmem>>, %arg10: memref<2000x80xi32, #tpu.memory_space<vmem>>) attributes {dimension_semantics = [#tpu.dimension_semantics<arbitrary>], iteration_bounds = array<i64: 5>, scalar_prefetch = 0 : i64, scratch_operands = 0 : i64, tpu.core_type = #tpu.core_type<tc>, window_params = [{transform_indices = @transform_0, window_bounds = array<i64: 2000, 128>}, {transform_indices = @transform_1, window_bounds = array<i64: 2000, 16>}, {pipeline_mode = #tpu.pipeline_mode<synchronous>, transform_indices = @transform_2, window_bounds = array<i64: 128, 64>}, {pipeline_mode = #tpu.pipeline_mode<synchronous>, transform_indices = @transform_3, window_bounds = array<i64: 128, 64>}, {pipeline_mode = #tpu.pipeline_mode<synchronous>, transform_indices = @transform_4, window_bounds = array<i64: 128, 64>}, {pipeline_mode = #tpu.pipeline_mode<synchronous>, transform_indices = @transform_5, window_bounds = array<i64: 128, 64>}, {pipeline_mode = #tpu.pipeline_mode<synchronous>, transform_indices = @transform_6, window_bounds = array<i64: 1, 64>}, {pipeline_mode = #tpu.pipeline_mode<synchronous>, transform_indices = @transform_7, window_bounds = array<i64: 1, 64>}, {transform_indices = @transform_8, window_bounds = array<i64: 2000, 80>}, {transform_indices = @transform_9, window_bounds = array<i64: 2000, 80>}]} {
    %get3A = arith.constant 0 : index
    %get3A_0 = arith.constant 0 : index
    %get3A_1 = vector.load %arg1[%get3A, %get3A_0] : memref<2000x128xf32, #tpu.memory_space<vmem>>, vector<2000x128xf32>
    %get3A_2 = arith.constant 0 : index
    %get3A_3 = arith.constant 0 : index
    %get3A_4 = vector.load %arg2[%get3A_2, %get3A_3] : memref<2000x16xf32, #tpu.memory_space<vmem>>, vector<2000x16xf32>
    %slice3A = vector.extract_strided_slice %get3A_4 {offsets = [0, 0], sizes = [2000, 8], strides = [1, 1]} : vector<2000x16xf32> to vector<2000x8xf32>
    %slice3A_5 = vector.extract_strided_slice %get3A_4 {offsets = [0, 8], sizes = [2000, 8], strides = [1, 1]} : vector<2000x16xf32> to vector<2000x8xf32>
    %bitcast_convert_type3A = tpu.bitcast %slice3A : vector<2000x8xf32> -> vector<2000x8xi32>
    %add3A = arith.constant 32768 : i32
    %add3A_6 = vector.broadcast %add3A : i32 to vector<2000x8xi32>
    %add3A_7 = arith.addi %bitcast_convert_type3A, %add3A_6 : vector<2000x8xi32>
    %bitcast_convert_type3A_8 = tpu.bitcast %slice3A_5 : vector<2000x8xf32> -> vector<2000x8xi32>
    %add3A_9 = arith.constant 32768 : i32
    %add3A_10 = vector.broadcast %add3A_9 : i32 to vector<2000x8xi32>
    %add3A_11 = arith.addi %bitcast_convert_type3A_8, %add3A_10 : vector<2000x8xi32>
    %shift_right_logical3A = arith.constant 16 : i32
    %shift_right_logical3A_12 = vector.broadcast %shift_right_logical3A : i32 to vector<2000x8xi32>
    %shift_right_logical3A_13 = arith.shrui %add3A_7, %shift_right_logical3A_12 : vector<2000x8xi32>
    %and3A = arith.constant -65536 : i32
    %and3A_14 = vector.broadcast %and3A : i32 to vector<2000x8xi32>
    %and3A_15 = arith.andi %add3A_11, %and3A_14 : vector<2000x8xi32>
    %or3A = arith.ori %shift_right_logical3A_13, %and3A_15 : vector<2000x8xi32>
    %bitcast_convert_type3A_16 = tpu.bitcast %or3A : vector<2000x8xi32> -> vector<2000x8xi32>
    %broadcast_in_dim3A = arith.constant 0 : i32
    %broadcast_in_dim3A_17 = vector.broadcast %broadcast_in_dim3A : i32 to vector<2000x8xi32>
    %get3A_18 = arith.constant 0 : index
    %get3A_19 = arith.constant 0 : index
    %get3A_20 = vector.load %arg3[%get3A_18, %get3A_19] : memref<128x64xf32, #tpu.memory_space<vmem>>, vector<128x64xf32>
    %dot_general3A = arith.constant dense<0.000000e+00> : vector<2000x64xf32>
    %dot_general3A_21 = tpu.matmul %get3A_1, %get3A_20, %dot_general3A {dimension_numbers = #tpu.dot_dimension_numbers<[1], [0], [0], [1], [0, 0, 1, 1], [], []>, transpose_lhs_hint = false} : vector<2000x128xf32>, vector<128x64xf32>, vector<2000x64xf32> -> vector<2000x64xf32>
    %get3A_22 = arith.constant 0 : index
    %get3A_23 = arith.constant 0 : index
    %get3A_24 = vector.load %arg7[%get3A_22, %get3A_23] : memref<1x64xf32, #tpu.memory_space<vmem>>, vector<1x64xf32>
    %add3A_25 = vector.broadcast %get3A_24 : vector<1x64xf32> to vector<2000x64xf32>
    %add3A_26 = arith.addf %dot_general3A_21, %add3A_25 : vector<2000x64xf32>
    %get3A_27 = arith.constant 0 : index
    %get3A_28 = arith.constant 0 : index
    %get3A_29 = vector.load %arg4[%get3A_27, %get3A_28] : memref<128x64xf32, #tpu.memory_space<vmem>>, vector<128x64xf32>
    %dot_general3A_30 = arith.constant dense<0.000000e+00> : vector<2000x64xf32>
    %dot_general3A_31 = tpu.matmul %get3A_1, %get3A_29, %dot_general3A_30 {dimension_numbers = #tpu.dot_dimension_numbers<[1], [0], [0], [1], [0, 0, 1, 1], [], []>, transpose_lhs_hint = false} : vector<2000x128xf32>, vector<128x64xf32>, vector<2000x64xf32> -> vector<2000x64xf32>
    %get3A_32 = arith.constant 0 : index
    %get3A_33 = arith.constant 0 : index
    %get3A_34 = vector.load %arg8[%get3A_32, %get3A_33] : memref<1x64xf32, #tpu.memory_space<vmem>>, vector<1x64xf32>
    %add3A_35 = vector.broadcast %get3A_34 : vector<1x64xf32> to vector<2000x64xf32>
    %add3A_36 = arith.addf %dot_general3A_31, %add3A_35 : vector<2000x64xf32>
    %get3A_37 = arith.constant 0 : index
    %get3A_38 = arith.constant 0 : index
    %get3A_39 = vector.load %arg5[%get3A_37, %get3A_38] : memref<128x64xf32, #tpu.memory_space<vmem>>, vector<128x64xf32>
    %dot_general3A_40 = arith.constant dense<0.000000e+00> : vector<2000x64xf32>
    %dot_general3A_41 = tpu.matmul %get3A_1, %get3A_39, %dot_general3A_40 {dimension_numbers = #tpu.dot_dimension_numbers<[1], [0], [0], [1], [0, 0, 1, 1], [], []>, transpose_lhs_hint = false} : vector<2000x128xf32>, vector<128x64xf32>, vector<2000x64xf32> -> vector<2000x64xf32>
    %get3A_42 = arith.constant 0 : index
    %get3A_43 = arith.constant 0 : index
    %get3A_44 = vector.load %arg6[%get3A_42, %get3A_43] : memref<128x64xf32, #tpu.memory_space<vmem>>, vector<128x64xf32>
    %dot_general3A_45 = arith.constant dense<0.000000e+00> : vector<2000x64xf32>
    %dot_general3A_46 = tpu.matmul %get3A_1, %get3A_44, %dot_general3A_45 {dimension_numbers = #tpu.dot_dimension_numbers<[1], [0], [0], [1], [0, 0, 1, 1], [], []>, transpose_lhs_hint = false} : vector<2000x128xf32>, vector<128x64xf32>, vector<2000x64xf32> -> vector<2000x64xf32>
    %bitcast_convert_type3A_47 = tpu.bitcast %add3A_26 : vector<2000x64xf32> -> vector<2000x64xi32>
    %add3A_48 = arith.constant 32768 : i32
    %add3A_49 = vector.broadcast %add3A_48 : i32 to vector<2000x64xi32>
    %add3A_50 = arith.addi %bitcast_convert_type3A_47, %add3A_49 : vector<2000x64xi32>
    %bitcast_convert_type3A_51 = tpu.bitcast %add3A_36 : vector<2000x64xf32> -> vector<2000x64xi32>
    %add3A_52 = arith.constant 32768 : i32
    %add3A_53 = vector.broadcast %add3A_52 : i32 to vector<2000x64xi32>
    %add3A_54 = arith.addi %bitcast_convert_type3A_51, %add3A_53 : vector<2000x64xi32>
    %shift_right_logical3A_55 = arith.constant 16 : i32
    %shift_right_logical3A_56 = vector.broadcast %shift_right_logical3A_55 : i32 to vector<2000x64xi32>
    %shift_right_logical3A_57 = arith.shrui %add3A_50, %shift_right_logical3A_56 : vector<2000x64xi32>
    %and3A_58 = arith.constant -65536 : i32
    %and3A_59 = vector.broadcast %and3A_58 : i32 to vector<2000x64xi32>
    %and3A_60 = arith.andi %add3A_54, %and3A_59 : vector<2000x64xi32>
    %or3A_61 = arith.ori %shift_right_logical3A_57, %and3A_60 : vector<2000x64xi32>
    %bitcast_convert_type3A_62 = tpu.bitcast %or3A_61 : vector<2000x64xi32> -> vector<2000x64xi32>
    %concatenate3A = tpu.concatenate %bitcast_convert_type3A_62, %bitcast_convert_type3A_16, %broadcast_in_dim3A_17 in 1 : vector<2000x64xi32>, vector<2000x8xi32>, vector<2000x8xi32> -> vector<2000x80xi32>
    %swap3A = arith.constant 0 : index
    %swap3A_63 = arith.constant 0 : index
    %swap3A_64 = vector.load %arg9[%swap3A, %swap3A_63] : memref<2000x80xi32, #tpu.memory_space<vmem>>, vector<2000x80xi32>
    tpu.vector_store %arg9[%swap3A, %swap3A_63], %concatenate3A {strides = array<i32>} : memref<2000x80xi32, #tpu.memory_space<vmem>>, vector<2000x80xi32>,
    %bitcast_convert_type3A_65 = tpu.bitcast %dot_general3A_41 : vector<2000x64xf32> -> vector<2000x64xi32>
    %add3A_66 = arith.constant 32768 : i32
    %add3A_67 = vector.broadcast %add3A_66 : i32 to vector<2000x64xi32>
    %add3A_68 = arith.addi %bitcast_convert_type3A_65, %add3A_67 : vector<2000x64xi32>
    %bitcast_convert_type3A_69 = tpu.bitcast %dot_general3A_46 : vector<2000x64xf32> -> vector<2000x64xi32>
    %add3A_70 = arith.constant 32768 : i32
    %add3A_71 = vector.broadcast %add3A_70 : i32 to vector<2000x64xi32>
    %add3A_72 = arith.addi %bitcast_convert_type3A_69, %add3A_71 : vector<2000x64xi32>
    %shift_right_logical3A_73 = arith.constant 16 : i32
    %shift_right_logical3A_74 = vector.broadcast %shift_right_logical3A_73 : i32 to vector<2000x64xi32>
    %shift_right_logical3A_75 = arith.shrui %add3A_68, %shift_right_logical3A_74 : vector<2000x64xi32>
    %and3A_76 = arith.constant -65536 : i32
    %and3A_77 = vector.broadcast %and3A_76 : i32 to vector<2000x64xi32>
    %and3A_78 = arith.andi %add3A_72, %and3A_77 : vector<2000x64xi32>
    %or3A_79 = arith.ori %shift_right_logical3A_75, %and3A_78 : vector<2000x64xi32>
    %bitcast_convert_type3A_80 = tpu.bitcast %or3A_79 : vector<2000x64xi32> -> vector<2000x64xi32>
    %concatenate3A_81 = tpu.concatenate %bitcast_convert_type3A_80, %bitcast_convert_type3A_16, %broadcast_in_dim3A_17 in 1 : vector<2000x64xi32>, vector<2000x8xi32>, vector<2000x8xi32> -> vector<2000x80xi32>
    %swap3A_82 = arith.constant 0 : index
    %swap3A_83 = arith.constant 0 : index
    %swap3A_84 = vector.load %arg10[%swap3A_82, %swap3A_83] : memref<2000x80xi32, #tpu.memory_space<vmem>>, vector<2000x80xi32>
    tpu.vector_store %arg10[%swap3A_82, %swap3A_83], %concatenate3A_81 {strides = array<i32>} : memref<2000x80xi32, #tpu.memory_space<vmem>>, vector<2000x80xi32>,
    return
  }
  func.func @transform_0(%arg0: i32) -> (i32, i32) {
    %c0_i32 = arith.constant 0 : i32
    %c0_i32_0 = arith.constant 0 : i32
    return %arg0, %c0_i32 : i32, i32
  }
  func.func @transform_1(%arg0: i32) -> (i32, i32) {
    %c0_i32 = arith.constant 0 : i32
    %c0_i32_0 = arith.constant 0 : i32
    return %arg0, %c0_i32 : i32, i32
  }
  func.func @transform_2(%arg0: i32) -> (i32, i32) {
    %c0_i32 = arith.constant 0 : i32
    %c0_i32_0 = arith.constant 0 : i32
    %c0_i32_1 = arith.constant 0 : i32
    return %c0_i32, %c0_i32_0 : i32, i32
  }
  func.func @transform_3(%arg0: i32) -> (i32, i32) {
    %c0_i32 = arith.constant 0 : i32
    %c0_i32_0 = arith.constant 0 : i32
    %c0_i32_1 = arith.constant 0 : i32
    return %c0_i32, %c0_i32_0 : i32, i32
  }
  func.func @transform_4(%arg0: i32) -> (i32, i32) {
    %c0_i32 = arith.constant 0 : i32
    %c0_i32_0 = arith.constant 0 : i32
    %c0_i32_1 = arith.constant 0 : i32
    return %c0_i32, %c0_i32_0 : i32, i32
  }
  func.func @transform_5(%arg0: i32) -> (i32, i32) {
    %c0_i32 = arith.constant 0 : i32
    %c0_i32_0 = arith.constant 0 : i32
    %c0_i32_1 = arith.constant 0 : i32
    return %c0_i32, %c0_i32_0 : i32, i32
  }
  func.func @transform_6(%arg0: i32) -> (i32, i32) {
    %c0_i32 = arith.constant 0 : i32
    %c0_i32_0 = arith.constant 0 : i32
    %c0_i32_1 = arith.constant 0 : i32
    return %c0_i32, %c0_i32_0 : i32, i32
  }
  func.func @transform_7(%arg0: i32) -> (i32, i32) {
    %c0_i32 = arith.constant 0 : i32
    %c0_i32_0 = arith.constant 0 : i32
    %c0_i32_1 = arith.constant 0 : i32
    return %c0_i32, %c0_i32_0 : i32, i32
  }
  func.func @transform_8(%arg0: i32) -> (i32, i32) {
    %c0_i32 = arith.constant 0 : i32
    %c0_i32_0 = arith.constant 0 : i32
    return %arg0, %c0_i32 : i32, i32
  }
  func.func @transform_9(%arg0: i32) -> (i32, i32) {
    %c0_i32 = arith.constant 0 : i32
    %c0_i32_0 = arith.constant 0 : i32
    return %arg0, %c0_i32 : i32, i32
  }
}

module attributes {stable_mosaic.version = 14 : i64} {
  func.func @_edge_body(%arg0: i32, %arg1: memref<2560x128xi32, #tpu.memory_space<vmem>>, %arg2: memref<2560x128xi32, #tpu.memory_space<vmem>>, %arg3: memref<32x64xf32, #tpu.memory_space<vmem>>, %arg4: memref<1x64xf32, #tpu.memory_space<vmem>>, %arg5: memref<64x128xf32, #tpu.memory_space<vmem>>, %arg6: memref<1x128xf32, #tpu.memory_space<vmem>>, %arg7: memref<128x128xf32, #tpu.memory_space<vmem>>, %arg8: memref<128x128xf32, #tpu.memory_space<vmem>>, %arg9: memref<1x128xf32, #tpu.memory_space<vmem>>, %arg10: memref<128x26xf32, #tpu.memory_space<vmem>>, %arg11: memref<1x26xf32, #tpu.memory_space<vmem>>, %arg12: memref<2560x128xf32, #tpu.memory_space<vmem>>, %arg13: memref<2560x26xf32, #tpu.memory_space<vmem>>) attributes {dimension_semantics = [#tpu.dimension_semantics<arbitrary>], iteration_bounds = array<i64: 84>, scalar_prefetch = 0 : i64, scratch_operands = 0 : i64, tpu.core_type = #tpu.core_type<tc>, window_params = [{transform_indices = @transform_0, window_bounds = array<i64: 2560, 128>}, {transform_indices = @transform_1, window_bounds = array<i64: 2560, 128>}, {pipeline_mode = #tpu.pipeline_mode<synchronous>, transform_indices = @transform_2, window_bounds = array<i64: 32, 64>}, {pipeline_mode = #tpu.pipeline_mode<synchronous>, transform_indices = @transform_3, window_bounds = array<i64: 1, 64>}, {pipeline_mode = #tpu.pipeline_mode<synchronous>, transform_indices = @transform_4, window_bounds = array<i64: 64, 128>}, {pipeline_mode = #tpu.pipeline_mode<synchronous>, transform_indices = @transform_5, window_bounds = array<i64: 1, 128>}, {pipeline_mode = #tpu.pipeline_mode<synchronous>, transform_indices = @transform_6, window_bounds = array<i64: 128, 128>}, {pipeline_mode = #tpu.pipeline_mode<synchronous>, transform_indices = @transform_7, window_bounds = array<i64: 128, 128>}, {pipeline_mode = #tpu.pipeline_mode<synchronous>, transform_indices = @transform_8, window_bounds = array<i64: 1, 128>}, {pipeline_mode = #tpu.pipeline_mode<synchronous>, transform_indices = @transform_9, window_bounds = array<i64: 128, 26>}, {pipeline_mode = #tpu.pipeline_mode<synchronous>, transform_indices = @transform_10, window_bounds = array<i64: 1, 26>}, {transform_indices = @transform_11, window_bounds = array<i64: 2560, 128>}, {transform_indices = @transform_12, window_bounds = array<i64: 2560, 26>}]} {
    %get3A = arith.constant 0 : index
    %get3A_0 = arith.constant 0 : index
    %get3A_1 = vector.load %arg1[%get3A, %get3A_0] : memref<2560x128xi32, #tpu.memory_space<vmem>>, vector<2560x128xi32>
    %bitcast_convert_type3A = tpu.bitcast %get3A_1 : vector<2560x128xi32> -> vector<2560x128xi32>
    %shift_left3A = arith.constant 16 : i32
    %shift_left3A_2 = vector.broadcast %shift_left3A : i32 to vector<2560x128xi32>
    %shift_left3A_3 = arith.shli %bitcast_convert_type3A, %shift_left3A_2 : vector<2560x128xi32>
    %bitcast_convert_type3A_4 = tpu.bitcast %shift_left3A_3 : vector<2560x128xi32> -> vector<2560x128xf32>
    %and3A = arith.constant -65536 : i32
    %and3A_5 = vector.broadcast %and3A : i32 to vector<2560x128xi32>
    %and3A_6 = arith.andi %bitcast_convert_type3A, %and3A_5 : vector<2560x128xi32>
    %bitcast_convert_type3A_7 = tpu.bitcast %and3A_6 : vector<2560x128xi32> -> vector<2560x128xf32>
    %get3A_8 = arith.constant 0 : index
    %get3A_9 = arith.constant 0 : index
    %get3A_10 = vector.load %arg2[%get3A_8, %get3A_9] : memref<2560x128xi32, #tpu.memory_space<vmem>>, vector<2560x128xi32>
    %bitcast_convert_type3A_11 = tpu.bitcast %get3A_10 : vector<2560x128xi32> -> vector<2560x128xi32>
    %shift_left3A_12 = arith.constant 16 : i32
    %shift_left3A_13 = vector.broadcast %shift_left3A_12 : i32 to vector<2560x128xi32>
    %shift_left3A_14 = arith.shli %bitcast_convert_type3A_11, %shift_left3A_13 : vector<2560x128xi32>
    %bitcast_convert_type3A_15 = tpu.bitcast %shift_left3A_14 : vector<2560x128xi32> -> vector<2560x128xf32>
    %and3A_16 = arith.constant -65536 : i32
    %and3A_17 = vector.broadcast %and3A_16 : i32 to vector<2560x128xi32>
    %and3A_18 = arith.andi %bitcast_convert_type3A_11, %and3A_17 : vector<2560x128xi32>
    %bitcast_convert_type3A_19 = tpu.bitcast %and3A_18 : vector<2560x128xi32> -> vector<2560x128xf32>
    %slice3A = vector.extract_strided_slice %bitcast_convert_type3A_4 {offsets = [0, 64], sizes = [2560, 8], strides = [1, 1]} : vector<2560x128xf32> to vector<2560x8xf32>
    %slice3A_20 = vector.extract_strided_slice %bitcast_convert_type3A_7 {offsets = [0, 64], sizes = [2560, 8], strides = [1, 1]} : vector<2560x128xf32> to vector<2560x8xf32>
    %slice3A_21 = vector.extract_strided_slice %bitcast_convert_type3A_15 {offsets = [0, 64], sizes = [2560, 8], strides = [1, 1]} : vector<2560x128xf32> to vector<2560x8xf32>
    %slice3A_22 = vector.extract_strided_slice %bitcast_convert_type3A_19 {offsets = [0, 64], sizes = [2560, 8], strides = [1, 1]} : vector<2560x128xf32> to vector<2560x8xf32>
    %concatenate3A = tpu.concatenate %slice3A, %slice3A_20, %slice3A_21, %slice3A_22 in 1 : vector<2560x8xf32>, vector<2560x8xf32>, vector<2560x8xf32>, vector<2560x8xf32> -> vector<2560x32xf32>
    %get3A_23 = arith.constant 0 : index
    %get3A_24 = arith.constant 0 : index
    %get3A_25 = vector.load %arg3[%get3A_23, %get3A_24] : memref<32x64xf32, #tpu.memory_space<vmem>>, vector<32x64xf32>
    %dot_general3A = arith.constant dense<0.000000e+00> : vector<2560x64xf32>
    %dot_general3A_26 = tpu.matmul %concatenate3A, %get3A_25, %dot_general3A {dimension_numbers = #tpu.dot_dimension_numbers<[1], [0], [0], [1], [0, 0, 1, 1], [], []>, transpose_lhs_hint = false} : vector<2560x32xf32>, vector<32x64xf32>, vector<2560x64xf32> -> vector<2560x64xf32>
    %get3A_27 = arith.constant 0 : index
    %get3A_28 = arith.constant 0 : index
    %get3A_29 = vector.load %arg4[%get3A_27, %get3A_28] : memref<1x64xf32, #tpu.memory_space<vmem>>, vector<1x64xf32>
    %add3A = vector.broadcast %get3A_29 : vector<1x64xf32> to vector<2560x64xf32>
    %add3A_30 = arith.addf %dot_general3A_26, %add3A : vector<2560x64xf32>
    %max3A = arith.constant 0.000000e+00 : f32
    %max3A_31 = vector.broadcast %max3A : f32 to vector<2560x64xf32>
    %max3A_32 = arith.maximumf %add3A_30, %max3A_31 : vector<2560x64xf32>
    %get3A_33 = arith.constant 0 : index
    %get3A_34 = arith.constant 0 : index
    %get3A_35 = vector.load %arg5[%get3A_33, %get3A_34] : memref<64x128xf32, #tpu.memory_space<vmem>>, vector<64x128xf32>
    %dot_general3A_36 = arith.constant dense<0.000000e+00> : vector<2560x128xf32>
    %dot_general3A_37 = tpu.matmul %max3A_32, %get3A_35, %dot_general3A_36 {dimension_numbers = #tpu.dot_dimension_numbers<[1], [0], [0], [1], [0, 0, 1, 1], [], []>, transpose_lhs_hint = false} : vector<2560x64xf32>, vector<64x128xf32>, vector<2560x128xf32> -> vector<2560x128xf32>
    %get3A_38 = arith.constant 0 : index
    %get3A_39 = arith.constant 0 : index
    %get3A_40 = vector.load %arg6[%get3A_38, %get3A_39] : memref<1x128xf32, #tpu.memory_space<vmem>>, vector<1x128xf32>
    %add3A_41 = vector.broadcast %get3A_40 : vector<1x128xf32> to vector<2560x128xf32>
    %add3A_42 = arith.addf %dot_general3A_37, %add3A_41 : vector<2560x128xf32>
    %max3A_43 = arith.constant 0.000000e+00 : f32
    %max3A_44 = vector.broadcast %max3A_43 : f32 to vector<2560x128xf32>
    %max3A_45 = arith.maximumf %add3A_42, %max3A_44 : vector<2560x128xf32>
    %slice3A_46 = vector.extract_strided_slice %bitcast_convert_type3A_4 {offsets = [0, 0], sizes = [2560, 64], strides = [1, 1]} : vector<2560x128xf32> to vector<2560x64xf32>
    %slice3A_47 = vector.extract_strided_slice %bitcast_convert_type3A_15 {offsets = [0, 0], sizes = [2560, 64], strides = [1, 1]} : vector<2560x128xf32> to vector<2560x64xf32>
    %add3A_48 = arith.addf %slice3A_46, %slice3A_47 : vector<2560x64xf32>
    %slice3A_49 = vector.extract_strided_slice %bitcast_convert_type3A_7 {offsets = [0, 0], sizes = [2560, 64], strides = [1, 1]} : vector<2560x128xf32> to vector<2560x64xf32>
    %slice3A_50 = vector.extract_strided_slice %bitcast_convert_type3A_19 {offsets = [0, 0], sizes = [2560, 64], strides = [1, 1]} : vector<2560x128xf32> to vector<2560x64xf32>
    %add3A_51 = arith.addf %slice3A_49, %slice3A_50 : vector<2560x64xf32>
    %concatenate3A_52 = tpu.concatenate %add3A_48, %add3A_51 in 1 : vector<2560x64xf32>, vector<2560x64xf32> -> vector<2560x128xf32>
    %get3A_53 = arith.constant 0 : index
    %get3A_54 = arith.constant 0 : index
    %get3A_55 = vector.load %arg7[%get3A_53, %get3A_54] : memref<128x128xf32, #tpu.memory_space<vmem>>, vector<128x128xf32>
    %dot_general3A_56 = arith.constant dense<0.000000e+00> : vector<2560x128xf32>
    %dot_general3A_57 = tpu.matmul %max3A_45, %get3A_55, %dot_general3A_56 {dimension_numbers = #tpu.dot_dimension_numbers<[1], [0], [0], [1], [0, 0, 1, 1], [], []>, transpose_lhs_hint = false} : vector<2560x128xf32>, vector<128x128xf32>, vector<2560x128xf32> -> vector<2560x128xf32>
    %add3A_58 = arith.addf %concatenate3A_52, %dot_general3A_57 : vector<2560x128xf32>
    %max3A_59 = arith.constant 0.000000e+00 : f32
    %max3A_60 = vector.broadcast %max3A_59 : f32 to vector<2560x128xf32>
    %max3A_61 = arith.maximumf %add3A_58, %max3A_60 : vector<2560x128xf32>
    %swap3A = arith.constant 0 : index
    %swap3A_62 = arith.constant 0 : index
    %swap3A_63 = vector.load %arg12[%swap3A, %swap3A_62] : memref<2560x128xf32, #tpu.memory_space<vmem>>, vector<2560x128xf32>
    tpu.vector_store %arg12[%swap3A, %swap3A_62], %max3A_61 {strides = array<i32>} : memref<2560x128xf32, #tpu.memory_space<vmem>>, vector<2560x128xf32>,
    %get3A_64 = arith.constant 0 : index
    %get3A_65 = arith.constant 0 : index
    %get3A_66 = vector.load %arg8[%get3A_64, %get3A_65] : memref<128x128xf32, #tpu.memory_space<vmem>>, vector<128x128xf32>
    %dot_general3A_67 = arith.constant dense<0.000000e+00> : vector<2560x128xf32>
    %dot_general3A_68 = tpu.matmul %max3A_61, %get3A_66, %dot_general3A_67 {dimension_numbers = #tpu.dot_dimension_numbers<[1], [0], [0], [1], [0, 0, 1, 1], [], []>, transpose_lhs_hint = false} : vector<2560x128xf32>, vector<128x128xf32>, vector<2560x128xf32> -> vector<2560x128xf32>
    %get3A_69 = arith.constant 0 : index
    %get3A_70 = arith.constant 0 : index
    %get3A_71 = vector.load %arg9[%get3A_69, %get3A_70] : memref<1x128xf32, #tpu.memory_space<vmem>>, vector<1x128xf32>
    %add3A_72 = vector.broadcast %get3A_71 : vector<1x128xf32> to vector<2560x128xf32>
    %add3A_73 = arith.addf %dot_general3A_68, %add3A_72 : vector<2560x128xf32>
    %max3A_74 = arith.constant 0.000000e+00 : f32
    %max3A_75 = vector.broadcast %max3A_74 : f32 to vector<2560x128xf32>
    %max3A_76 = arith.maximumf %add3A_73, %max3A_75 : vector<2560x128xf32>
    %get3A_77 = arith.constant 0 : index
    %get3A_78 = arith.constant 0 : index
    %get3A_79 = vector.load %arg10[%get3A_77, %get3A_78] : memref<128x26xf32, #tpu.memory_space<vmem>>, vector<128x26xf32>
    %dot_general3A_80 = arith.constant dense<0.000000e+00> : vector<2560x26xf32>
    %dot_general3A_81 = tpu.matmul %max3A_76, %get3A_79, %dot_general3A_80 {dimension_numbers = #tpu.dot_dimension_numbers<[1], [0], [0], [1], [0, 0, 1, 1], [], []>, transpose_lhs_hint = false} : vector<2560x128xf32>, vector<128x26xf32>, vector<2560x26xf32> -> vector<2560x26xf32>
    %get3A_82 = arith.constant 0 : index
    %get3A_83 = arith.constant 0 : index
    %get3A_84 = vector.load %arg11[%get3A_82, %get3A_83] : memref<1x26xf32, #tpu.memory_space<vmem>>, vector<1x26xf32>
    %add3A_85 = vector.broadcast %get3A_84 : vector<1x26xf32> to vector<2560x26xf32>
    %add3A_86 = arith.addf %dot_general3A_81, %add3A_85 : vector<2560x26xf32>
    %swap3A_87 = arith.constant 0 : index
    %swap3A_88 = arith.constant 0 : index
    %swap3A_89 = vector.load %arg13[%swap3A_87, %swap3A_88] : memref<2560x26xf32, #tpu.memory_space<vmem>>, vector<2560x26xf32>
    tpu.vector_store %arg13[%swap3A_87, %swap3A_88], %add3A_86 {strides = array<i32>} : memref<2560x26xf32, #tpu.memory_space<vmem>>, vector<2560x26xf32>,
    return
  }
  func.func @transform_0(%arg0: i32) -> (i32, i32) {
    %c0_i32 = arith.constant 0 : i32
    %c0_i32_0 = arith.constant 0 : i32
    return %arg0, %c0_i32 : i32, i32
  }
  func.func @transform_1(%arg0: i32) -> (i32, i32) {
    %c0_i32 = arith.constant 0 : i32
    %c0_i32_0 = arith.constant 0 : i32
    return %arg0, %c0_i32 : i32, i32
  }
  func.func @transform_2(%arg0: i32) -> (i32, i32) {
    %c0_i32 = arith.constant 0 : i32
    %c0_i32_0 = arith.constant 0 : i32
    %c0_i32_1 = arith.constant 0 : i32
    return %c0_i32, %c0_i32_0 : i32, i32
  }
  func.func @transform_3(%arg0: i32) -> (i32, i32) {
    %c0_i32 = arith.constant 0 : i32
    %c0_i32_0 = arith.constant 0 : i32
    %c0_i32_1 = arith.constant 0 : i32
    return %c0_i32, %c0_i32_0 : i32, i32
  }
  func.func @transform_4(%arg0: i32) -> (i32, i32) {
    %c0_i32 = arith.constant 0 : i32
    %c0_i32_0 = arith.constant 0 : i32
    %c0_i32_1 = arith.constant 0 : i32
    return %c0_i32, %c0_i32_0 : i32, i32
  }
  func.func @transform_5(%arg0: i32) -> (i32, i32) {
    %c0_i32 = arith.constant 0 : i32
    %c0_i32_0 = arith.constant 0 : i32
    %c0_i32_1 = arith.constant 0 : i32
    return %c0_i32, %c0_i32_0 : i32, i32
  }
  func.func @transform_6(%arg0: i32) -> (i32, i32) {
    %c0_i32 = arith.constant 0 : i32
    %c0_i32_0 = arith.constant 0 : i32
    %c0_i32_1 = arith.constant 0 : i32
    return %c0_i32, %c0_i32_0 : i32, i32
  }
  func.func @transform_7(%arg0: i32) -> (i32, i32) {
    %c0_i32 = arith.constant 0 : i32
    %c0_i32_0 = arith.constant 0 : i32
    %c0_i32_1 = arith.constant 0 : i32
    return %c0_i32, %c0_i32_0 : i32, i32
  }
  func.func @transform_8(%arg0: i32) -> (i32, i32) {
    %c0_i32 = arith.constant 0 : i32
    %c0_i32_0 = arith.constant 0 : i32
    %c0_i32_1 = arith.constant 0 : i32
    return %c0_i32, %c0_i32_0 : i32, i32
  }
  func.func @transform_9(%arg0: i32) -> (i32, i32) {
    %c0_i32 = arith.constant 0 : i32
    %c0_i32_0 = arith.constant 0 : i32
    %c0_i32_1 = arith.constant 0 : i32
    return %c0_i32, %c0_i32_0 : i32, i32
  }
  func.func @transform_10(%arg0: i32) -> (i32, i32) {
    %c0_i32 = arith.constant 0 : i32
    %c0_i32_0 = arith.constant 0 : i32
    %c0_i32_1 = arith.constant 0 : i32
    return %c0_i32, %c0_i32_0 : i32, i32
  }
  func.func @transform_11(%arg0: i32) -> (i32, i32) {
    %c0_i32 = arith.constant 0 : i32
    %c0_i32_0 = arith.constant 0 : i32
    return %arg0, %c0_i32 : i32, i32
  }
  func.func @transform_12(%arg0: i32) -> (i32, i32) {
    %c0_i32 = arith.constant 0 : i32
    %c0_i32_0 = arith.constant 0 : i32
    return %arg0, %c0_i32 : i32, i32
  }
}

module attributes {stable_mosaic.version = 14 : i64} {
  func.func @_edge_body(%arg0: i32, %arg1: memref<2560x128xi32, #tpu.memory_space<vmem>>, %arg2: memref<2560x128xi32, #tpu.memory_space<vmem>>, %arg3: memref<32x64xf32, #tpu.memory_space<vmem>>, %arg4: memref<1x64xf32, #tpu.memory_space<vmem>>, %arg5: memref<64x128xf32, #tpu.memory_space<vmem>>, %arg6: memref<1x128xf32, #tpu.memory_space<vmem>>, %arg7: memref<128x128xf32, #tpu.memory_space<vmem>>, %arg8: memref<128x128xf32, #tpu.memory_space<vmem>>, %arg9: memref<1x128xf32, #tpu.memory_space<vmem>>, %arg10: memref<128x26xf32, #tpu.memory_space<vmem>>, %arg11: memref<1x26xf32, #tpu.memory_space<vmem>>, %arg12: memref<2560x128xf32, #tpu.memory_space<vmem>>, %arg13: memref<2560x26xf32, #tpu.memory_space<vmem>>) attributes {dimension_semantics = [#tpu.dimension_semantics<arbitrary>], iteration_bounds = array<i64: 41>, scalar_prefetch = 0 : i64, scratch_operands = 0 : i64, tpu.core_type = #tpu.core_type<tc>, window_params = [{transform_indices = @transform_0, window_bounds = array<i64: 2560, 128>}, {transform_indices = @transform_1, window_bounds = array<i64: 2560, 128>}, {pipeline_mode = #tpu.pipeline_mode<synchronous>, transform_indices = @transform_2, window_bounds = array<i64: 32, 64>}, {pipeline_mode = #tpu.pipeline_mode<synchronous>, transform_indices = @transform_3, window_bounds = array<i64: 1, 64>}, {pipeline_mode = #tpu.pipeline_mode<synchronous>, transform_indices = @transform_4, window_bounds = array<i64: 64, 128>}, {pipeline_mode = #tpu.pipeline_mode<synchronous>, transform_indices = @transform_5, window_bounds = array<i64: 1, 128>}, {pipeline_mode = #tpu.pipeline_mode<synchronous>, transform_indices = @transform_6, window_bounds = array<i64: 128, 128>}, {pipeline_mode = #tpu.pipeline_mode<synchronous>, transform_indices = @transform_7, window_bounds = array<i64: 128, 128>}, {pipeline_mode = #tpu.pipeline_mode<synchronous>, transform_indices = @transform_8, window_bounds = array<i64: 1, 128>}, {pipeline_mode = #tpu.pipeline_mode<synchronous>, transform_indices = @transform_9, window_bounds = array<i64: 128, 26>}, {pipeline_mode = #tpu.pipeline_mode<synchronous>, transform_indices = @transform_10, window_bounds = array<i64: 1, 26>}, {transform_indices = @transform_11, window_bounds = array<i64: 2560, 128>}, {transform_indices = @transform_12, window_bounds = array<i64: 2560, 26>}]} {
    %get3A = arith.constant 0 : index
    %get3A_0 = arith.constant 0 : index
    %get3A_1 = vector.load %arg1[%get3A, %get3A_0] : memref<2560x128xi32, #tpu.memory_space<vmem>>, vector<2560x128xi32>
    %bitcast_convert_type3A = tpu.bitcast %get3A_1 : vector<2560x128xi32> -> vector<2560x128xi32>
    %shift_left3A = arith.constant 16 : i32
    %shift_left3A_2 = vector.broadcast %shift_left3A : i32 to vector<2560x128xi32>
    %shift_left3A_3 = arith.shli %bitcast_convert_type3A, %shift_left3A_2 : vector<2560x128xi32>
    %bitcast_convert_type3A_4 = tpu.bitcast %shift_left3A_3 : vector<2560x128xi32> -> vector<2560x128xf32>
    %and3A = arith.constant -65536 : i32
    %and3A_5 = vector.broadcast %and3A : i32 to vector<2560x128xi32>
    %and3A_6 = arith.andi %bitcast_convert_type3A, %and3A_5 : vector<2560x128xi32>
    %bitcast_convert_type3A_7 = tpu.bitcast %and3A_6 : vector<2560x128xi32> -> vector<2560x128xf32>
    %get3A_8 = arith.constant 0 : index
    %get3A_9 = arith.constant 0 : index
    %get3A_10 = vector.load %arg2[%get3A_8, %get3A_9] : memref<2560x128xi32, #tpu.memory_space<vmem>>, vector<2560x128xi32>
    %bitcast_convert_type3A_11 = tpu.bitcast %get3A_10 : vector<2560x128xi32> -> vector<2560x128xi32>
    %shift_left3A_12 = arith.constant 16 : i32
    %shift_left3A_13 = vector.broadcast %shift_left3A_12 : i32 to vector<2560x128xi32>
    %shift_left3A_14 = arith.shli %bitcast_convert_type3A_11, %shift_left3A_13 : vector<2560x128xi32>
    %bitcast_convert_type3A_15 = tpu.bitcast %shift_left3A_14 : vector<2560x128xi32> -> vector<2560x128xf32>
    %and3A_16 = arith.constant -65536 : i32
    %and3A_17 = vector.broadcast %and3A_16 : i32 to vector<2560x128xi32>
    %and3A_18 = arith.andi %bitcast_convert_type3A_11, %and3A_17 : vector<2560x128xi32>
    %bitcast_convert_type3A_19 = tpu.bitcast %and3A_18 : vector<2560x128xi32> -> vector<2560x128xf32>
    %slice3A = vector.extract_strided_slice %bitcast_convert_type3A_4 {offsets = [0, 64], sizes = [2560, 8], strides = [1, 1]} : vector<2560x128xf32> to vector<2560x8xf32>
    %slice3A_20 = vector.extract_strided_slice %bitcast_convert_type3A_7 {offsets = [0, 64], sizes = [2560, 8], strides = [1, 1]} : vector<2560x128xf32> to vector<2560x8xf32>
    %slice3A_21 = vector.extract_strided_slice %bitcast_convert_type3A_15 {offsets = [0, 64], sizes = [2560, 8], strides = [1, 1]} : vector<2560x128xf32> to vector<2560x8xf32>
    %slice3A_22 = vector.extract_strided_slice %bitcast_convert_type3A_19 {offsets = [0, 64], sizes = [2560, 8], strides = [1, 1]} : vector<2560x128xf32> to vector<2560x8xf32>
    %concatenate3A = tpu.concatenate %slice3A, %slice3A_20, %slice3A_21, %slice3A_22 in 1 : vector<2560x8xf32>, vector<2560x8xf32>, vector<2560x8xf32>, vector<2560x8xf32> -> vector<2560x32xf32>
    %get3A_23 = arith.constant 0 : index
    %get3A_24 = arith.constant 0 : index
    %get3A_25 = vector.load %arg3[%get3A_23, %get3A_24] : memref<32x64xf32, #tpu.memory_space<vmem>>, vector<32x64xf32>
    %dot_general3A = arith.constant dense<0.000000e+00> : vector<2560x64xf32>
    %dot_general3A_26 = tpu.matmul %concatenate3A, %get3A_25, %dot_general3A {dimension_numbers = #tpu.dot_dimension_numbers<[1], [0], [0], [1], [0, 0, 1, 1], [], []>, transpose_lhs_hint = false} : vector<2560x32xf32>, vector<32x64xf32>, vector<2560x64xf32> -> vector<2560x64xf32>
    %get3A_27 = arith.constant 0 : index
    %get3A_28 = arith.constant 0 : index
    %get3A_29 = vector.load %arg4[%get3A_27, %get3A_28] : memref<1x64xf32, #tpu.memory_space<vmem>>, vector<1x64xf32>
    %add3A = vector.broadcast %get3A_29 : vector<1x64xf32> to vector<2560x64xf32>
    %add3A_30 = arith.addf %dot_general3A_26, %add3A : vector<2560x64xf32>
    %max3A = arith.constant 0.000000e+00 : f32
    %max3A_31 = vector.broadcast %max3A : f32 to vector<2560x64xf32>
    %max3A_32 = arith.maximumf %add3A_30, %max3A_31 : vector<2560x64xf32>
    %get3A_33 = arith.constant 0 : index
    %get3A_34 = arith.constant 0 : index
    %get3A_35 = vector.load %arg5[%get3A_33, %get3A_34] : memref<64x128xf32, #tpu.memory_space<vmem>>, vector<64x128xf32>
    %dot_general3A_36 = arith.constant dense<0.000000e+00> : vector<2560x128xf32>
    %dot_general3A_37 = tpu.matmul %max3A_32, %get3A_35, %dot_general3A_36 {dimension_numbers = #tpu.dot_dimension_numbers<[1], [0], [0], [1], [0, 0, 1, 1], [], []>, transpose_lhs_hint = false} : vector<2560x64xf32>, vector<64x128xf32>, vector<2560x128xf32> -> vector<2560x128xf32>
    %get3A_38 = arith.constant 0 : index
    %get3A_39 = arith.constant 0 : index
    %get3A_40 = vector.load %arg6[%get3A_38, %get3A_39] : memref<1x128xf32, #tpu.memory_space<vmem>>, vector<1x128xf32>
    %add3A_41 = vector.broadcast %get3A_40 : vector<1x128xf32> to vector<2560x128xf32>
    %add3A_42 = arith.addf %dot_general3A_37, %add3A_41 : vector<2560x128xf32>
    %max3A_43 = arith.constant 0.000000e+00 : f32
    %max3A_44 = vector.broadcast %max3A_43 : f32 to vector<2560x128xf32>
    %max3A_45 = arith.maximumf %add3A_42, %max3A_44 : vector<2560x128xf32>
    %slice3A_46 = vector.extract_strided_slice %bitcast_convert_type3A_4 {offsets = [0, 0], sizes = [2560, 64], strides = [1, 1]} : vector<2560x128xf32> to vector<2560x64xf32>
    %slice3A_47 = vector.extract_strided_slice %bitcast_convert_type3A_15 {offsets = [0, 0], sizes = [2560, 64], strides = [1, 1]} : vector<2560x128xf32> to vector<2560x64xf32>
    %add3A_48 = arith.addf %slice3A_46, %slice3A_47 : vector<2560x64xf32>
    %slice3A_49 = vector.extract_strided_slice %bitcast_convert_type3A_7 {offsets = [0, 0], sizes = [2560, 64], strides = [1, 1]} : vector<2560x128xf32> to vector<2560x64xf32>
    %slice3A_50 = vector.extract_strided_slice %bitcast_convert_type3A_19 {offsets = [0, 0], sizes = [2560, 64], strides = [1, 1]} : vector<2560x128xf32> to vector<2560x64xf32>
    %add3A_51 = arith.addf %slice3A_49, %slice3A_50 : vector<2560x64xf32>
    %concatenate3A_52 = tpu.concatenate %add3A_48, %add3A_51 in 1 : vector<2560x64xf32>, vector<2560x64xf32> -> vector<2560x128xf32>
    %get3A_53 = arith.constant 0 : index
    %get3A_54 = arith.constant 0 : index
    %get3A_55 = vector.load %arg7[%get3A_53, %get3A_54] : memref<128x128xf32, #tpu.memory_space<vmem>>, vector<128x128xf32>
    %dot_general3A_56 = arith.constant dense<0.000000e+00> : vector<2560x128xf32>
    %dot_general3A_57 = tpu.matmul %max3A_45, %get3A_55, %dot_general3A_56 {dimension_numbers = #tpu.dot_dimension_numbers<[1], [0], [0], [1], [0, 0, 1, 1], [], []>, transpose_lhs_hint = false} : vector<2560x128xf32>, vector<128x128xf32>, vector<2560x128xf32> -> vector<2560x128xf32>
    %add3A_58 = arith.addf %concatenate3A_52, %dot_general3A_57 : vector<2560x128xf32>
    %max3A_59 = arith.constant 0.000000e+00 : f32
    %max3A_60 = vector.broadcast %max3A_59 : f32 to vector<2560x128xf32>
    %max3A_61 = arith.maximumf %add3A_58, %max3A_60 : vector<2560x128xf32>
    %swap3A = arith.constant 0 : index
    %swap3A_62 = arith.constant 0 : index
    %swap3A_63 = vector.load %arg12[%swap3A, %swap3A_62] : memref<2560x128xf32, #tpu.memory_space<vmem>>, vector<2560x128xf32>
    tpu.vector_store %arg12[%swap3A, %swap3A_62], %max3A_61 {strides = array<i32>} : memref<2560x128xf32, #tpu.memory_space<vmem>>, vector<2560x128xf32>,
    %get3A_64 = arith.constant 0 : index
    %get3A_65 = arith.constant 0 : index
    %get3A_66 = vector.load %arg8[%get3A_64, %get3A_65] : memref<128x128xf32, #tpu.memory_space<vmem>>, vector<128x128xf32>
    %dot_general3A_67 = arith.constant dense<0.000000e+00> : vector<2560x128xf32>
    %dot_general3A_68 = tpu.matmul %max3A_61, %get3A_66, %dot_general3A_67 {dimension_numbers = #tpu.dot_dimension_numbers<[1], [0], [0], [1], [0, 0, 1, 1], [], []>, transpose_lhs_hint = false} : vector<2560x128xf32>, vector<128x128xf32>, vector<2560x128xf32> -> vector<2560x128xf32>
    %get3A_69 = arith.constant 0 : index
    %get3A_70 = arith.constant 0 : index
    %get3A_71 = vector.load %arg9[%get3A_69, %get3A_70] : memref<1x128xf32, #tpu.memory_space<vmem>>, vector<1x128xf32>
    %add3A_72 = vector.broadcast %get3A_71 : vector<1x128xf32> to vector<2560x128xf32>
    %add3A_73 = arith.addf %dot_general3A_68, %add3A_72 : vector<2560x128xf32>
    %max3A_74 = arith.constant 0.000000e+00 : f32
    %max3A_75 = vector.broadcast %max3A_74 : f32 to vector<2560x128xf32>
    %max3A_76 = arith.maximumf %add3A_73, %max3A_75 : vector<2560x128xf32>
    %get3A_77 = arith.constant 0 : index
    %get3A_78 = arith.constant 0 : index
    %get3A_79 = vector.load %arg10[%get3A_77, %get3A_78] : memref<128x26xf32, #tpu.memory_space<vmem>>, vector<128x26xf32>
    %dot_general3A_80 = arith.constant dense<0.000000e+00> : vector<2560x26xf32>
    %dot_general3A_81 = tpu.matmul %max3A_76, %get3A_79, %dot_general3A_80 {dimension_numbers = #tpu.dot_dimension_numbers<[1], [0], [0], [1], [0, 0, 1, 1], [], []>, transpose_lhs_hint = false} : vector<2560x128xf32>, vector<128x26xf32>, vector<2560x26xf32> -> vector<2560x26xf32>
    %get3A_82 = arith.constant 0 : index
    %get3A_83 = arith.constant 0 : index
    %get3A_84 = vector.load %arg11[%get3A_82, %get3A_83] : memref<1x26xf32, #tpu.memory_space<vmem>>, vector<1x26xf32>
    %add3A_85 = vector.broadcast %get3A_84 : vector<1x26xf32> to vector<2560x26xf32>
    %add3A_86 = arith.addf %dot_general3A_81, %add3A_85 : vector<2560x26xf32>
    %swap3A_87 = arith.constant 0 : index
    %swap3A_88 = arith.constant 0 : index
    %swap3A_89 = vector.load %arg13[%swap3A_87, %swap3A_88] : memref<2560x26xf32, #tpu.memory_space<vmem>>, vector<2560x26xf32>
    tpu.vector_store %arg13[%swap3A_87, %swap3A_88], %add3A_86 {strides = array<i32>} : memref<2560x26xf32, #tpu.memory_space<vmem>>, vector<2560x26xf32>,
    return
  }
  func.func @transform_0(%arg0: i32) -> (i32, i32) {
    %c0_i32 = arith.constant 0 : i32
    %c0_i32_0 = arith.constant 0 : i32
    return %arg0, %c0_i32 : i32, i32
  }
  func.func @transform_1(%arg0: i32) -> (i32, i32) {
    %c0_i32 = arith.constant 0 : i32
    %c0_i32_0 = arith.constant 0 : i32
    return %arg0, %c0_i32 : i32, i32
  }
  func.func @transform_2(%arg0: i32) -> (i32, i32) {
    %c0_i32 = arith.constant 0 : i32
    %c0_i32_0 = arith.constant 0 : i32
    %c0_i32_1 = arith.constant 0 : i32
    return %c0_i32, %c0_i32_0 : i32, i32
  }
  func.func @transform_3(%arg0: i32) -> (i32, i32) {
    %c0_i32 = arith.constant 0 : i32
    %c0_i32_0 = arith.constant 0 : i32
    %c0_i32_1 = arith.constant 0 : i32
    return %c0_i32, %c0_i32_0 : i32, i32
  }
  func.func @transform_4(%arg0: i32) -> (i32, i32) {
    %c0_i32 = arith.constant 0 : i32
    %c0_i32_0 = arith.constant 0 : i32
    %c0_i32_1 = arith.constant 0 : i32
    return %c0_i32, %c0_i32_0 : i32, i32
  }
  func.func @transform_5(%arg0: i32) -> (i32, i32) {
    %c0_i32 = arith.constant 0 : i32
    %c0_i32_0 = arith.constant 0 : i32
    %c0_i32_1 = arith.constant 0 : i32
    return %c0_i32, %c0_i32_0 : i32, i32
  }
  func.func @transform_6(%arg0: i32) -> (i32, i32) {
    %c0_i32 = arith.constant 0 : i32
    %c0_i32_0 = arith.constant 0 : i32
    %c0_i32_1 = arith.constant 0 : i32
    return %c0_i32, %c0_i32_0 : i32, i32
  }
  func.func @transform_7(%arg0: i32) -> (i32, i32) {
    %c0_i32 = arith.constant 0 : i32
    %c0_i32_0 = arith.constant 0 : i32
    %c0_i32_1 = arith.constant 0 : i32
    return %c0_i32, %c0_i32_0 : i32, i32
  }
  func.func @transform_8(%arg0: i32) -> (i32, i32) {
    %c0_i32 = arith.constant 0 : i32
    %c0_i32_0 = arith.constant 0 : i32
    %c0_i32_1 = arith.constant 0 : i32
    return %c0_i32, %c0_i32_0 : i32, i32
  }
  func.func @transform_9(%arg0: i32) -> (i32, i32) {
    %c0_i32 = arith.constant 0 : i32
    %c0_i32_0 = arith.constant 0 : i32
    %c0_i32_1 = arith.constant 0 : i32
    return %c0_i32, %c0_i32_0 : i32, i32
  }
  func.func @transform_10(%arg0: i32) -> (i32, i32) {
    %c0_i32 = arith.constant 0 : i32
    %c0_i32_0 = arith.constant 0 : i32
    %c0_i32_1 = arith.constant 0 : i32
    return %c0_i32, %c0_i32_0 : i32, i32
  }
  func.func @transform_11(%arg0: i32) -> (i32, i32) {
    %c0_i32 = arith.constant 0 : i32
    %c0_i32_0 = arith.constant 0 : i32
    return %arg0, %c0_i32 : i32, i32
  }
  func.func @transform_12(%arg0: i32) -> (i32, i32) {
    %c0_i32 = arith.constant 0 : i32
    %c0_i32_0 = arith.constant 0 : i32
    return %arg0, %c0_i32 : i32, i32
  }
}

module attributes {stable_mosaic.version = 14 : i64} {
  func.func @_node_body(%arg0: i32, %arg1: memref<2000x128xf32, #tpu.memory_space<vmem>>, %arg2: memref<2000x128xf32, #tpu.memory_space<vmem>>, %arg3: memref<2000x128xf32, #tpu.memory_space<vmem>>, %arg4: memref<2000x128xf32, #tpu.memory_space<vmem>>, %arg5: memref<2000x128xf32, #tpu.memory_space<vmem>>, %arg6: memref<2000x16xf32, #tpu.memory_space<vmem>>, %arg7: memref<2000x16xf32, #tpu.memory_space<vmem>>, %arg8: memref<2000x16xf32, #tpu.memory_space<vmem>>, %arg9: memref<2000x16xf32, #tpu.memory_space<vmem>>, %arg10: memref<128x128xf32, #tpu.memory_space<vmem>>, %arg11: memref<128x128xf32, #tpu.memory_space<vmem>>, %arg12: memref<1x128xf32, #tpu.memory_space<vmem>>, %arg13: memref<128x128xf32, #tpu.memory_space<vmem>>, %arg14: memref<1x128xf32, #tpu.memory_space<vmem>>, %arg15: memref<128x160xf32, #tpu.memory_space<vmem>>, %arg16: memref<1x160xf32, #tpu.memory_space<vmem>>, %arg17: memref<2000x160xf32, #tpu.memory_space<vmem>>) attributes {dimension_semantics = [#tpu.dimension_semantics<arbitrary>], iteration_bounds = array<i64: 5>, scalar_prefetch = 0 : i64, scratch_operands = 0 : i64, tpu.core_type = #tpu.core_type<tc>, window_params = [{transform_indices = @transform_0, window_bounds = array<i64: 2000, 128>}, {transform_indices = @transform_1, window_bounds = array<i64: 2000, 128>}, {transform_indices = @transform_2, window_bounds = array<i64: 2000, 128>}, {transform_indices = @transform_3, window_bounds = array<i64: 2000, 128>}, {transform_indices = @transform_4, window_bounds = array<i64: 2000, 128>}, {transform_indices = @transform_5, window_bounds = array<i64: 2000, 16>}, {transform_indices = @transform_6, window_bounds = array<i64: 2000, 16>}, {transform_indices = @transform_7, window_bounds = array<i64: 2000, 16>}, {transform_indices = @transform_8, window_bounds = array<i64: 2000, 16>}, {pipeline_mode = #tpu.pipeline_mode<synchronous>, transform_indices = @transform_9, window_bounds = array<i64: 128, 128>}, {pipeline_mode = #tpu.pipeline_mode<synchronous>, transform_indices = @transform_10, window_bounds = array<i64: 128, 128>}, {pipeline_mode = #tpu.pipeline_mode<synchronous>, transform_indices = @transform_11, window_bounds = array<i64: 1, 128>}, {pipeline_mode = #tpu.pipeline_mode<synchronous>, transform_indices = @transform_12, window_bounds = array<i64: 128, 128>}, {pipeline_mode = #tpu.pipeline_mode<synchronous>, transform_indices = @transform_13, window_bounds = array<i64: 1, 128>}, {pipeline_mode = #tpu.pipeline_mode<synchronous>, transform_indices = @transform_14, window_bounds = array<i64: 128, 160>}, {pipeline_mode = #tpu.pipeline_mode<synchronous>, transform_indices = @transform_15, window_bounds = array<i64: 1, 160>}, {transform_indices = @transform_16, window_bounds = array<i64: 2000, 160>}]} {
    %get3A = arith.constant 0 : index
    %get3A_0 = arith.constant 0 : index
    %get3A_1 = vector.load %arg2[%get3A, %get3A_0] : memref<2000x128xf32, #tpu.memory_space<vmem>>, vector<2000x128xf32>
    %get3A_2 = arith.constant 0 : index
    %get3A_3 = arith.constant 0 : index
    %get3A_4 = vector.load %arg3[%get3A_2, %get3A_3] : memref<2000x128xf32, #tpu.memory_space<vmem>>, vector<2000x128xf32>
    %add3A = arith.addf %get3A_1, %get3A_4 : vector<2000x128xf32>
    %get3A_5 = arith.constant 0 : index
    %get3A_6 = arith.constant 0 : index
    %get3A_7 = vector.load %arg4[%get3A_5, %get3A_6] : memref<2000x128xf32, #tpu.memory_space<vmem>>, vector<2000x128xf32>
    %add3A_8 = arith.addf %add3A, %get3A_7 : vector<2000x128xf32>
    %get3A_9 = arith.constant 0 : index
    %get3A_10 = arith.constant 0 : index
    %get3A_11 = vector.load %arg5[%get3A_9, %get3A_10] : memref<2000x128xf32, #tpu.memory_space<vmem>>, vector<2000x128xf32>
    %add3A_12 = arith.addf %add3A_8, %get3A_11 : vector<2000x128xf32>
    %get3A_13 = arith.constant 0 : index
    %get3A_14 = arith.constant 0 : index
    %get3A_15 = vector.load %arg6[%get3A_13, %get3A_14] : memref<2000x16xf32, #tpu.memory_space<vmem>>, vector<2000x16xf32>
    %get3A_16 = arith.constant 0 : index
    %get3A_17 = arith.constant 0 : index
    %get3A_18 = vector.load %arg7[%get3A_16, %get3A_17] : memref<2000x16xf32, #tpu.memory_space<vmem>>, vector<2000x16xf32>
    %add3A_19 = arith.addf %get3A_15, %get3A_18 : vector<2000x16xf32>
    %get3A_20 = arith.constant 0 : index
    %get3A_21 = arith.constant 0 : index
    %get3A_22 = vector.load %arg8[%get3A_20, %get3A_21] : memref<2000x16xf32, #tpu.memory_space<vmem>>, vector<2000x16xf32>
    %add3A_23 = arith.addf %add3A_19, %get3A_22 : vector<2000x16xf32>
    %get3A_24 = arith.constant 0 : index
    %get3A_25 = arith.constant 0 : index
    %get3A_26 = vector.load %arg9[%get3A_24, %get3A_25] : memref<2000x16xf32, #tpu.memory_space<vmem>>, vector<2000x16xf32>
    %add3A_27 = arith.addf %add3A_23, %get3A_26 : vector<2000x16xf32>
    %reduce_max3A = arith.constant dense<0xFF800000> : vector<2000xf32>
    %reduce_max3A_28 = vector.multi_reduction <maximumf>, %add3A_27, %reduce_max3A [1] : vector<2000x16xf32> to vector<2000xf32>
    %broadcast_in_dim3A = vector.shape_cast %reduce_max3A_28 : vector<2000xf32> to vector<2000x1xf32>
    %max3A = arith.constant 1.000000e+00 : f32
    %max3A_29 = vector.broadcast %max3A : f32 to vector<2000x1xf32>
    %max3A_30 = arith.maximumf %broadcast_in_dim3A, %max3A_29 : vector<2000x1xf32>
    %div3A = vector.broadcast %max3A_30 : vector<2000x1xf32> to vector<2000x128xf32>
    %div3A_31 = arith.divf %add3A_12, %div3A : vector<2000x128xf32>
    %get3A_32 = arith.constant 0 : index
    %get3A_33 = arith.constant 0 : index
    %get3A_34 = vector.load %arg1[%get3A_32, %get3A_33] : memref<2000x128xf32, #tpu.memory_space<vmem>>, vector<2000x128xf32>
    %get3A_35 = arith.constant 0 : index
    %get3A_36 = arith.constant 0 : index
    %get3A_37 = vector.load %arg10[%get3A_35, %get3A_36] : memref<128x128xf32, #tpu.memory_space<vmem>>, vector<128x128xf32>
    %dot_general3A = arith.constant dense<0.000000e+00> : vector<2000x128xf32>
    %dot_general3A_38 = tpu.matmul %get3A_34, %get3A_37, %dot_general3A {dimension_numbers = #tpu.dot_dimension_numbers<[1], [0], [0], [1], [0, 0, 1, 1], [], []>, transpose_lhs_hint = false} : vector<2000x128xf32>, vector<128x128xf32>, vector<2000x128xf32> -> vector<2000x128xf32>
    %get3A_39 = arith.constant 0 : index
    %get3A_40 = arith.constant 0 : index
    %get3A_41 = vector.load %arg11[%get3A_39, %get3A_40] : memref<128x128xf32, #tpu.memory_space<vmem>>, vector<128x128xf32>
    %dot_general3A_42 = arith.constant dense<0.000000e+00> : vector<2000x128xf32>
    %dot_general3A_43 = tpu.matmul %div3A_31, %get3A_41, %dot_general3A_42 {dimension_numbers = #tpu.dot_dimension_numbers<[1], [0], [0], [1], [0, 0, 1, 1], [], []>, transpose_lhs_hint = false} : vector<2000x128xf32>, vector<128x128xf32>, vector<2000x128xf32> -> vector<2000x128xf32>
    %add3A_44 = arith.addf %dot_general3A_38, %dot_general3A_43 : vector<2000x128xf32>
    %get3A_45 = arith.constant 0 : index
    %get3A_46 = arith.constant 0 : index
    %get3A_47 = vector.load %arg12[%get3A_45, %get3A_46] : memref<1x128xf32, #tpu.memory_space<vmem>>, vector<1x128xf32>
    %add3A_48 = vector.broadcast %get3A_47 : vector<1x128xf32> to vector<2000x128xf32>
    %add3A_49 = arith.addf %add3A_44, %add3A_48 : vector<2000x128xf32>
    %max3A_50 = arith.constant 0.000000e+00 : f32
    %max3A_51 = vector.broadcast %max3A_50 : f32 to vector<2000x128xf32>
    %max3A_52 = arith.maximumf %add3A_49, %max3A_51 : vector<2000x128xf32>
    %get3A_53 = arith.constant 0 : index
    %get3A_54 = arith.constant 0 : index
    %get3A_55 = vector.load %arg13[%get3A_53, %get3A_54] : memref<128x128xf32, #tpu.memory_space<vmem>>, vector<128x128xf32>
    %dot_general3A_56 = arith.constant dense<0.000000e+00> : vector<2000x128xf32>
    %dot_general3A_57 = tpu.matmul %max3A_52, %get3A_55, %dot_general3A_56 {dimension_numbers = #tpu.dot_dimension_numbers<[1], [0], [0], [1], [0, 0, 1, 1], [], []>, transpose_lhs_hint = false} : vector<2000x128xf32>, vector<128x128xf32>, vector<2000x128xf32> -> vector<2000x128xf32>
    %get3A_58 = arith.constant 0 : index
    %get3A_59 = arith.constant 0 : index
    %get3A_60 = vector.load %arg14[%get3A_58, %get3A_59] : memref<1x128xf32, #tpu.memory_space<vmem>>, vector<1x128xf32>
    %add3A_61 = vector.broadcast %get3A_60 : vector<1x128xf32> to vector<2000x128xf32>
    %add3A_62 = arith.addf %dot_general3A_57, %add3A_61 : vector<2000x128xf32>
    %max3A_63 = arith.constant 0.000000e+00 : f32
    %max3A_64 = vector.broadcast %max3A_63 : f32 to vector<2000x128xf32>
    %max3A_65 = arith.maximumf %add3A_62, %max3A_64 : vector<2000x128xf32>
    %get3A_66 = arith.constant 0 : index
    %get3A_67 = arith.constant 0 : index
    %get3A_68 = vector.load %arg15[%get3A_66, %get3A_67] : memref<128x160xf32, #tpu.memory_space<vmem>>, vector<128x160xf32>
    %dot_general3A_69 = arith.constant dense<0.000000e+00> : vector<2000x160xf32>
    %dot_general3A_70 = tpu.matmul %max3A_65, %get3A_68, %dot_general3A_69 {dimension_numbers = #tpu.dot_dimension_numbers<[1], [0], [0], [1], [0, 0, 1, 1], [], []>, transpose_lhs_hint = false} : vector<2000x128xf32>, vector<128x160xf32>, vector<2000x160xf32> -> vector<2000x160xf32>
    %get3A_71 = arith.constant 0 : index
    %get3A_72 = arith.constant 0 : index
    %get3A_73 = vector.load %arg16[%get3A_71, %get3A_72] : memref<1x160xf32, #tpu.memory_space<vmem>>, vector<1x160xf32>
    %add3A_74 = vector.broadcast %get3A_73 : vector<1x160xf32> to vector<2000x160xf32>
    %add3A_75 = arith.addf %dot_general3A_70, %add3A_74 : vector<2000x160xf32>
    %swap3A = arith.constant 0 : index
    %swap3A_76 = arith.constant 0 : index
    %swap3A_77 = vector.load %arg17[%swap3A, %swap3A_76] : memref<2000x160xf32, #tpu.memory_space<vmem>>, vector<2000x160xf32>
    tpu.vector_store %arg17[%swap3A, %swap3A_76], %add3A_75 {strides = array<i32>} : memref<2000x160xf32, #tpu.memory_space<vmem>>, vector<2000x160xf32>,
    return
  }
  func.func @transform_0(%arg0: i32) -> (i32, i32) {
    %c0_i32 = arith.constant 0 : i32
    %c0_i32_0 = arith.constant 0 : i32
    return %arg0, %c0_i32 : i32, i32
  }
  func.func @transform_1(%arg0: i32) -> (i32, i32) {
    %c0_i32 = arith.constant 0 : i32
    %c0_i32_0 = arith.constant 0 : i32
    return %arg0, %c0_i32 : i32, i32
  }
  func.func @transform_2(%arg0: i32) -> (i32, i32) {
    %c0_i32 = arith.constant 0 : i32
    %c0_i32_0 = arith.constant 0 : i32
    return %arg0, %c0_i32 : i32, i32
  }
  func.func @transform_3(%arg0: i32) -> (i32, i32) {
    %c0_i32 = arith.constant 0 : i32
    %c0_i32_0 = arith.constant 0 : i32
    return %arg0, %c0_i32 : i32, i32
  }
  func.func @transform_4(%arg0: i32) -> (i32, i32) {
    %c0_i32 = arith.constant 0 : i32
    %c0_i32_0 = arith.constant 0 : i32
    return %arg0, %c0_i32 : i32, i32
  }
  func.func @transform_5(%arg0: i32) -> (i32, i32) {
    %c0_i32 = arith.constant 0 : i32
    %c0_i32_0 = arith.constant 0 : i32
    return %arg0, %c0_i32 : i32, i32
  }
  func.func @transform_6(%arg0: i32) -> (i32, i32) {
    %c0_i32 = arith.constant 0 : i32
    %c0_i32_0 = arith.constant 0 : i32
    return %arg0, %c0_i32 : i32, i32
  }
  func.func @transform_7(%arg0: i32) -> (i32, i32) {
    %c0_i32 = arith.constant 0 : i32
    %c0_i32_0 = arith.constant 0 : i32
    return %arg0, %c0_i32 : i32, i32
  }
  func.func @transform_8(%arg0: i32) -> (i32, i32) {
    %c0_i32 = arith.constant 0 : i32
    %c0_i32_0 = arith.constant 0 : i32
    return %arg0, %c0_i32 : i32, i32
  }
  func.func @transform_9(%arg0: i32) -> (i32, i32) {
    %c0_i32 = arith.constant 0 : i32
    %c0_i32_0 = arith.constant 0 : i32
    %c0_i32_1 = arith.constant 0 : i32
    return %c0_i32, %c0_i32_0 : i32, i32
  }
  func.func @transform_10(%arg0: i32) -> (i32, i32) {
    %c0_i32 = arith.constant 0 : i32
    %c0_i32_0 = arith.constant 0 : i32
    %c0_i32_1 = arith.constant 0 : i32
    return %c0_i32, %c0_i32_0 : i32, i32
  }
  func.func @transform_11(%arg0: i32) -> (i32, i32) {
    %c0_i32 = arith.constant 0 : i32
    %c0_i32_0 = arith.constant 0 : i32
    %c0_i32_1 = arith.constant 0 : i32
    return %c0_i32, %c0_i32_0 : i32, i32
  }
  func.func @transform_12(%arg0: i32) -> (i32, i32) {
    %c0_i32 = arith.constant 0 : i32
    %c0_i32_0 = arith.constant 0 : i32
    %c0_i32_1 = arith.constant 0 : i32
    return %c0_i32, %c0_i32_0 : i32, i32
  }
  func.func @transform_13(%arg0: i32) -> (i32, i32) {
    %c0_i32 = arith.constant 0 : i32
    %c0_i32_0 = arith.constant 0 : i32
    %c0_i32_1 = arith.constant 0 : i32
    return %c0_i32, %c0_i32_0 : i32, i32
  }
  func.func @transform_14(%arg0: i32) -> (i32, i32) {
    %c0_i32 = arith.constant 0 : i32
    %c0_i32_0 = arith.constant 0 : i32
    %c0_i32_1 = arith.constant 0 : i32
    return %c0_i32, %c0_i32_0 : i32, i32
  }
  func.func @transform_15(%arg0: i32) -> (i32, i32) {
    %c0_i32 = arith.constant 0 : i32
    %c0_i32_0 = arith.constant 0 : i32
    %c0_i32_1 = arith.constant 0 : i32
    return %c0_i32, %c0_i32_0 : i32, i32
  }
  func.func @transform_16(%arg0: i32) -> (i32, i32) {
    %c0_i32 = arith.constant 0 : i32
    %c0_i32_0 = arith.constant 0 : i32
    return %arg0, %c0_i32 : i32, i32
  }
}

</mosaic_0001>

<sc_bundles>
// kernel: kernel.10.cloned.1.call-start
scs
__scs_entry_jumppad:
0x0: {  	(pc) =	sbr.rel $0x88, $3  }
0x1: {  	(tag) =	ssettag $0x0;
	lr =	simm.s32 $0x1  }
0x2: {  	[smem:$0x3F8E] =	sst lr;
	_ =	strace $0xD0000000  }
0x3: {  	_ = 	snop  }
0x4: {  	_ = 	snop  }
0x5: {  	_ = 	snop  }
0x6: {  	_ = 	snop  }
0x7: {  	_ = 	snop  }
__scs_overlays_trampoline_lowered:
0x8: {  	[smem:$0x3F9D] =	sst s0  }
0x9: {  	[smem:$0x3F9E] =	sst s1  }
0xa: {  	[smem:$0x3F9F] =	sst s2  }
0xb: {  	[smem:$0x3FA0] =	sst s3  }
0xc: {  	[smem:$0x3FA1] =	sst s4  }
0xd: {  	[smem:$0x3FA2] =	sst s5  }
0xe: {  	[smem:$0x3FA3] =	sst s6  }
0xf: {  	[smem:$0x3FA4] =	sst s7  }
0x10: {  	[smem:$0x3FA5] =	sst s8  }
0x11: {  	[smem:$0x3FA6] =	sst s9;
	s0 =	simm.s32 @!p0 $0x0  }
0x12: {  	s1 =	sld [smem:$0x3F8C];
	s0 =	simm.s32 @p0 $0x1  }
0x13: {  	[smem:$0x3FA7] =	sst s0;
	s0 =	simm.s32 @!p1 $0x0  }
0x14: {  	s2 =	sld [smem:$0x3F8B];
	s0 =	simm.s32 @p1 $0x1  }
0x15: {  	[smem:$0x3FA8] =	sst s0;
	s0 =	simm.s32 @!p2 $0x0  }
0x16: {  	s3 =	sld [smem:$0x3FDB];
	s0 =	simm.s32 @p2 $0x1  }
0x17: {  	s4 =	simm.s32 $0x1BF5;
	[smem:$0x3FAA] =	sst s0  }
0x18: {  	s0 =	sld [smem:$0x3F8D];
	_ =	swait.ge [sflag:s4], $0x0  }
0x19: {  	s7 =	sld [smem:$0x3F8E]  }
0x1a: {  	s8 =	sadd.s32 $0xFFFFE003, lr  }
0x1b: {  	s9 =	sadd.s32 $0xFFFFFEF7, lr;
	s5 =	simm.s32 $0xFFFFFFFF;
	p2 =	slt.u32 s8, $0xFFFFF086  }
0x1c: {  	p1 =	slt.u32 s9, $0xF7A;
	s5 =	simm.s32 @!p2 $0x0  }
0x1d: {  	s5 =	simm.s32 @p1 $0x1;
	p0 =	seq.s32 s7, s2  }
0x1e: {  	s7 =	smul.u32 @!p0 $0xF7A, s2;
	p2 =	seq.s32 @!p0 s5, $0x0  }
0x1f: {  	s9 =	smul.u32 $0xF7A, s1;
	s8 =	simm.s32 @!p0 $0x1BF5;
	p2 =	por !p2, p0  }
0x20: {  	[sflag:s8] =	ssyncset.s32 @!p0 $0xFFFFF086;
	s6 =	sadd.s32 @!p0 s3, s7;
	s7 =	simm.s32 @!p0 $0x108  }
0x21: {  	s3 =	sadd.s32 s3, s9;
	s6 =	sadd.s32 @!p0 $0x88, s6;
	s7 =	simm.s32 @p2 $0x1082  }
0x22: {  	[simem:s7], [sflag:s8] =	dma.local @!p0 [hbm:s6], $0xF7A  }
0x23: {  	s9 =	sor.u32 $0xD0000000, s2;
	s6 =	simm.s32 $0x108;
	_ =	swait.ge @!p0 [sflag:s8], $0x0  }
0x24: {  	s3 =	sadd.s32 $0x88, s3;
	s6 =	simm.s32 @!p1 $0x1082;
	[sflag:s4] =	ssyncset.s32 $0xFFFFF086  }
0x25: {  	[simem:s6], [sflag:s4] =	dma.local [hbm:s3], $0xF7A  }
0x26: {  	[smem:$0x3F8E] =	sst s1;
	(tag) =	ssettag s2;
	_ =	strace s9  }
0x27: {  	s1 =	sld [smem:$0x3F9E]  }
0x28: {  	s2 =	sld [smem:$0x3F9F]  }
0x29: {  	s4 =	sld [smem:$0x3FA1]  }
0x2a: {  	p0 =	seq.s32 s5, $0x0;
	s5 =	sld [smem:$0x3FA2]  }
0x2b: {  	s6 =	sld [smem:$0x3FA3]  }
0x2c: {  	s7 =	sld [smem:$0x3FA4]  }
0x2d: {  	s3 =	simm.s32 $0x108;
	s8 =	sld [smem:$0x3FA5]  }
0x2e: {  	s3 =	simm.s32 @!p0 $0x1082;
	s9 =	sld [smem:$0x3FA6]  }
0x2f: {  	lr =	sadd.s32 s0, s3;
	s0 =	sld [smem:$0x3F9D]  }
0x30: {  	s3 =	sld [smem:$0x3FA0]  }
0x31: {  	[smem:$0x3FA9] =	sst s10  }
0x32: {  	s10 =	sld [smem:$0x3FA7];
	_ =	sdelay $0x3  }
0x33: {  	p0 =	seq.s32 s10, $0x1;
	s10 =	sld [smem:$0x3FA9];
	_ =	sdelay $0x3  }
0x34: {  	[smem:$0x3FA9] =	sst s10  }
0x35: {  	s10 =	sld [smem:$0x3FA8];
	_ =	sdelay $0x3  }
0x36: {  	p1 =	seq.s32 s10, $0x1;
	s10 =	sld [smem:$0x3FA9];
	_ =	sdelay $0x3  }
0x37: {  	[smem:$0x3FA9] =	sst s10  }
0x38: {  	s10 =	sld [smem:$0x3FAA]  }
0x39: {  	_ = 	snop;
	(pc) =	sbr.ind lr, $3  }
0x3a: {  	_ = 	snop  }
0x3b: {  	_ = 	snop  }
0x3c: {  	p2 =	seq.s32 s10, $0x1;
	s10 =	sld [smem:$0x3FA9]  }
0x3d: {  	_ =	shalt  }
0x3e: {  	_ =	shalt  }
0x3f: {  	_ =	shalt  }
0x40: {  	_ =	shalt  }
0x41: {  	_ =	shalt  }
0x42: {  	_ =	shalt  }
0x43: {  	_ =	shalt  }
0x44: {  	_ =	shalt  }
0x45: {  	_ =	shalt  }
0x46: {  	_ =	shalt  }
0x47: {  	_ =	shalt  }
0x48: {  	_ =	shalt  }
0x49: {  	_ =	shalt  }
0x4a: {  	_ =	shalt  }
0x4b: {  	_ =	shalt  }
0x4c: {  	_ =	shalt  }
0x4d: {  	_ =	shalt  }
0x4e: {  	_ =	shalt  }
0x4f: {  	_ =	shalt  }
0x50: {  	_ =	shalt  }
0x51: {  	_ =	shalt  }
0x52: {  	_ =	shalt  }
0x53: {  	_ =	shalt  }
0x54: {  	_ =	shalt  }
0x55: {  	_ =	shalt  }
0x56: {  	_ =	shalt  }
0x57: {  	_ =	shalt  }
0x58: {  	_ =	shalt  }
0x59: {  	_ =	shalt  }
0x5a: {  	_ =	shalt  }
0x5b: {  	_ =	shalt  }
0x5c: {  	_ =	shalt  }
0x5d: {  	_ =	shalt  }
0x5e: {  	_ =	shalt  }
0x5f: {  	_ =	shalt  }
0x60: {  	_ =	shalt  }
0x61: {  	_ =	shalt  }
0x62: {  	_ =	shalt  }
0x63: {  	_ =	shalt  }
0x64: {  	_ =	shalt  }
0x65: {  	_ =	shalt  }
0x66: {  	_ =	shalt  }
0x67: {  	_ =	shalt  }
0x68: {  	_ =	shalt  }
0x69: {  	_ =	shalt  }
0x6a: {  	_ =	shalt  }
0x6b: {  	_ =	shalt  }
0x6c: {  	_ =	shalt  }
0x6d: {  	_ =	shalt  }
0x6e: {  	_ =	shalt  }
0x6f: {  	_ =	shalt  }
0x70: {  	_ =	shalt  }
0x71: {  	_ =	shalt  }
0x72: {  	_ =	shalt  }
0x73: {  	_ =	shalt  }
0x74: {  	_ =	shalt  }
0x75: {  	_ =	shalt  }
0x76: {  	_ =	shalt  }
0x77: {  	_ =	shalt  }
0x78: {  	_ =	shalt  }
0x79: {  	_ =	shalt  }
0x7a: {  	_ =	shalt  }
0x7b: {  	_ =	shalt  }
0x7c: {  	_ =	shalt  }
0x7d: {  	_ =	shalt  }
0x7e: {  	_ =	shalt  }
0x7f: {  	_ =	shalt  }
0x80: {  	_ =	shalt  }
0x81: {  	_ =	shalt  }
0x82: {  	_ =	shalt  }
0x83: {  	_ =	shalt  }
0x84: {  	_ =	shalt  }
0x85: {  	_ =	shalt  }
0x86: {  	_ =	shalt  }
0x87: {  	_ =	shalt  }
.Lfunc_end0:
.L_simem_size_0:
called_computation_lowered:
.L_overlay_start_0:
0x88: {  	s2 =	sld [smem:$0x3FD9]  }
0x89: {  	s3 =	sld [smem:$0x3FFE];
	_ =	sdelay $0x1  }
0x8a: {  	s1 =	srdreg.scid  }
0x8b: {  	s0 =	sand.u32 $0x1, s1  }
0x8c: {  	s14 =	sshll.u32 s0, $0xA;
	s2 =	sadd.s32 s3, s2  }
0x8d: {  	s2 =	sadd.s32 s2, s14  }
0x8e: {  	[smem:$0x3FB5] =	sst s2  }
0x8f: {  	_ = 	snop  }
0x90: {  	s2 =	sld [smem:$0x3FD0];
	_ =	sdelay $0x2  }
0x91: {  	s15 =	simm.s32 $0xB;
	s4 =	simm.s32 $0x10  }
0x92: {  	[smem:s4], [sflag:s15] =	dma.local [hbm:s2], $0x1  }
0x93: {  	_ =	swait.eq [sflag:s15], $0x1  }
0x94: {  	[sflag:s15] =	ssyncset.done $0x0  }
0x95: {  	s16 =	sld [smem:$0x10];
	[sflag:s15] =	ssyncadd.s32 $0xFFFFFFFF  }
0x96: {  	s17 =	sld [smem:$0x11];
	(tm) =	ssettm $0x1  }
0x97: {  	s18 =	sld [smem:$0x3FFB];
	_ =	sdelay $0x3  }
0x98: {  	_ =	strace s18  }
0x99: {  	s4 =	sld [smem:$0x3FFC];
	_ =	sdelay $0x3  }
0x9a: {  	_ =	strace s4  }
0x9b: {  	s4 =	sld [smem:$0x3FFD];
	_ =	sdelay $0x3  }
0x9c: {  	_ =	strace s4  }
0x9d: {  	_ =	strace $0x8FFFFFFF  }
0x9e: {  	s19 =	sld [smem:$0x3FDB];
	_ =	sdelay $0x1  }
0x9f: {  	s5 =	simm.s32 $_scs_section_size  }
0xa0: {  	s6 =	simm.s32 $_size__tile_overlayer_lowered;
	s7 =	simm.s32 $_tile_overlayer_lowered  }
0xa1: {  	s22 =	simm.s32 $0x1BFF;
	s21 =	sshll.u32 s7, $0x1;
	s4 =	sadd.s32 s5, s19  }
0xa2: {  	s8 =	simm.s32 $0x0;
	s20 =	sshll.u32 s6, $0x1;
	s6 =	sadd.s32 s21, s4  }
0xa3: {  	[timem:s8], [sflag:s22] =	dma.local [hbm:s6], s20  }
0xa4: {  	_ =	swait.ge [sflag:s22], s20  }
0xa5: {  	s5 =	ssub.s32 $0x0, s20;
	[sflag:s22] =	ssyncset.done $0x0  }
0xa6: {  	[sflag:s22] =	ssyncadd.s32 s5;
	_ =	sdelay $0x1  }
0xa7: {  	s23 =	simm.s32 $0x1B8B  }
0xa8: {  	_ =	swait.ge [sflag:s23], $0x1  }
0xa9: {  	[sflag:s23] =	ssyncset.done $0x0  }
0xaa: {  	s25 =	simm.s32 $0x1B8E;
	s24 =	sld [smem:$0x3FFE];
	[sflag:s23] =	ssyncadd.s32 $0xFFFFFFFF  }
0xab: {  	s26 =	simm.s32 $execute0_lowered;
	[smem:$0x3FD2] =	sst s25  }
0xac: {  	s6 =	sshll.u32 s26, $0x1;
	_ =	strace $0x80000046;
	[dreg:$0x1] =	wrdreg $0xFFFFFFFF  }
0xad: {  	s28 =	simm.s32 $_size_execute0_lowered;
	s4 =	sadd.s32 s4, s6;
	[dreg:$0x0] =	wrdreg $0x0  }
0xae: {  	s6 =	sshll.u32 s28, $0x1;
	[dreg:$0x2] =	wrdreg s4  }
0xaf: {  	[dreg:$0x3] =	wrdreg s6  }
0xb0: {  	[dreg:$0x4] =	wrdreg $0xC0  }
0xb1: {  	_ =	task [dreg:s8], $0x5FFFF  }
0xb2: {  	[dreg:$0x1] =	wrdreg $0xFFFFFFFF  }
0xb3: {  	[dreg:$0x0] =	wrdreg $0x60  }
0xb4: {  	[dreg:$0x2] =	wrdreg s16  }
0xb5: {  	[dreg:$0x3] =	wrdreg s17  }
0xb6: {  	[dreg:$0x4] =	wrdreg s24  }
0xb7: {  	[dreg:$0x5] =	wrdreg $0x9  }
0xb8: {  	_ =	task.clear_ibuf [dreg:s8], $0x6FFFF;
	_ =	strace $0x90000046  }
0xb9: {  	s29 =	simm.s32 $0x9;
	_ =	strace $0x80000048  }
0xba: {  	_ =	swait.ge [sflag:s29], $0x1  }
0xbb: {  	[sflag:s29] =	ssyncadd.s32 $0xFFFFFFFF  }
0xbc: {  	_ =	strace $0x90000048  }
0xbd: {  	_ =	sfence  }
0xbe: {  	s30 =	sld [smem:$0x0];
	_ =	sdelay $0x2  }
0xbf: {  	s31 =	sshll.u32 s1, $0xD;
	s1 =	sshrl.u32 s1, $0x2  }
0xc0: {  	s3 =	sand.u32 $0x4000, s31;
	s1 =	sadd.s32 s1, s30  }
0xc1: {  	s0 =	sor.u32 s3, s0;
	s1 =	sshll.u32 s1, $0x11  }
0xc2: {  	s0 =	sor.u32 s1, s0  }
0xc3: {  	s0 =	sadd.s32 $0x8F2B, s0  }
0xc4: {  	[sflag:s0] =	ssyncadd.remote.s32 $0x1  }
0xc5: {  	_ =	sfence.sel $0xFFFF  }
0xc6: {  	[dreg:$0x0] =	wrdreg $0xFFFFFFFF;
	(pc) =	sbr.abs _section_cstart, $3  }
0xc7: {  	[dreg:$0x1] =	wrdreg $0xFFFFFFFF  }
0xc8: {  	_ =	task.clear_ibuf [dreg:s8], $0x2FFFF;
	_ =	strace $0x9FFFFFFF  }
0xc9: {  	(tm) =	ssettm $0x7FFFFFFF  }
tec
execute0_lowered:
.L_overlay_start_1:
0x0: {  	(tag) =	ssettag $0x1  }
0x1: {  	s1 =	rddreg [dreg:$0x0]  }
0x2: {  	s2 =	rddreg [dreg:$0x1]  }
0x3: {  	s0 =	rddreg [dreg:$0x2];
	s4 =	simm.s32 $0x0  }
0x4: {  	s3 =	srdreg.scid;
	s13 =	stileid.u32;
	s28 =	simm.s32 $0x4C40  }
0x5: {  	s29 =	simm.s32 $0x3;
	s30 =	simm.s32 $0x80;
	s31 =	simm.s32 $0x4  }
0x6: {  	[smem:$0x7FF] =	sst s4;
	s3 =	sand.u32 $0x1, s3;
	s5 =	sshll.u32 s13, $0x1  }
0x7: {  	s6 =	sadd.s32 $0xC400, s0;
	s8 =	sadd.s32 $0x12E00, s0;
	s10 =	smul.u32 $0x3480, s13  }
0x8: {  	s13 =	smul.u32 $0x34800, s13;
	_ =	strace $0x80000047;
	s7 =	sor.u32 s3, s5  }
0x9: {  	s5 =	sadd.s32 $0x5A00, s0;
	s9 =	ssub.s32 $0x2, s3;
	s12 =	smul.u32 $0x1A40, s3  }
0xa: {  	s0 =	sadd.s32 $0x35AE00, s0;
	s3 =	smul.u32 $0x1A400, s3;
	s11 =	sshrl.u32 s9, $0x1  }
0xb: {  	s7 =	smul.u32 $0x1A40, s7;
	s25 =	sadd.s32 s13, s8;
	s9 =	ssub.s32 s9, s11  }
0xc: {  	s12 =	sadd.s32 s12, s10;
	s18 =	sadd.s32 s3, s25;
	s25 =	simm.s32 $0x2  }
0xd: {  	s7 =	sshrl.u32 s7, $0x3;
	s22 =	sadd.s32 $0xF0, s12;
	s9 =	smax.u32 s9, $0x1  }
0xe: {  	s23 =	sshll.u32 s12, $0x4;
	s26 =	sadd.s32 $0xA0, s12;
	[dreg:$0x8] =	wrdreg s9  }
0xf: {  	s19 =	sadd.s32 s5, s7;
	s20 =	sadd.s32 s6, s7;
	[dreg:$0xb] =	wrdreg s26  }
0x10: {  	s7 =	sadd.s32 $0xA, s7;
	s9 =	sadd.s32 $0x500, s23;
	[dreg:$0x4] =	wrdreg s19  }
0x11: {  	s23 =	simm.s32 $0x140;
	s26 =	simm.s32 $0x1A40;
	[dreg:$0x5] =	wrdreg s20  }
0x12: {  	s21 =	sadd.s32 s5, s7;
	s7 =	sadd.s32 s6, s7;
	s14 =	sadd.s32 s9, s8  }
0x13: {  	s15 =	sadd.s32 s9, s0;
	s0 =	sadd.s32 s13, s0;
	[dreg:$0x6] =	wrdreg s21  }
.Ltmp0:
0x14: {  	s20 =	simm.s32 $0x50;
	[dreg:$0x7] =	wrdreg s7;
	(pc) =	sbr.rel .LBB2_1-.Ltmp0, $4  }
0x15: {  	s7 =	sshrl.u32 s22, $0x3;
	s17 =	sadd.s32 s3, s0;
	s21 =	simm.s32 $0xF0  }
0x16: {  	s22 =	simm.s32 $0x1;
	s0 =	simm.s32 $0x5;
	s24 =	sadd.s32 s7, s6  }
0x17: {  	s3 =	simm.s32 $0x6;
	s7 =	sadd.s32 s7, s5;
	[dreg:$0x9] =	wrdreg s24  }
0x18: {  	[dreg:$0xa] =	wrdreg s7;
	s24 =	simm.s32 $0x3340;
	s7 =	simm.s32 $0x0  }
.LBB2_4:
0x19: {  	_ =	swait.ge [sflag:s0], $0x1900  }
0x1a: {  	[sflag:s0] =	ssyncset.done $0x0  }
0x1b: {  	[sflag:s0] =	ssyncadd.s32 $0xFFFFE700  }
0x1c: {  	_ =	swait.ge [sflag:s0], $0x1900  }
0x1d: {  	[sflag:s0] =	ssyncset.done $0x0  }
0x1e: {  	[sflag:s0] =	ssyncadd.s32 $0xFFFFE700  }
0x1f: {  	_ =	swait.ge [sflag:s3], $0x1900  }
0x20: {  	[sflag:s3] =	ssyncset.done $0x0  }
0x21: {  	[sflag:s3] =	ssyncadd.s32 $0xFFFFE700  }
0x22: {  	_ =	swait.ge [sflag:s3], $0x1900  }
0x23: {  	s7 =	sadd.s32 $0x1, s7;
	s8 =	rddreg [dreg:$0x8]  }
0x24: {  	p0 =	sne.s32 s7, s8  }
.Ltmp1:
0x25: {  	_ = 	snop;
	(pc) =	sbr.rel @!p0 .LBB2_5-.Ltmp1, $3  }
0x26: {  	_ =	sdelay $0x1  }
0x27: {  	[sflag:s3] =	ssyncset.done $0x0  }
0x28: {  	[sflag:s3] =	ssyncadd.s32 $0xFFFFE700  }
.LBB2_1:
0x29: {  	s8 =	rddreg [dreg:$0x4]  }
0x2a: {  	[tilespmem:s4], [sflag:$0x1] =	stream.linear.gather [hbm4b:s8+s4], $0x50, $0x38;
	[tilespmem:$0x6540] =	vst v63  }
0x2b: {  	s13 =	rddreg [dreg:$0x5];
	s9 =	simm.s32 $0xA0  }
0x2c: {  	[tilespmem:s9], [sflag:$0x1] =	stream.linear.gather [hbm4b:s13+s4], $0x50, $0x38;
	[tilespmem:$0x6540] =	vst v63  }
0x2d: {  	s16 =	rddreg [dreg:$0x6]  }
0x2e: {  	[tilespmem:s20], [sflag:$0x2] =	stream.linear.gather [hbm4b:s16+s4], $0x50, $0x38;
	[tilespmem:$0x6540] =	vst v63  }
0x2f: {  	s19 =	rddreg [dreg:$0x7]  }
0x30: {  	[tilespmem:s21], [sflag:$0x2] =	stream.linear.gather [hbm4b:s19+s4], $0x50, $0x38;
	[tilespmem:$0x6540] =	vst v63  }
0x31: {  	_ =	swait.ge [sflag:s22], $0x50  }
0x32: {  	[sflag:s22] =	ssyncset.done $0x0  }
0x33: {  	[sflag:s22] =	ssyncadd.s32 $0xFFFFFFB0  }
0x34: {  	_ =	swait.ge [sflag:s22], $0x50  }
0x35: {  	[sflag:s22] =	ssyncset.done $0x0  }
0x36: {  	[sflag:s22] =	ssyncadd.s32 $0xFFFFFFB0  }
0x37: {  	[tilespmem:s23], [sflag:$0x3] =	stream.indirect.gather [hbm4b:s1+s20], $0x50, s4, s20, $0xb8;
	[tilespmem:$0x6540] =	vst v63  }
0x38: {  	_ = 	snop  }
0x39: {  	[tilespmem:s24], [sflag:$0x3] =	stream.indirect.gather [hbm4b:s2+s20], $0x50, s9, s20, $0xb8;
	[tilespmem:$0x6540] =	vst v63  }
0x3a: {  	_ =	swait.ge [sflag:s25], $0x50  }
0x3b: {  	[sflag:s25] =	ssyncset.done $0x0  }
0x3c: {  	[sflag:s25] =	ssyncadd.s32 $0xFFFFFFB0  }
0x3d: {  	_ =	swait.ge [sflag:s25], $0x50  }
0x3e: {  	[sflag:s25] =	ssyncset.done $0x0;
	s16 =	rddreg [dreg:$0xb]  }
0x3f: {  	s13 =	rddreg [dreg:$0xa];
	[sflag:s25] =	ssyncadd.s32 $0xFFFFFFB0  }
0x40: {  	[tilespmem:s26], [sflag:$0x4] =	stream.indirect.gather [hbm4b:s1+s20], $0x50, s20, s20, $0xb8;
	[tilespmem:$0x6540] =	vst v63  }
0x41: {  	s9 =	simm.s32 $0x0;
	s12 =	rddreg [dreg:$0x9]  }
0x42: {  	[tilespmem:s28], [sflag:$0x4] =	stream.indirect.gather [hbm4b:s2+s20], $0x50, s21, s20, $0xb8;
	[tilespmem:$0x6540] =	vst v63  }
.LBB2_2:
0x43: {  	_ =	swait.ge [sflag:s29], $0x1900  }
0x44: {  	[sflag:s29] =	ssyncset.done $0x0  }
0x45: {  	[sflag:s29] =	ssyncadd.s32 $0xFFFFE700  }
0x46: {  	_ =	swait.ge [sflag:s29], $0x1900  }
0x47: {  	[sflag:s29] =	ssyncset.done $0x0  }
0x48: {  	s11 =	sadd.s32 s9, s18;
	p0 =	seq.s32 s9, $0x19A00;
	[sflag:s29] =	ssyncadd.s32 $0xFFFFE700  }
0x49: {  	[hbm4b:s11+s20] =	stream.strided.scatter [tilespmem:s23], [sflag:$0x5], $0x1900, s30, s20, $0x38;
	[tilespmem:$0x6540] =	vst v63  }
0x4a: {  	s10 =	sadd.s32 s9, s17;
	s11 =	sshrl.u32 @!p0 s16, $0x3  }
0x4b: {  	[hbm4b:s10+s20] =	stream.strided.scatter [tilespmem:s24], [sflag:$0x5], $0x1900, s30, s20, $0x38;
	[tilespmem:$0x6540] =	vst v63  }
0x4c: {  	s19 =	simm.s32 @!p0 $0x0;
	s10 =	sadd.s32 @!p0 s5, s11  }
0x4d: {  	[tilespmem:s19], [sflag:$0x1] =	stream.linear.gather @!p0 [hbm4b:s10+s19], $0x50, $0x38;
	[tilespmem:$0x6540] =	vst v63  }
0x4e: {  	s10 =	sadd.s32 @!p0 s6, s11;
	s11 =	simm.s32 @!p0 $0xA0  }
0x4f: {  	[tilespmem:s11], [sflag:$0x1] =	stream.linear.gather @!p0 [hbm4b:s10+s19], $0x50, $0x38;
	[tilespmem:$0x6540] =	vst v63  }
0x50: {  	s10 =	simm.s32 @!p0 $0x5  }
0x51: {  	_ =	swait.ge @!p0 [sflag:s10], $0x1900  }
0x52: {  	[sflag:s10] =	ssyncset.done @!p0 $0x0  }
0x53: {  	[sflag:s10] =	ssyncadd.s32 @!p0 $0xFFFFE700  }
0x54: {  	_ =	swait.ge @!p0 [sflag:s10], $0x1900  }
0x55: {  	[sflag:s10] =	ssyncset.done @!p0 $0x0  }
0x56: {  	[sflag:s10] =	ssyncadd.s32 @!p0 $0xFFFFE700;
	s10 =	simm.s32 @!p0 $0x1  }
0x57: {  	_ =	swait.ge @!p0 [sflag:s10], $0x50  }
0x58: {  	[sflag:s10] =	ssyncset.done @!p0 $0x0  }
0x59: {  	[sflag:s10] =	ssyncadd.s32 @!p0 $0xFFFFFFB0  }
0x5a: {  	_ =	swait.ge @!p0 [sflag:s10], $0x50  }
0x5b: {  	[sflag:s10] =	ssyncset.done @!p0 $0x0  }
0x5c: {  	s8 =	simm.s32 @!p0 $0x140;
	[sflag:s10] =	ssyncadd.s32 @!p0 $0xFFFFFFB0;
	s10 =	simm.s32 @!p0 $0x50  }
0x5d: {  	[tilespmem:s8], [sflag:$0x3] =	stream.indirect.gather @!p0 [hbm4b:s1+s10], $0x50, s19, s10, $0xb8;
	[tilespmem:$0x6540] =	vst v63  }
0x5e: {  	s8 =	simm.s32 @!p0 $0x3340  }
0x5f: {  	[tilespmem:s8], [sflag:$0x3] =	stream.indirect.gather @!p0 [hbm4b:s2+s10], $0x50, s11, s10, $0xb8;
	[tilespmem:$0x6540] =	vst v63  }
0x60: {  	_ =	swait.ge [sflag:s31], $0x1900  }
0x61: {  	[sflag:s31] =	ssyncset.done $0x0  }
0x62: {  	[sflag:s31] =	ssyncadd.s32 $0xFFFFE700  }
0x63: {  	_ =	swait.ge [sflag:s31], $0x1900  }
.Ltmp2:
0x64: {  	[sflag:s31] =	ssyncset.done $0x0;
	(pc) =	sbr.rel @p0 .LBB2_4-.Ltmp2, $4  }
0x65: {  	s11 =	sadd.s32 s9, s14;
	[sflag:s31] =	ssyncadd.s32 $0xFFFFE700  }
0x66: {  	[hbm4b:s11+s20] =	stream.strided.scatter [tilespmem:s26], [sflag:$0x6], $0x1900, s30, s20, $0x38;
	[tilespmem:$0x6540] =	vst v63  }
0x67: {  	s19 =	sadd.s32 s9, s15  }
0x68: {  	[hbm4b:s19+s20] =	stream.strided.scatter [tilespmem:s28], [sflag:$0x6], $0x1900, s30, s20, $0x38;
	[tilespmem:$0x6540] =	vst v63  }
0x69: {  	[tilespmem:s20], [sflag:$0x2] =	stream.linear.gather [hbm4b:s13+s4], $0x50, $0x38;
	[tilespmem:$0x6540] =	vst v63  }
0x6a: {  	_ = 	snop  }
0x6b: {  	[tilespmem:s21], [sflag:$0x2] =	stream.linear.gather [hbm4b:s12+s4], $0x50, $0x38;
	[tilespmem:$0x6540] =	vst v63  }
0x6c: {  	_ =	swait.ge [sflag:s3], $0x1900  }
0x6d: {  	[sflag:s3] =	ssyncset.done $0x0  }
0x6e: {  	[sflag:s3] =	ssyncadd.s32 $0xFFFFE700  }
0x6f: {  	_ =	swait.ge [sflag:s3], $0x1900  }
0x70: {  	[sflag:s3] =	ssyncset.done $0x0  }
0x71: {  	[sflag:s3] =	ssyncadd.s32 $0xFFFFE700  }
0x72: {  	_ =	swait.ge [sflag:s25], $0x50  }
0x73: {  	[sflag:s25] =	ssyncset.done $0x0  }
0x74: {  	[sflag:s25] =	ssyncadd.s32 $0xFFFFFFB0  }
0x75: {  	_ =	swait.ge [sflag:s25], $0x50  }
.Ltmp3:
0x76: {  	[sflag:s25] =	ssyncset.done $0x0;
	(pc) =	sbr.rel .LBB2_2-.Ltmp3, $4  }
0x77: {  	s13 =	sadd.s32 $0x14, s13;
	[sflag:s25] =	ssyncadd.s32 $0xFFFFFFB0  }
0x78: {  	[tilespmem:s26], [sflag:$0x4] =	stream.indirect.gather [hbm4b:s1+s20], $0x50, s20, s20, $0xb8;
	[tilespmem:$0x6540] =	vst v63  }
0x79: {  	s9 =	sadd.s32 $0xA00, s9;
	s16 =	sadd.s32 $0xA0, s16;
	s12 =	sadd.s32 $0x14, s12  }
0x7a: {  	[tilespmem:s28], [sflag:$0x4] =	stream.indirect.gather [hbm4b:s2+s20], $0x50, s21, s20, $0xb8;
	[tilespmem:$0x6540] =	vst v63  }
.LBB2_5:
0x7b: {  	_ =	sfence.sel $0x180000  }
0x7c: {  	[bflag:$0x0] =	sbarrier.arrive $0xFFFF  }
0x7d: {  	_ =	strace $0x90000047  }
0x7e: {  	s0 =	stileid.u32;
	[bflag:$0x2] =	sbarrier.arrive $0xFFFF  }
0x7f: {  	p0 =	sne.s32 s0, $0x0;
	s0 =	rddreg [dreg:$0x3]  }
0x80: {  	s0 =	sadd.s32 @!p0 $0x100000, s0  }
0x81: {  	[sflag:s0] =	ssyncadd.tile.s32 @!p0 $0x1;
	_ =	shalt  }
.Lfunc_end2:
_tile_overlayer_lowered:
.L_overlay_start_2:
0x82: {  	(tag) =	ssettag $0x2  }
0x83: {  	s0 =	rddreg [dreg:$0x0];
	s2 =	stileid.u32  }
0x84: {  	s1 =	rddreg [dreg:$0x1];
	p0 =	sne.s32 s2, $0x0  }
0x85: {  	s3 =	rddreg [dreg:$0x2];
	[bflag:$0x3] =	sbarrier.arrive $0xFFFF;
	s2 =	simm.s32 @!p0 $0x1C07  }
0x86: {  	[timem:s3], [sflag:s2] =	dma.local @!p0 [hbm:s0], s1  }
0x87: {  	s0 =	simm.s32 @!p0 $0x7  }
0x88: {  	_ =	swait.ge @!p0 [sflag:s0], s1  }
0x89: {  	s1 =	ssub.s32 @!p0 $0x0, s1;
	[sflag:s0] =	ssyncset.done @!p0 $0x0  }
0x8a: {  	[sflag:s0] =	ssyncadd.s32 @!p0 s1  }
0x8b: {  	[bflag:$0x3] =	sbarrier.arrive $0xFFFF  }
0x8c: {  	_ =	shalt  }

// kernel: kernel.13.cloned.1.call-start
scs
__scs_entry_jumppad:
0x0: {  	(pc) =	sbr.rel $0x88, $3  }
0x1: {  	(tag) =	ssettag $0x0;
	lr =	simm.s32 $0x1  }
0x2: {  	[smem:$0x3F8E] =	sst lr;
	_ =	strace $0xD0000000  }
0x3: {  	_ = 	snop  }
0x4: {  	_ = 	snop  }
0x5: {  	_ = 	snop  }
0x6: {  	_ = 	snop  }
0x7: {  	_ = 	snop  }
__scs_overlays_trampoline_lowered:
0x8: {  	[smem:$0x3F9D] =	sst s0  }
0x9: {  	[smem:$0x3F9E] =	sst s1  }
0xa: {  	[smem:$0x3F9F] =	sst s2  }
0xb: {  	[smem:$0x3FA0] =	sst s3  }
0xc: {  	[smem:$0x3FA1] =	sst s4  }
0xd: {  	[smem:$0x3FA2] =	sst s5  }
0xe: {  	[smem:$0x3FA3] =	sst s6  }
0xf: {  	[smem:$0x3FA4] =	sst s7  }
0x10: {  	[smem:$0x3FA5] =	sst s8  }
0x11: {  	[smem:$0x3FA6] =	sst s9;
	s0 =	simm.s32 @!p0 $0x0  }
0x12: {  	s1 =	sld [smem:$0x3F8C];
	s0 =	simm.s32 @p0 $0x1  }
0x13: {  	[smem:$0x3FA7] =	sst s0;
	s0 =	simm.s32 @!p1 $0x0  }
0x14: {  	s2 =	sld [smem:$0x3F8B];
	s0 =	simm.s32 @p1 $0x1  }
0x15: {  	[smem:$0x3FA8] =	sst s0;
	s0 =	simm.s32 @!p2 $0x0  }
0x16: {  	s3 =	sld [smem:$0x3FDB];
	s0 =	simm.s32 @p2 $0x1  }
0x17: {  	s4 =	simm.s32 $0x1BF5;
	[smem:$0x3FAA] =	sst s0  }
0x18: {  	s0 =	sld [smem:$0x3F8D];
	_ =	swait.ge [sflag:s4], $0x0  }
0x19: {  	s7 =	sld [smem:$0x3F8E]  }
0x1a: {  	s8 =	sadd.s32 $0xFFFFE003, lr  }
0x1b: {  	s9 =	sadd.s32 $0xFFFFFEF7, lr;
	s5 =	simm.s32 $0xFFFFFFFF;
	p2 =	slt.u32 s8, $0xFFFFF086  }
0x1c: {  	p1 =	slt.u32 s9, $0xF7A;
	s5 =	simm.s32 @!p2 $0x0  }
0x1d: {  	s5 =	simm.s32 @p1 $0x1;
	p0 =	seq.s32 s7, s2  }
0x1e: {  	s7 =	smul.u32 @!p0 $0xF7A, s2;
	p2 =	seq.s32 @!p0 s5, $0x0  }
0x1f: {  	s9 =	smul.u32 $0xF7A, s1;
	s8 =	simm.s32 @!p0 $0x1BF5;
	p2 =	por !p2, p0  }
0x20: {  	[sflag:s8] =	ssyncset.s32 @!p0 $0xFFFFF086;
	s6 =	sadd.s32 @!p0 s3, s7;
	s7 =	simm.s32 @!p0 $0x108  }
0x21: {  	s3 =	sadd.s32 s3, s9;
	s6 =	sadd.s32 @!p0 $0x88, s6;
	s7 =	simm.s32 @p2 $0x1082  }
0x22: {  	[simem:s7], [sflag:s8] =	dma.local @!p0 [hbm:s6], $0xF7A  }
0x23: {  	s9 =	sor.u32 $0xD0000000, s2;
	s6 =	simm.s32 $0x108;
	_ =	swait.ge @!p0 [sflag:s8], $0x0  }
0x24: {  	s3 =	sadd.s32 $0x88, s3;
	s6 =	simm.s32 @!p1 $0x1082;
	[sflag:s4] =	ssyncset.s32 $0xFFFFF086  }
0x25: {  	[simem:s6], [sflag:s4] =	dma.local [hbm:s3], $0xF7A  }
0x26: {  	[smem:$0x3F8E] =	sst s1;
	(tag) =	ssettag s2;
	_ =	strace s9  }
0x27: {  	s1 =	sld [smem:$0x3F9E]  }
0x28: {  	s2 =	sld [smem:$0x3F9F]  }
0x29: {  	s4 =	sld [smem:$0x3FA1]  }
0x2a: {  	p0 =	seq.s32 s5, $0x0;
	s5 =	sld [smem:$0x3FA2]  }
0x2b: {  	s6 =	sld [smem:$0x3FA3]  }
0x2c: {  	s7 =	sld [smem:$0x3FA4]  }
0x2d: {  	s3 =	simm.s32 $0x108;
	s8 =	sld [smem:$0x3FA5]  }
0x2e: {  	s3 =	simm.s32 @!p0 $0x1082;
	s9 =	sld [smem:$0x3FA6]  }
0x2f: {  	lr =	sadd.s32 s0, s3;
	s0 =	sld [smem:$0x3F9D]  }
0x30: {  	s3 =	sld [smem:$0x3FA0]  }
0x31: {  	[smem:$0x3FA9] =	sst s10  }
0x32: {  	s10 =	sld [smem:$0x3FA7];
	_ =	sdelay $0x3  }
0x33: {  	p0 =	seq.s32 s10, $0x1;
	s10 =	sld [smem:$0x3FA9];
	_ =	sdelay $0x3  }
0x34: {  	[smem:$0x3FA9] =	sst s10  }
0x35: {  	s10 =	sld [smem:$0x3FA8];
	_ =	sdelay $0x3  }
0x36: {  	p1 =	seq.s32 s10, $0x1;
	s10 =	sld [smem:$0x3FA9];
	_ =	sdelay $0x3  }
0x37: {  	[smem:$0x3FA9] =	sst s10  }
0x38: {  	s10 =	sld [smem:$0x3FAA]  }
0x39: {  	_ = 	snop;
	(pc) =	sbr.ind lr, $3  }
0x3a: {  	_ = 	snop  }
0x3b: {  	_ = 	snop  }
0x3c: {  	p2 =	seq.s32 s10, $0x1;
	s10 =	sld [smem:$0x3FA9]  }
0x3d: {  	_ =	shalt  }
0x3e: {  	_ =	shalt  }
0x3f: {  	_ =	shalt  }
0x40: {  	_ =	shalt  }
0x41: {  	_ =	shalt  }
0x42: {  	_ =	shalt  }
0x43: {  	_ =	shalt  }
0x44: {  	_ =	shalt  }
0x45: {  	_ =	shalt  }
0x46: {  	_ =	shalt  }
0x47: {  	_ =	shalt  }
0x48: {  	_ =	shalt  }
0x49: {  	_ =	shalt  }
0x4a: {  	_ =	shalt  }
0x4b: {  	_ =	shalt  }
0x4c: {  	_ =	shalt  }
0x4d: {  	_ =	shalt  }
0x4e: {  	_ =	shalt  }
0x4f: {  	_ =	shalt  }
0x50: {  	_ =	shalt  }
0x51: {  	_ =	shalt  }
0x52: {  	_ =	shalt  }
0x53: {  	_ =	shalt  }
0x54: {  	_ =	shalt  }
0x55: {  	_ =	shalt  }
0x56: {  	_ =	shalt  }
0x57: {  	_ =	shalt  }
0x58: {  	_ =	shalt  }
0x59: {  	_ =	shalt  }
0x5a: {  	_ =	shalt  }
0x5b: {  	_ =	shalt  }
0x5c: {  	_ =	shalt  }
0x5d: {  	_ =	shalt  }
0x5e: {  	_ =	shalt  }
0x5f: {  	_ =	shalt  }
0x60: {  	_ =	shalt  }
0x61: {  	_ =	shalt  }
0x62: {  	_ =	shalt  }
0x63: {  	_ =	shalt  }
0x64: {  	_ =	shalt  }
0x65: {  	_ =	shalt  }
0x66: {  	_ =	shalt  }
0x67: {  	_ =	shalt  }
0x68: {  	_ =	shalt  }
0x69: {  	_ =	shalt  }
0x6a: {  	_ =	shalt  }
0x6b: {  	_ =	shalt  }
0x6c: {  	_ =	shalt  }
0x6d: {  	_ =	shalt  }
0x6e: {  	_ =	shalt  }
0x6f: {  	_ =	shalt  }
0x70: {  	_ =	shalt  }
0x71: {  	_ =	shalt  }
0x72: {  	_ =	shalt  }
0x73: {  	_ =	shalt  }
0x74: {  	_ =	shalt  }
0x75: {  	_ =	shalt  }
0x76: {  	_ =	shalt  }
0x77: {  	_ =	shalt  }
0x78: {  	_ =	shalt  }
0x79: {  	_ =	shalt  }
0x7a: {  	_ =	shalt  }
0x7b: {  	_ =	shalt  }
0x7c: {  	_ =	shalt  }
0x7d: {  	_ =	shalt  }
0x7e: {  	_ =	shalt  }
0x7f: {  	_ =	shalt  }
0x80: {  	_ =	shalt  }
0x81: {  	_ =	shalt  }
0x82: {  	_ =	shalt  }
0x83: {  	_ =	shalt  }
0x84: {  	_ =	shalt  }
0x85: {  	_ =	shalt  }
0x86: {  	_ =	shalt  }
0x87: {  	_ =	shalt  }
.Lfunc_end0:
.L_simem_size_0:
called_computation.1_lowered:
.L_overlay_start_0:
0x88: {  	s2 =	sld [smem:$0x3FD9]  }
0x89: {  	s3 =	sld [smem:$0x3FFE];
	_ =	sdelay $0x1  }
0x8a: {  	s1 =	srdreg.scid  }
0x8b: {  	s0 =	sand.u32 $0x1, s1  }
0x8c: {  	s17 =	sshll.u32 s0, $0xA;
	s2 =	sadd.s32 s3, s2  }
0x8d: {  	s2 =	sadd.s32 s2, s17  }
0x8e: {  	[smem:$0x3FB5] =	sst s2  }
0x8f: {  	_ = 	snop  }
0x90: {  	(tm) =	ssettm $0x1  }
0x91: {  	s18 =	sld [smem:$0x3FFB];
	_ =	sdelay $0x3  }
0x92: {  	_ =	strace s18  }
0x93: {  	s2 =	sld [smem:$0x3FFC];
	_ =	sdelay $0x3  }
0x94: {  	_ =	strace s2  }
0x95: {  	s2 =	sld [smem:$0x3FFD];
	_ =	sdelay $0x3  }
0x96: {  	_ =	strace s2  }
0x97: {  	_ =	strace $0x8FFFFFFF  }
0x98: {  	s19 =	sld [smem:$0x3FDB];
	_ =	sdelay $0x1  }
0x99: {  	s20 =	simm.s32 $_scs_section_size  }
0x9a: {  	s4 =	simm.s32 $_size__tile_overlayer_lowered;
	s5 =	simm.s32 $_tile_overlayer_lowered  }
0x9b: {  	s6 =	simm.s32 $0x1BFF;
	s21 =	sshll.u32 s5, $0x1;
	s3 =	sadd.s32 s20, s19  }
0x9c: {  	s22 =	simm.s32 $0x0;
	s4 =	sshll.u32 s4, $0x1;
	s5 =	sadd.s32 s21, s3  }
0x9d: {  	[timem:s22], [sflag:s6] =	dma.local [hbm:s5], s4  }
0x9e: {  	_ =	swait.ge [sflag:s6], s4  }
0x9f: {  	s4 =	ssub.s32 $0x0, s4;
	[sflag:s6] =	ssyncset.done $0x0  }
0xa0: {  	[sflag:s6] =	ssyncadd.s32 s4;
	_ =	sdelay $0x1  }
0xa1: {  	s23 =	simm.s32 $0x1B8B  }
0xa2: {  	_ =	swait.ge [sflag:s23], $0x1  }
0xa3: {  	[sflag:s23] =	ssyncset.done $0x0  }
0xa4: {  	[sflag:s23] =	ssyncadd.s32 $0xFFFFFFFF  }
0xa5: {  	s4 =	sld [smem:$0x0]  }
0xa6: {  	s5 =	sand.u32 $0xFFFFFFFE, s1  }
0xa7: {  	p0 =	sne.s32 s1, s5  }
0xa8: {  	s5 =	sshll.u32 @p0 s5, $0xE  }
0xa9: {  	s5 =	sadd.s32 @p0 $0x11B8D, s5;
	s6 =	sshll.u32 @p0 s4, $0x11  }
0xaa: {  	s5 =	sor.u32 @p0 s6, s5  }
0xab: {  	[sflag:s5] =	ssyncadd.remote.s32 @p0 $0x1;
	_ =	sdelay $0x1  }
0xac: {  	s5 =	simm.s32 @p0 $0x1B8D  }
0xad: {  	_ =	swait.eq @p0 [sflag:s5], $0x1  }
0xae: {  	[sflag:s5] =	ssyncadd.s32 @p0 $0xFFFFFFFF  }
0xaf: {  	s6 =	sshll.u32 @!p0 s1, $0xE  }
0xb0: {  	s6 =	sor.u32 @!p0 $0x4000, s6;
	s5 =	simm.s32 @!p0 $0x1B8D  }
0xb1: {  	s4 =	sshll.u32 @!p0 s4, $0x11;
	s6 =	sadd.s32 @!p0 $0x11B8D, s6;
	_ =	swait.eq @!p0 [sflag:s5], $0x1  }
0xb2: {  	s4 =	sor.u32 @!p0 s4, s6;
	[sflag:s5] =	ssyncadd.s32 @!p0 $0xFFFFFFFF  }
0xb3: {  	s25 =	simm.s32 $0x1B8E;
	s24 =	sld [smem:$0x3FFE];
	[sflag:s4] =	ssyncadd.remote.s32 @!p0 $0x1  }
0xb4: {  	s26 =	simm.s32 $execute0_lowered;
	[smem:$0x3FD2] =	sst s25  }
0xb5: {  	s5 =	sshll.u32 s26, $0x1;
	_ =	strace $0x8000004C;
	[dreg:$0x1] =	wrdreg $0xFFFFFFFF  }
0xb6: {  	s28 =	simm.s32 $_size_execute0_lowered;
	s3 =	sadd.s32 s3, s5;
	[dreg:$0x0] =	wrdreg $0x0  }
0xb7: {  	s5 =	sshll.u32 s28, $0x1;
	[dreg:$0x2] =	wrdreg s3  }
0xb8: {  	[dreg:$0x3] =	wrdreg s5  }
0xb9: {  	[dreg:$0x4] =	wrdreg $0xC0  }
0xba: {  	_ =	task [dreg:s22], $0x5FFFF  }
0xbb: {  	[dreg:$0x1] =	wrdreg $0xFFFFFFFF  }
0xbc: {  	[dreg:$0x0] =	wrdreg $0x60  }
0xbd: {  	[dreg:$0x2] =	wrdreg s24  }
0xbe: {  	[dreg:$0x3] =	wrdreg $0x9BF00  }
0xbf: {  	[dreg:$0x4] =	wrdreg $0x1D4700  }
0xc0: {  	[dreg:$0x5] =	wrdreg $0x9  }
0xc1: {  	_ =	task.clear_ibuf [dreg:s22], $0x6FFFF;
	_ =	strace $0x9000004C  }
0xc2: {  	s29 =	simm.s32 $0x9;
	_ =	strace $0x8000004E  }
0xc3: {  	_ =	swait.ge [sflag:s29], $0x1  }
0xc4: {  	[sflag:s29] =	ssyncadd.s32 $0xFFFFFFFF  }
0xc5: {  	_ =	strace $0x9000004E  }
0xc6: {  	_ =	sfence  }
0xc7: {  	s30 =	sld [smem:$0x0];
	_ =	sdelay $0x2  }
0xc8: {  	s31 =	sshll.u32 s1, $0xD;
	s1 =	sshrl.u32 s1, $0x2  }
0xc9: {  	s4 =	sand.u32 $0x4000, s31;
	s1 =	sadd.s32 s1, s30  }
0xca: {  	s0 =	sor.u32 s4, s0;
	s1 =	sshll.u32 s1, $0x11  }
0xcb: {  	s0 =	sor.u32 s1, s0  }
0xcc: {  	s0 =	sadd.s32 $0x8F2B, s0  }
0xcd: {  	[sflag:s0] =	ssyncadd.remote.s32 $0x1  }
0xce: {  	_ =	sfence.sel $0xFFFF  }
0xcf: {  	[dreg:$0x0] =	wrdreg $0xFFFFFFFF;
	(pc) =	sbr.abs _section_cstart, $3  }
0xd0: {  	[dreg:$0x1] =	wrdreg $0xFFFFFFFF  }
0xd1: {  	_ =	task.clear_ibuf [dreg:s22], $0x2FFFF;
	_ =	strace $0x9FFFFFFF  }
0xd2: {  	(tm) =	ssettm $0x7FFFFFFF  }
0xd3: {  	_ =	shalt  }
tec
execute0_lowered:
.L_overlay_start_1:
0x0: {  	(tag) =	ssettag $0x1  }
0x1: {  	s0 =	rddreg [dreg:$0x0];
	s2 =	srdreg.scid  }
0x2: {  	s1 =	rddreg [dreg:$0x1];
	s21 =	stileid.u32;
	s3 =	simm.s32 $0x0  }
0x3: {  	s5 =	sand.u32 $0x1, s2;
	s2 =	rddreg [dreg:$0x2];
	s6 =	smul.u32 $0x1A40, s21  }
0x4: {  	[smem:$0x7FF] =	sst s3;
	s10 =	smul.u32 $0x271, s21  }
0x5: {  	s7 =	sadd.s32 $0xD25600, s0;
	s8 =	sadd.s32 $0x1CC00, s0;
	s4 =	smul.u32 $0x1A400, s5  }
0x6: {  	s13 =	sadd.s32 $0x12E00, s0;
	s9 =	ssub.s32 $0x2, s5;
	s12 =	smul.u32 $0x2710, s5  }
0x7: {  	s5 =	smul.u32 $0x1A4000, s5;
	s19 =	sshrl.u32 s9, $0x1;
	s15 =	sadd.s32 $0x177, s10  }
0x8: {  	s4 =	sadd.s32 s6, s4;
	s6 =	ssub.s32 s9, s19;
	s9 =	sadd.s32 $0x7D, s10  }
0x9: {  	s14 =	sadd.s32 s12, s10;
	s18 =	sadd.s32 s12, s15;
	s5 =	sadd.s32 s5, s7  }
0xa: {  	s11 =	sshll.u32 s4, $0x4;
	s16 =	sshll.u32 s14, $0x4;
	s17 =	sadd.s32 s12, s9  }
0xb: {  	s14 =	sshll.u32 s14, $0x1;
	s6 =	smax.u32 s6, $0x1;
	s20 =	sadd.s32 s7, s11  }
0xc: {  	s11 =	sadd.s32 $0xFA, s10;
	s10 =	sadd.s32 $0x1F4, s10;
	s16 =	sadd.s32 s8, s16  }
0xd: {  	s22 =	sshll.u32 s17, $0x4;
	s14 =	sadd.s32 s13, s14;
	[dreg:$0x4] =	wrdreg s20  }
0xe: {  	s26 =	sshll.u32 s17, $0x1;
	[dreg:$0x5] =	wrdreg s16;
	s16 =	sadd.s32 s8, s22  }
0xf: {  	s23 =	sadd.s32 s12, s11;
	s20 =	sshll.u32 s18, $0x4;
	s12 =	sadd.s32 s12, s10  }
0x10: {  	[dreg:$0xa] =	wrdreg s14;
	s14 =	sadd.s32 s13, s26;
	s22 =	smul.u32 $0x1A400, s21  }
0x11: {  	[dreg:$0x6] =	wrdreg s16;
	s19 =	sshll.u32 s23, $0x4;
	s24 =	sadd.s32 s8, s20  }
0x12: {  	s25 =	sshll.u32 s12, $0x4;
	s16 =	sshll.u32 s23, $0x1;
	[dreg:$0xb] =	wrdreg s14  }
0x13: {  	s12 =	sshll.u32 s12, $0x1;
	s23 =	smul.u32 $0x4E200, s21;
	s19 =	sadd.s32 s8, s19  }
0x14: {  	[dreg:$0x8] =	wrdreg s24;
	s8 =	sadd.s32 s8, s25;
	s17 =	sadd.s32 s13, s16  }
0x15: {  	s12 =	sadd.s32 s13, s12;
	s5 =	sadd.s32 s22, s5;
	[dreg:$0x7] =	wrdreg s19  }
0x16: {  	s24 =	sshrl.u32 s4, $0x3;
	s25 =	smul.u32 $0x9C40, s21;
	[dreg:$0x9] =	wrdreg s8  }
0x17: {  	s16 =	sshll.u32 s15, $0x7;
	s21 =	sshll.u32 s10, $0x7;
	[dreg:$0xc] =	wrdreg s17  }
0x18: {  	s8 =	sadd.s32 $0x50, s4;
	s19 =	sshll.u32 s18, $0x1;
	[dreg:$0xe] =	wrdreg s12  }
0x19: {  	s17 =	sadd.s32 $0xC400, s0;
	s18 =	sshll.u32 s15, $0x4;
	s28 =	sadd.s32 s16, s1  }
0x1a: {  	s30 =	sadd.s32 s21, s1;
	s21 =	sadd.s32 $0xF00, s5;
	s5 =	simm.s32 $0x55A0  }
0x1b: {  	s15 =	simm.s32 $0x0;
	s14 =	sadd.s32 s13, s19;
	s20 =	sshll.u32 s8, $0x4  }
0x1c: {  	s0 =	sadd.s32 s17, s24;
	s26 =	sshrl.u32 s8, $0x3;
	s8 =	sshll.u32 s9, $0x7  }
0x1d: {  	s9 =	sshll.u32 s9, $0x4;
	s29 =	sadd.s32 s18, s2;
	s24 =	sadd.s32 $0xF0, s4  }
0x1e: {  	s4 =	sadd.s32 $0xA0, s4;
	[dreg:$0xd] =	wrdreg s14;
	s12 =	sadd.s32 s7, s20  }
0x1f: {  	s7 =	sshrl.u32 s23, $0x2;
	s22 =	sadd.s32 s8, s1;
	s14 =	sshll.u32 s11, $0x4  }
0x20: {  	s23 =	sshll.u32 s10, $0x4;
	s8 =	simm.s32 $0xA0;
	s10 =	simm.s32 $0x28A0  }
0x21: {  	[dreg:$0xf] =	wrdreg s12;
	s19 =	sadd.s32 s7, s1;
	s7 =	sshrl.u32 s25, $0x2  }
0x22: {  	s12 =	sshll.u32 s11, $0x7;
	s31 =	sadd.s32 s23, s2;
	s25 =	sshrl.u32 s24, $0x3  }
0x23: {  	s11 =	simm.s32 $0x1;
	_ =	strace $0x8000004D;
	[dreg:$0x10] =	wrdreg s0  }
0x24: {  	s0 =	sadd.s32 s17, s26;
	[dreg:$0x12] =	wrdreg s6;
	s20 =	sadd.s32 s7, s2  }
0x25: {  	s13 =	sadd.s32 s12, s1;
	s26 =	sadd.s32 s14, s2;
	s6 =	simm.s32 $0x3  }
0x26: {  	s7 =	simm.s32 $0x9420;
	s12 =	simm.s32 $0x50A0;
	[dreg:$0x11] =	wrdreg s0  }
0x27: {  	s0 =	sadd.s32 s9, s2;
	[dreg:$0x14] =	wrdreg s13;
	s9 =	simm.s32 $0x50  }
0x28: {  	v0 =	vimm.f32 $1.000000000e+00;
	v1 =	vimm.f32 $0.0e+00;
	s13 =	simm.s32 $0x2;
	[dreg:$0x13] =	wrdreg s0;
	s0 =	sadd.s32 s25, s17  }
.LBB2_1:
0x29: {  	s14 =	simm.s32 $0x0  }
.LBB2_2:
0x2a: {  	p0 =	sne.s32 s14, $0x13C0  }
.Ltmp0:
0x2b: {  	_ = 	snop;
	(pc) =	sbr.rel @p0 .LBB2_2-.Ltmp0, $3  }
0x2c: {  	_ =	sdelay $0x1  }
0x2d: {  	s16 =	sshra.s32 s14, $0x2  }
0x2e: {  	s14 =	sadd.s32 $0x40, s14;
	[tilespmem:s16+$0x50A0] =	vst v0  }
0x2f: {  	s16 =	simm.s32 $0x0  }
0x30: {  	s14 =	simm.s32 $0x55E0;
	[tilespmem:s16+$0x9420] =	vst v1;
	s16 =	simm.s32 $0x40  }
.LBB2_4:
0x31: {  	p0 =	sne.s32 s16, $0x1F00;
	[tilespmem:s14+$0xFFFFFFC0] =	vst v1  }
0x32: {  	[tilespmem:s14+$0xFFFFFFD0] =	vst v1  }
0x33: {  	[tilespmem:s14+$0xFFFFFFE0] =	vst v1  }
0x34: {  	[tilespmem:s14+$0xFFFFFFF0] =	vst v1  }
.Ltmp1:
0x35: {  	[tilespmem:s14+$0x0] =	vst v1;
	(pc) =	sbr.rel @p0 .LBB2_4-.Ltmp1, $4  }
0x36: {  	[tilespmem:s14+$0x10] =	vst v1  }
0x37: {  	[tilespmem:s14+$0x20] =	vst v1  }
0x38: {  	s18 =	sshra.s32 s16, $0x2;
	[tilespmem:s14+$0x30] =	vst v1  }
0x39: {  	s16 =	sadd.s32 $0x40, s16;
	s14 =	sadd.s32 $0x80, s14;
	[tilespmem:s18+$0x9420] =	vst v1  }
0x3a: {  	[tilespmem:s14+$0xFFFFFFC0] =	vst v1  }
0x3b: {  	[tilespmem:s14+$0xFFFFFFD0] =	vst v1  }
0x3c: {  	[tilespmem:s14+$0xFFFFFFE0] =	vst v1  }
0x3d: {  	[tilespmem:s14+$0xFFFFFFF0] =	vst v1  }
0x3e: {  	[tilespmem:s14+$0x0] =	vst v1  }
0x3f: {  	[tilespmem:s14+$0x10] =	vst v1  }
0x40: {  	[tilespmem:s14+$0x20] =	vst v1  }
0x41: {  	[tilespmem:s14+$0x30] =	vst v1  }
0x42: {  	[spmem:s19] =	stream.linear.scatter [tilespmem:s5], [sflag:$0x3], $0x3E80, $0x38;
	[tilespmem:$0x1FB80] =	vst v63  }
0x43: {  	_ =	swait.ge [sflag:s6], $0x3E80  }
0x44: {  	[sflag:s6] =	ssyncset.done $0x0  }
0x45: {  	[sflag:s6] =	ssyncadd.s32 $0xFFFFC180  }
0x46: {  	[spmem:s20] =	stream.linear.scatter [tilespmem:s7], [sflag:$0x3], $0x7D0, $0x38;
	[tilespmem:$0x1FB80] =	vst v63  }
0x47: {  	_ =	swait.ge [sflag:s6], $0x7D0  }
0x48: {  	[sflag:s6] =	ssyncset.done $0x0  }
0x49: {  	[sflag:s6] =	ssyncadd.s32 $0xFFFFF830  }
0x4a: {  	[spmem:s22] =	stream.linear.scatter [tilespmem:s5], [sflag:$0x3], $0x3E80, $0x38;
	[tilespmem:$0x1FB80] =	vst v63  }
0x4b: {  	_ =	swait.ge [sflag:s6], $0x3E80  }
0x4c: {  	[sflag:s6] =	ssyncset.done $0x0  }
0x4d: {  	s16 =	rddreg [dreg:$0x13];
	[sflag:s6] =	ssyncadd.s32 $0xFFFFC180  }
0x4e: {  	[spmem:s16] =	stream.linear.scatter [tilespmem:s7], [sflag:$0x3], $0x7D0, $0x38;
	[tilespmem:$0x1FB80] =	vst v63  }
0x4f: {  	_ =	swait.ge [sflag:s6], $0x7D0  }
0x50: {  	[sflag:s6] =	ssyncset.done $0x0  }
0x51: {  	s18 =	rddreg [dreg:$0x14];
	[sflag:s6] =	ssyncadd.s32 $0xFFFFF830  }
0x52: {  	[spmem:s18] =	stream.linear.scatter [tilespmem:s5], [sflag:$0x3], $0x3E80, $0x38;
	[tilespmem:$0x1FB80] =	vst v63  }
0x53: {  	_ =	swait.ge [sflag:s6], $0x3E80  }
0x54: {  	[sflag:s6] =	ssyncset.done $0x0  }
0x55: {  	[sflag:s6] =	ssyncadd.s32 $0xFFFFC180  }
0x56: {  	[spmem:s26] =	stream.linear.scatter [tilespmem:s7], [sflag:$0x3], $0x7D0, $0x38;
	[tilespmem:$0x1FB80] =	vst v63  }
0x57: {  	_ =	swait.ge [sflag:s6], $0x7D0  }
0x58: {  	[sflag:s6] =	ssyncset.done $0x0  }
0x59: {  	[sflag:s6] =	ssyncadd.s32 $0xFFFFF830  }
0x5a: {  	[spmem:s28] =	stream.linear.scatter [tilespmem:s5], [sflag:$0x3], $0x3E80, $0x38;
	[tilespmem:$0x1FB80] =	vst v63  }
0x5b: {  	_ =	swait.ge [sflag:s6], $0x3E80  }
0x5c: {  	[sflag:s6] =	ssyncset.done $0x0  }
0x5d: {  	[sflag:s6] =	ssyncadd.s32 $0xFFFFC180  }
0x5e: {  	[spmem:s29] =	stream.linear.scatter [tilespmem:s7], [sflag:$0x3], $0x7D0, $0x38;
	[tilespmem:$0x1FB80] =	vst v63  }
0x5f: {  	_ =	swait.ge [sflag:s6], $0x7D0  }
0x60: {  	[sflag:s6] =	ssyncset.done $0x0  }
0x61: {  	[sflag:s6] =	ssyncadd.s32 $0xFFFFF830  }
0x62: {  	[spmem:s30] =	stream.linear.scatter [tilespmem:s5], [sflag:$0x3], $0x3E80, $0x38;
	[tilespmem:$0x1FB80] =	vst v63  }
0x63: {  	_ =	swait.ge [sflag:s6], $0x3E80  }
0x64: {  	[sflag:s6] =	ssyncset.done $0x0  }
0x65: {  	[sflag:s6] =	ssyncadd.s32 $0xFFFFC180  }
0x66: {  	[spmem:s31] =	stream.linear.scatter [tilespmem:s7], [sflag:$0x3], $0x7D0, $0x38;
	[tilespmem:$0x1FB80] =	vst v63  }
0x67: {  	_ =	swait.ge [sflag:s6], $0x7D0  }
0x68: {  	[sflag:s6] =	ssyncset.done $0x0  }
0x69: {  	[sflag:s6] =	ssyncadd.s32 $0xFFFFF830  }
0x6a: {  	[bflag:$0x0] =	sbarrier.arrive $0xFFFF  }
0x6b: {  	s23 =	smov.u32 s19;
	s19 =	simm.s32 $0x0;
	s16 =	rddreg [dreg:$0x10]  }
0x6c: {  	[tilespmem:s19], [sflag:$0x1] =	stream.linear.gather [hbm4b:s16+s19], $0x50, $0x38;
	[tilespmem:$0x1FB80] =	vst v63  }
0x6d: {  	s24 =	smov.u32 s20;
	s20 =	rddreg [dreg:$0x4]  }
0x6e: {  	[tilespmem:s8], [sflag:$0x1] =	stream.linear.gather [hbm4b:s20+s19], $0x2800, $0x38;
	[tilespmem:$0x1FB80] =	vst v63  }
0x6f: {  	s25 =	smov.u32 s22;
	s22 =	rddreg [dreg:$0x11]  }
0x70: {  	[tilespmem:s9], [sflag:$0x2] =	stream.linear.gather [hbm4b:s22+s19], $0x50, $0x38;
	[tilespmem:$0x1FB80] =	vst v63  }
0x71: {  	s18 =	rddreg [dreg:$0xf]  }
0x72: {  	[tilespmem:s10], [sflag:$0x2] =	stream.linear.gather [hbm4b:s18+s19], $0x2800, $0x38;
	[tilespmem:$0x1FB80] =	vst v63  }
0x73: {  	_ =	swait.ge [sflag:s11], $0x50  }
0x74: {  	[sflag:s11] =	ssyncset.done $0x0  }
0x75: {  	[sflag:s11] =	ssyncadd.s32 $0xFFFFFFB0  }
0x76: {  	_ =	swait.ge [sflag:s11], $0x2800  }
0x77: {  	[sflag:s11] =	ssyncset.done $0x0  }
0x78: {  	[sflag:s11] =	ssyncadd.s32 $0xFFFFD800  }
0x79: {  	[spmem:s1] =	stream.indirect.scatter.add.f32 [tilespmem:s8], [sflag:$0x3], $0x80, s3, s9, $0xb8;
	[tilespmem:$0x1FB80] =	vst v63  }
0x7a: {  	_ =	swait.ge [sflag:s6], $0x2800  }
0x7b: {  	[sflag:s6] =	ssyncset.done $0x0  }
0x7c: {  	[sflag:s6] =	ssyncadd.s32 $0xFFFFD800  }
0x7d: {  	[spmem:s2] =	stream.indirect.scatter.add.f32 [tilespmem:s12], [sflag:$0x3], $0x10, s3, s9, $0xb8;
	[tilespmem:$0x1FB80] =	vst v63  }
0x7e: {  	_ =	swait.ge [sflag:s6], $0x500  }
0x7f: {  	s19 =	sshrl.u32 s4, $0x3;
	[sflag:s6] =	ssyncset.done $0x0  }
0x80: {  	s14 =	sadd.s32 s17, s19;
	[sflag:s6] =	ssyncadd.s32 $0xFFFFFB00  }
0x81: {  	[tilespmem:s3], [sflag:$0x1] =	stream.linear.gather [hbm4b:s14+s3], $0x50, $0x38;
	[tilespmem:$0x1FB80] =	vst v63  }
0x82: {  	s20 =	sadd.s32 $0xFFFFFB00, s21  }
0x83: {  	[tilespmem:s8], [sflag:$0x1] =	stream.linear.gather [hbm4b:s20+s3], $0x2800, $0x38;
	[tilespmem:$0x1FB80] =	vst v63  }
0x84: {  	_ =	swait.ge [sflag:s13], $0x50  }
0x85: {  	[sflag:s13] =	ssyncset.done $0x0  }
0x86: {  	[sflag:s13] =	ssyncadd.s32 $0xFFFFFFB0  }
0x87: {  	_ =	swait.ge [sflag:s13], $0x2800  }
0x88: {  	[sflag:s13] =	ssyncset.done $0x0  }
0x89: {  	[sflag:s13] =	ssyncadd.s32 $0xFFFFD800  }
0x8a: {  	[spmem:s1] =	stream.indirect.scatter.add.f32 [tilespmem:s10], [sflag:$0x3], $0x80, s9, s9, $0xb8;
	[tilespmem:$0x1FB80] =	vst v63  }
0x8b: {  	_ =	swait.ge [sflag:s6], $0x2800  }
0x8c: {  	[sflag:s6] =	ssyncset.done $0x0  }
0x8d: {  	[sflag:s6] =	ssyncadd.s32 $0xFFFFD800  }
0x8e: {  	[spmem:s2] =	stream.indirect.scatter.add.f32 [tilespmem:s12], [sflag:$0x3], $0x10, s9, s9, $0xb8;
	[tilespmem:$0x1FB80] =	vst v63  }
0x8f: {  	s16 =	simm.s32 $0x14;
	_ =	swait.ge [sflag:s6], $0x500  }
0x90: {  	s22 =	sadd.s32 $0x0, s0;
	s18 =	sadd.s32 $0xA00, s21;
	[sflag:s6] =	ssyncset.done $0x0  }
0x91: {  	s19 =	sadd.s32 $0xA0, s4;
	s14 =	smov.u32 s21;
	[sflag:s6] =	ssyncadd.s32 $0xFFFFFB00  }
0x92: {  	[tilespmem:s9], [sflag:$0x2] =	stream.linear.gather [hbm4b:s22+s3], $0x50, $0x38;
	[tilespmem:$0x1FB80] =	vst v63  }
.LBB2_6:
0x93: {  	[tilespmem:s10], [sflag:$0x2] =	stream.linear.gather [hbm4b:s14+s3], $0x2800, $0x38;
	[tilespmem:$0x1FB80] =	vst v63  }
0x94: {  	s20 =	smov.u32 s16;
	s14 =	smov.u32 s18  }
0x95: {  	p0 =	sne.s32 s16, $0x320;
	s16 =	sadd.s32 $0x14, s16;
	_ =	swait.ge [sflag:s11], $0x50  }
0x96: {  	[sflag:s11] =	ssyncset.done $0x0  }
0x97: {  	[sflag:s11] =	ssyncadd.s32 $0xFFFFFFB0  }
0x98: {  	_ =	swait.ge [sflag:s11], $0x2800  }
0x99: {  	[sflag:s11] =	ssyncset.done $0x0  }
0x9a: {  	[sflag:s11] =	ssyncadd.s32 $0xFFFFD800  }
0x9b: {  	[spmem:s1] =	stream.indirect.scatter.add.f32 [tilespmem:s8], [sflag:$0x3], $0x80, s3, s9, $0xb8;
	[tilespmem:$0x1FB80] =	vst v63  }
0x9c: {  	_ =	swait.ge [sflag:s6], $0x2800  }
0x9d: {  	[sflag:s6] =	ssyncset.done $0x0  }
0x9e: {  	[sflag:s6] =	ssyncadd.s32 $0xFFFFD800  }
0x9f: {  	[spmem:s2] =	stream.indirect.scatter.add.f32 [tilespmem:s12], [sflag:$0x3], $0x10, s3, s9, $0xb8;
	[tilespmem:$0x1FB80] =	vst v63  }
0xa0: {  	_ =	swait.ge [sflag:s6], $0x500  }
0xa1: {  	s22 =	sshrl.u32 s19, $0x3;
	[sflag:s6] =	ssyncset.done $0x0  }
0xa2: {  	s22 =	sadd.s32 s17, s22;
	[sflag:s6] =	ssyncadd.s32 $0xFFFFFB00  }
0xa3: {  	[tilespmem:s3], [sflag:$0x1] =	stream.linear.gather [hbm4b:s22+s3], $0x50, $0x38;
	[tilespmem:$0x1FB80] =	vst v63  }
0xa4: {  	s22 =	sadd.s32 $0xFFFFFB00, s18  }
0xa5: {  	[tilespmem:s8], [sflag:$0x1] =	stream.linear.gather [hbm4b:s22+s3], $0x2800, $0x38;
	[tilespmem:$0x1FB80] =	vst v63  }
0xa6: {  	_ =	swait.ge [sflag:s13], $0x50  }
0xa7: {  	[sflag:s13] =	ssyncset.done $0x0  }
0xa8: {  	[sflag:s13] =	ssyncadd.s32 $0xFFFFFFB0  }
0xa9: {  	_ =	swait.ge [sflag:s13], $0x2800  }
0xaa: {  	[sflag:s13] =	ssyncset.done $0x0  }
0xab: {  	[sflag:s13] =	ssyncadd.s32 $0xFFFFD800  }
0xac: {  	[spmem:s1] =	stream.indirect.scatter.add.f32 [tilespmem:s10], [sflag:$0x3], $0x80, s9, s9, $0xb8;
	[tilespmem:$0x1FB80] =	vst v63  }
0xad: {  	_ =	swait.ge [sflag:s6], $0x2800  }
0xae: {  	[sflag:s6] =	ssyncset.done $0x0  }
0xaf: {  	[sflag:s6] =	ssyncadd.s32 $0xFFFFD800  }
0xb0: {  	[spmem:s2] =	stream.indirect.scatter.add.f32 [tilespmem:s12], [sflag:$0x3], $0x10, s9, s9, $0xb8;
	[tilespmem:$0x1FB80] =	vst v63  }
.Ltmp2:
0xb1: {  	_ =	swait.ge [sflag:s6], $0x500;
	(pc) =	sbr.rel @p0 .LBB2_6-.Ltmp2, $4  }
0xb2: {  	[sflag:s6] =	ssyncset.done $0x0  }
0xb3: {  	s20 =	sadd.s32 s20, s0;
	[sflag:s6] =	ssyncadd.s32 $0xFFFFFB00  }
0xb4: {  	[tilespmem:s9], [sflag:$0x2] =	stream.linear.gather [hbm4b:s20+s3], $0x50, $0x38;
	[tilespmem:$0x1FB80] =	vst v63  }
0xb5: {  	s19 =	sadd.s32 $0xA0, s19;
	s18 =	sadd.s32 $0xA00, s18  }
0xb6: {  	[tilespmem:s10], [sflag:$0x2] =	stream.linear.gather [hbm4b:s14+s3], $0x2800, $0x38;
	[tilespmem:$0x1FB80] =	vst v63  }
0xb7: {  	_ =	swait.ge [sflag:s11], $0x50  }
0xb8: {  	[sflag:s11] =	ssyncset.done $0x0  }
0xb9: {  	[sflag:s11] =	ssyncadd.s32 $0xFFFFFFB0  }
0xba: {  	_ =	swait.ge [sflag:s11], $0x2800  }
0xbb: {  	[sflag:s11] =	ssyncset.done $0x0  }
0xbc: {  	[sflag:s11] =	ssyncadd.s32 $0xFFFFD800  }
0xbd: {  	[spmem:s1] =	stream.indirect.scatter.add.f32 [tilespmem:s8], [sflag:$0x3], $0x80, s3, s9, $0xb8;
	[tilespmem:$0x1FB80] =	vst v63  }
0xbe: {  	_ =	swait.ge [sflag:s6], $0x2800  }
0xbf: {  	[sflag:s6] =	ssyncset.done $0x0  }
0xc0: {  	[sflag:s6] =	ssyncadd.s32 $0xFFFFD800  }
0xc1: {  	[spmem:s2] =	stream.indirect.scatter.add.f32 [tilespmem:s12], [sflag:$0x3], $0x10, s3, s9, $0xb8;
	[tilespmem:$0x1FB80] =	vst v63  }
0xc2: {  	_ =	swait.ge [sflag:s6], $0x500  }
0xc3: {  	[sflag:s6] =	ssyncset.done $0x0  }
0xc4: {  	[sflag:s6] =	ssyncadd.s32 $0xFFFFFB00  }
0xc5: {  	_ =	swait.ge [sflag:s13], $0x50  }
0xc6: {  	[sflag:s13] =	ssyncset.done $0x0  }
0xc7: {  	[sflag:s13] =	ssyncadd.s32 $0xFFFFFFB0  }
0xc8: {  	_ =	swait.ge [sflag:s13], $0x2800  }
0xc9: {  	[sflag:s13] =	ssyncset.done $0x0  }
0xca: {  	[sflag:s13] =	ssyncadd.s32 $0xFFFFD800  }
0xcb: {  	[spmem:s1] =	stream.indirect.scatter.add.f32 [tilespmem:s10], [sflag:$0x3], $0x80, s9, s9, $0xb8;
	[tilespmem:$0x1FB80] =	vst v63  }
0xcc: {  	_ =	swait.ge [sflag:s6], $0x2800  }
0xcd: {  	[sflag:s6] =	ssyncset.done $0x0  }
0xce: {  	[sflag:s6] =	ssyncadd.s32 $0xFFFFD800  }
0xcf: {  	[spmem:s2] =	stream.indirect.scatter.add.f32 [tilespmem:s12], [sflag:$0x3], $0x10, s9, s9, $0xb8;
	[tilespmem:$0x1FB80] =	vst v63  }
0xd0: {  	_ =	swait.ge [sflag:s6], $0x500  }
0xd1: {  	[sflag:s6] =	ssyncset.done $0x0  }
0xd2: {  	[sflag:s6] =	ssyncadd.s32 $0xFFFFFB00  }
0xd3: {  	[bflag:$0x0] =	sbarrier.arrive $0xFFFF  }
0xd4: {  	[tilespmem:s5], [sflag:$0x3] =	stream.linear.gather [spmem:s23], $0x3E80, $0x38;
	[tilespmem:$0x1FB80] =	vst v63  }
0xd5: {  	_ =	swait.ge [sflag:s6], $0x3E80  }
0xd6: {  	[sflag:s6] =	ssyncset.done $0x0  }
0xd7: {  	s19 =	smov.u32 s23;
	s23 =	rddreg [dreg:$0x5];
	[sflag:s6] =	ssyncadd.s32 $0xFFFFC180  }
0xd8: {  	[hbm4b:s23+s3] =	stream.linear.scatter [tilespmem:s5], [sflag:$0x3], $0x3E80, $0x38;
	[tilespmem:$0x1FB80] =	vst v63  }
0xd9: {  	_ =	swait.ge [sflag:s6], $0x3E80  }
0xda: {  	[sflag:s6] =	ssyncset.done $0x0  }
0xdb: {  	[sflag:s6] =	ssyncadd.s32 $0xFFFFC180  }
0xdc: {  	[tilespmem:s7], [sflag:$0x3] =	stream.linear.gather [spmem:s24], $0x7D0, $0x38;
	[tilespmem:$0x1FB80] =	vst v63  }
0xdd: {  	_ =	swait.ge [sflag:s6], $0x7D0  }
0xde: {  	[sflag:s6] =	ssyncset.done $0x0  }
0xdf: {  	s20 =	smov.u32 s24;
	s24 =	rddreg [dreg:$0xa];
	[sflag:s6] =	ssyncadd.s32 $0xFFFFF830  }
0xe0: {  	[hbm4b:s24+s3] =	stream.linear.scatter [tilespmem:s7], [sflag:$0x3], $0x7D0, $0x38;
	[tilespmem:$0x1FB80] =	vst v63  }
0xe1: {  	_ =	swait.ge [sflag:s6], $0x7D0  }
0xe2: {  	[sflag:s6] =	ssyncset.done $0x0  }
0xe3: {  	[sflag:s6] =	ssyncadd.s32 $0xFFFFF830  }
0xe4: {  	[tilespmem:s5], [sflag:$0x3] =	stream.linear.gather [spmem:s25], $0x3E80, $0x38;
	[tilespmem:$0x1FB80] =	vst v63  }
0xe5: {  	_ =	swait.ge [sflag:s6], $0x3E80  }
0xe6: {  	[sflag:s6] =	ssyncset.done $0x0  }
0xe7: {  	s22 =	smov.u32 s25;
	s25 =	rddreg [dreg:$0x6];
	[sflag:s6] =	ssyncadd.s32 $0xFFFFC180  }
0xe8: {  	[hbm4b:s25+s3] =	stream.linear.scatter [tilespmem:s5], [sflag:$0x3], $0x3E80, $0x38;
	[tilespmem:$0x1FB80] =	vst v63  }
0xe9: {  	_ =	swait.ge [sflag:s6], $0x3E80  }
0xea: {  	[sflag:s6] =	ssyncset.done $0x0  }
0xeb: {  	s16 =	rddreg [dreg:$0x13];
	[sflag:s6] =	ssyncadd.s32 $0xFFFFC180  }
0xec: {  	[tilespmem:s7], [sflag:$0x3] =	stream.linear.gather [spmem:s16], $0x7D0, $0x38;
	[tilespmem:$0x1FB80] =	vst v63  }
0xed: {  	_ =	swait.ge [sflag:s6], $0x7D0  }
0xee: {  	[sflag:s6] =	ssyncset.done $0x0  }
0xef: {  	s18 =	rddreg [dreg:$0xb];
	[sflag:s6] =	ssyncadd.s32 $0xFFFFF830  }
0xf0: {  	[hbm4b:s18+s3] =	stream.linear.scatter [tilespmem:s7], [sflag:$0x3], $0x7D0, $0x38;
	[tilespmem:$0x1FB80] =	vst v63  }
0xf1: {  	_ =	swait.ge [sflag:s6], $0x7D0  }
0xf2: {  	[sflag:s6] =	ssyncset.done $0x0  }
0xf3: {  	s23 =	rddreg [dreg:$0x14];
	[sflag:s6] =	ssyncadd.s32 $0xFFFFF830  }
0xf4: {  	[tilespmem:s5], [sflag:$0x3] =	stream.linear.gather [spmem:s23], $0x3E80, $0x38;
	[tilespmem:$0x1FB80] =	vst v63  }
0xf5: {  	_ =	swait.ge [sflag:s6], $0x3E80  }
0xf6: {  	[sflag:s6] =	ssyncset.done $0x0  }
0xf7: {  	s24 =	rddreg [dreg:$0x7];
	[sflag:s6] =	ssyncadd.s32 $0xFFFFC180  }
0xf8: {  	[hbm4b:s24+s3] =	stream.linear.scatter [tilespmem:s5], [sflag:$0x3], $0x3E80, $0x38;
	[tilespmem:$0x1FB80] =	vst v63  }
0xf9: {  	_ =	swait.ge [sflag:s6], $0x3E80  }
0xfa: {  	[sflag:s6] =	ssyncset.done $0x0  }
0xfb: {  	[sflag:s6] =	ssyncadd.s32 $0xFFFFC180  }
0xfc: {  	[tilespmem:s7], [sflag:$0x3] =	stream.linear.gather [spmem:s26], $0x7D0, $0x38;
	[tilespmem:$0x1FB80] =	vst v63  }
0xfd: {  	_ =	swait.ge [sflag:s6], $0x7D0  }
0xfe: {  	[sflag:s6] =	ssyncset.done $0x0  }
0xff: {  	s25 =	rddreg [dreg:$0xc];
	[sflag:s6] =	ssyncadd.s32 $0xFFFFF830  }
0x100: {  	[hbm4b:s25+s3] =	stream.linear.scatter [tilespmem:s7], [sflag:$0x3], $0x7D0, $0x38;
	[tilespmem:$0x1FB80] =	vst v63  }
0x101: {  	_ =	swait.ge [sflag:s6], $0x7D0  }
0x102: {  	[sflag:s6] =	ssyncset.done $0x0  }
0x103: {  	[sflag:s6] =	ssyncadd.s32 $0xFFFFF830  }
0x104: {  	[tilespmem:s5], [sflag:$0x3] =	stream.linear.gather [spmem:s28], $0x3E80, $0x38;
	[tilespmem:$0x1FB80] =	vst v63  }
0x105: {  	_ =	swait.ge [sflag:s6], $0x3E80  }
0x106: {  	[sflag:s6] =	ssyncset.done $0x0  }
0x107: {  	s16 =	rddreg [dreg:$0x8];
	[sflag:s6] =	ssyncadd.s32 $0xFFFFC180  }
0x108: {  	[hbm4b:s16+s3] =	stream.linear.scatter [tilespmem:s5], [sflag:$0x3], $0x3E80, $0x38;
	[tilespmem:$0x1FB80] =	vst v63  }
0x109: {  	_ =	swait.ge [sflag:s6], $0x3E80  }
0x10a: {  	[sflag:s6] =	ssyncset.done $0x0  }
0x10b: {  	[sflag:s6] =	ssyncadd.s32 $0xFFFFC180  }
0x10c: {  	[tilespmem:s7], [sflag:$0x3] =	stream.linear.gather [spmem:s29], $0x7D0, $0x38;
	[tilespmem:$0x1FB80] =	vst v63  }
0x10d: {  	_ =	swait.ge [sflag:s6], $0x7D0  }
0x10e: {  	[sflag:s6] =	ssyncset.done $0x0  }
0x10f: {  	s18 =	rddreg [dreg:$0xd];
	[sflag:s6] =	ssyncadd.s32 $0xFFFFF830  }
0x110: {  	[hbm4b:s18+s3] =	stream.linear.scatter [tilespmem:s7], [sflag:$0x3], $0x7D0, $0x38;
	[tilespmem:$0x1FB80] =	vst v63  }
0x111: {  	_ =	swait.ge [sflag:s6], $0x7D0  }
0x112: {  	[sflag:s6] =	ssyncset.done $0x0  }
0x113: {  	[sflag:s6] =	ssyncadd.s32 $0xFFFFF830  }
0x114: {  	[tilespmem:s5], [sflag:$0x3] =	stream.linear.gather [spmem:s30], $0x3E80, $0x38;
	[tilespmem:$0x1FB80] =	vst v63  }
0x115: {  	_ =	swait.ge [sflag:s6], $0x3E80  }
0x116: {  	[sflag:s6] =	ssyncset.done $0x0  }
0x117: {  	s23 =	rddreg [dreg:$0x9];
	[sflag:s6] =	ssyncadd.s32 $0xFFFFC180  }
0x118: {  	[hbm4b:s23+s3] =	stream.linear.scatter [tilespmem:s5], [sflag:$0x3], $0x3E80, $0x38;
	[tilespmem:$0x1FB80] =	vst v63  }
0x119: {  	_ =	swait.ge [sflag:s6], $0x3E80  }
0x11a: {  	[sflag:s6] =	ssyncset.done $0x0  }
0x11b: {  	[sflag:s6] =	ssyncadd.s32 $0xFFFFC180  }
0x11c: {  	[tilespmem:s7], [sflag:$0x3] =	stream.linear.gather [spmem:s31], $0x7D0, $0x38;
	[tilespmem:$0x1FB80] =	vst v63  }
0x11d: {  	_ =	swait.ge [sflag:s6], $0x7D0  }
0x11e: {  	[sflag:s6] =	ssyncset.done $0x0  }
0x11f: {  	s24 =	rddreg [dreg:$0xe];
	[sflag:s6] =	ssyncadd.s32 $0xFFFFF830  }
0x120: {  	[hbm4b:s24+s3] =	stream.linear.scatter [tilespmem:s7], [sflag:$0x3], $0x7D0, $0x38;
	[tilespmem:$0x1FB80] =	vst v63  }
0x121: {  	_ =	swait.ge [sflag:s6], $0x7D0  }
0x122: {  	s15 =	sadd.s32 $0x1, s15;
	s25 =	rddreg [dreg:$0x12]  }
0x123: {  	p0 =	sne.s32 s15, s25  }
.Ltmp3:
0x124: {  	_ = 	snop;
	(pc) =	sbr.rel @p0 .LBB2_1-.Ltmp3, $3  }
0x125: {  	_ =	sdelay $0x1  }
0x126: {  	[sflag:s6] =	ssyncset.done $0x0  }
0x127: {  	[sflag:s6] =	ssyncadd.s32 $0xFFFFF830  }
0x128: {  	_ =	sfence.sel $0x180000  }
0x129: {  	[bflag:$0x0] =	sbarrier.arrive $0xFFFF  }
0x12a: {  	_ =	strace $0x9000004D  }
0x12b: {  	s0 =	stileid.u32;
	[bflag:$0x2] =	sbarrier.arrive $0xFFFF  }
0x12c: {  	p0 =	sne.s32 s0, $0x0;
	s0 =	rddreg [dreg:$0x3]  }
0x12d: {  	s0 =	sadd.s32 @!p0 $0x100000, s0  }
0x12e: {  	[sflag:s0] =	ssyncadd.tile.s32 @!p0 $0x1;
	_ =	shalt  }
.Lfunc_end2:
_tile_overlayer_lowered:
.L_overlay_start_2:
0x12f: {  	(tag) =	ssettag $0x2  }
0x130: {  	s0 =	rddreg [dreg:$0x0];
	s2 =	stileid.u32  }
0x131: {  	s1 =	rddreg [dreg:$0x1];
	p0 =	sne.s32 s2, $0x0  }
0x132: {  	s3 =	rddreg [dreg:$0x2];
	[bflag:$0x3] =	sbarrier.arrive $0xFFFF;
	s2 =	simm.s32 @!p0 $0x1C03  }
0x133: {  	[timem:s3], [sflag:s2] =	dma.local @!p0 [hbm:s0], s1  }
0x134: {  	s0 =	simm.s32 @!p0 $0x3  }
0x135: {  	_ =	swait.ge @!p0 [sflag:s0], s1  }
0x136: {  	s1 =	ssub.s32 @!p0 $0x0, s1;
	[sflag:s0] =	ssyncset.done @!p0 $0x0  }
0x137: {  	[sflag:s0] =	ssyncadd.s32 @!p0 s1  }
0x138: {  	[bflag:$0x3] =	sbarrier.arrive $0xFFFF  }
0x139: {  	_ =	shalt  }

// kernel: kernel.16.cloned.1.call-start
scs
__scs_entry_jumppad:
0x0: {  	(pc) =	sbr.rel $0x88, $3  }
0x1: {  	(tag) =	ssettag $0x0;
	lr =	simm.s32 $0x1  }
0x2: {  	[smem:$0x3F8E] =	sst lr;
	_ =	strace $0xD0000000  }
0x3: {  	_ = 	snop  }
0x4: {  	_ = 	snop  }
0x5: {  	_ = 	snop  }
0x6: {  	_ = 	snop  }
0x7: {  	_ = 	snop  }
__scs_overlays_trampoline_lowered:
0x8: {  	[smem:$0x3F9D] =	sst s0  }
0x9: {  	[smem:$0x3F9E] =	sst s1  }
0xa: {  	[smem:$0x3F9F] =	sst s2  }
0xb: {  	[smem:$0x3FA0] =	sst s3  }
0xc: {  	[smem:$0x3FA1] =	sst s4  }
0xd: {  	[smem:$0x3FA2] =	sst s5  }
0xe: {  	[smem:$0x3FA3] =	sst s6  }
0xf: {  	[smem:$0x3FA4] =	sst s7  }
0x10: {  	[smem:$0x3FA5] =	sst s8  }
0x11: {  	[smem:$0x3FA6] =	sst s9;
	s0 =	simm.s32 @!p0 $0x0  }
0x12: {  	s1 =	sld [smem:$0x3F8C];
	s0 =	simm.s32 @p0 $0x1  }
0x13: {  	[smem:$0x3FA7] =	sst s0;
	s0 =	simm.s32 @!p1 $0x0  }
0x14: {  	s2 =	sld [smem:$0x3F8B];
	s0 =	simm.s32 @p1 $0x1  }
0x15: {  	[smem:$0x3FA8] =	sst s0;
	s0 =	simm.s32 @!p2 $0x0  }
0x16: {  	s3 =	sld [smem:$0x3FDB];
	s0 =	simm.s32 @p2 $0x1  }
0x17: {  	s4 =	simm.s32 $0x1BF5;
	[smem:$0x3FAA] =	sst s0  }
0x18: {  	s0 =	sld [smem:$0x3F8D];
	_ =	swait.ge [sflag:s4], $0x0  }
0x19: {  	s7 =	sld [smem:$0x3F8E]  }
0x1a: {  	s8 =	sadd.s32 $0xFFFFE003, lr  }
0x1b: {  	s9 =	sadd.s32 $0xFFFFFEF7, lr;
	s5 =	simm.s32 $0xFFFFFFFF;
	p2 =	slt.u32 s8, $0xFFFFF086  }
0x1c: {  	p1 =	slt.u32 s9, $0xF7A;
	s5 =	simm.s32 @!p2 $0x0  }
0x1d: {  	s5 =	simm.s32 @p1 $0x1;
	p0 =	seq.s32 s7, s2  }
0x1e: {  	s7 =	smul.u32 @!p0 $0xF7A, s2;
	p2 =	seq.s32 @!p0 s5, $0x0  }
0x1f: {  	s9 =	smul.u32 $0xF7A, s1;
	s8 =	simm.s32 @!p0 $0x1BF5;
	p2 =	por !p2, p0  }
0x20: {  	[sflag:s8] =	ssyncset.s32 @!p0 $0xFFFFF086;
	s6 =	sadd.s32 @!p0 s3, s7;
	s7 =	simm.s32 @!p0 $0x108  }
0x21: {  	s3 =	sadd.s32 s3, s9;
	s6 =	sadd.s32 @!p0 $0x88, s6;
	s7 =	simm.s32 @p2 $0x1082  }
0x22: {  	[simem:s7], [sflag:s8] =	dma.local @!p0 [hbm:s6], $0xF7A  }
0x23: {  	s9 =	sor.u32 $0xD0000000, s2;
	s6 =	simm.s32 $0x108;
	_ =	swait.ge @!p0 [sflag:s8], $0x0  }
0x24: {  	s3 =	sadd.s32 $0x88, s3;
	s6 =	simm.s32 @!p1 $0x1082;
	[sflag:s4] =	ssyncset.s32 $0xFFFFF086  }
0x25: {  	[simem:s6], [sflag:s4] =	dma.local [hbm:s3], $0xF7A  }
0x26: {  	[smem:$0x3F8E] =	sst s1;
	(tag) =	ssettag s2;
	_ =	strace s9  }
0x27: {  	s1 =	sld [smem:$0x3F9E]  }
0x28: {  	s2 =	sld [smem:$0x3F9F]  }
0x29: {  	s4 =	sld [smem:$0x3FA1]  }
0x2a: {  	p0 =	seq.s32 s5, $0x0;
	s5 =	sld [smem:$0x3FA2]  }
0x2b: {  	s6 =	sld [smem:$0x3FA3]  }
0x2c: {  	s7 =	sld [smem:$0x3FA4]  }
0x2d: {  	s3 =	simm.s32 $0x108;
	s8 =	sld [smem:$0x3FA5]  }
0x2e: {  	s3 =	simm.s32 @!p0 $0x1082;
	s9 =	sld [smem:$0x3FA6]  }
0x2f: {  	lr =	sadd.s32 s0, s3;
	s0 =	sld [smem:$0x3F9D]  }
0x30: {  	s3 =	sld [smem:$0x3FA0]  }
0x31: {  	[smem:$0x3FA9] =	sst s10  }
0x32: {  	s10 =	sld [smem:$0x3FA7];
	_ =	sdelay $0x3  }
0x33: {  	p0 =	seq.s32 s10, $0x1;
	s10 =	sld [smem:$0x3FA9];
	_ =	sdelay $0x3  }
0x34: {  	[smem:$0x3FA9] =	sst s10  }
0x35: {  	s10 =	sld [smem:$0x3FA8];
	_ =	sdelay $0x3  }
0x36: {  	p1 =	seq.s32 s10, $0x1;
	s10 =	sld [smem:$0x3FA9];
	_ =	sdelay $0x3  }
0x37: {  	[smem:$0x3FA9] =	sst s10  }
0x38: {  	s10 =	sld [smem:$0x3FAA]  }
0x39: {  	_ = 	snop;
	(pc) =	sbr.ind lr, $3  }
0x3a: {  	_ = 	snop  }
0x3b: {  	_ = 	snop  }
0x3c: {  	p2 =	seq.s32 s10, $0x1;
	s10 =	sld [smem:$0x3FA9]  }
0x3d: {  	_ =	shalt  }
0x3e: {  	_ =	shalt  }
0x3f: {  	_ =	shalt  }
0x40: {  	_ =	shalt  }
0x41: {  	_ =	shalt  }
0x42: {  	_ =	shalt  }
0x43: {  	_ =	shalt  }
0x44: {  	_ =	shalt  }
0x45: {  	_ =	shalt  }
0x46: {  	_ =	shalt  }
0x47: {  	_ =	shalt  }
0x48: {  	_ =	shalt  }
0x49: {  	_ =	shalt  }
0x4a: {  	_ =	shalt  }
0x4b: {  	_ =	shalt  }
0x4c: {  	_ =	shalt  }
0x4d: {  	_ =	shalt  }
0x4e: {  	_ =	shalt  }
0x4f: {  	_ =	shalt  }
0x50: {  	_ =	shalt  }
0x51: {  	_ =	shalt  }
0x52: {  	_ =	shalt  }
0x53: {  	_ =	shalt  }
0x54: {  	_ =	shalt  }
0x55: {  	_ =	shalt  }
0x56: {  	_ =	shalt  }
0x57: {  	_ =	shalt  }
0x58: {  	_ =	shalt  }
0x59: {  	_ =	shalt  }
0x5a: {  	_ =	shalt  }
0x5b: {  	_ =	shalt  }
0x5c: {  	_ =	shalt  }
0x5d: {  	_ =	shalt  }
0x5e: {  	_ =	shalt  }
0x5f: {  	_ =	shalt  }
0x60: {  	_ =	shalt  }
0x61: {  	_ =	shalt  }
0x62: {  	_ =	shalt  }
0x63: {  	_ =	shalt  }
0x64: {  	_ =	shalt  }
0x65: {  	_ =	shalt  }
0x66: {  	_ =	shalt  }
0x67: {  	_ =	shalt  }
0x68: {  	_ =	shalt  }
0x69: {  	_ =	shalt  }
0x6a: {  	_ =	shalt  }
0x6b: {  	_ =	shalt  }
0x6c: {  	_ =	shalt  }
0x6d: {  	_ =	shalt  }
0x6e: {  	_ =	shalt  }
0x6f: {  	_ =	shalt  }
0x70: {  	_ =	shalt  }
0x71: {  	_ =	shalt  }
0x72: {  	_ =	shalt  }
0x73: {  	_ =	shalt  }
0x74: {  	_ =	shalt  }
0x75: {  	_ =	shalt  }
0x76: {  	_ =	shalt  }
0x77: {  	_ =	shalt  }
0x78: {  	_ =	shalt  }
0x79: {  	_ =	shalt  }
0x7a: {  	_ =	shalt  }
0x7b: {  	_ =	shalt  }
0x7c: {  	_ =	shalt  }
0x7d: {  	_ =	shalt  }
0x7e: {  	_ =	shalt  }
0x7f: {  	_ =	shalt  }
0x80: {  	_ =	shalt  }
0x81: {  	_ =	shalt  }
0x82: {  	_ =	shalt  }
0x83: {  	_ =	shalt  }
0x84: {  	_ =	shalt  }
0x85: {  	_ =	shalt  }
0x86: {  	_ =	shalt  }
0x87: {  	_ =	shalt  }
.Lfunc_end0:
.L_simem_size_0:
called_computation.2_lowered:
.L_overlay_start_0:
0x88: {  	s2 =	sld [smem:$0x3FD9]  }
0x89: {  	s3 =	sld [smem:$0x3FFE];
	_ =	sdelay $0x1  }
0x8a: {  	s1 =	srdreg.scid  }
0x8b: {  	s0 =	sand.u32 $0x1, s1  }
0x8c: {  	s15 =	sshll.u32 s0, $0xA;
	s2 =	sadd.s32 s3, s2  }
0x8d: {  	s2 =	sadd.s32 s2, s15  }
0x8e: {  	[smem:$0x3FB5] =	sst s2  }
0x8f: {  	_ = 	snop  }
0x90: {  	s2 =	sld [smem:$0x3FD0];
	_ =	sdelay $0x2  }
0x91: {  	s4 =	simm.s32 $0xB;
	s16 =	simm.s32 $0x10  }
0x92: {  	[smem:s16], [sflag:s4] =	dma.local [hbm:s2], $0x1  }
0x93: {  	_ =	swait.eq [sflag:s4], $0x1  }
0x94: {  	[sflag:s4] =	ssyncset.done $0x0  }
0x95: {  	s17 =	sld [smem:$0x10];
	[sflag:s4] =	ssyncadd.s32 $0xFFFFFFFF  }
0x96: {  	s18 =	sld [smem:$0x11];
	(tm) =	ssettm $0x1  }
0x97: {  	s19 =	sld [smem:$0x3FFB];
	_ =	sdelay $0x3  }
0x98: {  	_ =	strace s19  }
0x99: {  	s2 =	sld [smem:$0x3FFC];
	_ =	sdelay $0x3  }
0x9a: {  	_ =	strace s2  }
0x9b: {  	s2 =	sld [smem:$0x3FFD];
	_ =	sdelay $0x3  }
0x9c: {  	_ =	strace s2  }
0x9d: {  	_ =	strace $0x8FFFFFFF  }
0x9e: {  	s20 =	sld [smem:$0x3FDB];
	_ =	sdelay $0x1  }
0x9f: {  	s5 =	simm.s32 $_scs_section_size  }
0xa0: {  	s6 =	simm.s32 $_size__tile_overlayer_lowered;
	s7 =	simm.s32 $_tile_overlayer_lowered  }
0xa1: {  	s8 =	simm.s32 $0x1BFF;
	s21 =	sshll.u32 s7, $0x1;
	s5 =	sadd.s32 s5, s20  }
0xa2: {  	s22 =	simm.s32 $0x0;
	s6 =	sshll.u32 s6, $0x1;
	s7 =	sadd.s32 s21, s5  }
0xa3: {  	[timem:s22], [sflag:s8] =	dma.local [hbm:s7], s6  }
0xa4: {  	_ =	swait.ge [sflag:s8], s6  }
0xa5: {  	s6 =	ssub.s32 $0x0, s6;
	[sflag:s8] =	ssyncset.done $0x0  }
0xa6: {  	[sflag:s8] =	ssyncadd.s32 s6;
	_ =	sdelay $0x1  }
0xa7: {  	s23 =	simm.s32 $0x1B8B  }
0xa8: {  	_ =	swait.ge [sflag:s23], $0x1  }
0xa9: {  	[sflag:s23] =	ssyncset.done $0x0  }
0xaa: {  	[sflag:s23] =	ssyncadd.s32 $0xFFFFFFFF  }
0xab: {  	s6 =	sld [smem:$0x0]  }
0xac: {  	s7 =	sand.u32 $0xFFFFFFFE, s1  }
0xad: {  	p0 =	sne.s32 s1, s7  }
0xae: {  	s7 =	sshll.u32 @p0 s7, $0xE  }
0xaf: {  	s7 =	sadd.s32 @p0 $0x11B8D, s7;
	s8 =	sshll.u32 @p0 s6, $0x11  }
0xb0: {  	s7 =	sor.u32 @p0 s8, s7  }
0xb1: {  	[sflag:s7] =	ssyncadd.remote.s32 @p0 $0x1;
	_ =	sdelay $0x1  }
0xb2: {  	s7 =	simm.s32 @p0 $0x1B8D  }
0xb3: {  	_ =	swait.eq @p0 [sflag:s7], $0x1  }
0xb4: {  	[sflag:s7] =	ssyncadd.s32 @p0 $0xFFFFFFFF  }
0xb5: {  	s8 =	sshll.u32 @!p0 s1, $0xE  }
0xb6: {  	s8 =	sor.u32 @!p0 $0x4000, s8;
	s7 =	simm.s32 @!p0 $0x1B8D  }
0xb7: {  	s6 =	sshll.u32 @!p0 s6, $0x11;
	s8 =	sadd.s32 @!p0 $0x11B8D, s8;
	_ =	swait.eq @!p0 [sflag:s7], $0x1  }
0xb8: {  	s6 =	sor.u32 @!p0 s6, s8;
	[sflag:s7] =	ssyncadd.s32 @!p0 $0xFFFFFFFF  }
0xb9: {  	s25 =	simm.s32 $0x1B8E;
	s24 =	sld [smem:$0x3FFE];
	[sflag:s6] =	ssyncadd.remote.s32 @!p0 $0x1  }
0xba: {  	s26 =	simm.s32 $execute0_lowered;
	[smem:$0x3FD2] =	sst s25  }
0xbb: {  	s7 =	sshll.u32 s26, $0x1;
	_ =	strace $0x80000049;
	[dreg:$0x1] =	wrdreg $0xFFFFFFFF  }
0xbc: {  	s28 =	simm.s32 $_size_execute0_lowered;
	s5 =	sadd.s32 s5, s7;
	[dreg:$0x0] =	wrdreg $0x0  }
0xbd: {  	s7 =	sshll.u32 s28, $0x1;
	[dreg:$0x2] =	wrdreg s5  }
0xbe: {  	[dreg:$0x3] =	wrdreg s7  }
0xbf: {  	[dreg:$0x4] =	wrdreg $0xC0  }
0xc0: {  	_ =	task [dreg:s22], $0x5FFFF  }
0xc1: {  	[dreg:$0x1] =	wrdreg $0xFFFFFFFF  }
0xc2: {  	[dreg:$0x0] =	wrdreg $0x60  }
0xc3: {  	[dreg:$0x2] =	wrdreg s17  }
0xc4: {  	[dreg:$0x3] =	wrdreg s18  }
0xc5: {  	[dreg:$0x4] =	wrdreg s24  }
0xc6: {  	[dreg:$0x5] =	wrdreg $0xA  }
0xc7: {  	_ =	task.clear_ibuf [dreg:s22], $0x6FFFF;
	_ =	strace $0x90000049  }
0xc8: {  	s29 =	simm.s32 $0xA;
	_ =	strace $0x8000004B  }
0xc9: {  	_ =	swait.ge [sflag:s29], $0x1  }
0xca: {  	[sflag:s29] =	ssyncadd.s32 $0xFFFFFFFF  }
0xcb: {  	_ =	strace $0x9000004B  }
0xcc: {  	_ =	sfence  }
0xcd: {  	s30 =	sld [smem:$0x0];
	_ =	sdelay $0x2  }
0xce: {  	s31 =	sshll.u32 s1, $0xD;
	s1 =	sshrl.u32 s1, $0x2  }
0xcf: {  	s4 =	sand.u32 $0x4000, s31;
	s1 =	sadd.s32 s1, s30  }
0xd0: {  	s0 =	sor.u32 s4, s0;
	s1 =	sshll.u32 s1, $0x11  }
0xd1: {  	s0 =	sor.u32 s1, s0  }
0xd2: {  	s0 =	sadd.s32 $0x8F2B, s0  }
0xd3: {  	[sflag:s0] =	ssyncadd.remote.s32 $0x1  }
0xd4: {  	_ =	sfence.sel $0xFFFF  }
0xd5: {  	[dreg:$0x0] =	wrdreg $0xFFFFFFFF;
	(pc) =	sbr.abs _section_cstart, $3  }
0xd6: {  	[dreg:$0x1] =	wrdreg $0xFFFFFFFF  }
0xd7: {  	_ =	task.clear_ibuf [dreg:s22], $0x2FFFF;
	_ =	strace $0x9FFFFFFF  }
0xd8: {  	(tm) =	ssettm $0x7FFFFFFF  }
0xd9: {  	_ =	shalt  }
tec
execute0_lowered:
.L_overlay_start_1:
0x0: {  	(tag) =	ssettag $0x1  }
0x1: {  	s1 =	rddreg [dreg:$0x0]  }
0x2: {  	s2 =	rddreg [dreg:$0x1]  }
0x3: {  	s0 =	rddreg [dreg:$0x2];
	s4 =	simm.s32 $0x0;
	s3 =	srdreg.scid  }
0x4: {  	s15 =	stileid.u32;
	s28 =	simm.s32 $0x3;
	s29 =	simm.s32 $0x80  }
0x5: {  	[smem:$0x7FF] =	sst s4;
	s3 =	sand.u32 $0x1, s3;
	s8 =	smul.u32 $0x19A0, s15  }
0x6: {  	s5 =	sshll.u32 s15, $0x1;
	s9 =	sadd.s32 $0x6A9600, s0;
	s15 =	smul.u32 $0x19A00, s15  }
0x7: {  	s30 =	simm.s32 $0x6;
	_ =	strace $0x8000004A;
	s11 =	smul.u32 $0xCD0, s3  }
0x8: {  	s6 =	sor.u32 s3, s5;
	s10 =	ssub.s32 $0x2, s3;
	s3 =	smul.u32 $0xCD00, s3  }
0x9: {  	s31 =	simm.s32 $0x5;
	s5 =	sadd.s32 $0x6A6200, s0;
	s7 =	smul.u32 $0xCD0, s6  }
0xa: {  	s6 =	sadd.s32 $0x6A2E00, s0;
	s0 =	sadd.s32 $0x843600, s0;
	s12 =	sshrl.u32 s10, $0x1  }
0xb: {  	s26 =	sadd.s32 s15, s9;
	s12 =	ssub.s32 s10, s12;
	s8 =	sadd.s32 s11, s8  }
0xc: {  	s18 =	sadd.s32 s3, s26;
	s7 =	sshrl.u32 s7, $0x3;
	s11 =	sshll.u32 s8, $0x4  }
0xd: {  	s23 =	smax.u32 s12, $0x1;
	s14 =	sadd.s32 $0xF0, s8;
	s19 =	sadd.s32 s5, s7  }
0xe: {  	s20 =	sadd.s32 s6, s7;
	s7 =	sadd.s32 $0xA, s7;
	[dreg:$0x8] =	wrdreg s23  }
0xf: {  	s22 =	sadd.s32 $0x500, s11;
	s14 =	sshrl.u32 s14, $0x3;
	[dreg:$0x4] =	wrdreg s19  }
0x10: {  	s23 =	simm.s32 $0x3340;
	[dreg:$0x5] =	wrdreg s20;
	s21 =	sadd.s32 s5, s7  }
0x11: {  	s7 =	sadd.s32 s6, s7;
	s12 =	sadd.s32 s22, s9;
	s13 =	sadd.s32 s22, s0  }
0x12: {  	s24 =	sadd.s32 s14, s6;
	s25 =	sadd.s32 s14, s5;
	[dreg:$0x6] =	wrdreg s21  }
0x13: {  	s0 =	sadd.s32 s15, s0;
	s19 =	simm.s32 $0xA0;
	[dreg:$0x7] =	wrdreg s7  }
0x14: {  	s20 =	simm.s32 $0x50;
	s22 =	simm.s32 $0x140;
	[dreg:$0x9] =	wrdreg s24  }
0x15: {  	[dreg:$0xa] =	wrdreg s25;
	s25 =	sadd.s32 $0xA0, s8;
	s17 =	sadd.s32 s3, s0  }
0x16: {  	s21 =	simm.s32 $0xF0;
	s24 =	simm.s32 $0x2;
	s0 =	simm.s32 $0x0  }
.LBB2_1:
0x17: {  	s3 =	rddreg [dreg:$0x4]  }
0x18: {  	[tilespmem:s4], [sflag:$0x1] =	stream.linear.gather [hbm4b:s3+s4], $0x50, $0x38;
	[tilespmem:$0x6540] =	vst v63  }
0x19: {  	s14 =	rddreg [dreg:$0x5]  }
0x1a: {  	[tilespmem:s19], [sflag:$0x1] =	stream.linear.gather [hbm4b:s14+s4], $0x50, $0x38;
	[tilespmem:$0x6540] =	vst v63  }
0x1b: {  	s15 =	rddreg [dreg:$0x6]  }
0x1c: {  	[tilespmem:s20], [sflag:$0x2] =	stream.linear.gather [hbm4b:s15+s4], $0x50, $0x38;
	[tilespmem:$0x6540] =	vst v63  }
0x1d: {  	s16 =	rddreg [dreg:$0x7];
	s3 =	simm.s32 $0x1  }
0x1e: {  	[tilespmem:s21], [sflag:$0x2] =	stream.linear.gather [hbm4b:s16+s4], $0x50, $0x38;
	[tilespmem:$0x6540] =	vst v63  }
0x1f: {  	_ =	swait.ge [sflag:s3], $0x50  }
0x20: {  	[sflag:s3] =	ssyncset.done $0x0  }
0x21: {  	[sflag:s3] =	ssyncadd.s32 $0xFFFFFFB0  }
0x22: {  	_ =	swait.ge [sflag:s3], $0x50  }
0x23: {  	[sflag:s3] =	ssyncset.done $0x0  }
0x24: {  	[sflag:s3] =	ssyncadd.s32 $0xFFFFFFB0  }
0x25: {  	[tilespmem:s22], [sflag:$0x3] =	stream.indirect.gather [hbm4b:s1+s20], $0x50, s4, s20, $0xb8;
	[tilespmem:$0x6540] =	vst v63  }
0x26: {  	_ = 	snop  }
0x27: {  	[tilespmem:s23], [sflag:$0x3] =	stream.indirect.gather [hbm4b:s2+s20], $0x50, s19, s20, $0xb8;
	[tilespmem:$0x6540] =	vst v63  }
0x28: {  	_ =	swait.ge [sflag:s24], $0x50  }
0x29: {  	[sflag:s24] =	ssyncset.done $0x0  }
0x2a: {  	[sflag:s24] =	ssyncadd.s32 $0xFFFFFFB0  }
0x2b: {  	_ =	swait.ge [sflag:s24], $0x50  }
0x2c: {  	s7 =	simm.s32 $0x1A40;
	s26 =	simm.s32 $0x4C40;
	[sflag:s24] =	ssyncset.done $0x0  }
0x2d: {  	s8 =	simm.s32 $0x0;
	s15 =	rddreg [dreg:$0xa];
	[sflag:s24] =	ssyncadd.s32 $0xFFFFFFB0  }
0x2e: {  	[tilespmem:s7], [sflag:$0x4] =	stream.indirect.gather [hbm4b:s1+s20], $0x50, s20, s20, $0xb8;
	[tilespmem:$0x6540] =	vst v63  }
0x2f: {  	s9 =	simm.s32 $0x0;
	s16 =	smov.u32 s25;
	s14 =	rddreg [dreg:$0x9]  }
0x30: {  	[tilespmem:s26], [sflag:$0x4] =	stream.indirect.gather [hbm4b:s2+s20], $0x50, s21, s20, $0xb8;
	[tilespmem:$0x6540] =	vst v63  }
.LBB2_2:
0x31: {  	_ =	swait.ge [sflag:s28], $0x1900  }
0x32: {  	[sflag:s28] =	ssyncset.done $0x0  }
0x33: {  	[sflag:s28] =	ssyncadd.s32 $0xFFFFE700  }
0x34: {  	_ =	swait.ge [sflag:s28], $0x1900  }
0x35: {  	[sflag:s28] =	ssyncset.done $0x0  }
0x36: {  	s10 =	sadd.s32 s8, s18;
	p0 =	seq.s32 s8, $0xC800;
	[sflag:s28] =	ssyncadd.s32 $0xFFFFE700  }
0x37: {  	[hbm4b:s10+s20] =	stream.strided.scatter [tilespmem:s22], [sflag:$0x5], $0x1900, s29, s20, $0x38;
	[tilespmem:$0x6540] =	vst v63  }
0x38: {  	s26 =	sadd.s32 s8, s17;
	s10 =	sshrl.u32 @!p0 s16, $0x3  }
0x39: {  	[hbm4b:s26+s20] =	stream.strided.scatter [tilespmem:s23], [sflag:$0x5], $0x1900, s29, s20, $0x38;
	[tilespmem:$0x6540] =	vst v63  }
0x3a: {  	s7 =	simm.s32 @!p0 $0x0;
	s11 =	sadd.s32 @!p0 s5, s10  }
0x3b: {  	[tilespmem:s7], [sflag:$0x1] =	stream.linear.gather @!p0 [hbm4b:s11+s7], $0x50, $0x38;
	[tilespmem:$0x6540] =	vst v63  }
0x3c: {  	s10 =	sadd.s32 @!p0 s6, s10;
	s11 =	simm.s32 @!p0 $0xA0  }
0x3d: {  	[tilespmem:s11], [sflag:$0x1] =	stream.linear.gather @!p0 [hbm4b:s10+s7], $0x50, $0x38;
	[tilespmem:$0x6540] =	vst v63  }
0x3e: {  	s10 =	simm.s32 @!p0 $0x5  }
0x3f: {  	_ =	swait.ge @!p0 [sflag:s10], $0x1900  }
0x40: {  	[sflag:s10] =	ssyncset.done @!p0 $0x0  }
0x41: {  	[sflag:s10] =	ssyncadd.s32 @!p0 $0xFFFFE700  }
0x42: {  	_ =	swait.ge @!p0 [sflag:s10], $0x1900  }
0x43: {  	[sflag:s10] =	ssyncset.done @!p0 $0x0  }
0x44: {  	[sflag:s10] =	ssyncadd.s32 @!p0 $0xFFFFE700;
	s10 =	simm.s32 @!p0 $0x1  }
0x45: {  	_ =	swait.ge @!p0 [sflag:s10], $0x50  }
0x46: {  	[sflag:s10] =	ssyncset.done @!p0 $0x0  }
0x47: {  	[sflag:s10] =	ssyncadd.s32 @!p0 $0xFFFFFFB0  }
0x48: {  	_ =	swait.ge @!p0 [sflag:s10], $0x50  }
0x49: {  	p1 =	sgt.u32 @!p0 s3, $0x28;
	[sflag:s10] =	ssyncset.done @!p0 $0x0  }
0x4a: {  	s26 =	simm.s32 @!p0 $0x140;
	[sflag:s10] =	ssyncadd.s32 @!p0 $0xFFFFFFB0;
	s10 =	simm.s32 @!p0 $0x50  }
0x4b: {  	[tilespmem:s26], [sflag:$0x3] =	stream.indirect.gather @!p0 [hbm4b:s1+s10], $0x50, s7, s10, $0xb8;
	[tilespmem:$0x6540] =	vst v63  }
0x4c: {  	p2 =	por p1, p0;
	s7 =	simm.s32 @!p0 $0x3340  }
0x4d: {  	[tilespmem:s7], [sflag:$0x3] =	stream.indirect.gather @!p0 [hbm4b:s2+s10], $0x50, s11, s10, $0xb8;
	[tilespmem:$0x6540] =	vst v63  }
0x4e: {  	s7 =	simm.s32 @!p2 $0x4  }
0x4f: {  	_ =	swait.ge @!p2 [sflag:s7], $0x1900  }
0x50: {  	[sflag:s7] =	ssyncset.done @!p2 $0x0  }
0x51: {  	[sflag:s7] =	ssyncadd.s32 @!p2 $0xFFFFE700  }
0x52: {  	_ =	swait.ge @!p2 [sflag:s7], $0x1900  }
0x53: {  	s26 =	simm.s32 @!p2 $0x1A40;
	s10 =	simm.s32 @!p2 $0x50;
	[sflag:s7] =	ssyncset.done @!p2 $0x0  }
0x54: {  	s11 =	simm.s32 @!p2 $0x80;
	[sflag:s7] =	ssyncadd.s32 @!p2 $0xFFFFE700;
	s7 =	sadd.s32 @!p2 s8, s12  }
0x55: {  	[hbm4b:s7+s10] =	stream.strided.scatter @!p2 [tilespmem:s26], [sflag:$0x6], $0x1900, s11, s10, $0x38;
	[tilespmem:$0x6540] =	vst v63  }
0x56: {  	s7 =	sadd.s32 @!p2 s8, s13;
	s26 =	simm.s32 @!p2 $0x4C40  }
0x57: {  	[hbm4b:s7+s10] =	stream.strided.scatter @!p2 [tilespmem:s26], [sflag:$0x6], $0x1900, s11, s10, $0x38;
	[tilespmem:$0x6540] =	vst v63  }
0x58: {  	p2 =	sgt.u32 @!p2 s9, $0x12  }
0x59: {  	p1 =	por @!p0 p2, p1  }
0x5a: {  	p1 =	por p1, p0  }
0x5b: {  	s7 =	simm.s32 @!p1 $0x0;
	s10 =	simm.s32 @!p1 $0x50  }
0x5c: {  	[tilespmem:s10], [sflag:$0x2] =	stream.linear.gather @!p1 [hbm4b:s15+s7], $0x50, $0x38;
	[tilespmem:$0x6540] =	vst v63  }
0x5d: {  	s11 =	simm.s32 @!p1 $0xF0  }
0x5e: {  	[tilespmem:s11], [sflag:$0x2] =	stream.linear.gather @!p1 [hbm4b:s14+s7], $0x50, $0x38;
	[tilespmem:$0x6540] =	vst v63  }
0x5f: {  	s7 =	simm.s32 @!p1 $0x6  }
0x60: {  	_ =	swait.ge @!p1 [sflag:s7], $0x1900  }
0x61: {  	[sflag:s7] =	ssyncset.done @!p1 $0x0  }
0x62: {  	[sflag:s7] =	ssyncadd.s32 @!p1 $0xFFFFE700  }
0x63: {  	_ =	swait.ge @!p1 [sflag:s7], $0x1900  }
0x64: {  	[sflag:s7] =	ssyncset.done @!p1 $0x0  }
0x65: {  	[sflag:s7] =	ssyncadd.s32 @!p1 $0xFFFFE700;
	s7 =	simm.s32 @!p1 $0x2  }
0x66: {  	_ =	swait.ge @!p1 [sflag:s7], $0x50  }
0x67: {  	[sflag:s7] =	ssyncset.done @!p1 $0x0  }
0x68: {  	[sflag:s7] =	ssyncadd.s32 @!p1 $0xFFFFFFB0  }
0x69: {  	_ =	swait.ge @!p1 [sflag:s7], $0x50  }
0x6a: {  	[sflag:s7] =	ssyncset.done @!p1 $0x0  }
0x6b: {  	[sflag:s7] =	ssyncadd.s32 @!p1 $0xFFFFFFB0;
	s7 =	simm.s32 @!p1 $0x1A40  }
0x6c: {  	[tilespmem:s7], [sflag:$0x4] =	stream.indirect.gather @!p1 [hbm4b:s1+s10], $0x50, s10, s10, $0xb8;
	[tilespmem:$0x6540] =	vst v63  }
0x6d: {  	s8 =	sadd.s32 @!p0 $0xA00, s8;
	s7 =	simm.s32 @!p1 $0x4C40  }
0x6e: {  	[tilespmem:s7], [sflag:$0x4] =	stream.indirect.gather @!p1 [hbm4b:s2+s10], $0x50, s11, s10, $0xb8;
	[tilespmem:$0x6540] =	vst v63  }
0x6f: {  	p1 =	sne.s32 @!p0 s8, $0xD200  }
0x70: {  	p1 =	por p0, !p1  }
.Ltmp0:
0x71: {  	_ = 	snop;
	(pc) =	sbr.rel @!p1 .LBB2_2-.Ltmp0, $3  }
0x72: {  	_ =	sdelay $0x1  }
0x73: {  	s3 =	sadd.s32 @!p0 $0x2, s3;
	s16 =	sadd.s32 @!p0 $0xA0, s16  }
0x74: {  	s9 =	sadd.s32 @!p0 $0x1, s9;
	s15 =	sadd.s32 @!p0 $0x14, s15;
	s14 =	sadd.s32 @!p0 $0x14, s14  }
0x75: {  	_ =	swait.ge [sflag:s30], $0x1900  }
0x76: {  	[sflag:s30] =	ssyncset.done $0x0  }
0x77: {  	[sflag:s30] =	ssyncadd.s32 $0xFFFFE700  }
0x78: {  	_ =	swait.ge [sflag:s30], $0x1900  }
0x79: {  	[sflag:s30] =	ssyncset.done $0x0  }
0x7a: {  	[sflag:s30] =	ssyncadd.s32 $0xFFFFE700  }
0x7b: {  	_ =	swait.ge [sflag:s31], $0x1900  }
0x7c: {  	[sflag:s31] =	ssyncset.done $0x0  }
0x7d: {  	[sflag:s31] =	ssyncadd.s32 $0xFFFFE700  }
0x7e: {  	_ =	swait.ge [sflag:s31], $0x1900  }
0x7f: {  	s0 =	sadd.s32 $0x1, s0;
	s3 =	rddreg [dreg:$0x8]  }
0x80: {  	p0 =	sne.s32 s0, s3  }
.Ltmp1:
0x81: {  	_ = 	snop;
	(pc) =	sbr.rel @p0 .LBB2_1-.Ltmp1, $3  }
0x82: {  	_ =	sdelay $0x1  }
0x83: {  	[sflag:s31] =	ssyncset.done $0x0  }
0x84: {  	[sflag:s31] =	ssyncadd.s32 $0xFFFFE700  }
0x85: {  	_ =	sfence.sel $0x180000  }
0x86: {  	[bflag:$0x0] =	sbarrier.arrive $0xFFFF  }
0x87: {  	_ =	strace $0x9000004A  }
0x88: {  	s0 =	stileid.u32;
	[bflag:$0x2] =	sbarrier.arrive $0xFFFF  }
0x89: {  	p0 =	sne.s32 s0, $0x0;
	s0 =	rddreg [dreg:$0x3]  }
0x8a: {  	s0 =	sadd.s32 @!p0 $0x100000, s0  }
0x8b: {  	[sflag:s0] =	ssyncadd.tile.s32 @!p0 $0x1;
	_ =	shalt  }
.Lfunc_end2:
_tile_overlayer_lowered:
.L_overlay_start_2:
0x8c: {  	(tag) =	ssettag $0x2  }
0x8d: {  	s0 =	rddreg [dreg:$0x0];
	s2 =	stileid.u32  }
0x8e: {  	s1 =	rddreg [dreg:$0x1];
	p0 =	sne.s32 s2, $0x0  }
0x8f: {  	s3 =	rddreg [dreg:$0x2];
	[bflag:$0x3] =	sbarrier.arrive $0xFFFF;
	s2 =	simm.s32 @!p0 $0x1C07  }
0x90: {  	[timem:s3], [sflag:s2] =	dma.local @!p0 [hbm:s0], s1  }
0x91: {  	s0 =	simm.s32 @!p0 $0x7  }
0x92: {  	_ =	swait.ge @!p0 [sflag:s0], s1  }
0x93: {  	s1 =	ssub.s32 @!p0 $0x0, s1;
	[sflag:s0] =	ssyncset.done @!p0 $0x0  }
0x94: {  	[sflag:s0] =	ssyncadd.s32 @!p0 s1  }
0x95: {  	[bflag:$0x3] =	sbarrier.arrive $0xFFFF  }
0x96: {  	_ =	shalt  }

// kernel: kernel.19.cloned.1.call-start
scs
__scs_entry_jumppad:
0x0: {  	(pc) =	sbr.rel $0x88, $3  }
0x1: {  	(tag) =	ssettag $0x0;
	lr =	simm.s32 $0x1  }
0x2: {  	[smem:$0x3F8E] =	sst lr;
	_ =	strace $0xD0000000  }
0x3: {  	_ = 	snop  }
0x4: {  	_ = 	snop  }
0x5: {  	_ = 	snop  }
0x6: {  	_ = 	snop  }
0x7: {  	_ = 	snop  }
__scs_overlays_trampoline_lowered:
0x8: {  	[smem:$0x3F9D] =	sst s0  }
0x9: {  	[smem:$0x3F9E] =	sst s1  }
0xa: {  	[smem:$0x3F9F] =	sst s2  }
0xb: {  	[smem:$0x3FA0] =	sst s3  }
0xc: {  	[smem:$0x3FA1] =	sst s4  }
0xd: {  	[smem:$0x3FA2] =	sst s5  }
0xe: {  	[smem:$0x3FA3] =	sst s6  }
0xf: {  	[smem:$0x3FA4] =	sst s7  }
0x10: {  	[smem:$0x3FA5] =	sst s8  }
0x11: {  	[smem:$0x3FA6] =	sst s9;
	s0 =	simm.s32 @!p0 $0x0  }
0x12: {  	s1 =	sld [smem:$0x3F8C];
	s0 =	simm.s32 @p0 $0x1  }
0x13: {  	[smem:$0x3FA7] =	sst s0;
	s0 =	simm.s32 @!p1 $0x0  }
0x14: {  	s2 =	sld [smem:$0x3F8B];
	s0 =	simm.s32 @p1 $0x1  }
0x15: {  	[smem:$0x3FA8] =	sst s0;
	s0 =	simm.s32 @!p2 $0x0  }
0x16: {  	s3 =	sld [smem:$0x3FDB];
	s0 =	simm.s32 @p2 $0x1  }
0x17: {  	s4 =	simm.s32 $0x1BF5;
	[smem:$0x3FAA] =	sst s0  }
0x18: {  	s0 =	sld [smem:$0x3F8D];
	_ =	swait.ge [sflag:s4], $0x0  }
0x19: {  	s7 =	sld [smem:$0x3F8E]  }
0x1a: {  	s8 =	sadd.s32 $0xFFFFE003, lr  }
0x1b: {  	s9 =	sadd.s32 $0xFFFFFEF7, lr;
	s5 =	simm.s32 $0xFFFFFFFF;
	p2 =	slt.u32 s8, $0xFFFFF086  }
0x1c: {  	p1 =	slt.u32 s9, $0xF7A;
	s5 =	simm.s32 @!p2 $0x0  }
0x1d: {  	s5 =	simm.s32 @p1 $0x1;
	p0 =	seq.s32 s7, s2  }
0x1e: {  	s7 =	smul.u32 @!p0 $0xF7A, s2;
	p2 =	seq.s32 @!p0 s5, $0x0  }
0x1f: {  	s9 =	smul.u32 $0xF7A, s1;
	s8 =	simm.s32 @!p0 $0x1BF5;
	p2 =	por !p2, p0  }
0x20: {  	[sflag:s8] =	ssyncset.s32 @!p0 $0xFFFFF086;
	s6 =	sadd.s32 @!p0 s3, s7;
	s7 =	simm.s32 @!p0 $0x108  }
0x21: {  	s3 =	sadd.s32 s3, s9;
	s6 =	sadd.s32 @!p0 $0x88, s6;
	s7 =	simm.s32 @p2 $0x1082  }
0x22: {  	[simem:s7], [sflag:s8] =	dma.local @!p0 [hbm:s6], $0xF7A  }
0x23: {  	s9 =	sor.u32 $0xD0000000, s2;
	s6 =	simm.s32 $0x108;
	_ =	swait.ge @!p0 [sflag:s8], $0x0  }
0x24: {  	s3 =	sadd.s32 $0x88, s3;
	s6 =	simm.s32 @!p1 $0x1082;
	[sflag:s4] =	ssyncset.s32 $0xFFFFF086  }
0x25: {  	[simem:s6], [sflag:s4] =	dma.local [hbm:s3], $0xF7A  }
0x26: {  	[smem:$0x3F8E] =	sst s1;
	(tag) =	ssettag s2;
	_ =	strace s9  }
0x27: {  	s1 =	sld [smem:$0x3F9E]  }
0x28: {  	s2 =	sld [smem:$0x3F9F]  }
0x29: {  	s4 =	sld [smem:$0x3FA1]  }
0x2a: {  	p0 =	seq.s32 s5, $0x0;
	s5 =	sld [smem:$0x3FA2]  }
0x2b: {  	s6 =	sld [smem:$0x3FA3]  }
0x2c: {  	s7 =	sld [smem:$0x3FA4]  }
0x2d: {  	s3 =	simm.s32 $0x108;
	s8 =	sld [smem:$0x3FA5]  }
0x2e: {  	s3 =	simm.s32 @!p0 $0x1082;
	s9 =	sld [smem:$0x3FA6]  }
0x2f: {  	lr =	sadd.s32 s0, s3;
	s0 =	sld [smem:$0x3F9D]  }
0x30: {  	s3 =	sld [smem:$0x3FA0]  }
0x31: {  	[smem:$0x3FA9] =	sst s10  }
0x32: {  	s10 =	sld [smem:$0x3FA7];
	_ =	sdelay $0x3  }
0x33: {  	p0 =	seq.s32 s10, $0x1;
	s10 =	sld [smem:$0x3FA9];
	_ =	sdelay $0x3  }
0x34: {  	[smem:$0x3FA9] =	sst s10  }
0x35: {  	s10 =	sld [smem:$0x3FA8];
	_ =	sdelay $0x3  }
0x36: {  	p1 =	seq.s32 s10, $0x1;
	s10 =	sld [smem:$0x3FA9];
	_ =	sdelay $0x3  }
0x37: {  	[smem:$0x3FA9] =	sst s10  }
0x38: {  	s10 =	sld [smem:$0x3FAA]  }
0x39: {  	_ = 	snop;
	(pc) =	sbr.ind lr, $3  }
0x3a: {  	_ = 	snop  }
0x3b: {  	_ = 	snop  }
0x3c: {  	p2 =	seq.s32 s10, $0x1;
	s10 =	sld [smem:$0x3FA9]  }
0x3d: {  	_ =	shalt  }
0x3e: {  	_ =	shalt  }
0x3f: {  	_ =	shalt  }
0x40: {  	_ =	shalt  }
0x41: {  	_ =	shalt  }
0x42: {  	_ =	shalt  }
0x43: {  	_ =	shalt  }
0x44: {  	_ =	shalt  }
0x45: {  	_ =	shalt  }
0x46: {  	_ =	shalt  }
0x47: {  	_ =	shalt  }
0x48: {  	_ =	shalt  }
0x49: {  	_ =	shalt  }
0x4a: {  	_ =	shalt  }
0x4b: {  	_ =	shalt  }
0x4c: {  	_ =	shalt  }
0x4d: {  	_ =	shalt  }
0x4e: {  	_ =	shalt  }
0x4f: {  	_ =	shalt  }
0x50: {  	_ =	shalt  }
0x51: {  	_ =	shalt  }
0x52: {  	_ =	shalt  }
0x53: {  	_ =	shalt  }
0x54: {  	_ =	shalt  }
0x55: {  	_ =	shalt  }
0x56: {  	_ =	shalt  }
0x57: {  	_ =	shalt  }
0x58: {  	_ =	shalt  }
0x59: {  	_ =	shalt  }
0x5a: {  	_ =	shalt  }
0x5b: {  	_ =	shalt  }
0x5c: {  	_ =	shalt  }
0x5d: {  	_ =	shalt  }
0x5e: {  	_ =	shalt  }
0x5f: {  	_ =	shalt  }
0x60: {  	_ =	shalt  }
0x61: {  	_ =	shalt  }
0x62: {  	_ =	shalt  }
0x63: {  	_ =	shalt  }
0x64: {  	_ =	shalt  }
0x65: {  	_ =	shalt  }
0x66: {  	_ =	shalt  }
0x67: {  	_ =	shalt  }
0x68: {  	_ =	shalt  }
0x69: {  	_ =	shalt  }
0x6a: {  	_ =	shalt  }
0x6b: {  	_ =	shalt  }
0x6c: {  	_ =	shalt  }
0x6d: {  	_ =	shalt  }
0x6e: {  	_ =	shalt  }
0x6f: {  	_ =	shalt  }
0x70: {  	_ =	shalt  }
0x71: {  	_ =	shalt  }
0x72: {  	_ =	shalt  }
0x73: {  	_ =	shalt  }
0x74: {  	_ =	shalt  }
0x75: {  	_ =	shalt  }
0x76: {  	_ =	shalt  }
0x77: {  	_ =	shalt  }
0x78: {  	_ =	shalt  }
0x79: {  	_ =	shalt  }
0x7a: {  	_ =	shalt  }
0x7b: {  	_ =	shalt  }
0x7c: {  	_ =	shalt  }
0x7d: {  	_ =	shalt  }
0x7e: {  	_ =	shalt  }
0x7f: {  	_ =	shalt  }
0x80: {  	_ =	shalt  }
0x81: {  	_ =	shalt  }
0x82: {  	_ =	shalt  }
0x83: {  	_ =	shalt  }
0x84: {  	_ =	shalt  }
0x85: {  	_ =	shalt  }
0x86: {  	_ =	shalt  }
0x87: {  	_ =	shalt  }
.Lfunc_end0:
.L_simem_size_0:
called_computation.3_lowered:
.L_overlay_start_0:
0x88: {  	s2 =	sld [smem:$0x3FD9]  }
0x89: {  	s3 =	sld [smem:$0x3FFE];
	_ =	sdelay $0x1  }
0x8a: {  	s1 =	srdreg.scid  }
0x8b: {  	s0 =	sand.u32 $0x1, s1  }
0x8c: {  	s15 =	sshll.u32 s0, $0xA;
	s2 =	sadd.s32 s3, s2  }
0x8d: {  	s2 =	sadd.s32 s2, s15  }
0x8e: {  	[smem:$0x3FB5] =	sst s2  }
0x8f: {  	_ = 	snop  }
0x90: {  	s2 =	sld [smem:$0x3FD0];
	_ =	sdelay $0x2  }
0x91: {  	s16 =	simm.s32 $0xB;
	s4 =	simm.s32 $0x10  }
0x92: {  	[smem:s4], [sflag:s16] =	dma.local [hbm:s2], $0x1  }
0x93: {  	_ =	swait.eq [sflag:s16], $0x1  }
0x94: {  	[sflag:s16] =	ssyncset.done $0x0  }
0x95: {  	[sflag:s16] =	ssyncadd.s32 $0xFFFFFFFF  }
0x96: {  	s17 =	sld [smem:$0x10];
	(tm) =	ssettm $0x1  }
0x97: {  	s18 =	sld [smem:$0x3FFB];
	_ =	sdelay $0x3  }
0x98: {  	_ =	strace s18  }
0x99: {  	s2 =	sld [smem:$0x3FFC];
	_ =	sdelay $0x3  }
0x9a: {  	_ =	strace s2  }
0x9b: {  	s2 =	sld [smem:$0x3FFD];
	_ =	sdelay $0x3  }
0x9c: {  	_ =	strace s2  }
0x9d: {  	_ =	strace $0x8FFFFFFF  }
0x9e: {  	s19 =	sld [smem:$0x3FDB];
	_ =	sdelay $0x1  }
0x9f: {  	s20 =	simm.s32 $_scs_section_size  }
0xa0: {  	s5 =	simm.s32 $_size__tile_overlayer_lowered;
	s6 =	simm.s32 $_tile_overlayer_lowered  }
0xa1: {  	s7 =	simm.s32 $0x1BFF;
	s21 =	sshll.u32 s6, $0x1;
	s4 =	sadd.s32 s20, s19  }
0xa2: {  	s22 =	simm.s32 $0x0;
	s5 =	sshll.u32 s5, $0x1;
	s6 =	sadd.s32 s21, s4  }
0xa3: {  	[timem:s22], [sflag:s7] =	dma.local [hbm:s6], s5  }
0xa4: {  	_ =	swait.ge [sflag:s7], s5  }
0xa5: {  	s5 =	ssub.s32 $0x0, s5;
	[sflag:s7] =	ssyncset.done $0x0  }
0xa6: {  	[sflag:s7] =	ssyncadd.s32 s5;
	_ =	sdelay $0x1  }
0xa7: {  	s23 =	simm.s32 $0x1B8B  }
0xa8: {  	_ =	swait.ge [sflag:s23], $0x1  }
0xa9: {  	[sflag:s23] =	ssyncset.done $0x0  }
0xaa: {  	[sflag:s23] =	ssyncadd.s32 $0xFFFFFFFF  }
0xab: {  	s5 =	sld [smem:$0x0]  }
0xac: {  	s6 =	sand.u32 $0xFFFFFFFE, s1  }
0xad: {  	p0 =	sne.s32 s1, s6  }
0xae: {  	s6 =	sshll.u32 @p0 s6, $0xE  }
0xaf: {  	s6 =	sadd.s32 @p0 $0x11B8D, s6;
	s7 =	sshll.u32 @p0 s5, $0x11  }
0xb0: {  	s6 =	sor.u32 @p0 s7, s6  }
0xb1: {  	[sflag:s6] =	ssyncadd.remote.s32 @p0 $0x1;
	_ =	sdelay $0x1  }
0xb2: {  	s6 =	simm.s32 @p0 $0x1B8D  }
0xb3: {  	_ =	swait.eq @p0 [sflag:s6], $0x1  }
0xb4: {  	[sflag:s6] =	ssyncadd.s32 @p0 $0xFFFFFFFF  }
0xb5: {  	s7 =	sshll.u32 @!p0 s1, $0xE  }
0xb6: {  	s7 =	sor.u32 @!p0 $0x4000, s7;
	s6 =	simm.s32 @!p0 $0x1B8D  }
0xb7: {  	s5 =	sshll.u32 @!p0 s5, $0x11;
	s7 =	sadd.s32 @!p0 $0x11B8D, s7;
	_ =	swait.eq @!p0 [sflag:s6], $0x1  }
0xb8: {  	s5 =	sor.u32 @!p0 s5, s7;
	[sflag:s6] =	ssyncadd.s32 @!p0 $0xFFFFFFFF  }
0xb9: {  	s25 =	simm.s32 $0x1B8E;
	s24 =	sld [smem:$0x3FFE];
	[sflag:s5] =	ssyncadd.remote.s32 @!p0 $0x1  }
0xba: {  	s26 =	simm.s32 $execute0_lowered;
	[smem:$0x3FD2] =	sst s25  }
0xbb: {  	s6 =	sshll.u32 s26, $0x1;
	_ =	strace $0x8000004F;
	[dreg:$0x1] =	wrdreg $0xFFFFFFFF  }
0xbc: {  	s28 =	simm.s32 $_size_execute0_lowered;
	s4 =	sadd.s32 s4, s6;
	[dreg:$0x0] =	wrdreg $0x0  }
0xbd: {  	s6 =	sshll.u32 s28, $0x1;
	[dreg:$0x2] =	wrdreg s4  }
0xbe: {  	[dreg:$0x3] =	wrdreg s6  }
0xbf: {  	[dreg:$0x4] =	wrdreg $0xC0  }
0xc0: {  	_ =	task [dreg:s22], $0x5FFFF  }
0xc1: {  	[dreg:$0x1] =	wrdreg $0xFFFFFFFF  }
0xc2: {  	[dreg:$0x0] =	wrdreg $0x60  }
0xc3: {  	[dreg:$0x2] =	wrdreg s24  }
0xc4: {  	[dreg:$0x3] =	wrdreg s17  }
0xc5: {  	[dreg:$0x4] =	wrdreg $0x9BF00  }
0xc6: {  	[dreg:$0x5] =	wrdreg $0x1D4700  }
0xc7: {  	[dreg:$0x6] =	wrdreg $0xA  }
0xc8: {  	_ =	task.clear_ibuf [dreg:s22], $0x7FFFF;
	_ =	strace $0x9000004F  }
0xc9: {  	s29 =	simm.s32 $0xA;
	_ =	strace $0x80000051  }
0xca: {  	_ =	swait.ge [sflag:s29], $0x1  }
0xcb: {  	[sflag:s29] =	ssyncadd.s32 $0xFFFFFFFF  }
0xcc: {  	_ =	strace $0x90000051  }
0xcd: {  	_ =	sfence  }
0xce: {  	s30 =	sld [smem:$0x0];
	_ =	sdelay $0x2  }
0xcf: {  	s31 =	sshll.u32 s1, $0xD;
	s1 =	sshrl.u32 s1, $0x2  }
0xd0: {  	s4 =	sand.u32 $0x4000, s31;
	s1 =	sadd.s32 s1, s30  }
0xd1: {  	s0 =	sor.u32 s4, s0;
	s1 =	sshll.u32 s1, $0x11  }
0xd2: {  	s0 =	sor.u32 s1, s0  }
0xd3: {  	s0 =	sadd.s32 $0x8F2B, s0  }
0xd4: {  	[sflag:s0] =	ssyncadd.remote.s32 $0x1  }
0xd5: {  	_ =	sfence.sel $0xFFFF  }
0xd6: {  	[dreg:$0x0] =	wrdreg $0xFFFFFFFF;
	(pc) =	sbr.abs _section_cstart, $3  }
0xd7: {  	[dreg:$0x1] =	wrdreg $0xFFFFFFFF  }
0xd8: {  	_ =	task.clear_ibuf [dreg:s22], $0x2FFFF;
	_ =	strace $0x9FFFFFFF  }
0xd9: {  	(tm) =	ssettm $0x7FFFFFFF  }
tec
execute0_lowered:
.L_overlay_start_1:
0x0: {  	(tag) =	ssettag $0x1  }
0x1: {  	s0 =	rddreg [dreg:$0x0]  }
0x2: {  	s5 =	rddreg [dreg:$0x1]  }
0x3: {  	s2 =	srdreg.scid;
	s21 =	stileid.u32  }
0x4: {  	s1 =	rddreg [dreg:$0x2];
	s3 =	simm.s32 $0x0;
	s7 =	smul.u32 $0xCD0, s21  }
0x5: {  	s6 =	sand.u32 $0x1, s2;
	s2 =	rddreg [dreg:$0x3];
	s10 =	smul.u32 $0x271, s21  }
0x6: {  	[smem:$0x7FF] =	sst s3;
	s4 =	smul.u32 $0xCD00, s6  }
0x7: {  	s8 =	sadd.s32 $0x204E00, s0;
	s9 =	ssub.s32 $0x2, s6;
	s12 =	smul.u32 $0x2710, s6  }
0x8: {  	s13 =	sadd.s32 $0x39EE00, s0;
	s6 =	smul.u32 $0xCD000, s6;
	s23 =	sshrl.u32 s9, $0x1  }
0x9: {  	s15 =	sadd.s32 $0x177, s10;
	s4 =	sadd.s32 s7, s4;
	s7 =	ssub.s32 s9, s23  }
0xa: {  	s9 =	sadd.s32 $0x7D, s10;
	s14 =	sadd.s32 s12, s10;
	s18 =	sadd.s32 s12, s15  }
0xb: {  	s11 =	sshll.u32 s4, $0x4;
	s16 =	sshll.u32 s14, $0x4;
	s17 =	sadd.s32 s12, s9  }
0xc: {  	s20 =	sshll.u32 s18, $0x4;
	s14 =	sshll.u32 s14, $0x1;
	s24 =	sadd.s32 s8, s11  }
0xd: {  	s11 =	sadd.s32 $0xFA, s10;
	s10 =	sadd.s32 $0x1F4, s10;
	s16 =	sadd.s32 s13, s16  }
0xe: {  	s25 =	sshll.u32 s17, $0x4;
	s22 =	sadd.s32 s13, s20;
	[dreg:$0x5] =	wrdreg s24  }
0xf: {  	s14 =	sadd.s32 s5, s14;
	s20 =	smul.u32 $0x4E200, s21;
	[dreg:$0x6] =	wrdreg s16  }
0x10: {  	s16 =	sadd.s32 s13, s25;
	s26 =	sadd.s32 s12, s11;
	[dreg:$0x9] =	wrdreg s22  }
0x11: {  	s12 =	sadd.s32 s12, s10;
	s24 =	sadd.s32 $0x50, s4;
	[dreg:$0xb] =	wrdreg s14  }
0x12: {  	s25 =	sshll.u32 s17, $0x1;
	s22 =	sshrl.u32 s4, $0x3;
	[dreg:$0x7] =	wrdreg s16  }
0x13: {  	s19 =	sshll.u32 s26, $0x4;
	s23 =	sshll.u32 s12, $0x4;
	s16 =	sshll.u32 s26, $0x1  }
0x14: {  	s14 =	sadd.s32 s5, s25;
	s12 =	sshll.u32 s12, $0x1;
	s17 =	sshll.u32 s24, $0x4  }
0x15: {  	s24 =	sshrl.u32 s24, $0x3;
	s19 =	sadd.s32 s13, s19;
	[dreg:$0xc] =	wrdreg s14  }
0x16: {  	s13 =	sadd.s32 s13, s23;
	s26 =	sadd.s32 s5, s16;
	[dreg:$0x8] =	wrdreg s19  }
0x17: {  	s16 =	sshll.u32 s18, $0x1;
	s18 =	smul.u32 $0xCD00, s21;
	[dreg:$0xa] =	wrdreg s13  }
0x18: {  	s23 =	smul.u32 $0x9C40, s21;
	[dreg:$0xd] =	wrdreg s26;
	s14 =	sadd.s32 s5, s16  }
0x19: {  	s5 =	sadd.s32 s5, s12;
	s19 =	sadd.s32 s6, s8;
	s6 =	sshrl.u32 s20, $0x2  }
0x1a: {  	s26 =	smax.u32 s7, $0x1;
	s7 =	sshll.u32 s9, $0x7;
	s12 =	sshll.u32 s11, $0x4  }
0x1b: {  	s13 =	sshll.u32 s15, $0x7;
	s16 =	sshll.u32 s10, $0x4;
	[dreg:$0xe] =	wrdreg s14  }
0x1c: {  	[dreg:$0xf] =	wrdreg s5;
	s5 =	sadd.s32 s8, s17;
	s17 =	sadd.s32 $0x6A2E00, s0  }
0x1d: {  	s20 =	sadd.s32 s6, s1;
	s25 =	sshrl.u32 s23, $0x2;
	s23 =	sadd.s32 s7, s1  }
0x1e: {  	s8 =	sshll.u32 s9, $0x4;
	s9 =	sshll.u32 s11, $0x7;
	s14 =	sshll.u32 s15, $0x4  }
0x1f: {  	s28 =	sadd.s32 s13, s1;
	s15 =	sshll.u32 s10, $0x7;
	s31 =	sadd.s32 s16, s2  }
0x20: {  	s6 =	simm.s32 $0x3;
	s7 =	simm.s32 $0x9420;
	s10 =	simm.s32 $0x28A0  }
0x21: {  	s11 =	simm.s32 $0x1;
	s13 =	simm.s32 $0x2;
	[dreg:$0x10] =	wrdreg s5  }
0x22: {  	s5 =	sadd.s32 s18, s19;
	s0 =	sadd.s32 s17, s22;
	s22 =	sadd.s32 s25, s2  }
0x23: {  	s25 =	sadd.s32 s9, s1;
	s29 =	sadd.s32 s14, s2;
	s30 =	sadd.s32 s15, s1  }
0x24: {  	s18 =	sadd.s32 $0xF0, s4;
	s9 =	simm.s32 $0x50;
	s15 =	simm.s32 $0x0  }
.Ltmp0:
0x25: {  	_ =	strace $0x80000050;
	[dreg:$0x11] =	wrdreg s0;
	(pc) =	sbr.rel .LBB2_1-.Ltmp0, $4  }
0x26: {  	s0 =	sadd.s32 s17, s24;
	[dreg:$0x13] =	wrdreg s26;
	s24 =	sadd.s32 s8, s2  }
0x27: {  	s26 =	sadd.s32 s12, s2;
	s19 =	sadd.s32 $0xF00, s5;
	s21 =	sshrl.u32 s18, $0x3  }
0x28: {  	s18 =	sadd.s32 $0xA0, s4;
	s5 =	simm.s32 $0x55A0;
	s8 =	simm.s32 $0xA0  }
0x29: {  	v0 =	vimm.f32 $1.000000000e+00;
	v1 =	vimm.f32 $0.0e+00;
	s12 =	simm.s32 $0x50A0;
	[dreg:$0x12] =	wrdreg s0;
	s0 =	sadd.s32 s21, s17  }
.LBB2_8:
0x2a: {  	_ =	swait.ge [sflag:s11], $0x50  }
0x2b: {  	[sflag:s11] =	ssyncset.done $0x0  }
0x2c: {  	[sflag:s11] =	ssyncadd.s32 $0xFFFFFFB0  }
0x2d: {  	_ =	swait.ge [sflag:s11], $0x2800  }
0x2e: {  	[sflag:s11] =	ssyncset.done $0x0  }
0x2f: {  	[sflag:s11] =	ssyncadd.s32 $0xFFFFD800  }
0x30: {  	[spmem:s1] =	stream.indirect.scatter.add.f32 [tilespmem:s8], [sflag:$0x3], $0x80, s3, s9, $0xb8;
	[tilespmem:$0x1FB80] =	vst v63  }
0x31: {  	_ =	swait.ge [sflag:s6], $0x2800  }
0x32: {  	[sflag:s6] =	ssyncset.done $0x0  }
0x33: {  	[sflag:s6] =	ssyncadd.s32 $0xFFFFD800  }
0x34: {  	[spmem:s2] =	stream.indirect.scatter.add.f32 [tilespmem:s12], [sflag:$0x3], $0x10, s3, s9, $0xb8;
	[tilespmem:$0x1FB80] =	vst v63  }
0x35: {  	_ =	swait.ge [sflag:s6], $0x500  }
0x36: {  	[sflag:s6] =	ssyncset.done $0x0  }
0x37: {  	[sflag:s6] =	ssyncadd.s32 $0xFFFFFB00  }
0x38: {  	[bflag:$0x0] =	sbarrier.arrive $0xFFFF  }
0x39: {  	[tilespmem:s5], [sflag:$0x3] =	stream.linear.gather [spmem:s20], $0x3E80, $0x38;
	[tilespmem:$0x1FB80] =	vst v63  }
0x3a: {  	_ =	swait.ge [sflag:s6], $0x3E80  }
0x3b: {  	[sflag:s6] =	ssyncset.done $0x0  }
0x3c: {  	s4 =	rddreg [dreg:$0x6];
	[sflag:s6] =	ssyncadd.s32 $0xFFFFC180  }
0x3d: {  	[hbm4b:s4+s3] =	stream.linear.scatter [tilespmem:s5], [sflag:$0x3], $0x3E80, $0x38;
	[tilespmem:$0x1FB80] =	vst v63  }
0x3e: {  	_ =	swait.ge [sflag:s6], $0x3E80  }
0x3f: {  	[sflag:s6] =	ssyncset.done $0x0  }
0x40: {  	[sflag:s6] =	ssyncadd.s32 $0xFFFFC180  }
0x41: {  	[tilespmem:s7], [sflag:$0x3] =	stream.linear.gather [spmem:s22], $0x7D0, $0x38;
	[tilespmem:$0x1FB80] =	vst v63  }
0x42: {  	_ =	swait.ge [sflag:s6], $0x7D0  }
0x43: {  	[sflag:s6] =	ssyncset.done $0x0  }
0x44: {  	s21 =	rddreg [dreg:$0xb];
	[sflag:s6] =	ssyncadd.s32 $0xFFFFF830  }
0x45: {  	[hbm4b:s21+s3] =	stream.linear.scatter [tilespmem:s7], [sflag:$0x3], $0x7D0, $0x38;
	[tilespmem:$0x1FB80] =	vst v63  }
0x46: {  	_ =	swait.ge [sflag:s6], $0x7D0  }
0x47: {  	[sflag:s6] =	ssyncset.done $0x0  }
0x48: {  	[sflag:s6] =	ssyncadd.s32 $0xFFFFF830  }
0x49: {  	[tilespmem:s5], [sflag:$0x3] =	stream.linear.gather [spmem:s23], $0x3E80, $0x38;
	[tilespmem:$0x1FB80] =	vst v63  }
0x4a: {  	_ =	swait.ge [sflag:s6], $0x3E80  }
0x4b: {  	[sflag:s6] =	ssyncset.done $0x0  }
0x4c: {  	s14 =	rddreg [dreg:$0x7];
	[sflag:s6] =	ssyncadd.s32 $0xFFFFC180  }
0x4d: {  	[hbm4b:s14+s3] =	stream.linear.scatter [tilespmem:s5], [sflag:$0x3], $0x3E80, $0x38;
	[tilespmem:$0x1FB80] =	vst v63  }
0x4e: {  	_ =	swait.ge [sflag:s6], $0x3E80  }
0x4f: {  	[sflag:s6] =	ssyncset.done $0x0  }
0x50: {  	[sflag:s6] =	ssyncadd.s32 $0xFFFFC180  }
0x51: {  	[tilespmem:s7], [sflag:$0x3] =	stream.linear.gather [spmem:s24], $0x7D0, $0x38;
	[tilespmem:$0x1FB80] =	vst v63  }
0x52: {  	_ =	swait.ge [sflag:s6], $0x7D0  }
0x53: {  	[sflag:s6] =	ssyncset.done $0x0  }
0x54: {  	s16 =	rddreg [dreg:$0xc];
	[sflag:s6] =	ssyncadd.s32 $0xFFFFF830  }
0x55: {  	[hbm4b:s16+s3] =	stream.linear.scatter [tilespmem:s7], [sflag:$0x3], $0x7D0, $0x38;
	[tilespmem:$0x1FB80] =	vst v63  }
0x56: {  	_ =	swait.ge [sflag:s6], $0x7D0  }
0x57: {  	[sflag:s6] =	ssyncset.done $0x0  }
0x58: {  	[sflag:s6] =	ssyncadd.s32 $0xFFFFF830  }
0x59: {  	[tilespmem:s5], [sflag:$0x3] =	stream.linear.gather [spmem:s25], $0x3E80, $0x38;
	[tilespmem:$0x1FB80] =	vst v63  }
0x5a: {  	_ =	swait.ge [sflag:s6], $0x3E80  }
0x5b: {  	[sflag:s6] =	ssyncset.done $0x0  }
0x5c: {  	s21 =	rddreg [dreg:$0x8];
	[sflag:s6] =	ssyncadd.s32 $0xFFFFC180  }
0x5d: {  	[hbm4b:s21+s3] =	stream.linear.scatter [tilespmem:s5], [sflag:$0x3], $0x3E80, $0x38;
	[tilespmem:$0x1FB80] =	vst v63  }
0x5e: {  	_ =	swait.ge [sflag:s6], $0x3E80  }
0x5f: {  	[sflag:s6] =	ssyncset.done $0x0  }
0x60: {  	[sflag:s6] =	ssyncadd.s32 $0xFFFFC180  }
0x61: {  	[tilespmem:s7], [sflag:$0x3] =	stream.linear.gather [spmem:s26], $0x7D0, $0x38;
	[tilespmem:$0x1FB80] =	vst v63  }
0x62: {  	_ =	swait.ge [sflag:s6], $0x7D0  }
0x63: {  	[sflag:s6] =	ssyncset.done $0x0  }
0x64: {  	s14 =	rddreg [dreg:$0xd];
	[sflag:s6] =	ssyncadd.s32 $0xFFFFF830  }
0x65: {  	[hbm4b:s14+s3] =	stream.linear.scatter [tilespmem:s7], [sflag:$0x3], $0x7D0, $0x38;
	[tilespmem:$0x1FB80] =	vst v63  }
0x66: {  	_ =	swait.ge [sflag:s6], $0x7D0  }
0x67: {  	[sflag:s6] =	ssyncset.done $0x0  }
0x68: {  	[sflag:s6] =	ssyncadd.s32 $0xFFFFF830  }
0x69: {  	[tilespmem:s5], [sflag:$0x3] =	stream.linear.gather [spmem:s28], $0x3E80, $0x38;
	[tilespmem:$0x1FB80] =	vst v63  }
0x6a: {  	_ =	swait.ge [sflag:s6], $0x3E80  }
0x6b: {  	[sflag:s6] =	ssyncset.done $0x0  }
0x6c: {  	s16 =	rddreg [dreg:$0x9];
	[sflag:s6] =	ssyncadd.s32 $0xFFFFC180  }
0x6d: {  	[hbm4b:s16+s3] =	stream.linear.scatter [tilespmem:s5], [sflag:$0x3], $0x3E80, $0x38;
	[tilespmem:$0x1FB80] =	vst v63  }
0x6e: {  	_ =	swait.ge [sflag:s6], $0x3E80  }
0x6f: {  	[sflag:s6] =	ssyncset.done $0x0  }
0x70: {  	[sflag:s6] =	ssyncadd.s32 $0xFFFFC180  }
0x71: {  	[tilespmem:s7], [sflag:$0x3] =	stream.linear.gather [spmem:s29], $0x7D0, $0x38;
	[tilespmem:$0x1FB80] =	vst v63  }
0x72: {  	_ =	swait.ge [sflag:s6], $0x7D0  }
0x73: {  	[sflag:s6] =	ssyncset.done $0x0  }
0x74: {  	s21 =	rddreg [dreg:$0xe];
	[sflag:s6] =	ssyncadd.s32 $0xFFFFF830  }
0x75: {  	[hbm4b:s21+s3] =	stream.linear.scatter [tilespmem:s7], [sflag:$0x3], $0x7D0, $0x38;
	[tilespmem:$0x1FB80] =	vst v63  }
0x76: {  	_ =	swait.ge [sflag:s6], $0x7D0  }
0x77: {  	[sflag:s6] =	ssyncset.done $0x0  }
0x78: {  	[sflag:s6] =	ssyncadd.s32 $0xFFFFF830  }
0x79: {  	[tilespmem:s5], [sflag:$0x3] =	stream.linear.gather [spmem:s30], $0x3E80, $0x38;
	[tilespmem:$0x1FB80] =	vst v63  }
0x7a: {  	_ =	swait.ge [sflag:s6], $0x3E80  }
0x7b: {  	[sflag:s6] =	ssyncset.done $0x0  }
0x7c: {  	s14 =	rddreg [dreg:$0xa];
	[sflag:s6] =	ssyncadd.s32 $0xFFFFC180  }
0x7d: {  	[hbm4b:s14+s3] =	stream.linear.scatter [tilespmem:s5], [sflag:$0x3], $0x3E80, $0x38;
	[tilespmem:$0x1FB80] =	vst v63  }
0x7e: {  	_ =	swait.ge [sflag:s6], $0x3E80  }
0x7f: {  	[sflag:s6] =	ssyncset.done $0x0  }
0x80: {  	[sflag:s6] =	ssyncadd.s32 $0xFFFFC180  }
0x81: {  	[tilespmem:s7], [sflag:$0x3] =	stream.linear.gather [spmem:s31], $0x7D0, $0x38;
	[tilespmem:$0x1FB80] =	vst v63  }
0x82: {  	_ =	swait.ge [sflag:s6], $0x7D0  }
0x83: {  	[sflag:s6] =	ssyncset.done $0x0  }
0x84: {  	s16 =	rddreg [dreg:$0xf];
	[sflag:s6] =	ssyncadd.s32 $0xFFFFF830  }
0x85: {  	[hbm4b:s16+s3] =	stream.linear.scatter [tilespmem:s7], [sflag:$0x3], $0x7D0, $0x38;
	[tilespmem:$0x1FB80] =	vst v63  }
0x86: {  	_ =	swait.ge [sflag:s6], $0x7D0  }
0x87: {  	s15 =	sadd.s32 $0x1, s15;
	s21 =	rddreg [dreg:$0x13]  }
0x88: {  	p0 =	sne.s32 s15, s21  }
.Ltmp1:
0x89: {  	_ = 	snop;
	(pc) =	sbr.rel @!p0 .LBB2_9-.Ltmp1, $3  }
0x8a: {  	_ =	sdelay $0x1  }
0x8b: {  	[sflag:s6] =	ssyncset.done $0x0  }
0x8c: {  	[sflag:s6] =	ssyncadd.s32 $0xFFFFF830  }
.LBB2_1:
0x8d: {  	s4 =	simm.s32 $0x0  }
.LBB2_2:
0x8e: {  	p0 =	sne.s32 s4, $0x13C0  }
.Ltmp2:
0x8f: {  	_ = 	snop;
	(pc) =	sbr.rel @p0 .LBB2_2-.Ltmp2, $3  }
0x90: {  	_ =	sdelay $0x1  }
0x91: {  	s14 =	sshra.s32 s4, $0x2  }
0x92: {  	s4 =	sadd.s32 $0x40, s4;
	[tilespmem:s14+$0x50A0] =	vst v0  }
0x93: {  	s14 =	simm.s32 $0x0  }
0x94: {  	s4 =	simm.s32 $0x55E0;
	[tilespmem:s14+$0x9420] =	vst v1;
	s14 =	simm.s32 $0x40  }
.LBB2_4:
0x95: {  	p0 =	sne.s32 s14, $0x1F00;
	[tilespmem:s4+$0xFFFFFFC0] =	vst v1  }
0x96: {  	[tilespmem:s4+$0xFFFFFFD0] =	vst v1  }
0x97: {  	[tilespmem:s4+$0xFFFFFFE0] =	vst v1  }
0x98: {  	[tilespmem:s4+$0xFFFFFFF0] =	vst v1  }
.Ltmp3:
0x99: {  	[tilespmem:s4+$0x0] =	vst v1;
	(pc) =	sbr.rel @p0 .LBB2_4-.Ltmp3, $4  }
0x9a: {  	[tilespmem:s4+$0x10] =	vst v1  }
0x9b: {  	[tilespmem:s4+$0x20] =	vst v1  }
0x9c: {  	s16 =	sshra.s32 s14, $0x2;
	[tilespmem:s4+$0x30] =	vst v1  }
0x9d: {  	s14 =	sadd.s32 $0x40, s14;
	s4 =	sadd.s32 $0x80, s4;
	[tilespmem:s16+$0x9420] =	vst v1  }
0x9e: {  	[tilespmem:s4+$0xFFFFFFC0] =	vst v1  }
0x9f: {  	[tilespmem:s4+$0xFFFFFFD0] =	vst v1  }
0xa0: {  	[tilespmem:s4+$0xFFFFFFE0] =	vst v1  }
0xa1: {  	[tilespmem:s4+$0xFFFFFFF0] =	vst v1  }
0xa2: {  	[tilespmem:s4+$0x0] =	vst v1  }
0xa3: {  	[tilespmem:s4+$0x10] =	vst v1  }
0xa4: {  	[tilespmem:s4+$0x20] =	vst v1  }
0xa5: {  	[tilespmem:s4+$0x30] =	vst v1  }
0xa6: {  	[spmem:s20] =	stream.linear.scatter [tilespmem:s5], [sflag:$0x3], $0x3E80, $0x38;
	[tilespmem:$0x1FB80] =	vst v63  }
0xa7: {  	_ =	swait.ge [sflag:s6], $0x3E80  }
0xa8: {  	[sflag:s6] =	ssyncset.done $0x0  }
0xa9: {  	[sflag:s6] =	ssyncadd.s32 $0xFFFFC180  }
0xaa: {  	[spmem:s22] =	stream.linear.scatter [tilespmem:s7], [sflag:$0x3], $0x7D0, $0x38;
	[tilespmem:$0x1FB80] =	vst v63  }
0xab: {  	_ =	swait.ge [sflag:s6], $0x7D0  }
0xac: {  	[sflag:s6] =	ssyncset.done $0x0  }
0xad: {  	[sflag:s6] =	ssyncadd.s32 $0xFFFFF830  }
0xae: {  	[spmem:s23] =	stream.linear.scatter [tilespmem:s5], [sflag:$0x3], $0x3E80, $0x38;
	[tilespmem:$0x1FB80] =	vst v63  }
0xaf: {  	_ =	swait.ge [sflag:s6], $0x3E80  }
0xb0: {  	[sflag:s6] =	ssyncset.done $0x0  }
0xb1: {  	[sflag:s6] =	ssyncadd.s32 $0xFFFFC180  }
0xb2: {  	[spmem:s24] =	stream.linear.scatter [tilespmem:s7], [sflag:$0x3], $0x7D0, $0x38;
	[tilespmem:$0x1FB80] =	vst v63  }
0xb3: {  	_ =	swait.ge [sflag:s6], $0x7D0  }
0xb4: {  	[sflag:s6] =	ssyncset.done $0x0  }
0xb5: {  	[sflag:s6] =	ssyncadd.s32 $0xFFFFF830  }
0xb6: {  	[spmem:s25] =	stream.linear.scatter [tilespmem:s5], [sflag:$0x3], $0x3E80, $0x38;
	[tilespmem:$0x1FB80] =	vst v63  }
0xb7: {  	_ =	swait.ge [sflag:s6], $0x3E80  }
0xb8: {  	[sflag:s6] =	ssyncset.done $0x0  }
0xb9: {  	[sflag:s6] =	ssyncadd.s32 $0xFFFFC180  }
0xba: {  	[spmem:s26] =	stream.linear.scatter [tilespmem:s7], [sflag:$0x3], $0x7D0, $0x38;
	[tilespmem:$0x1FB80] =	vst v63  }
0xbb: {  	_ =	swait.ge [sflag:s6], $0x7D0  }
0xbc: {  	[sflag:s6] =	ssyncset.done $0x0  }
0xbd: {  	[sflag:s6] =	ssyncadd.s32 $0xFFFFF830  }
0xbe: {  	[spmem:s28] =	stream.linear.scatter [tilespmem:s5], [sflag:$0x3], $0x3E80, $0x38;
	[tilespmem:$0x1FB80] =	vst v63  }
0xbf: {  	_ =	swait.ge [sflag:s6], $0x3E80  }
0xc0: {  	[sflag:s6] =	ssyncset.done $0x0  }
0xc1: {  	[sflag:s6] =	ssyncadd.s32 $0xFFFFC180  }
0xc2: {  	[spmem:s29] =	stream.linear.scatter [tilespmem:s7], [sflag:$0x3], $0x7D0, $0x38;
	[tilespmem:$0x1FB80] =	vst v63  }
0xc3: {  	_ =	swait.ge [sflag:s6], $0x7D0  }
0xc4: {  	[sflag:s6] =	ssyncset.done $0x0  }
0xc5: {  	[sflag:s6] =	ssyncadd.s32 $0xFFFFF830  }
0xc6: {  	[spmem:s30] =	stream.linear.scatter [tilespmem:s5], [sflag:$0x3], $0x3E80, $0x38;
	[tilespmem:$0x1FB80] =	vst v63  }
0xc7: {  	_ =	swait.ge [sflag:s6], $0x3E80  }
0xc8: {  	[sflag:s6] =	ssyncset.done $0x0  }
0xc9: {  	[sflag:s6] =	ssyncadd.s32 $0xFFFFC180  }
0xca: {  	[spmem:s31] =	stream.linear.scatter [tilespmem:s7], [sflag:$0x3], $0x7D0, $0x38;
	[tilespmem:$0x1FB80] =	vst v63  }
0xcb: {  	_ =	swait.ge [sflag:s6], $0x7D0  }
0xcc: {  	[sflag:s6] =	ssyncset.done $0x0  }
0xcd: {  	[sflag:s6] =	ssyncadd.s32 $0xFFFFF830  }
0xce: {  	[bflag:$0x0] =	sbarrier.arrive $0xFFFF  }
0xcf: {  	s16 =	simm.s32 $0x0;
	s14 =	rddreg [dreg:$0x11]  }
0xd0: {  	[tilespmem:s16], [sflag:$0x1] =	stream.linear.gather [hbm4b:s14+s16], $0x50, $0x38;
	[tilespmem:$0x1FB80] =	vst v63  }
0xd1: {  	s21 =	rddreg [dreg:$0x5]  }
0xd2: {  	[tilespmem:s8], [sflag:$0x1] =	stream.linear.gather [hbm4b:s21+s16], $0x2800, $0x38;
	[tilespmem:$0x1FB80] =	vst v63  }
0xd3: {  	s14 =	rddreg [dreg:$0x12]  }
0xd4: {  	[tilespmem:s9], [sflag:$0x2] =	stream.linear.gather [hbm4b:s14+s16], $0x50, $0x38;
	[tilespmem:$0x1FB80] =	vst v63  }
0xd5: {  	s4 =	smov.u32 s18;
	s21 =	rddreg [dreg:$0x10];
	s14 =	smov.u32 s19  }
0xd6: {  	[tilespmem:s10], [sflag:$0x2] =	stream.linear.gather [hbm4b:s21+s16], $0x2800, $0x38;
	[tilespmem:$0x1FB80] =	vst v63  }
.LBB2_6:
0xd7: {  	_ =	swait.ge [sflag:s11], $0x50  }
0xd8: {  	[sflag:s11] =	ssyncset.done $0x0  }
0xd9: {  	[sflag:s11] =	ssyncadd.s32 $0xFFFFFFB0  }
0xda: {  	_ =	swait.ge [sflag:s11], $0x2800  }
0xdb: {  	[sflag:s11] =	ssyncset.done $0x0  }
0xdc: {  	[sflag:s11] =	ssyncadd.s32 $0xFFFFD800  }
0xdd: {  	[spmem:s1] =	stream.indirect.scatter.add.f32 [tilespmem:s8], [sflag:$0x3], $0x80, s3, s9, $0xb8;
	[tilespmem:$0x1FB80] =	vst v63  }
0xde: {  	_ =	swait.ge [sflag:s6], $0x2800  }
0xdf: {  	[sflag:s6] =	ssyncset.done $0x0  }
0xe0: {  	[sflag:s6] =	ssyncadd.s32 $0xFFFFD800  }
0xe1: {  	[spmem:s2] =	stream.indirect.scatter.add.f32 [tilespmem:s12], [sflag:$0x3], $0x10, s3, s9, $0xb8;
	[tilespmem:$0x1FB80] =	vst v63  }
0xe2: {  	_ =	swait.ge [sflag:s6], $0x500  }
0xe3: {  	s21 =	sshrl.u32 s4, $0x3;
	[sflag:s6] =	ssyncset.done $0x0  }
0xe4: {  	s21 =	sadd.s32 s17, s21;
	[sflag:s6] =	ssyncadd.s32 $0xFFFFFB00  }
0xe5: {  	[tilespmem:s3], [sflag:$0x1] =	stream.linear.gather [hbm4b:s21+s3], $0x50, $0x38;
	[tilespmem:$0x1FB80] =	vst v63  }
0xe6: {  	s21 =	sadd.s32 $0xFFFFFB00, s14  }
0xe7: {  	[tilespmem:s8], [sflag:$0x1] =	stream.linear.gather [hbm4b:s21+s3], $0x2800, $0x38;
	[tilespmem:$0x1FB80] =	vst v63  }
0xe8: {  	_ =	swait.ge [sflag:s13], $0x50  }
0xe9: {  	[sflag:s13] =	ssyncset.done $0x0  }
0xea: {  	[sflag:s13] =	ssyncadd.s32 $0xFFFFFFB0  }
0xeb: {  	_ =	swait.ge [sflag:s13], $0x2800  }
0xec: {  	[sflag:s13] =	ssyncset.done $0x0  }
0xed: {  	[sflag:s13] =	ssyncadd.s32 $0xFFFFD800  }
0xee: {  	[spmem:s1] =	stream.indirect.scatter.add.f32 [tilespmem:s10], [sflag:$0x3], $0x80, s9, s9, $0xb8;
	[tilespmem:$0x1FB80] =	vst v63  }
0xef: {  	_ =	swait.ge [sflag:s6], $0x2800  }
0xf0: {  	p0 =	seq.s32 s16, $0x17C;
	[sflag:s6] =	ssyncset.done $0x0  }
.Ltmp4:
0xf1: {  	[sflag:s6] =	ssyncadd.s32 $0xFFFFD800;
	(pc) =	sbr.rel @p0 .LBB2_8-.Ltmp4, $4  }
0xf2: {  	[spmem:s2] =	stream.indirect.scatter.add.f32 [tilespmem:s12], [sflag:$0x3], $0x10, s9, s9, $0xb8;
	[tilespmem:$0x1FB80] =	vst v63  }
0xf3: {  	_ =	swait.ge [sflag:s6], $0x500  }
0xf4: {  	[sflag:s6] =	ssyncset.done $0x0  }
0xf5: {  	[sflag:s6] =	ssyncadd.s32 $0xFFFFFB00  }
.Ltmp5:
0xf6: {  	s21 =	sadd.s32 s16, s0;
	(pc) =	sbr.rel .LBB2_6-.Ltmp5, $4  }
0xf7: {  	[tilespmem:s9], [sflag:$0x2] =	stream.linear.gather [hbm4b:s21+s3], $0x50, $0x38;
	[tilespmem:$0x1FB80] =	vst v63  }
0xf8: {  	_ = 	snop  }
0xf9: {  	[tilespmem:s10], [sflag:$0x2] =	stream.linear.gather [hbm4b:s14+s3], $0x2800, $0x38;
	[tilespmem:$0x1FB80] =	vst v63  }
0xfa: {  	s16 =	sadd.s32 $0x14, s16;
	s4 =	sadd.s32 $0xA0, s4;
	s14 =	sadd.s32 $0xA00, s14  }
.LBB2_9:
0xfb: {  	_ =	sfence.sel $0x180000  }
0xfc: {  	[bflag:$0x0] =	sbarrier.arrive $0xFFFF  }
0xfd: {  	_ =	strace $0x90000050  }
0xfe: {  	s0 =	stileid.u32;
	[bflag:$0x2] =	sbarrier.arrive $0xFFFF  }
0xff: {  	p0 =	sne.s32 s0, $0x0;
	s0 =	rddreg [dreg:$0x4]  }
0x100: {  	s0 =	sadd.s32 @!p0 $0x100000, s0  }
0x101: {  	[sflag:s0] =	ssyncadd.tile.s32 @!p0 $0x1;
	_ =	shalt  }
.Lfunc_end2:
_tile_overlayer_lowered:
.L_overlay_start_2:
0x102: {  	(tag) =	ssettag $0x2  }
0x103: {  	s0 =	rddreg [dreg:$0x0];
	s2 =	stileid.u32  }
0x104: {  	s1 =	rddreg [dreg:$0x1];
	p0 =	sne.s32 s2, $0x0  }
0x105: {  	s3 =	rddreg [dreg:$0x2];
	[bflag:$0x3] =	sbarrier.arrive $0xFFFF;
	s2 =	simm.s32 @!p0 $0x1C03  }
0x106: {  	[timem:s3], [sflag:s2] =	dma.local @!p0 [hbm:s0], s1  }
0x107: {  	s0 =	simm.s32 @!p0 $0x3  }
0x108: {  	_ =	swait.ge @!p0 [sflag:s0], s1  }
0x109: {  	s1 =	ssub.s32 @!p0 $0x0, s1;
	[sflag:s0] =	ssyncset.done @!p0 $0x0  }
0x10a: {  	[sflag:s0] =	ssyncadd.s32 @!p0 s1  }
0x10b: {  	[bflag:$0x3] =	sbarrier.arrive $0xFFFF  }
0x10c: {  	_ =	shalt  }

</sc_bundles>
